<compile_context>
chip_gen: v7x
topology: tpu7x:2x2x1
jax: 0.10.2.dev20260603
libtpu: 0.0.44.dev20260713+nightly
codegen_flags: <defaults>
</compile_context>

<pallas_src>
import functools

import jax
import jax.numpy as jnp
from jax import lax
from jax.experimental import pallas as pl
from jax.experimental.pallas import tpu as pltpu
from jax.experimental.pallas import tpu_sc as plsc

NC = 2
NS = 16
NW = NC * NS
L = 16
CHUNK = 2048
NBINS = 256
INF_BITS = 0x7F800000

_FIRST = 10
_SECOND = 30
_WIN = 5


def _mesh():
    return plsc.VectorSubcoreMesh(core_axis_name="c", subcore_axis_name="s",
                                  num_cores=NC, num_subcores=NS)


def _wid():
    return lax.axis_index("s") * NC + lax.axis_index("c")


def _iota():
    return lax.iota(jnp.int32, L)


def _bcast_i32(x):
    return jnp.zeros((L,), jnp.int32) + x


def _loss_hist_body(nchunks, B, pf, gf, bn, loss_out, hist_out, psum_out,
                    pbuf, gbuf, bnbuf, lbuf, hist, accref):
    wid = _wid()
    iota = _iota()
    i3 = iota * 3
    ones = jnp.ones((L,), jnp.int32)
    hwords = B * NBINS * L

    def zb(j8, _):
        for u in range(8):
            hist[pl.ds((j8 * 8 + u) * L, L)] = jnp.zeros((L,), jnp.int32)
        return 0

    lax.fori_loop(0, hwords // L // 8, zb, 0)
    accref[...] = jnp.zeros((L,), jnp.float32)
    base = wid * (nchunks * CHUNK)

    def chunk_body(c, _):
        p0 = base + c * CHUNK
        pltpu.sync_copy(pf.at[pl.ds(p0 * 3, CHUNK * 3)], pbuf)
        pltpu.sync_copy(gf.at[pl.ds(p0 * 3, CHUNK * 3)], gbuf)
        pltpu.sync_copy(bn.at[pl.ds(p0, CHUNK)], bnbuf)

        def inner(i8, _):
            acc_l = jnp.zeros((L,), jnp.float32)
            for u in range(8):
                i = i8 * 8 + u
                b3 = i * (3 * L)
                px = plsc.load_gather(pbuf, [i3 + b3])
                gx = plsc.load_gather(gbuf, [i3 + b3])
                py = plsc.load_gather(pbuf, [i3 + (b3 + 1)])
                gy = plsc.load_gather(gbuf, [i3 + (b3 + 1)])
                pz = plsc.load_gather(pbuf, [i3 + (b3 + 2)])
                gz = plsc.load_gather(gbuf, [i3 + (b3 + 2)])
                loss = jnp.abs(px - gx) + jnp.abs(py - gy) + jnp.abs(pz - gz)
                lbuf[pl.ds(i * L, L)] = loss
                acc_l = acc_l + loss
                seg = bnbuf[pl.ds(i * L, L)]
                bits = plsc.bitcast(loss, jnp.int32)
                digit = lax.shift_right_logical(bits, 24)
                addr = (seg * NBINS + digit) * L + iota
                plsc.addupdate_scatter(hist, [addr], ones)
            accref[...] = accref[...] + acc_l
            return 0

        lax.fori_loop(0, CHUNK // L // 8, inner, 0)
        pltpu.sync_copy(lbuf, loss_out.at[pl.ds(p0, CHUNK)])
        return 0

    lax.fori_loop(0, nchunks, chunk_body, 0)
    pltpu.sync_copy(hist, hist_out.at[wid])
    pltpu.sync_copy(accref, psum_out.at[wid])


def _merge_seg(hist_in, buf, acc, seg):
    span = NBINS * L

    def zb(j8, _):
        for u in range(8):
            acc[pl.ds((j8 * 8 + u) * L, L)] = jnp.zeros((L,), jnp.int32)
        return 0

    lax.fori_loop(0, span // L // 8, zb, 0)

    def rbody(r, _):
        pltpu.sync_copy(hist_in.at[r, pl.ds(seg * span, span)], buf)

        def abody(j8, _):
            for u in range(8):
                j = j8 * 8 + u
                acc[pl.ds(j * L, L)] = (acc[pl.ds(j * L, L)]
                                        + buf[pl.ds(j * L, L)])
            return 0

        lax.fori_loop(0, span // L // 8, abody, 0)
        return 0

    lax.fori_loop(0, NW, rbody, 0)


def _select_from_acc(acc, k):

    def sbody(b, st):
        cum, sel, cumb = st
        cbin = jnp.sum(acc[pl.ds(b * L, L)])
        hit = (sel < 0) & (cum + cbin > k)
        sel = jnp.where(hit, b, sel)
        cumb = jnp.where(hit, cum, cumb)
        return (cum + cbin, sel, cumb)

    _, sel, cumb = lax.fori_loop(
        0, NBINS, sbody, (jnp.int32(0), jnp.int32(-1), jnp.int32(0)))
    return jnp.where(sel < 0, 0, sel), cumb


def _row_scalar(selbuf, seg, lane):
    row = selbuf[pl.ds(seg * L, L)]
    return jnp.sum(jnp.where(_iota() == lane, row, 0))


def _select_body(first, invN, hist_in, selprev, psum_in, selinfo, lsum,
                 buf, acc, selbuf, rowbuf, psbuf, lrow):
    c = lax.axis_index("c")
    s = lax.axis_index("s")
    iota = _iota()

    @pl.when(c == 0)
    def _():
        seg = s
        _merge_seg(hist_in, buf, acc, seg)
        if first:
            def cbody(b, cum):
                return cum + jnp.sum(acc[pl.ds(b * L, L)])

            cnt = lax.fori_loop(0, NBINS, cbody, jnp.int32(0))
            k = jnp.where(cnt > 0, (cnt - 1) // 2, 0)
            pprev = jnp.int32(0)
        else:
            pltpu.sync_copy(selprev, selbuf)
            pprev = _row_scalar(selbuf, seg, 0)
            k = _row_scalar(selbuf, seg, 1)
            cnt = _row_scalar(selbuf, seg, 2)
        sel, cumb = _select_from_acc(acc, k)
        prefix = lax.shift_left(pprev, 8) | sel
        rank = jnp.where(cnt > 0, k - cumb, 0)
        row = jnp.where(iota == 0, prefix,
                        jnp.where(iota == 1, rank,
                                  jnp.where(iota == 2, cnt, 0)))
        rowbuf[...] = row
        pltpu.sync_copy(rowbuf, selinfo.at[seg])

    if first:
        @pl.when((c == 1) & (s == 0))
        def _():
            pltpu.sync_copy(psum_in, psbuf)

            def pb(r, a):
                return a + psbuf[pl.ds(r * L, L)]

            tot = lax.fori_loop(0, NW, pb, jnp.zeros((L,), jnp.float32))
            total = jnp.sum(tot) * invN
            lrow[...] = jnp.zeros((L,), jnp.float32) + total
            pltpu.sync_copy(lrow, lsum)


def _refine_body(nchunks, B, shift_prefix, shift_digit, loss_in, bn, selprev,
                 hist_out, lbuf, bnbuf, selbuf, hist):
    wid = _wid()
    iota = _iota()
    ones = jnp.ones((L,), jnp.int32)
    hwords = B * NBINS * L

    def zb(j8, _):
        for u in range(8):
            hist[pl.ds((j8 * 8 + u) * L, L)] = jnp.zeros((L,), jnp.int32)
        return 0

    lax.fori_loop(0, hwords // L // 8, zb, 0)
    pltpu.sync_copy(selprev, selbuf)
    base = wid * (nchunks * CHUNK)

    def chunk_body(c, _):
        p0 = base + c * CHUNK
        pltpu.sync_copy(loss_in.at[pl.ds(p0, CHUNK)], lbuf)
        pltpu.sync_copy(bn.at[pl.ds(p0, CHUNK)], bnbuf)

        def inner(i8, _):
            for u in range(8):
                i = i8 * 8 + u
                loss = lbuf[pl.ds(i * L, L)]
                seg = bnbuf[pl.ds(i * L, L)]
                bits = plsc.bitcast(loss, jnp.int32)
                selp = plsc.load_gather(selbuf, [seg * L])
                match = lax.shift_right_logical(bits, shift_prefix) == selp
                digit = lax.shift_right_logical(bits, shift_digit) & 0xFF
                addr = (seg * NBINS + digit) * L + iota
                plsc.addupdate_scatter(hist, [addr], ones, mask=match)
            return 0

        lax.fori_loop(0, CHUNK // L // 8, inner, 0)
        return 0

    lax.fori_loop(0, nchunks, chunk_body, 0)
    pltpu.sync_copy(hist, hist_out.at[wid])


def _med_body(hist_in, selprev, med_out, buf, acc, selbuf, medrow):
    c = lax.axis_index("c")
    s = lax.axis_index("s")

    @pl.when(c == 0)
    def _():
        seg = s
        _merge_seg(hist_in, buf, acc, seg)
        pltpu.sync_copy(selprev, selbuf)
        pprev = _row_scalar(selbuf, seg, 0)
        k = _row_scalar(selbuf, seg, 1)
        cnt = _row_scalar(selbuf, seg, 2)
        sel, _ = _select_from_acc(acc, k)
        med_bits = lax.shift_left(pprev, 16) | lax.shift_left(sel, 8) | 0x80
        med_bits = jnp.where(cnt > 0, med_bits, INF_BITS)
        medrow[...] = plsc.bitcast(_bcast_i32(med_bits), jnp.float32)
        pltpu.sync_copy(medrow, med_out.at[seg])


def _copy_body(vch, ncols, med_in, vin, idx_in, win_in, vout,
               medbuf, copybuf, idxbuf, winbuf):
    wid = _wid()
    iota = _iota()
    pltpu.sync_copy(med_in, medbuf)
    med_vec = plsc.load_gather(medbuf, [iota, jnp.zeros((L,), jnp.int32)])
    lo = wid * vch
    pltpu.sync_copy(vin.at[pl.ds(lo, vch)], copybuf)
    pltpu.sync_copy(idx_in, idxbuf)
    pltpu.sync_copy(win_in, winbuf)
    idxv = idxbuf[...]
    dwv = winbuf[pl.ds(0, L)]
    cev = winbuf[pl.ds(L, L)]
    t = idxv * ncols + cev
    m = (dwv > 0) & (t >= lo) & (t < lo + vch)
    tr = jnp.where(m, t - lo, 0)
    plsc.store_scatter(copybuf, [tr], med_vec, mask=m)
    pltpu.sync_copy(copybuf, vout.at[pl.ds(lo, vch)])


def kernel(pred_point, gt_point, batch_nums, idx, values, batch_size,
           epoch_nums):
    N = pred_point.shape[0]
    B = idx.shape[0]
    assert B == NS and N % (NW * CHUNK) == 0
    nchunks = N // (NW * CHUNK)
    hshape = (NW, B * NBINS * L)

    pf = pred_point.reshape(-1)
    gf = gt_point.reshape(-1)
    bn = batch_nums.astype(jnp.int32)
    idxi = idx.astype(jnp.int32)

    e = jnp.asarray(epoch_nums, jnp.int32)
    in1 = (e >= _FIRST) & (e < _FIRST + _WIN)
    in2 = (e >= _SECOND) & (e < _SECOND + _WIN)
    dw = (in1 | in2).astype(jnp.int32)
    ce = jnp.where(in1, e - _FIRST, jnp.where(in2, e - _SECOND, 0))
    winfo = jnp.concatenate(
        [jnp.full((L,), dw, jnp.int32), jnp.full((L,), ce, jnp.int32)])

    vsize = values.size
    vpad = -(-vsize // (NW * 8)) * (NW * 8)
    vch = vpad // NW
    vflat = jnp.concatenate(
        [values.reshape(-1), jnp.zeros((vpad - vsize,), jnp.float32)])

    span = NBINS * L

    k1 = pl.kernel(
        functools.partial(_loss_hist_body, nchunks, B),
        out_type=(
            jax.ShapeDtypeStruct((N,), jnp.float32),
            jax.ShapeDtypeStruct(hshape, jnp.int32),
            jax.ShapeDtypeStruct((NW, L), jnp.float32),
        ),
        mesh=_mesh(),
        compiler_params=pltpu.CompilerParams(needs_layout_passes=False),
        scratch_types=[
            pltpu.VMEM((CHUNK * 3,), jnp.float32),
            pltpu.VMEM((CHUNK * 3,), jnp.float32),
            pltpu.VMEM((CHUNK,), jnp.int32),
            pltpu.VMEM((CHUNK,), jnp.float32),
            pltpu.VMEM((B * span,), jnp.int32),
            pltpu.VMEM((L,), jnp.float32),
        ],
    )
    loss_map, hist1, psums = k1(pf, gf, bn)

    def make_select(first):
        return pl.kernel(
            functools.partial(_select_body, first, jnp.float32(1.0 / N)),
            out_type=(
                jax.ShapeDtypeStruct((B, L), jnp.int32),
                jax.ShapeDtypeStruct((L,), jnp.float32),
            ),
            mesh=_mesh(),
            compiler_params=pltpu.CompilerParams(needs_layout_passes=False),
            scratch_types=[
                pltpu.VMEM((span,), jnp.int32),
                pltpu.VMEM((span,), jnp.int32),
                pltpu.VMEM((B * L,), jnp.int32),
                pltpu.VMEM((L,), jnp.int32),
                pltpu.VMEM((NW * L,), jnp.float32),
                pltpu.VMEM((L,), jnp.float32),
            ],
        )

    sel1, lsum = make_select(True)(hist1, jnp.zeros((B * L,), jnp.int32),
                                   psums.reshape(-1))

    def make_refine(shift_prefix, shift_digit):
        return pl.kernel(
            functools.partial(_refine_body, nchunks, B, shift_prefix,
                              shift_digit),
            out_type=jax.ShapeDtypeStruct(hshape, jnp.int32),
            mesh=_mesh(),
            compiler_params=pltpu.CompilerParams(needs_layout_passes=False),
            scratch_types=[
                pltpu.VMEM((CHUNK,), jnp.float32),
                pltpu.VMEM((CHUNK,), jnp.int32),
                pltpu.VMEM((B * L,), jnp.int32),
                pltpu.VMEM((B * span,), jnp.int32),
            ],
        )

    hist2 = make_refine(24, 16)(loss_map, bn, sel1.reshape(-1))
    sel2, _ = make_select(False)(hist2, sel1.reshape(-1),
                                 psums.reshape(-1))
    hist3 = make_refine(16, 8)(loss_map, bn, sel2.reshape(-1))

    k6a = pl.kernel(
        _med_body,
        out_type=jax.ShapeDtypeStruct((B, L), jnp.float32),
        mesh=_mesh(),
        compiler_params=pltpu.CompilerParams(needs_layout_passes=False),
        scratch_types=[
            pltpu.VMEM((span,), jnp.int32),
            pltpu.VMEM((span,), jnp.int32),
            pltpu.VMEM((B * L,), jnp.int32),
            pltpu.VMEM((L,), jnp.float32),
        ],
    )
    meds = k6a(hist3, sel2.reshape(-1))

    k6b = pl.kernel(
        functools.partial(_copy_body, vch, values.shape[-1]),
        out_type=jax.ShapeDtypeStruct((vpad,), jnp.float32),
        mesh=_mesh(),
        compiler_params=pltpu.CompilerParams(needs_layout_passes=False),
        scratch_types=[
            pltpu.VMEM((B, L), jnp.float32),
            pltpu.VMEM((vch,), jnp.float32),
            pltpu.VMEM((L,), jnp.int32),
            pltpu.VMEM((2 * L,), jnp.int32),
        ],
    )
    vout = k6b(meds, vflat, idxi, winfo)

    loss = lsum[0]
    values_out = vout[:vsize].reshape(values.shape)
    return (loss, values_out)

# --- scband reference (transcript-rebuilt; emitter-appended) ---
"""Pipeline reference for scband-criterion-coordinate-info-batch-7232724926716 (READ-ONLY COPY).

The authoritative reference and input builder live on the scoring server;
editing this copy changes nothing except your own understanding.
"""

import jax, jax.numpy as jnp
import numpy as np

FIRST_PRUNE_EPOCH = 10
SECOND_PRUNE_EPOCH = 30
WINDOWS = 5


def setup_inputs(seed: int = 0) -> dict:
    key = jax.random.key(seed)
    k1, k2, k3 = jax.random.split(key, 3)
    N = 2097152
    B = 16
    pred_point = jax.random.normal(k1, (N, 3), dtype=jnp.float32)
    gt_point = jax.random.normal(k2, (N, 3), dtype=jnp.float32)
    batch_nums = jnp.sort(jax.random.randint(k3, (N,), 0, B).astype(jnp.int64))
    idx = jnp.arange(B, dtype=jnp.int64)
    values = jnp.zeros((50000, WINDOWS), dtype=jnp.float32)
    return {
        "pred_point": pred_point,
        "gt_point": gt_point,
        "batch_nums": batch_nums,
        "idx": idx,
        "values": values,
        "batch_size": 16,
        "epoch_nums": 10,
    }


def _lower_median_masked(v, mask):
    # torch.median semantics: lower median of the masked values, computed with
    # fixed shapes by pushing non-selected entries to +inf before sorting.
    vals = jnp.where(mask, v.ravel(), jnp.inf)
    s = jnp.sort(vals)
    cnt = jnp.sum(mask)
    return s[(cnt - 1) // 2]


def reference(pred_point, gt_point, batch_nums, idx, values, batch_size, epoch_nums):
    loss_map = jnp.sum(jnp.abs(pred_point - gt_point), axis=-1, keepdims=True)
    in_first = (FIRST_PRUNE_EPOCH <= epoch_nums) & (
        epoch_nums < FIRST_PRUNE_EPOCH + WINDOWS
    )
    in_second = (SECOND_PRUNE_EPOCH <= epoch_nums) & (
        epoch_nums < SECOND_PRUNE_EPOCH + WINDOWS
    )
    do_write = in_first | in_second
    loss_lw = jax.lax.stop_gradient(loss_map)
    current_epoch = jnp.where(
        in_first,
        epoch_nums - FIRST_PRUNE_EPOCH,
        jnp.where(in_second, epoch_nums - SECOND_PRUNE_EPOCH, 0),
    ) + 0 * batch_size
    for i in range(idx.shape[0]):
        mask = batch_nums == i
        med = _lower_median_masked(loss_lw, mask)
        old = values[idx[i], current_epoch]
        values = values.at[idx[i], current_epoch].set(
            jnp.where(do_write, med, old)
        )
    loss = jnp.mean(loss_map)
    return (loss, values)

if __name__ == "__main__":
    import jax
    _d = setup_inputs()
    print(jax.jit(kernel)(*tuple(_d.values())))

</pallas_src>

<mosaic_0001>
#map = affine_map<(d0, d1) -> (0, 0)>
#map1 = affine_map<(d0, d1) -> (0)>
module attributes {stable_mosaic.version = 14 : i64} {
  func.func @_select_body(%arg0: i32, %arg1: i32, %arg2: memref<32x65536xi32, #tpu.memory_space<hbm>>, %arg3: memref<256xi32, #tpu.memory_space<hbm>>, %arg4: memref<512xf32, #tpu.memory_space<hbm>>, %arg5: memref<16x16xi32, #tpu.memory_space<hbm>>, %arg6: memref<16xf32, #tpu.memory_space<hbm>>, %arg7: memref<4096xi32, #tpu.memory_space<vmem>>, %arg8: memref<4096xi32, #tpu.memory_space<vmem>>, %arg9: memref<256xi32, #tpu.memory_space<vmem>>, %arg10: memref<16xi32, #tpu.memory_space<vmem>>, %arg11: memref<512xf32, #tpu.memory_space<vmem>>, %arg12: memref<16xf32, #tpu.memory_space<vmem>>) attributes {dimension_semantics = [#tpu.dimension_semantics<core_parallel>, #tpu.dimension_semantics<subcore_parallel>], iteration_bounds = array<i64: 2, 16>, scalar_prefetch = 0 : i64, scratch_operands = 6 : i64, tpu.core_type = #tpu.core_type<sc_vector_subcore>, window_params = [{transform_indices = #map}, {transform_indices = #map1}, {transform_indices = #map1}, {transform_indices = #map}, {transform_indices = #map1}]} {
    %iota3A = tpu.iota {dimensions = array<i32: 0>} : vector<16xi32>
    %eq3A = arith.constant 0 : i32
    %eq3A_0 = arith.cmpi eq, %arg0, %eq3A : i32
    %convert_element_type3A = arith.extui %eq3A_0 : i1 to i32
    %cond3A = arith.constant 0 : i32
    %cond3A_1 = arith.cmpi ne, %convert_element_type3A, %cond3A : i32
    scf.if %cond3A_1 {
      %scan3A = arith.constant 0 : i32
      %scan3A_2 = arith.constant 0 : i32
      %scan3A_3 = arith.constant 32 : i32
      %scan3A_4 = arith.addi %scan3A_2, %scan3A_3 : i32
      %scan3A_5 = arith.constant 1 : i32
      %scan3A_6 = scf.for %scan3A_88 = %scan3A_2 to %scan3A_4 step %scan3A_5 iter_args(%scan3A_89 = %scan3A) -> (i32)  : i32 {
        %broadcast_in_dim3A_90 = arith.constant 0 : i32
        %broadcast_in_dim3A_91 = vector.broadcast %broadcast_in_dim3A_90 : i32 to vector<16xi32>
        %mul3A_92 = arith.constant 8 : i32
        %mul3A_93 = arith.muli %scan3A_88, %mul3A_92 : i32
        %add3A = arith.constant 0 : i32
        %add3A_94 = arith.addi %mul3A_93, %add3A : i32
        %mul3A_95 = arith.constant 16 : i32
        %mul3A_96 = arith.muli %add3A_94, %mul3A_95 : i32
        %swap3A_97 = arith.index_cast %mul3A_96 : i32 to index
        %swap3A_98 = tpu.vector_load %arg8[%swap3A_97] {strides = array<i32>} : memref<4096xi32, #tpu.memory_space<vmem>>, vector<16xi32>,
        tpu.vector_store %arg8[%swap3A_97], %broadcast_in_dim3A_91 {strides = array<i32>} : memref<4096xi32, #tpu.memory_space<vmem>>, vector<16xi32>,
        %broadcast_in_dim3A_99 = arith.constant 0 : i32
        %broadcast_in_dim3A_100 = vector.broadcast %broadcast_in_dim3A_99 : i32 to vector<16xi32>
        %mul3A_101 = arith.constant 8 : i32
        %mul3A_102 = arith.muli %scan3A_88, %mul3A_101 : i32
        %add3A_103 = arith.constant 1 : i32
        %add3A_104 = arith.addi %mul3A_102, %add3A_103 : i32
        %mul3A_105 = arith.constant 16 : i32
        %mul3A_106 = arith.muli %add3A_104, %mul3A_105 : i32
        %swap3A_107 = arith.index_cast %mul3A_106 : i32 to index
        %swap3A_108 = tpu.vector_load %arg8[%swap3A_107] {strides = array<i32>} : memref<4096xi32, #tpu.memory_space<vmem>>, vector<16xi32>,
        tpu.vector_store %arg8[%swap3A_107], %broadcast_in_dim3A_100 {strides = array<i32>} : memref<4096xi32, #tpu.memory_space<vmem>>, vector<16xi32>,
        %broadcast_in_dim3A_109 = arith.constant 0 : i32
        %broadcast_in_dim3A_110 = vector.broadcast %broadcast_in_dim3A_109 : i32 to vector<16xi32>
        %mul3A_111 = arith.constant 8 : i32
        %mul3A_112 = arith.muli %scan3A_88, %mul3A_111 : i32
        %add3A_113 = arith.constant 2 : i32
        %add3A_114 = arith.addi %mul3A_112, %add3A_113 : i32
        %mul3A_115 = arith.constant 16 : i32
        %mul3A_116 = arith.muli %add3A_114, %mul3A_115 : i32
        %swap3A_117 = arith.index_cast %mul3A_116 : i32 to index
        %swap3A_118 = tpu.vector_load %arg8[%swap3A_117] {strides = array<i32>} : memref<4096xi32, #tpu.memory_space<vmem>>, vector<16xi32>,
        tpu.vector_store %arg8[%swap3A_117], %broadcast_in_dim3A_110 {strides = array<i32>} : memref<4096xi32, #tpu.memory_space<vmem>>, vector<16xi32>,
        %broadcast_in_dim3A_119 = arith.constant 0 : i32
        %broadcast_in_dim3A_120 = vector.broadcast %broadcast_in_dim3A_119 : i32 to vector<16xi32>
        %mul3A_121 = arith.constant 8 : i32
        %mul3A_122 = arith.muli %scan3A_88, %mul3A_121 : i32
        %add3A_123 = arith.constant 3 : i32
        %add3A_124 = arith.addi %mul3A_122, %add3A_123 : i32
        %mul3A_125 = arith.constant 16 : i32
        %mul3A_126 = arith.muli %add3A_124, %mul3A_125 : i32
        %swap3A_127 = arith.index_cast %mul3A_126 : i32 to index
        %swap3A_128 = tpu.vector_load %arg8[%swap3A_127] {strides = array<i32>} : memref<4096xi32, #tpu.memory_space<vmem>>, vector<16xi32>,
        tpu.vector_store %arg8[%swap3A_127], %broadcast_in_dim3A_120 {strides = array<i32>} : memref<4096xi32, #tpu.memory_space<vmem>>, vector<16xi32>,
        %broadcast_in_dim3A_129 = arith.constant 0 : i32
        %broadcast_in_dim3A_130 = vector.broadcast %broadcast_in_dim3A_129 : i32 to vector<16xi32>
        %mul3A_131 = arith.constant 8 : i32
        %mul3A_132 = arith.muli %scan3A_88, %mul3A_131 : i32
        %add3A_133 = arith.constant 4 : i32
        %add3A_134 = arith.addi %mul3A_132, %add3A_133 : i32
        %mul3A_135 = arith.constant 16 : i32
        %mul3A_136 = arith.muli %add3A_134, %mul3A_135 : i32
        %swap3A_137 = arith.index_cast %mul3A_136 : i32 to index
        %swap3A_138 = tpu.vector_load %arg8[%swap3A_137] {strides = array<i32>} : memref<4096xi32, #tpu.memory_space<vmem>>, vector<16xi32>,
        tpu.vector_store %arg8[%swap3A_137], %broadcast_in_dim3A_130 {strides = array<i32>} : memref<4096xi32, #tpu.memory_space<vmem>>, vector<16xi32>,
        %broadcast_in_dim3A_139 = arith.constant 0 : i32
        %broadcast_in_dim3A_140 = vector.broadcast %broadcast_in_dim3A_139 : i32 to vector<16xi32>
        %mul3A_141 = arith.constant 8 : i32
        %mul3A_142 = arith.muli %scan3A_88, %mul3A_141 : i32
        %add3A_143 = arith.constant 5 : i32
        %add3A_144 = arith.addi %mul3A_142, %add3A_143 : i32
        %mul3A_145 = arith.constant 16 : i32
        %mul3A_146 = arith.muli %add3A_144, %mul3A_145 : i32
        %swap3A_147 = arith.index_cast %mul3A_146 : i32 to index
        %swap3A_148 = tpu.vector_load %arg8[%swap3A_147] {strides = array<i32>} : memref<4096xi32, #tpu.memory_space<vmem>>, vector<16xi32>,
        tpu.vector_store %arg8[%swap3A_147], %broadcast_in_dim3A_140 {strides = array<i32>} : memref<4096xi32, #tpu.memory_space<vmem>>, vector<16xi32>,
        %broadcast_in_dim3A_149 = arith.constant 0 : i32
        %broadcast_in_dim3A_150 = vector.broadcast %broadcast_in_dim3A_149 : i32 to vector<16xi32>
        %mul3A_151 = arith.constant 8 : i32
        %mul3A_152 = arith.muli %scan3A_88, %mul3A_151 : i32
        %add3A_153 = arith.constant 6 : i32
        %add3A_154 = arith.addi %mul3A_152, %add3A_153 : i32
        %mul3A_155 = arith.constant 16 : i32
        %mul3A_156 = arith.muli %add3A_154, %mul3A_155 : i32
        %swap3A_157 = arith.index_cast %mul3A_156 : i32 to index
        %swap3A_158 = tpu.vector_load %arg8[%swap3A_157] {strides = array<i32>} : memref<4096xi32, #tpu.memory_space<vmem>>, vector<16xi32>,
        tpu.vector_store %arg8[%swap3A_157], %broadcast_in_dim3A_150 {strides = array<i32>} : memref<4096xi32, #tpu.memory_space<vmem>>, vector<16xi32>,
        %broadcast_in_dim3A_159 = arith.constant 0 : i32
        %broadcast_in_dim3A_160 = vector.broadcast %broadcast_in_dim3A_159 : i32 to vector<16xi32>
        %mul3A_161 = arith.constant 8 : i32
        %mul3A_162 = arith.muli %scan3A_88, %mul3A_161 : i32
        %add3A_163 = arith.constant 7 : i32
        %add3A_164 = arith.addi %mul3A_162, %add3A_163 : i32
        %mul3A_165 = arith.constant 16 : i32
        %mul3A_166 = arith.muli %add3A_164, %mul3A_165 : i32
        %swap3A_167 = arith.index_cast %mul3A_166 : i32 to index
        %swap3A_168 = tpu.vector_load %arg8[%swap3A_167] {strides = array<i32>} : memref<4096xi32, #tpu.memory_space<vmem>>, vector<16xi32>,
        tpu.vector_store %arg8[%swap3A_167], %broadcast_in_dim3A_160 {strides = array<i32>} : memref<4096xi32, #tpu.memory_space<vmem>>, vector<16xi32>,
        %scan3A_169 = arith.constant 0 : i32
        scf.yield %scan3A_169 : i32
      }
      %scan3A_7 = arith.constant 32 : i32
      %scan3A_8 = arith.constant 0 : i32
      %scan3A_9 = arith.constant 0 : i32
      %scan3A_10 = arith.constant 32 : i32
      %scan3A_11 = arith.addi %scan3A_9, %scan3A_10 : i32
      %scan3A_12 = arith.constant 1 : i32
      %scan3A_13 = scf.for %scan3A_88 = %scan3A_9 to %scan3A_11 step %scan3A_12 iter_args(%scan3A_89 = %scan3A_8) -> (i32)  : i32 {
        %mul3A_90 = arith.constant 4096 : i32
        %mul3A_91 = arith.muli %arg1, %mul3A_90 : i32
        "tpu.region"() ({
          %run_scoped3A = tpu.sem_alloc : memref<!tpu.dma_semaphore, #tpu.memory_space<semaphore_mem>>
          %dma_start3A = tpu.memref_slice %arg2[%scan3A_88, %mul3A_91] : memref<32x65536xi32, #tpu.memory_space<hbm>> -> memref<1x4096xi32, #tpu.memory_space<hbm>>
          %dma_start3A_100 = tpu.memref_squeeze %dma_start3A : memref<1x4096xi32, #tpu.memory_space<hbm>> -> memref<4096xi32, #tpu.memory_space<hbm>>
          %dma_start3A_101 = tpu.memref_slice %arg2[%scan3A_88, %mul3A_91] : memref<32x65536xi32, #tpu.memory_space<hbm>> -> memref<1x4096xi32, #tpu.memory_space<hbm>>
          %dma_start3A_102 = tpu.memref_squeeze %dma_start3A_101 : memref<1x4096xi32, #tpu.memory_space<hbm>> -> memref<4096xi32, #tpu.memory_space<hbm>>
          tpu.enqueue_dma source(%dma_start3A_102 : memref<4096xi32, #tpu.memory_space<hbm>>) target(%arg7 : memref<4096xi32, #tpu.memory_space<vmem>>) target_semaphore(%run_scoped3A : memref<!tpu.dma_semaphore, #tpu.memory_space<semaphore_mem>>)
          %dma_wait3A = tpu.memref_slice %arg2[%scan3A_88, %mul3A_91] : memref<32x65536xi32, #tpu.memory_space<hbm>> -> memref<1x4096xi32, #tpu.memory_space<hbm>>
          %dma_wait3A_103 = tpu.memref_squeeze %dma_wait3A : memref<1x4096xi32, #tpu.memory_space<hbm>> -> memref<4096xi32, #tpu.memory_space<hbm>>
          %dma_wait3A_104 = tpu.memref_slice %arg2[%scan3A_88, %mul3A_91] : memref<32x65536xi32, #tpu.memory_space<hbm>> -> memref<1x4096xi32, #tpu.memory_space<hbm>>
          %dma_wait3A_105 = tpu.memref_squeeze %dma_wait3A_104 : memref<1x4096xi32, #tpu.memory_space<hbm>> -> memref<4096xi32, #tpu.memory_space<hbm>>
          tpu.wait_dma2 semaphore(%run_scoped3A : memref<!tpu.dma_semaphore, #tpu.memory_space<semaphore_mem>>) src(%dma_wait3A_105 : memref<4096xi32, #tpu.memory_space<hbm>>) dst(%arg7 : memref<4096xi32, #tpu.memory_space<vmem>>)
          tpu.yield
        }) : () -> ()
        %scan3A_92 = arith.constant 0 : i32
        %scan3A_93 = arith.constant 0 : i32
        %scan3A_94 = arith.constant 32 : i32
        %scan3A_95 = arith.addi %scan3A_93, %scan3A_94 : i32
        %scan3A_96 = arith.constant 1 : i32
        %scan3A_97 = scf.for %scan3A_100 = %scan3A_93 to %scan3A_95 step %scan3A_96 iter_args(%scan3A_101 = %scan3A_92) -> (i32)  : i32 {
          %mul3A_102 = arith.constant 8 : i32
          %mul3A_103 = arith.muli %scan3A_100, %mul3A_102 : i32
          %add3A = arith.constant 0 : i32
          %add3A_104 = arith.addi %mul3A_103, %add3A : i32
          %mul3A_105 = arith.constant 16 : i32
          %mul3A_106 = arith.muli %add3A_104, %mul3A_105 : i32
          %get3A_107 = arith.index_cast %mul3A_106 : i32 to index
          %get3A_108 = tpu.vector_load %arg8[%get3A_107] {strides = array<i32>} : memref<4096xi32, #tpu.memory_space<vmem>>, vector<16xi32>,
          %mul3A_109 = arith.constant 16 : i32
          %mul3A_110 = arith.muli %add3A_104, %mul3A_109 : i32
          %get3A_111 = arith.index_cast %mul3A_110 : i32 to index
          %get3A_112 = tpu.vector_load %arg7[%get3A_111] {strides = array<i32>} : memref<4096xi32, #tpu.memory_space<vmem>>, vector<16xi32>,
          %add3A_113 = arith.addi %get3A_108, %get3A_112 : vector<16xi32>
          %mul3A_114 = arith.constant 16 : i32
          %mul3A_115 = arith.muli %add3A_104, %mul3A_114 : i32
          %swap3A_116 = arith.index_cast %mul3A_115 : i32 to index
          %swap3A_117 = tpu.vector_load %arg8[%swap3A_116] {strides = array<i32>} : memref<4096xi32, #tpu.memory_space<vmem>>, vector<16xi32>,
          tpu.vector_store %arg8[%swap3A_116], %add3A_113 {strides = array<i32>} : memref<4096xi32, #tpu.memory_space<vmem>>, vector<16xi32>,
          %mul3A_118 = arith.constant 8 : i32
          %mul3A_119 = arith.muli %scan3A_100, %mul3A_118 : i32
          %add3A_120 = arith.constant 1 : i32
          %add3A_121 = arith.addi %mul3A_119, %add3A_120 : i32
          %mul3A_122 = arith.constant 16 : i32
          %mul3A_123 = arith.muli %add3A_121, %mul3A_122 : i32
          %get3A_124 = arith.index_cast %mul3A_123 : i32 to index
          %get3A_125 = tpu.vector_load %arg8[%get3A_124] {strides = array<i32>} : memref<4096xi32, #tpu.memory_space<vmem>>, vector<16xi32>,
          %mul3A_126 = arith.constant 16 : i32
          %mul3A_127 = arith.muli %add3A_121, %mul3A_126 : i32
          %get3A_128 = arith.index_cast %mul3A_127 : i32 to index
          %get3A_129 = tpu.vector_load %arg7[%get3A_128] {strides = array<i32>} : memref<4096xi32, #tpu.memory_space<vmem>>, vector<16xi32>,
          %add3A_130 = arith.addi %get3A_125, %get3A_129 : vector<16xi32>
          %mul3A_131 = arith.constant 16 : i32
          %mul3A_132 = arith.muli %add3A_121, %mul3A_131 : i32
          %swap3A_133 = arith.index_cast %mul3A_132 : i32 to index
          %swap3A_134 = tpu.vector_load %arg8[%swap3A_133] {strides = array<i32>} : memref<4096xi32, #tpu.memory_space<vmem>>, vector<16xi32>,
          tpu.vector_store %arg8[%swap3A_133], %add3A_130 {strides = array<i32>} : memref<4096xi32, #tpu.memory_space<vmem>>, vector<16xi32>,
          %mul3A_135 = arith.constant 8 : i32
          %mul3A_136 = arith.muli %scan3A_100, %mul3A_135 : i32
          %add3A_137 = arith.constant 2 : i32
          %add3A_138 = arith.addi %mul3A_136, %add3A_137 : i32
          %mul3A_139 = arith.constant 16 : i32
          %mul3A_140 = arith.muli %add3A_138, %mul3A_139 : i32
          %get3A_141 = arith.index_cast %mul3A_140 : i32 to index
          %get3A_142 = tpu.vector_load %arg8[%get3A_141] {strides = array<i32>} : memref<4096xi32, #tpu.memory_space<vmem>>, vector<16xi32>,
          %mul3A_143 = arith.constant 16 : i32
          %mul3A_144 = arith.muli %add3A_138, %mul3A_143 : i32
          %get3A_145 = arith.index_cast %mul3A_144 : i32 to index
          %get3A_146 = tpu.vector_load %arg7[%get3A_145] {strides = array<i32>} : memref<4096xi32, #tpu.memory_space<vmem>>, vector<16xi32>,
          %add3A_147 = arith.addi %get3A_142, %get3A_146 : vector<16xi32>
          %mul3A_148 = arith.constant 16 : i32
          %mul3A_149 = arith.muli %add3A_138, %mul3A_148 : i32
          %swap3A_150 = arith.index_cast %mul3A_149 : i32 to index
          %swap3A_151 = tpu.vector_load %arg8[%swap3A_150] {strides = array<i32>} : memref<4096xi32, #tpu.memory_space<vmem>>, vector<16xi32>,
          tpu.vector_store %arg8[%swap3A_150], %add3A_147 {strides = array<i32>} : memref<4096xi32, #tpu.memory_space<vmem>>, vector<16xi32>,
          %mul3A_152 = arith.constant 8 : i32
          %mul3A_153 = arith.muli %scan3A_100, %mul3A_152 : i32
          %add3A_154 = arith.constant 3 : i32
          %add3A_155 = arith.addi %mul3A_153, %add3A_154 : i32
          %mul3A_156 = arith.constant 16 : i32
          %mul3A_157 = arith.muli %add3A_155, %mul3A_156 : i32
          %get3A_158 = arith.index_cast %mul3A_157 : i32 to index
          %get3A_159 = tpu.vector_load %arg8[%get3A_158] {strides = array<i32>} : memref<4096xi32, #tpu.memory_space<vmem>>, vector<16xi32>,
          %mul3A_160 = arith.constant 16 : i32
          %mul3A_161 = arith.muli %add3A_155, %mul3A_160 : i32
          %get3A_162 = arith.index_cast %mul3A_161 : i32 to index
          %get3A_163 = tpu.vector_load %arg7[%get3A_162] {strides = array<i32>} : memref<4096xi32, #tpu.memory_space<vmem>>, vector<16xi32>,
          %add3A_164 = arith.addi %get3A_159, %get3A_163 : vector<16xi32>
          %mul3A_165 = arith.constant 16 : i32
          %mul3A_166 = arith.muli %add3A_155, %mul3A_165 : i32
          %swap3A_167 = arith.index_cast %mul3A_166 : i32 to index
          %swap3A_168 = tpu.vector_load %arg8[%swap3A_167] {strides = array<i32>} : memref<4096xi32, #tpu.memory_space<vmem>>, vector<16xi32>,
          tpu.vector_store %arg8[%swap3A_167], %add3A_164 {strides = array<i32>} : memref<4096xi32, #tpu.memory_space<vmem>>, vector<16xi32>,
          %mul3A_169 = arith.constant 8 : i32
          %mul3A_170 = arith.muli %scan3A_100, %mul3A_169 : i32
          %add3A_171 = arith.constant 4 : i32
          %add3A_172 = arith.addi %mul3A_170, %add3A_171 : i32
          %mul3A_173 = arith.constant 16 : i32
          %mul3A_174 = arith.muli %add3A_172, %mul3A_173 : i32
          %get3A_175 = arith.index_cast %mul3A_174 : i32 to index
          %get3A_176 = tpu.vector_load %arg8[%get3A_175] {strides = array<i32>} : memref<4096xi32, #tpu.memory_space<vmem>>, vector<16xi32>,
          %mul3A_177 = arith.constant 16 : i32
          %mul3A_178 = arith.muli %add3A_172, %mul3A_177 : i32
          %get3A_179 = arith.index_cast %mul3A_178 : i32 to index
          %get3A_180 = tpu.vector_load %arg7[%get3A_179] {strides = array<i32>} : memref<4096xi32, #tpu.memory_space<vmem>>, vector<16xi32>,
          %add3A_181 = arith.addi %get3A_176, %get3A_180 : vector<16xi32>
          %mul3A_182 = arith.constant 16 : i32
          %mul3A_183 = arith.muli %add3A_172, %mul3A_182 : i32
          %swap3A_184 = arith.index_cast %mul3A_183 : i32 to index
          %swap3A_185 = tpu.vector_load %arg8[%swap3A_184] {strides = array<i32>} : memref<4096xi32, #tpu.memory_space<vmem>>, vector<16xi32>,
          tpu.vector_store %arg8[%swap3A_184], %add3A_181 {strides = array<i32>} : memref<4096xi32, #tpu.memory_space<vmem>>, vector<16xi32>,
          %mul3A_186 = arith.constant 8 : i32
          %mul3A_187 = arith.muli %scan3A_100, %mul3A_186 : i32
          %add3A_188 = arith.constant 5 : i32
          %add3A_189 = arith.addi %mul3A_187, %add3A_188 : i32
          %mul3A_190 = arith.constant 16 : i32
          %mul3A_191 = arith.muli %add3A_189, %mul3A_190 : i32
          %get3A_192 = arith.index_cast %mul3A_191 : i32 to index
          %get3A_193 = tpu.vector_load %arg8[%get3A_192] {strides = array<i32>} : memref<4096xi32, #tpu.memory_space<vmem>>, vector<16xi32>,
          %mul3A_194 = arith.constant 16 : i32
          %mul3A_195 = arith.muli %add3A_189, %mul3A_194 : i32
          %get3A_196 = arith.index_cast %mul3A_195 : i32 to index
          %get3A_197 = tpu.vector_load %arg7[%get3A_196] {strides = array<i32>} : memref<4096xi32, #tpu.memory_space<vmem>>, vector<16xi32>,
          %add3A_198 = arith.addi %get3A_193, %get3A_197 : vector<16xi32>
          %mul3A_199 = arith.constant 16 : i32
          %mul3A_200 = arith.muli %add3A_189, %mul3A_199 : i32
          %swap3A_201 = arith.index_cast %mul3A_200 : i32 to index
          %swap3A_202 = tpu.vector_load %arg8[%swap3A_201] {strides = array<i32>} : memref<4096xi32, #tpu.memory_space<vmem>>, vector<16xi32>,
          tpu.vector_store %arg8[%swap3A_201], %add3A_198 {strides = array<i32>} : memref<4096xi32, #tpu.memory_space<vmem>>, vector<16xi32>,
          %mul3A_203 = arith.constant 8 : i32
          %mul3A_204 = arith.muli %scan3A_100, %mul3A_203 : i32
          %add3A_205 = arith.constant 6 : i32
          %add3A_206 = arith.addi %mul3A_204, %add3A_205 : i32
          %mul3A_207 = arith.constant 16 : i32
          %mul3A_208 = arith.muli %add3A_206, %mul3A_207 : i32
          %get3A_209 = arith.index_cast %mul3A_208 : i32 to index
          %get3A_210 = tpu.vector_load %arg8[%get3A_209] {strides = array<i32>} : memref<4096xi32, #tpu.memory_space<vmem>>, vector<16xi32>,
          %mul3A_211 = arith.constant 16 : i32
          %mul3A_212 = arith.muli %add3A_206, %mul3A_211 : i32
          %get3A_213 = arith.index_cast %mul3A_212 : i32 to index
          %get3A_214 = tpu.vector_load %arg7[%get3A_213] {strides = array<i32>} : memref<4096xi32, #tpu.memory_space<vmem>>, vector<16xi32>,
          %add3A_215 = arith.addi %get3A_210, %get3A_214 : vector<16xi32>
          %mul3A_216 = arith.constant 16 : i32
          %mul3A_217 = arith.muli %add3A_206, %mul3A_216 : i32
          %swap3A_218 = arith.index_cast %mul3A_217 : i32 to index
          %swap3A_219 = tpu.vector_load %arg8[%swap3A_218] {strides = array<i32>} : memref<4096xi32, #tpu.memory_space<vmem>>, vector<16xi32>,
          tpu.vector_store %arg8[%swap3A_218], %add3A_215 {strides = array<i32>} : memref<4096xi32, #tpu.memory_space<vmem>>, vector<16xi32>,
          %mul3A_220 = arith.constant 8 : i32
          %mul3A_221 = arith.muli %scan3A_100, %mul3A_220 : i32
          %add3A_222 = arith.constant 7 : i32
          %add3A_223 = arith.addi %mul3A_221, %add3A_222 : i32
          %mul3A_224 = arith.constant 16 : i32
          %mul3A_225 = arith.muli %add3A_223, %mul3A_224 : i32
          %get3A_226 = arith.index_cast %mul3A_225 : i32 to index
          %get3A_227 = tpu.vector_load %arg8[%get3A_226] {strides = array<i32>} : memref<4096xi32, #tpu.memory_space<vmem>>, vector<16xi32>,
          %mul3A_228 = arith.constant 16 : i32
          %mul3A_229 = arith.muli %add3A_223, %mul3A_228 : i32
          %get3A_230 = arith.index_cast %mul3A_229 : i32 to index
          %get3A_231 = tpu.vector_load %arg7[%get3A_230] {strides = array<i32>} : memref<4096xi32, #tpu.memory_space<vmem>>, vector<16xi32>,
          %add3A_232 = arith.addi %get3A_227, %get3A_231 : vector<16xi32>
          %mul3A_233 = arith.constant 16 : i32
          %mul3A_234 = arith.muli %add3A_223, %mul3A_233 : i32
          %swap3A_235 = arith.index_cast %mul3A_234 : i32 to index
          %swap3A_236 = tpu.vector_load %arg8[%swap3A_235] {strides = array<i32>} : memref<4096xi32, #tpu.memory_space<vmem>>, vector<16xi32>,
          tpu.vector_store %arg8[%swap3A_235], %add3A_232 {strides = array<i32>} : memref<4096xi32, #tpu.memory_space<vmem>>, vector<16xi32>,
          %scan3A_237 = arith.constant 0 : i32
          scf.yield %scan3A_237 : i32
        }
        %scan3A_98 = arith.constant 32 : i32
        %scan3A_99 = arith.constant 0 : i32
        scf.yield %scan3A_99 : i32
      }
      %scan3A_14 = arith.constant 32 : i32
      "tpu.region"() ({
        %run_scoped3A = tpu.sem_alloc : memref<!tpu.dma_semaphore, #tpu.memory_space<semaphore_mem>>
        tpu.enqueue_dma source(%arg3 : memref<256xi32, #tpu.memory_space<hbm>>) target(%arg9 : memref<256xi32, #tpu.memory_space<vmem>>) target_semaphore(%run_scoped3A : memref<!tpu.dma_semaphore, #tpu.memory_space<semaphore_mem>>)
        tpu.wait_dma2 semaphore(%run_scoped3A : memref<!tpu.dma_semaphore, #tpu.memory_space<semaphore_mem>>) src(%arg3 : memref<256xi32, #tpu.memory_space<hbm>>) dst(%arg9 : memref<256xi32, #tpu.memory_space<vmem>>)
        tpu.yield
      }) : () -> ()
      %mul3A = arith.constant 16 : i32
      %mul3A_15 = arith.muli %arg1, %mul3A : i32
      %get3A = arith.index_cast %mul3A_15 : i32 to index
      %get3A_16 = tpu.vector_load %arg9[%get3A] {strides = array<i32>} : memref<256xi32, #tpu.memory_space<vmem>>, vector<16xi32>,
      %iota3A_17 = tpu.iota {dimensions = array<i32: 0>} : vector<16xi32>
      %eq3A_18 = arith.constant 0 : i32
      %eq3A_19 = vector.broadcast %eq3A_18 : i32 to vector<16xi32>
      %eq3A_20 = arith.cmpi eq, %iota3A_17, %eq3A_19 : vector<16xi32>
      %jit3A = arith.constant 0 : i32
      %broadcast_in_dim3A = vector.broadcast %jit3A : i32 to vector<16xi32>
      %select_n3A = arith.select %eq3A_20, %get3A_16, %broadcast_in_dim3A : vector<16xi1>, vector<16xi32>
      %reduce_sum3A = arith.constant true
      %reduce_sum3A_21 = vector.broadcast %reduce_sum3A : i1 to vector<16xi1>
      %reduce_sum3A_22 = tpu.scan <sum>, %select_n3A masked %reduce_sum3A_21 : vector<16xi32>, vector<16xi1> -> vector<16xi32>
      %reduce_sum3A_23 = vector.extract %reduce_sum3A_22[15] : i32 from vector<16xi32>
      %mul3A_24 = arith.constant 16 : i32
      %mul3A_25 = arith.muli %arg1, %mul3A_24 : i32
      %get3A_26 = arith.index_cast %mul3A_25 : i32 to index
      %get3A_27 = tpu.vector_load %arg9[%get3A_26] {strides = array<i32>} : memref<256xi32, #tpu.memory_space<vmem>>, vector<16xi32>,
      %iota3A_28 = tpu.iota {dimensions = array<i32: 0>} : vector<16xi32>
      %eq3A_29 = arith.constant 1 : i32
      %eq3A_30 = vector.broadcast %eq3A_29 : i32 to vector<16xi32>
      %eq3A_31 = arith.cmpi eq, %iota3A_28, %eq3A_30 : vector<16xi32>
      %jit3A_32 = arith.constant 0 : i32
      %broadcast_in_dim3A_33 = vector.broadcast %jit3A_32 : i32 to vector<16xi32>
      %select_n3A_34 = arith.select %eq3A_31, %get3A_27, %broadcast_in_dim3A_33 : vector<16xi1>, vector<16xi32>
      %reduce_sum3A_35 = arith.constant true
      %reduce_sum3A_36 = vector.broadcast %reduce_sum3A_35 : i1 to vector<16xi1>
      %reduce_sum3A_37 = tpu.scan <sum>, %select_n3A_34 masked %reduce_sum3A_36 : vector<16xi32>, vector<16xi1> -> vector<16xi32>
      %reduce_sum3A_38 = vector.extract %reduce_sum3A_37[15] : i32 from vector<16xi32>
      %mul3A_39 = arith.constant 16 : i32
      %mul3A_40 = arith.muli %arg1, %mul3A_39 : i32
      %get3A_41 = arith.index_cast %mul3A_40 : i32 to index
      %get3A_42 = tpu.vector_load %arg9[%get3A_41] {strides = array<i32>} : memref<256xi32, #tpu.memory_space<vmem>>, vector<16xi32>,
      %iota3A_43 = tpu.iota {dimensions = array<i32: 0>} : vector<16xi32>
      %eq3A_44 = arith.constant 2 : i32
      %eq3A_45 = vector.broadcast %eq3A_44 : i32 to vector<16xi32>
      %eq3A_46 = arith.cmpi eq, %iota3A_43, %eq3A_45 : vector<16xi32>
      %jit3A_47 = arith.constant 0 : i32
      %broadcast_in_dim3A_48 = vector.broadcast %jit3A_47 : i32 to vector<16xi32>
      %select_n3A_49 = arith.select %eq3A_46, %get3A_42, %broadcast_in_dim3A_48 : vector<16xi1>, vector<16xi32>
      %reduce_sum3A_50 = arith.constant true
      %reduce_sum3A_51 = vector.broadcast %reduce_sum3A_50 : i1 to vector<16xi1>
      %reduce_sum3A_52 = tpu.scan <sum>, %select_n3A_49 masked %reduce_sum3A_51 : vector<16xi32>, vector<16xi1> -> vector<16xi32>
      %reduce_sum3A_53 = vector.extract %reduce_sum3A_52[15] : i32 from vector<16xi32>
      %scan3A_54 = arith.constant 0 : i32
      %scan3A_55 = arith.constant -1 : i32
      %scan3A_56 = arith.constant 0 : i32
      %scan3A_57 = arith.constant 0 : i32
      %scan3A_58 = arith.constant 256 : i32
      %scan3A_59 = arith.addi %scan3A_57, %scan3A_58 : i32
      %scan3A_60 = arith.constant 1 : i32
      %scan3A_61:3 = scf.for %scan3A_88 = %scan3A_57 to %scan3A_59 step %scan3A_60 iter_args(%scan3A_89 = %scan3A_54, %scan3A_90 = %scan3A_55, %scan3A_91 = %scan3A_56) -> (i32, i32, i32)  : i32 {
        %mul3A_92 = arith.constant 16 : i32
        %mul3A_93 = arith.muli %scan3A_88, %mul3A_92 : i32
        %get3A_94 = arith.index_cast %mul3A_93 : i32 to index
        %get3A_95 = tpu.vector_load %arg8[%get3A_94] {strides = array<i32>} : memref<4096xi32, #tpu.memory_space<vmem>>, vector<16xi32>,
        %reduce_sum3A_96 = arith.constant true
        %reduce_sum3A_97 = vector.broadcast %reduce_sum3A_96 : i1 to vector<16xi1>
        %reduce_sum3A_98 = tpu.scan <sum>, %get3A_95 masked %reduce_sum3A_97 : vector<16xi32>, vector<16xi1> -> vector<16xi32>
        %reduce_sum3A_99 = vector.extract %reduce_sum3A_98[15] : i32 from vector<16xi32>
        %lt3A_100 = arith.constant 0 : i32
        %lt3A_101 = arith.cmpi slt, %scan3A_90, %lt3A_100 : i32
        %add3A = arith.addi %scan3A_89, %reduce_sum3A_99 : i32
        %gt3A_102 = arith.cmpi sgt, %add3A, %reduce_sum3A_38 : i32
        %and3A = arith.andi %lt3A_101, %gt3A_102 : i1
        %select_n3A_103 = arith.select %and3A, %scan3A_88, %scan3A_90 : i32
        %select_n3A_104 = arith.select %and3A, %scan3A_89, %scan3A_91 : i32
        %add3A_105 = arith.addi %scan3A_89, %reduce_sum3A_99 : i32
        scf.yield %add3A_105, %select_n3A_103, %select_n3A_104 : i32, i32, i32
      }
      %scan3A_62 = arith.constant 256 : i32
      %lt3A = arith.constant 0 : i32
      %lt3A_63 = arith.cmpi slt, %scan3A_61#1, %lt3A : i32
      %jit3A_64 = arith.constant 0 : i32
      %select_n3A_65 = arith.select %lt3A_63, %jit3A_64, %scan3A_61#1 : i32
      %shift_left3A = arith.constant 8 : i32
      %shift_left3A_66 = arith.shli %reduce_sum3A_23, %shift_left3A : i32
      %or3A = arith.ori %shift_left3A_66, %select_n3A_65 : i32
      %gt3A = arith.constant 0 : i32
      %gt3A_67 = arith.cmpi sgt, %reduce_sum3A_53, %gt3A : i32
      %sub3A = arith.subi %reduce_sum3A_38, %scan3A_61#2 : i32
      %jit3A_68 = arith.constant 0 : i32
      %select_n3A_69 = arith.select %gt3A_67, %sub3A, %jit3A_68 : i32
      %eq3A_70 = arith.constant 0 : i32
      %eq3A_71 = vector.broadcast %eq3A_70 : i32 to vector<16xi32>
      %eq3A_72 = arith.cmpi eq, %iota3A, %eq3A_71 : vector<16xi32>
      %eq3A_73 = arith.constant 1 : i32
      %eq3A_74 = vector.broadcast %eq3A_73 : i32 to vector<16xi32>
      %eq3A_75 = arith.cmpi eq, %iota3A, %eq3A_74 : vector<16xi32>
      %eq3A_76 = arith.constant 2 : i32
      %eq3A_77 = vector.broadcast %eq3A_76 : i32 to vector<16xi32>
      %eq3A_78 = arith.cmpi eq, %iota3A, %eq3A_77 : vector<16xi32>
      %jit3A_79 = arith.constant 0 : i32
      %broadcast_in_dim3A_80 = vector.broadcast %reduce_sum3A_53 : i32 to vector<16xi32>
      %broadcast_in_dim3A_81 = vector.broadcast %jit3A_79 : i32 to vector<16xi32>
      %select_n3A_82 = arith.select %eq3A_78, %broadcast_in_dim3A_80, %broadcast_in_dim3A_81 : vector<16xi1>, vector<16xi32>
      %broadcast_in_dim3A_83 = vector.broadcast %select_n3A_69 : i32 to vector<16xi32>
      %select_n3A_84 = arith.select %eq3A_75, %broadcast_in_dim3A_83, %select_n3A_82 : vector<16xi1>, vector<16xi32>
      %broadcast_in_dim3A_85 = vector.broadcast %or3A : i32 to vector<16xi32>
      %select_n3A_86 = arith.select %eq3A_72, %broadcast_in_dim3A_85, %select_n3A_84 : vector<16xi1>, vector<16xi32>
      %swap3A = arith.constant 0 : index
      %swap3A_87 = tpu.vector_load %arg10[%swap3A] {strides = array<i32>} : memref<16xi32, #tpu.memory_space<vmem>>, vector<16xi32>,
      tpu.vector_store %arg10[%swap3A], %select_n3A_86 {strides = array<i32>} : memref<16xi32, #tpu.memory_space<vmem>>, vector<16xi32>,
      "tpu.region"() ({
        %run_scoped3A = tpu.sem_alloc : memref<!tpu.dma_semaphore, #tpu.memory_space<semaphore_mem>>
        %dma_start3A = arith.constant 0 : i32
        %dma_start3A_88 = tpu.memref_slice %arg5[%arg1, %dma_start3A] : memref<16x16xi32, #tpu.memory_space<hbm>> -> memref<1x16xi32, #tpu.memory_space<hbm>>
        %dma_start3A_89 = tpu.memref_squeeze %dma_start3A_88 : memref<1x16xi32, #tpu.memory_space<hbm>> -> memref<16xi32, #tpu.memory_space<hbm>>
        %dma_start3A_90 = arith.constant 0 : i32
        %dma_start3A_91 = tpu.memref_slice %arg5[%arg1, %dma_start3A_90] : memref<16x16xi32, #tpu.memory_space<hbm>> -> memref<1x16xi32, #tpu.memory_space<hbm>>
        %dma_start3A_92 = tpu.memref_squeeze %dma_start3A_91 : memref<1x16xi32, #tpu.memory_space<hbm>> -> memref<16xi32, #tpu.memory_space<hbm>>
        tpu.enqueue_dma source(%arg10 : memref<16xi32, #tpu.memory_space<vmem>>) target(%dma_start3A_92 : memref<16xi32, #tpu.memory_space<hbm>>) target_semaphore(%run_scoped3A : memref<!tpu.dma_semaphore, #tpu.memory_space<semaphore_mem>>)
        %dma_wait3A = arith.constant 0 : i32
        %dma_wait3A_93 = tpu.memref_slice %arg5[%arg1, %dma_wait3A] : memref<16x16xi32, #tpu.memory_space<hbm>> -> memref<1x16xi32, #tpu.memory_space<hbm>>
        %dma_wait3A_94 = tpu.memref_squeeze %dma_wait3A_93 : memref<1x16xi32, #tpu.memory_space<hbm>> -> memref<16xi32, #tpu.memory_space<hbm>>
        %dma_wait3A_95 = arith.constant 0 : i32
        %dma_wait3A_96 = tpu.memref_slice %arg5[%arg1, %dma_wait3A_95] : memref<16x16xi32, #tpu.memory_space<hbm>> -> memref<1x16xi32, #tpu.memory_space<hbm>>
        %dma_wait3A_97 = tpu.memref_squeeze %dma_wait3A_96 : memref<1x16xi32, #tpu.memory_space<hbm>> -> memref<16xi32, #tpu.memory_space<hbm>>
        tpu.wait_dma2 semaphore(%run_scoped3A : memref<!tpu.dma_semaphore, #tpu.memory_space<semaphore_mem>>) src(%arg10 : memref<16xi32, #tpu.memory_space<vmem>>) dst(%dma_wait3A_97 : memref<16xi32, #tpu.memory_space<hbm>>)
        tpu.yield
      }) : () -> ()
    } else {
    }
    return
  }
}

#map = affine_map<(d0, d1) -> (0, 0)>
#map1 = affine_map<(d0, d1) -> (0)>
module attributes {stable_mosaic.version = 14 : i64} {
  func.func @_rewritten_body(%arg0: i32, %arg1: i32, %arg2: memref<32x65536xi32, #tpu.memory_space<hbm>>, %arg3: memref<256xi32, #tpu.memory_space<hbm>>, %arg4: memref<512xf32, #tpu.memory_space<hbm>>, %arg5: memref<1xf32, #tpu.memory_space<hbm>>, %arg6: memref<16x16xi32, #tpu.memory_space<hbm>>, %arg7: memref<16xf32, #tpu.memory_space<hbm>>, %arg8: memref<4096xi32, #tpu.memory_space<vmem>>, %arg9: memref<4096xi32, #tpu.memory_space<vmem>>, %arg10: memref<256xi32, #tpu.memory_space<vmem>>, %arg11: memref<16xi32, #tpu.memory_space<vmem>>, %arg12: memref<512xf32, #tpu.memory_space<vmem>>, %arg13: memref<16xf32, #tpu.memory_space<vmem>>) attributes {dimension_semantics = [#tpu.dimension_semantics<core_parallel>, #tpu.dimension_semantics<subcore_parallel>], iteration_bounds = array<i64: 2, 16>, scalar_prefetch = 0 : i64, scratch_operands = 6 : i64, tpu.core_type = #tpu.core_type<sc_vector_subcore>, window_params = [{transform_indices = #map}, {transform_indices = #map1}, {transform_indices = #map1}, {transform_indices = #map1}, {transform_indices = #map}, {transform_indices = #map1}]} {
    %empty_ref3A = memref.alloca() : memref<16xf32, #tpu.memory_space<vmem>>
    "tpu.region"() ({
      %run_scoped3A = tpu.sem_alloc : memref<!tpu.dma_semaphore, #tpu.memory_space<semaphore_mem>>
      %dma_start3A = arith.constant 0 : i32
      %dma_start3A_10 = tpu.memref_slice %empty_ref3A[%dma_start3A] : memref<16xf32, #tpu.memory_space<vmem>> -> memref<1xf32, #tpu.memory_space<vmem>>
      %dma_start3A_11 = arith.constant 0 : i32
      %dma_start3A_12 = tpu.memref_slice %empty_ref3A[%dma_start3A_11] : memref<16xf32, #tpu.memory_space<vmem>> -> memref<1xf32, #tpu.memory_space<vmem>>
      tpu.enqueue_dma source(%arg5 : memref<1xf32, #tpu.memory_space<hbm>>) target(%dma_start3A_12 : memref<1xf32, #tpu.memory_space<vmem>>) target_semaphore(%run_scoped3A : memref<!tpu.dma_semaphore, #tpu.memory_space<semaphore_mem>>)
      %dma_wait3A = arith.constant 0 : i32
      %dma_wait3A_13 = tpu.memref_slice %empty_ref3A[%dma_wait3A] : memref<16xf32, #tpu.memory_space<vmem>> -> memref<1xf32, #tpu.memory_space<vmem>>
      %dma_wait3A_14 = arith.constant 0 : i32
      %dma_wait3A_15 = tpu.memref_slice %empty_ref3A[%dma_wait3A_14] : memref<16xf32, #tpu.memory_space<vmem>> -> memref<1xf32, #tpu.memory_space<vmem>>
      tpu.wait_dma2 semaphore(%run_scoped3A : memref<!tpu.dma_semaphore, #tpu.memory_space<semaphore_mem>>) src(%arg5 : memref<1xf32, #tpu.memory_space<hbm>>) dst(%dma_wait3A_15 : memref<1xf32, #tpu.memory_space<vmem>>)
      tpu.yield
    }) : () -> ()
    %get3A = arith.constant 0 : index
    %get3A_0 = tpu.vector_load %empty_ref3A[%get3A] {strides = array<i32>} : memref<16xf32, #tpu.memory_space<vmem>>, vector<16xf32>,
    %slice3A = vector.extract_strided_slice %get3A_0 {offsets = [0], sizes = [1], strides = [1]} : vector<16xf32> to vector<1xf32>
    %squeeze3A = vector.extract %slice3A[0] : f32 from vector<1xf32>
    %iota3A = tpu.iota {dimensions = array<i32: 0>} : vector<16xi32>
    %eq3A = arith.constant 0 : i32
    %eq3A_1 = arith.cmpi eq, %arg0, %eq3A : i32
    %convert_element_type3A = arith.extui %eq3A_1 : i1 to i32
    %cond3A = arith.constant 0 : i32
    %cond3A_2 = arith.cmpi ne, %convert_element_type3A, %cond3A : i32
    scf.if %cond3A_2 {
      %scan3A = arith.constant 0 : i32
      %scan3A_10 = arith.constant 0 : i32
      %scan3A_11 = arith.constant 32 : i32
      %scan3A_12 = arith.addi %scan3A_10, %scan3A_11 : i32
      %scan3A_13 = arith.constant 1 : i32
      %scan3A_14 = scf.for %scan3A_88 = %scan3A_10 to %scan3A_12 step %scan3A_13 iter_args(%scan3A_89 = %scan3A) -> (i32)  : i32 {
        %broadcast_in_dim3A_90 = arith.constant 0 : i32
        %broadcast_in_dim3A_91 = vector.broadcast %broadcast_in_dim3A_90 : i32 to vector<16xi32>
        %mul3A = arith.constant 8 : i32
        %mul3A_92 = arith.muli %scan3A_88, %mul3A : i32
        %add3A = arith.constant 0 : i32
        %add3A_93 = arith.addi %mul3A_92, %add3A : i32
        %mul3A_94 = arith.constant 16 : i32
        %mul3A_95 = arith.muli %add3A_93, %mul3A_94 : i32
        %swap3A_96 = arith.index_cast %mul3A_95 : i32 to index
        %swap3A_97 = tpu.vector_load %arg9[%swap3A_96] {strides = array<i32>} : memref<4096xi32, #tpu.memory_space<vmem>>, vector<16xi32>,
        tpu.vector_store %arg9[%swap3A_96], %broadcast_in_dim3A_91 {strides = array<i32>} : memref<4096xi32, #tpu.memory_space<vmem>>, vector<16xi32>,
        %broadcast_in_dim3A_98 = arith.constant 0 : i32
        %broadcast_in_dim3A_99 = vector.broadcast %broadcast_in_dim3A_98 : i32 to vector<16xi32>
        %mul3A_100 = arith.constant 8 : i32
        %mul3A_101 = arith.muli %scan3A_88, %mul3A_100 : i32
        %add3A_102 = arith.constant 1 : i32
        %add3A_103 = arith.addi %mul3A_101, %add3A_102 : i32
        %mul3A_104 = arith.constant 16 : i32
        %mul3A_105 = arith.muli %add3A_103, %mul3A_104 : i32
        %swap3A_106 = arith.index_cast %mul3A_105 : i32 to index
        %swap3A_107 = tpu.vector_load %arg9[%swap3A_106] {strides = array<i32>} : memref<4096xi32, #tpu.memory_space<vmem>>, vector<16xi32>,
        tpu.vector_store %arg9[%swap3A_106], %broadcast_in_dim3A_99 {strides = array<i32>} : memref<4096xi32, #tpu.memory_space<vmem>>, vector<16xi32>,
        %broadcast_in_dim3A_108 = arith.constant 0 : i32
        %broadcast_in_dim3A_109 = vector.broadcast %broadcast_in_dim3A_108 : i32 to vector<16xi32>
        %mul3A_110 = arith.constant 8 : i32
        %mul3A_111 = arith.muli %scan3A_88, %mul3A_110 : i32
        %add3A_112 = arith.constant 2 : i32
        %add3A_113 = arith.addi %mul3A_111, %add3A_112 : i32
        %mul3A_114 = arith.constant 16 : i32
        %mul3A_115 = arith.muli %add3A_113, %mul3A_114 : i32
        %swap3A_116 = arith.index_cast %mul3A_115 : i32 to index
        %swap3A_117 = tpu.vector_load %arg9[%swap3A_116] {strides = array<i32>} : memref<4096xi32, #tpu.memory_space<vmem>>, vector<16xi32>,
        tpu.vector_store %arg9[%swap3A_116], %broadcast_in_dim3A_109 {strides = array<i32>} : memref<4096xi32, #tpu.memory_space<vmem>>, vector<16xi32>,
        %broadcast_in_dim3A_118 = arith.constant 0 : i32
        %broadcast_in_dim3A_119 = vector.broadcast %broadcast_in_dim3A_118 : i32 to vector<16xi32>
        %mul3A_120 = arith.constant 8 : i32
        %mul3A_121 = arith.muli %scan3A_88, %mul3A_120 : i32
        %add3A_122 = arith.constant 3 : i32
        %add3A_123 = arith.addi %mul3A_121, %add3A_122 : i32
        %mul3A_124 = arith.constant 16 : i32
        %mul3A_125 = arith.muli %add3A_123, %mul3A_124 : i32
        %swap3A_126 = arith.index_cast %mul3A_125 : i32 to index
        %swap3A_127 = tpu.vector_load %arg9[%swap3A_126] {strides = array<i32>} : memref<4096xi32, #tpu.memory_space<vmem>>, vector<16xi32>,
        tpu.vector_store %arg9[%swap3A_126], %broadcast_in_dim3A_119 {strides = array<i32>} : memref<4096xi32, #tpu.memory_space<vmem>>, vector<16xi32>,
        %broadcast_in_dim3A_128 = arith.constant 0 : i32
        %broadcast_in_dim3A_129 = vector.broadcast %broadcast_in_dim3A_128 : i32 to vector<16xi32>
        %mul3A_130 = arith.constant 8 : i32
        %mul3A_131 = arith.muli %scan3A_88, %mul3A_130 : i32
        %add3A_132 = arith.constant 4 : i32
        %add3A_133 = arith.addi %mul3A_131, %add3A_132 : i32
        %mul3A_134 = arith.constant 16 : i32
        %mul3A_135 = arith.muli %add3A_133, %mul3A_134 : i32
        %swap3A_136 = arith.index_cast %mul3A_135 : i32 to index
        %swap3A_137 = tpu.vector_load %arg9[%swap3A_136] {strides = array<i32>} : memref<4096xi32, #tpu.memory_space<vmem>>, vector<16xi32>,
        tpu.vector_store %arg9[%swap3A_136], %broadcast_in_dim3A_129 {strides = array<i32>} : memref<4096xi32, #tpu.memory_space<vmem>>, vector<16xi32>,
        %broadcast_in_dim3A_138 = arith.constant 0 : i32
        %broadcast_in_dim3A_139 = vector.broadcast %broadcast_in_dim3A_138 : i32 to vector<16xi32>
        %mul3A_140 = arith.constant 8 : i32
        %mul3A_141 = arith.muli %scan3A_88, %mul3A_140 : i32
        %add3A_142 = arith.constant 5 : i32
        %add3A_143 = arith.addi %mul3A_141, %add3A_142 : i32
        %mul3A_144 = arith.constant 16 : i32
        %mul3A_145 = arith.muli %add3A_143, %mul3A_144 : i32
        %swap3A_146 = arith.index_cast %mul3A_145 : i32 to index
        %swap3A_147 = tpu.vector_load %arg9[%swap3A_146] {strides = array<i32>} : memref<4096xi32, #tpu.memory_space<vmem>>, vector<16xi32>,
        tpu.vector_store %arg9[%swap3A_146], %broadcast_in_dim3A_139 {strides = array<i32>} : memref<4096xi32, #tpu.memory_space<vmem>>, vector<16xi32>,
        %broadcast_in_dim3A_148 = arith.constant 0 : i32
        %broadcast_in_dim3A_149 = vector.broadcast %broadcast_in_dim3A_148 : i32 to vector<16xi32>
        %mul3A_150 = arith.constant 8 : i32
        %mul3A_151 = arith.muli %scan3A_88, %mul3A_150 : i32
        %add3A_152 = arith.constant 6 : i32
        %add3A_153 = arith.addi %mul3A_151, %add3A_152 : i32
        %mul3A_154 = arith.constant 16 : i32
        %mul3A_155 = arith.muli %add3A_153, %mul3A_154 : i32
        %swap3A_156 = arith.index_cast %mul3A_155 : i32 to index
        %swap3A_157 = tpu.vector_load %arg9[%swap3A_156] {strides = array<i32>} : memref<4096xi32, #tpu.memory_space<vmem>>, vector<16xi32>,
        tpu.vector_store %arg9[%swap3A_156], %broadcast_in_dim3A_149 {strides = array<i32>} : memref<4096xi32, #tpu.memory_space<vmem>>, vector<16xi32>,
        %broadcast_in_dim3A_158 = arith.constant 0 : i32
        %broadcast_in_dim3A_159 = vector.broadcast %broadcast_in_dim3A_158 : i32 to vector<16xi32>
        %mul3A_160 = arith.constant 8 : i32
        %mul3A_161 = arith.muli %scan3A_88, %mul3A_160 : i32
        %add3A_162 = arith.constant 7 : i32
        %add3A_163 = arith.addi %mul3A_161, %add3A_162 : i32
        %mul3A_164 = arith.constant 16 : i32
        %mul3A_165 = arith.muli %add3A_163, %mul3A_164 : i32
        %swap3A_166 = arith.index_cast %mul3A_165 : i32 to index
        %swap3A_167 = tpu.vector_load %arg9[%swap3A_166] {strides = array<i32>} : memref<4096xi32, #tpu.memory_space<vmem>>, vector<16xi32>,
        tpu.vector_store %arg9[%swap3A_166], %broadcast_in_dim3A_159 {strides = array<i32>} : memref<4096xi32, #tpu.memory_space<vmem>>, vector<16xi32>,
        %scan3A_168 = arith.constant 0 : i32
        scf.yield %scan3A_168 : i32
      }
      %scan3A_15 = arith.constant 32 : i32
      %scan3A_16 = arith.constant 0 : i32
      %scan3A_17 = arith.constant 0 : i32
      %scan3A_18 = arith.constant 32 : i32
      %scan3A_19 = arith.addi %scan3A_17, %scan3A_18 : i32
      %scan3A_20 = arith.constant 1 : i32
      %scan3A_21 = scf.for %scan3A_88 = %scan3A_17 to %scan3A_19 step %scan3A_20 iter_args(%scan3A_89 = %scan3A_16) -> (i32)  : i32 {
        %mul3A = arith.constant 4096 : i32
        %mul3A_90 = arith.muli %arg1, %mul3A : i32
        "tpu.region"() ({
          %run_scoped3A = tpu.sem_alloc : memref<!tpu.dma_semaphore, #tpu.memory_space<semaphore_mem>>
          %dma_start3A = tpu.memref_slice %arg2[%scan3A_88, %mul3A_90] : memref<32x65536xi32, #tpu.memory_space<hbm>> -> memref<1x4096xi32, #tpu.memory_space<hbm>>
          %dma_start3A_99 = tpu.memref_squeeze %dma_start3A : memref<1x4096xi32, #tpu.memory_space<hbm>> -> memref<4096xi32, #tpu.memory_space<hbm>>
          %dma_start3A_100 = tpu.memref_slice %arg2[%scan3A_88, %mul3A_90] : memref<32x65536xi32, #tpu.memory_space<hbm>> -> memref<1x4096xi32, #tpu.memory_space<hbm>>
          %dma_start3A_101 = tpu.memref_squeeze %dma_start3A_100 : memref<1x4096xi32, #tpu.memory_space<hbm>> -> memref<4096xi32, #tpu.memory_space<hbm>>
          tpu.enqueue_dma source(%dma_start3A_101 : memref<4096xi32, #tpu.memory_space<hbm>>) target(%arg8 : memref<4096xi32, #tpu.memory_space<vmem>>) target_semaphore(%run_scoped3A : memref<!tpu.dma_semaphore, #tpu.memory_space<semaphore_mem>>)
          %dma_wait3A = tpu.memref_slice %arg2[%scan3A_88, %mul3A_90] : memref<32x65536xi32, #tpu.memory_space<hbm>> -> memref<1x4096xi32, #tpu.memory_space<hbm>>
          %dma_wait3A_102 = tpu.memref_squeeze %dma_wait3A : memref<1x4096xi32, #tpu.memory_space<hbm>> -> memref<4096xi32, #tpu.memory_space<hbm>>
          %dma_wait3A_103 = tpu.memref_slice %arg2[%scan3A_88, %mul3A_90] : memref<32x65536xi32, #tpu.memory_space<hbm>> -> memref<1x4096xi32, #tpu.memory_space<hbm>>
          %dma_wait3A_104 = tpu.memref_squeeze %dma_wait3A_103 : memref<1x4096xi32, #tpu.memory_space<hbm>> -> memref<4096xi32, #tpu.memory_space<hbm>>
          tpu.wait_dma2 semaphore(%run_scoped3A : memref<!tpu.dma_semaphore, #tpu.memory_space<semaphore_mem>>) src(%dma_wait3A_104 : memref<4096xi32, #tpu.memory_space<hbm>>) dst(%arg8 : memref<4096xi32, #tpu.memory_space<vmem>>)
          tpu.yield
        }) : () -> ()
        %scan3A_91 = arith.constant 0 : i32
        %scan3A_92 = arith.constant 0 : i32
        %scan3A_93 = arith.constant 32 : i32
        %scan3A_94 = arith.addi %scan3A_92, %scan3A_93 : i32
        %scan3A_95 = arith.constant 1 : i32
        %scan3A_96 = scf.for %scan3A_99 = %scan3A_92 to %scan3A_94 step %scan3A_95 iter_args(%scan3A_100 = %scan3A_91) -> (i32)  : i32 {
          %mul3A_101 = arith.constant 8 : i32
          %mul3A_102 = arith.muli %scan3A_99, %mul3A_101 : i32
          %add3A = arith.constant 0 : i32
          %add3A_103 = arith.addi %mul3A_102, %add3A : i32
          %mul3A_104 = arith.constant 16 : i32
          %mul3A_105 = arith.muli %add3A_103, %mul3A_104 : i32
          %get3A_106 = arith.index_cast %mul3A_105 : i32 to index
          %get3A_107 = tpu.vector_load %arg9[%get3A_106] {strides = array<i32>} : memref<4096xi32, #tpu.memory_space<vmem>>, vector<16xi32>,
          %mul3A_108 = arith.constant 16 : i32
          %mul3A_109 = arith.muli %add3A_103, %mul3A_108 : i32
          %get3A_110 = arith.index_cast %mul3A_109 : i32 to index
          %get3A_111 = tpu.vector_load %arg8[%get3A_110] {strides = array<i32>} : memref<4096xi32, #tpu.memory_space<vmem>>, vector<16xi32>,
          %add3A_112 = arith.addi %get3A_107, %get3A_111 : vector<16xi32>
          %mul3A_113 = arith.constant 16 : i32
          %mul3A_114 = arith.muli %add3A_103, %mul3A_113 : i32
          %swap3A_115 = arith.index_cast %mul3A_114 : i32 to index
          %swap3A_116 = tpu.vector_load %arg9[%swap3A_115] {strides = array<i32>} : memref<4096xi32, #tpu.memory_space<vmem>>, vector<16xi32>,
          tpu.vector_store %arg9[%swap3A_115], %add3A_112 {strides = array<i32>} : memref<4096xi32, #tpu.memory_space<vmem>>, vector<16xi32>,
          %mul3A_117 = arith.constant 8 : i32
          %mul3A_118 = arith.muli %scan3A_99, %mul3A_117 : i32
          %add3A_119 = arith.constant 1 : i32
          %add3A_120 = arith.addi %mul3A_118, %add3A_119 : i32
          %mul3A_121 = arith.constant 16 : i32
          %mul3A_122 = arith.muli %add3A_120, %mul3A_121 : i32
          %get3A_123 = arith.index_cast %mul3A_122 : i32 to index
          %get3A_124 = tpu.vector_load %arg9[%get3A_123] {strides = array<i32>} : memref<4096xi32, #tpu.memory_space<vmem>>, vector<16xi32>,
          %mul3A_125 = arith.constant 16 : i32
          %mul3A_126 = arith.muli %add3A_120, %mul3A_125 : i32
          %get3A_127 = arith.index_cast %mul3A_126 : i32 to index
          %get3A_128 = tpu.vector_load %arg8[%get3A_127] {strides = array<i32>} : memref<4096xi32, #tpu.memory_space<vmem>>, vector<16xi32>,
          %add3A_129 = arith.addi %get3A_124, %get3A_128 : vector<16xi32>
          %mul3A_130 = arith.constant 16 : i32
          %mul3A_131 = arith.muli %add3A_120, %mul3A_130 : i32
          %swap3A_132 = arith.index_cast %mul3A_131 : i32 to index
          %swap3A_133 = tpu.vector_load %arg9[%swap3A_132] {strides = array<i32>} : memref<4096xi32, #tpu.memory_space<vmem>>, vector<16xi32>,
          tpu.vector_store %arg9[%swap3A_132], %add3A_129 {strides = array<i32>} : memref<4096xi32, #tpu.memory_space<vmem>>, vector<16xi32>,
          %mul3A_134 = arith.constant 8 : i32
          %mul3A_135 = arith.muli %scan3A_99, %mul3A_134 : i32
          %add3A_136 = arith.constant 2 : i32
          %add3A_137 = arith.addi %mul3A_135, %add3A_136 : i32
          %mul3A_138 = arith.constant 16 : i32
          %mul3A_139 = arith.muli %add3A_137, %mul3A_138 : i32
          %get3A_140 = arith.index_cast %mul3A_139 : i32 to index
          %get3A_141 = tpu.vector_load %arg9[%get3A_140] {strides = array<i32>} : memref<4096xi32, #tpu.memory_space<vmem>>, vector<16xi32>,
          %mul3A_142 = arith.constant 16 : i32
          %mul3A_143 = arith.muli %add3A_137, %mul3A_142 : i32
          %get3A_144 = arith.index_cast %mul3A_143 : i32 to index
          %get3A_145 = tpu.vector_load %arg8[%get3A_144] {strides = array<i32>} : memref<4096xi32, #tpu.memory_space<vmem>>, vector<16xi32>,
          %add3A_146 = arith.addi %get3A_141, %get3A_145 : vector<16xi32>
          %mul3A_147 = arith.constant 16 : i32
          %mul3A_148 = arith.muli %add3A_137, %mul3A_147 : i32
          %swap3A_149 = arith.index_cast %mul3A_148 : i32 to index
          %swap3A_150 = tpu.vector_load %arg9[%swap3A_149] {strides = array<i32>} : memref<4096xi32, #tpu.memory_space<vmem>>, vector<16xi32>,
          tpu.vector_store %arg9[%swap3A_149], %add3A_146 {strides = array<i32>} : memref<4096xi32, #tpu.memory_space<vmem>>, vector<16xi32>,
          %mul3A_151 = arith.constant 8 : i32
          %mul3A_152 = arith.muli %scan3A_99, %mul3A_151 : i32
          %add3A_153 = arith.constant 3 : i32
          %add3A_154 = arith.addi %mul3A_152, %add3A_153 : i32
          %mul3A_155 = arith.constant 16 : i32
          %mul3A_156 = arith.muli %add3A_154, %mul3A_155 : i32
          %get3A_157 = arith.index_cast %mul3A_156 : i32 to index
          %get3A_158 = tpu.vector_load %arg9[%get3A_157] {strides = array<i32>} : memref<4096xi32, #tpu.memory_space<vmem>>, vector<16xi32>,
          %mul3A_159 = arith.constant 16 : i32
          %mul3A_160 = arith.muli %add3A_154, %mul3A_159 : i32
          %get3A_161 = arith.index_cast %mul3A_160 : i32 to index
          %get3A_162 = tpu.vector_load %arg8[%get3A_161] {strides = array<i32>} : memref<4096xi32, #tpu.memory_space<vmem>>, vector<16xi32>,
          %add3A_163 = arith.addi %get3A_158, %get3A_162 : vector<16xi32>
          %mul3A_164 = arith.constant 16 : i32
          %mul3A_165 = arith.muli %add3A_154, %mul3A_164 : i32
          %swap3A_166 = arith.index_cast %mul3A_165 : i32 to index
          %swap3A_167 = tpu.vector_load %arg9[%swap3A_166] {strides = array<i32>} : memref<4096xi32, #tpu.memory_space<vmem>>, vector<16xi32>,
          tpu.vector_store %arg9[%swap3A_166], %add3A_163 {strides = array<i32>} : memref<4096xi32, #tpu.memory_space<vmem>>, vector<16xi32>,
          %mul3A_168 = arith.constant 8 : i32
          %mul3A_169 = arith.muli %scan3A_99, %mul3A_168 : i32
          %add3A_170 = arith.constant 4 : i32
          %add3A_171 = arith.addi %mul3A_169, %add3A_170 : i32
          %mul3A_172 = arith.constant 16 : i32
          %mul3A_173 = arith.muli %add3A_171, %mul3A_172 : i32
          %get3A_174 = arith.index_cast %mul3A_173 : i32 to index
          %get3A_175 = tpu.vector_load %arg9[%get3A_174] {strides = array<i32>} : memref<4096xi32, #tpu.memory_space<vmem>>, vector<16xi32>,
          %mul3A_176 = arith.constant 16 : i32
          %mul3A_177 = arith.muli %add3A_171, %mul3A_176 : i32
          %get3A_178 = arith.index_cast %mul3A_177 : i32 to index
          %get3A_179 = tpu.vector_load %arg8[%get3A_178] {strides = array<i32>} : memref<4096xi32, #tpu.memory_space<vmem>>, vector<16xi32>,
          %add3A_180 = arith.addi %get3A_175, %get3A_179 : vector<16xi32>
          %mul3A_181 = arith.constant 16 : i32
          %mul3A_182 = arith.muli %add3A_171, %mul3A_181 : i32
          %swap3A_183 = arith.index_cast %mul3A_182 : i32 to index
          %swap3A_184 = tpu.vector_load %arg9[%swap3A_183] {strides = array<i32>} : memref<4096xi32, #tpu.memory_space<vmem>>, vector<16xi32>,
          tpu.vector_store %arg9[%swap3A_183], %add3A_180 {strides = array<i32>} : memref<4096xi32, #tpu.memory_space<vmem>>, vector<16xi32>,
          %mul3A_185 = arith.constant 8 : i32
          %mul3A_186 = arith.muli %scan3A_99, %mul3A_185 : i32
          %add3A_187 = arith.constant 5 : i32
          %add3A_188 = arith.addi %mul3A_186, %add3A_187 : i32
          %mul3A_189 = arith.constant 16 : i32
          %mul3A_190 = arith.muli %add3A_188, %mul3A_189 : i32
          %get3A_191 = arith.index_cast %mul3A_190 : i32 to index
          %get3A_192 = tpu.vector_load %arg9[%get3A_191] {strides = array<i32>} : memref<4096xi32, #tpu.memory_space<vmem>>, vector<16xi32>,
          %mul3A_193 = arith.constant 16 : i32
          %mul3A_194 = arith.muli %add3A_188, %mul3A_193 : i32
          %get3A_195 = arith.index_cast %mul3A_194 : i32 to index
          %get3A_196 = tpu.vector_load %arg8[%get3A_195] {strides = array<i32>} : memref<4096xi32, #tpu.memory_space<vmem>>, vector<16xi32>,
          %add3A_197 = arith.addi %get3A_192, %get3A_196 : vector<16xi32>
          %mul3A_198 = arith.constant 16 : i32
          %mul3A_199 = arith.muli %add3A_188, %mul3A_198 : i32
          %swap3A_200 = arith.index_cast %mul3A_199 : i32 to index
          %swap3A_201 = tpu.vector_load %arg9[%swap3A_200] {strides = array<i32>} : memref<4096xi32, #tpu.memory_space<vmem>>, vector<16xi32>,
          tpu.vector_store %arg9[%swap3A_200], %add3A_197 {strides = array<i32>} : memref<4096xi32, #tpu.memory_space<vmem>>, vector<16xi32>,
          %mul3A_202 = arith.constant 8 : i32
          %mul3A_203 = arith.muli %scan3A_99, %mul3A_202 : i32
          %add3A_204 = arith.constant 6 : i32
          %add3A_205 = arith.addi %mul3A_203, %add3A_204 : i32
          %mul3A_206 = arith.constant 16 : i32
          %mul3A_207 = arith.muli %add3A_205, %mul3A_206 : i32
          %get3A_208 = arith.index_cast %mul3A_207 : i32 to index
          %get3A_209 = tpu.vector_load %arg9[%get3A_208] {strides = array<i32>} : memref<4096xi32, #tpu.memory_space<vmem>>, vector<16xi32>,
          %mul3A_210 = arith.constant 16 : i32
          %mul3A_211 = arith.muli %add3A_205, %mul3A_210 : i32
          %get3A_212 = arith.index_cast %mul3A_211 : i32 to index
          %get3A_213 = tpu.vector_load %arg8[%get3A_212] {strides = array<i32>} : memref<4096xi32, #tpu.memory_space<vmem>>, vector<16xi32>,
          %add3A_214 = arith.addi %get3A_209, %get3A_213 : vector<16xi32>
          %mul3A_215 = arith.constant 16 : i32
          %mul3A_216 = arith.muli %add3A_205, %mul3A_215 : i32
          %swap3A_217 = arith.index_cast %mul3A_216 : i32 to index
          %swap3A_218 = tpu.vector_load %arg9[%swap3A_217] {strides = array<i32>} : memref<4096xi32, #tpu.memory_space<vmem>>, vector<16xi32>,
          tpu.vector_store %arg9[%swap3A_217], %add3A_214 {strides = array<i32>} : memref<4096xi32, #tpu.memory_space<vmem>>, vector<16xi32>,
          %mul3A_219 = arith.constant 8 : i32
          %mul3A_220 = arith.muli %scan3A_99, %mul3A_219 : i32
          %add3A_221 = arith.constant 7 : i32
          %add3A_222 = arith.addi %mul3A_220, %add3A_221 : i32
          %mul3A_223 = arith.constant 16 : i32
          %mul3A_224 = arith.muli %add3A_222, %mul3A_223 : i32
          %get3A_225 = arith.index_cast %mul3A_224 : i32 to index
          %get3A_226 = tpu.vector_load %arg9[%get3A_225] {strides = array<i32>} : memref<4096xi32, #tpu.memory_space<vmem>>, vector<16xi32>,
          %mul3A_227 = arith.constant 16 : i32
          %mul3A_228 = arith.muli %add3A_222, %mul3A_227 : i32
          %get3A_229 = arith.index_cast %mul3A_228 : i32 to index
          %get3A_230 = tpu.vector_load %arg8[%get3A_229] {strides = array<i32>} : memref<4096xi32, #tpu.memory_space<vmem>>, vector<16xi32>,
          %add3A_231 = arith.addi %get3A_226, %get3A_230 : vector<16xi32>
          %mul3A_232 = arith.constant 16 : i32
          %mul3A_233 = arith.muli %add3A_222, %mul3A_232 : i32
          %swap3A_234 = arith.index_cast %mul3A_233 : i32 to index
          %swap3A_235 = tpu.vector_load %arg9[%swap3A_234] {strides = array<i32>} : memref<4096xi32, #tpu.memory_space<vmem>>, vector<16xi32>,
          tpu.vector_store %arg9[%swap3A_234], %add3A_231 {strides = array<i32>} : memref<4096xi32, #tpu.memory_space<vmem>>, vector<16xi32>,
          %scan3A_236 = arith.constant 0 : i32
          scf.yield %scan3A_236 : i32
        }
        %scan3A_97 = arith.constant 32 : i32
        %scan3A_98 = arith.constant 0 : i32
        scf.yield %scan3A_98 : i32
      }
      %scan3A_22 = arith.constant 32 : i32
      %scan3A_23 = arith.constant 0 : i32
      %scan3A_24 = arith.constant 0 : i32
      %scan3A_25 = arith.constant 256 : i32
      %scan3A_26 = arith.addi %scan3A_24, %scan3A_25 : i32
      %scan3A_27 = arith.constant 1 : i32
      %scan3A_28 = scf.for %scan3A_88 = %scan3A_24 to %scan3A_26 step %scan3A_27 iter_args(%scan3A_89 = %scan3A_23) -> (i32)  : i32 {
        %mul3A = arith.constant 16 : i32
        %mul3A_90 = arith.muli %scan3A_88, %mul3A : i32
        %get3A_91 = arith.index_cast %mul3A_90 : i32 to index
        %get3A_92 = tpu.vector_load %arg9[%get3A_91] {strides = array<i32>} : memref<4096xi32, #tpu.memory_space<vmem>>, vector<16xi32>,
        %reduce_sum3A = arith.constant true
        %reduce_sum3A_93 = vector.broadcast %reduce_sum3A : i1 to vector<16xi1>
        %reduce_sum3A_94 = tpu.scan <sum>, %get3A_92 masked %reduce_sum3A_93 : vector<16xi32>, vector<16xi1> -> vector<16xi32>
        %reduce_sum3A_95 = vector.extract %reduce_sum3A_94[15] : i32 from vector<16xi32>
        %add3A = arith.addi %scan3A_89, %reduce_sum3A_95 : i32
        scf.yield %add3A : i32
      }
      %scan3A_29 = arith.constant 256 : i32
      %gt3A = arith.constant 0 : i32
      %gt3A_30 = arith.cmpi sgt, %scan3A_28, %gt3A : i32
      %sub3A = arith.constant 1 : i32
      %sub3A_31 = arith.subi %scan3A_28, %sub3A : i32
      %jit3A = arith.constant 2 : i32
      %div3A = arith.divsi %sub3A_31, %jit3A : i32
      %sign3A = arith.constant 0 : i32
      %sign3A_32 = arith.cmpi sgt, %sub3A_31, %sign3A : i32
      %sign3A_33 = arith.extui %sign3A_32 : i1 to i32
      %sign3A_34 = arith.constant 0 : i32
      %sign3A_35 = arith.cmpi slt, %sub3A_31, %sign3A_34 : i32
      %sign3A_36 = arith.extui %sign3A_35 : i1 to i32
      %sign3A_37 = arith.subi %sign3A_33, %sign3A_36 : i32
      %sign3A_38 = arith.constant 0 : i32
      %sign3A_39 = arith.cmpi sgt, %jit3A, %sign3A_38 : i32
      %sign3A_40 = arith.extui %sign3A_39 : i1 to i32
      %sign3A_41 = arith.constant 0 : i32
      %sign3A_42 = arith.cmpi slt, %jit3A, %sign3A_41 : i32
      %sign3A_43 = arith.extui %sign3A_42 : i1 to i32
      %sign3A_44 = arith.subi %sign3A_40, %sign3A_43 : i32
      %ne3A = arith.cmpi ne, %sign3A_37, %sign3A_44 : i32
      %rem3A = arith.remsi %sub3A_31, %jit3A : i32
      %ne3A_45 = arith.constant 0 : i32
      %ne3A_46 = arith.cmpi ne, %rem3A, %ne3A_45 : i32
      %and3A_47 = arith.andi %ne3A, %ne3A_46 : i1
      %sub3A_48 = arith.constant 1 : i32
      %sub3A_49 = arith.subi %div3A, %sub3A_48 : i32
      %select_n3A = arith.select %and3A_47, %sub3A_49, %div3A : i32
      %jit3A_50 = arith.constant 0 : i32
      %select_n3A_51 = arith.select %gt3A_30, %select_n3A, %jit3A_50 : i32
      %scan3A_52 = arith.constant 0 : i32
      %scan3A_53 = arith.constant -1 : i32
      %scan3A_54 = arith.constant 0 : i32
      %scan3A_55 = arith.constant 0 : i32
      %scan3A_56 = arith.constant 256 : i32
      %scan3A_57 = arith.addi %scan3A_55, %scan3A_56 : i32
      %scan3A_58 = arith.constant 1 : i32
      %scan3A_59:3 = scf.for %scan3A_88 = %scan3A_55 to %scan3A_57 step %scan3A_58 iter_args(%scan3A_89 = %scan3A_52, %scan3A_90 = %scan3A_53, %scan3A_91 = %scan3A_54) -> (i32, i32, i32)  : i32 {
        %mul3A = arith.constant 16 : i32
        %mul3A_92 = arith.muli %scan3A_88, %mul3A : i32
        %get3A_93 = arith.index_cast %mul3A_92 : i32 to index
        %get3A_94 = tpu.vector_load %arg9[%get3A_93] {strides = array<i32>} : memref<4096xi32, #tpu.memory_space<vmem>>, vector<16xi32>,
        %reduce_sum3A = arith.constant true
        %reduce_sum3A_95 = vector.broadcast %reduce_sum3A : i1 to vector<16xi1>
        %reduce_sum3A_96 = tpu.scan <sum>, %get3A_94 masked %reduce_sum3A_95 : vector<16xi32>, vector<16xi1> -> vector<16xi32>
        %reduce_sum3A_97 = vector.extract %reduce_sum3A_96[15] : i32 from vector<16xi32>
        %lt3A_98 = arith.constant 0 : i32
        %lt3A_99 = arith.cmpi slt, %scan3A_90, %lt3A_98 : i32
        %add3A = arith.addi %scan3A_89, %reduce_sum3A_97 : i32
        %gt3A_100 = arith.cmpi sgt, %add3A, %select_n3A_51 : i32
        %and3A_101 = arith.andi %lt3A_99, %gt3A_100 : i1
        %select_n3A_102 = arith.select %and3A_101, %scan3A_88, %scan3A_90 : i32
        %select_n3A_103 = arith.select %and3A_101, %scan3A_89, %scan3A_91 : i32
        %add3A_104 = arith.addi %scan3A_89, %reduce_sum3A_97 : i32
        scf.yield %add3A_104, %select_n3A_102, %select_n3A_103 : i32, i32, i32
      }
      %scan3A_60 = arith.constant 256 : i32
      %lt3A = arith.constant 0 : i32
      %lt3A_61 = arith.cmpi slt, %scan3A_59#1, %lt3A : i32
      %jit3A_62 = arith.constant 0 : i32
      %select_n3A_63 = arith.select %lt3A_61, %jit3A_62, %scan3A_59#1 : i32
      %shift_left3A = arith.constant 0 : i32
      %shift_left3A_64 = arith.constant 8 : i32
      %shift_left3A_65 = arith.shli %shift_left3A, %shift_left3A_64 : i32
      %or3A = arith.ori %shift_left3A_65, %select_n3A_63 : i32
      %gt3A_66 = arith.constant 0 : i32
      %gt3A_67 = arith.cmpi sgt, %scan3A_28, %gt3A_66 : i32
      %sub3A_68 = arith.subi %select_n3A_51, %scan3A_59#2 : i32
      %jit3A_69 = arith.constant 0 : i32
      %select_n3A_70 = arith.select %gt3A_67, %sub3A_68, %jit3A_69 : i32
      %eq3A_71 = arith.constant 0 : i32
      %eq3A_72 = vector.broadcast %eq3A_71 : i32 to vector<16xi32>
      %eq3A_73 = arith.cmpi eq, %iota3A, %eq3A_72 : vector<16xi32>
      %eq3A_74 = arith.constant 1 : i32
      %eq3A_75 = vector.broadcast %eq3A_74 : i32 to vector<16xi32>
      %eq3A_76 = arith.cmpi eq, %iota3A, %eq3A_75 : vector<16xi32>
      %eq3A_77 = arith.constant 2 : i32
      %eq3A_78 = vector.broadcast %eq3A_77 : i32 to vector<16xi32>
      %eq3A_79 = arith.cmpi eq, %iota3A, %eq3A_78 : vector<16xi32>
      %jit3A_80 = arith.constant 0 : i32
      %broadcast_in_dim3A = vector.broadcast %scan3A_28 : i32 to vector<16xi32>
      %broadcast_in_dim3A_81 = vector.broadcast %jit3A_80 : i32 to vector<16xi32>
      %select_n3A_82 = arith.select %eq3A_79, %broadcast_in_dim3A, %broadcast_in_dim3A_81 : vector<16xi1>, vector<16xi32>
      %broadcast_in_dim3A_83 = vector.broadcast %select_n3A_70 : i32 to vector<16xi32>
      %select_n3A_84 = arith.select %eq3A_76, %broadcast_in_dim3A_83, %select_n3A_82 : vector<16xi1>, vector<16xi32>
      %broadcast_in_dim3A_85 = vector.broadcast %or3A : i32 to vector<16xi32>
      %select_n3A_86 = arith.select %eq3A_73, %broadcast_in_dim3A_85, %select_n3A_84 : vector<16xi1>, vector<16xi32>
      %swap3A = arith.constant 0 : index
      %swap3A_87 = tpu.vector_load %arg11[%swap3A] {strides = array<i32>} : memref<16xi32, #tpu.memory_space<vmem>>, vector<16xi32>,
      tpu.vector_store %arg11[%swap3A], %select_n3A_86 {strides = array<i32>} : memref<16xi32, #tpu.memory_space<vmem>>, vector<16xi32>,
      "tpu.region"() ({
        %run_scoped3A = tpu.sem_alloc : memref<!tpu.dma_semaphore, #tpu.memory_space<semaphore_mem>>
        %dma_start3A = arith.constant 0 : i32
        %dma_start3A_88 = tpu.memref_slice %arg6[%arg1, %dma_start3A] : memref<16x16xi32, #tpu.memory_space<hbm>> -> memref<1x16xi32, #tpu.memory_space<hbm>>
        %dma_start3A_89 = tpu.memref_squeeze %dma_start3A_88 : memref<1x16xi32, #tpu.memory_space<hbm>> -> memref<16xi32, #tpu.memory_space<hbm>>
        %dma_start3A_90 = arith.constant 0 : i32
        %dma_start3A_91 = tpu.memref_slice %arg6[%arg1, %dma_start3A_90] : memref<16x16xi32, #tpu.memory_space<hbm>> -> memref<1x16xi32, #tpu.memory_space<hbm>>
        %dma_start3A_92 = tpu.memref_squeeze %dma_start3A_91 : memref<1x16xi32, #tpu.memory_space<hbm>> -> memref<16xi32, #tpu.memory_space<hbm>>
        tpu.enqueue_dma source(%arg11 : memref<16xi32, #tpu.memory_space<vmem>>) target(%dma_start3A_92 : memref<16xi32, #tpu.memory_space<hbm>>) target_semaphore(%run_scoped3A : memref<!tpu.dma_semaphore, #tpu.memory_space<semaphore_mem>>)
        %dma_wait3A = arith.constant 0 : i32
        %dma_wait3A_93 = tpu.memref_slice %arg6[%arg1, %dma_wait3A] : memref<16x16xi32, #tpu.memory_space<hbm>> -> memref<1x16xi32, #tpu.memory_space<hbm>>
        %dma_wait3A_94 = tpu.memref_squeeze %dma_wait3A_93 : memref<1x16xi32, #tpu.memory_space<hbm>> -> memref<16xi32, #tpu.memory_space<hbm>>
        %dma_wait3A_95 = arith.constant 0 : i32
        %dma_wait3A_96 = tpu.memref_slice %arg6[%arg1, %dma_wait3A_95] : memref<16x16xi32, #tpu.memory_space<hbm>> -> memref<1x16xi32, #tpu.memory_space<hbm>>
        %dma_wait3A_97 = tpu.memref_squeeze %dma_wait3A_96 : memref<1x16xi32, #tpu.memory_space<hbm>> -> memref<16xi32, #tpu.memory_space<hbm>>
        tpu.wait_dma2 semaphore(%run_scoped3A : memref<!tpu.dma_semaphore, #tpu.memory_space<semaphore_mem>>) src(%arg11 : memref<16xi32, #tpu.memory_space<vmem>>) dst(%dma_wait3A_97 : memref<16xi32, #tpu.memory_space<hbm>>)
        tpu.yield
      }) : () -> ()
    } else {
    }
    %eq3A_3 = arith.constant 1 : i32
    %eq3A_4 = arith.cmpi eq, %arg0, %eq3A_3 : i32
    %eq3A_5 = arith.constant 0 : i32
    %eq3A_6 = arith.cmpi eq, %arg1, %eq3A_5 : i32
    %and3A = arith.andi %eq3A_4, %eq3A_6 : i1
    %convert_element_type3A_7 = arith.extui %and3A : i1 to i32
    %cond3A_8 = arith.constant 0 : i32
    %cond3A_9 = arith.cmpi ne, %convert_element_type3A_7, %cond3A_8 : i32
    scf.if %cond3A_9 {
      "tpu.region"() ({
        %run_scoped3A = tpu.sem_alloc : memref<!tpu.dma_semaphore, #tpu.memory_space<semaphore_mem>>
        tpu.enqueue_dma source(%arg4 : memref<512xf32, #tpu.memory_space<hbm>>) target(%arg12 : memref<512xf32, #tpu.memory_space<vmem>>) target_semaphore(%run_scoped3A : memref<!tpu.dma_semaphore, #tpu.memory_space<semaphore_mem>>)
        tpu.wait_dma2 semaphore(%run_scoped3A : memref<!tpu.dma_semaphore, #tpu.memory_space<semaphore_mem>>) src(%arg4 : memref<512xf32, #tpu.memory_space<hbm>>) dst(%arg12 : memref<512xf32, #tpu.memory_space<vmem>>)
        tpu.yield
      }) : () -> ()
      %broadcast_in_dim3A = arith.constant 0.000000e+00 : f32
      %broadcast_in_dim3A_10 = vector.broadcast %broadcast_in_dim3A : f32 to vector<16xf32>
      %scan3A = arith.constant 0 : i32
      %scan3A_11 = arith.constant 32 : i32
      %scan3A_12 = arith.addi %scan3A, %scan3A_11 : i32
      %scan3A_13 = arith.constant 1 : i32
      %scan3A_14 = scf.for %scan3A_23 = %scan3A to %scan3A_12 step %scan3A_13 iter_args(%scan3A_24 = %broadcast_in_dim3A_10) -> (vector<16xf32>)  : i32 {
        %mul3A_25 = arith.constant 16 : i32
        %mul3A_26 = arith.muli %scan3A_23, %mul3A_25 : i32
        %get3A_27 = arith.index_cast %mul3A_26 : i32 to index
        %get3A_28 = tpu.vector_load %arg12[%get3A_27] {strides = array<i32>} : memref<512xf32, #tpu.memory_space<vmem>>, vector<16xf32>,
        %add3A_29 = arith.addf %scan3A_24, %get3A_28 : vector<16xf32>
        scf.yield %add3A_29 : vector<16xf32>
      }
      %scan3A_15 = arith.constant 32 : i32
      %reduce_sum3A = arith.constant true
      %reduce_sum3A_16 = vector.broadcast %reduce_sum3A : i1 to vector<16xi1>
      %reduce_sum3A_17 = tpu.scan <sum>, %scan3A_14 masked %reduce_sum3A_16 : vector<16xf32>, vector<16xi1> -> vector<16xf32>
      %reduce_sum3A_18 = vector.extract %reduce_sum3A_17[15] : f32 from vector<16xf32>
      %mul3A = arith.mulf %reduce_sum3A_18, %squeeze3A : f32
      %broadcast_in_dim3A_19 = arith.constant 0.000000e+00 : f32
      %broadcast_in_dim3A_20 = vector.broadcast %broadcast_in_dim3A_19 : f32 to vector<16xf32>
      %add3A = vector.broadcast %mul3A : f32 to vector<16xf32>
      %add3A_21 = arith.addf %broadcast_in_dim3A_20, %add3A : vector<16xf32>
      %swap3A = arith.constant 0 : index
      %swap3A_22 = tpu.vector_load %arg13[%swap3A] {strides = array<i32>} : memref<16xf32, #tpu.memory_space<vmem>>, vector<16xf32>,
      tpu.vector_store %arg13[%swap3A], %add3A_21 {strides = array<i32>} : memref<16xf32, #tpu.memory_space<vmem>>, vector<16xf32>,
      "tpu.region"() ({
        %run_scoped3A = tpu.sem_alloc : memref<!tpu.dma_semaphore, #tpu.memory_space<semaphore_mem>>
        tpu.enqueue_dma source(%arg13 : memref<16xf32, #tpu.memory_space<vmem>>) target(%arg7 : memref<16xf32, #tpu.memory_space<hbm>>) target_semaphore(%run_scoped3A : memref<!tpu.dma_semaphore, #tpu.memory_space<semaphore_mem>>)
        tpu.wait_dma2 semaphore(%run_scoped3A : memref<!tpu.dma_semaphore, #tpu.memory_space<semaphore_mem>>) src(%arg13 : memref<16xf32, #tpu.memory_space<vmem>>) dst(%arg7 : memref<16xf32, #tpu.memory_space<hbm>>)
        tpu.yield
      }) : () -> ()
    } else {
    }
    return
  }
}

#map = affine_map<(d0, d1) -> (0)>
#map1 = affine_map<(d0, d1) -> (0, 0)>
module attributes {stable_mosaic.version = 14 : i64} {
  func.func @_refine_body(%arg0: i32, %arg1: i32, %arg2: memref<2097152xf32, #tpu.memory_space<hbm>>, %arg3: memref<2097152xi32, #tpu.memory_space<hbm>>, %arg4: memref<256xi32, #tpu.memory_space<hbm>>, %arg5: memref<32x65536xi32, #tpu.memory_space<hbm>>, %arg6: memref<2048xf32, #tpu.memory_space<vmem>>, %arg7: memref<2048xi32, #tpu.memory_space<vmem>>, %arg8: memref<256xi32, #tpu.memory_space<vmem>>, %arg9: memref<65536xi32, #tpu.memory_space<vmem>>) attributes {dimension_semantics = [#tpu.dimension_semantics<core_parallel>, #tpu.dimension_semantics<subcore_parallel>], iteration_bounds = array<i64: 2, 16>, scalar_prefetch = 0 : i64, scratch_operands = 4 : i64, tpu.core_type = #tpu.core_type<sc_vector_subcore>, window_params = [{transform_indices = #map}, {transform_indices = #map}, {transform_indices = #map}, {transform_indices = #map1}]} {
    %mul3A = arith.constant 2 : i32
    %mul3A_0 = arith.muli %arg1, %mul3A : i32
    %add3A = arith.addi %mul3A_0, %arg0 : i32
    %iota3A = tpu.iota {dimensions = array<i32: 0>} : vector<16xi32>
    %broadcast_in_dim3A = arith.constant 1 : i32
    %broadcast_in_dim3A_1 = vector.broadcast %broadcast_in_dim3A : i32 to vector<16xi32>
    %scan3A = arith.constant 0 : i32
    %scan3A_2 = arith.constant 0 : i32
    %scan3A_3 = arith.constant 512 : i32
    %scan3A_4 = arith.addi %scan3A_2, %scan3A_3 : i32
    %scan3A_5 = arith.constant 1 : i32
    %scan3A_6 = scf.for %scan3A_17 = %scan3A_2 to %scan3A_4 step %scan3A_5 iter_args(%scan3A_18 = %scan3A) -> (i32)  : i32 {
      %broadcast_in_dim3A_19 = arith.constant 0 : i32
      %broadcast_in_dim3A_20 = vector.broadcast %broadcast_in_dim3A_19 : i32 to vector<16xi32>
      %mul3A_21 = arith.constant 8 : i32
      %mul3A_22 = arith.muli %scan3A_17, %mul3A_21 : i32
      %add3A_23 = arith.constant 0 : i32
      %add3A_24 = arith.addi %mul3A_22, %add3A_23 : i32
      %mul3A_25 = arith.constant 16 : i32
      %mul3A_26 = arith.muli %add3A_24, %mul3A_25 : i32
      %swap3A = arith.index_cast %mul3A_26 : i32 to index
      %swap3A_27 = tpu.vector_load %arg9[%swap3A] {strides = array<i32>} : memref<65536xi32, #tpu.memory_space<vmem>>, vector<16xi32>,
      tpu.vector_store %arg9[%swap3A], %broadcast_in_dim3A_20 {strides = array<i32>} : memref<65536xi32, #tpu.memory_space<vmem>>, vector<16xi32>,
      %broadcast_in_dim3A_28 = arith.constant 0 : i32
      %broadcast_in_dim3A_29 = vector.broadcast %broadcast_in_dim3A_28 : i32 to vector<16xi32>
      %mul3A_30 = arith.constant 8 : i32
      %mul3A_31 = arith.muli %scan3A_17, %mul3A_30 : i32
      %add3A_32 = arith.constant 1 : i32
      %add3A_33 = arith.addi %mul3A_31, %add3A_32 : i32
      %mul3A_34 = arith.constant 16 : i32
      %mul3A_35 = arith.muli %add3A_33, %mul3A_34 : i32
      %swap3A_36 = arith.index_cast %mul3A_35 : i32 to index
      %swap3A_37 = tpu.vector_load %arg9[%swap3A_36] {strides = array<i32>} : memref<65536xi32, #tpu.memory_space<vmem>>, vector<16xi32>,
      tpu.vector_store %arg9[%swap3A_36], %broadcast_in_dim3A_29 {strides = array<i32>} : memref<65536xi32, #tpu.memory_space<vmem>>, vector<16xi32>,
      %broadcast_in_dim3A_38 = arith.constant 0 : i32
      %broadcast_in_dim3A_39 = vector.broadcast %broadcast_in_dim3A_38 : i32 to vector<16xi32>
      %mul3A_40 = arith.constant 8 : i32
      %mul3A_41 = arith.muli %scan3A_17, %mul3A_40 : i32
      %add3A_42 = arith.constant 2 : i32
      %add3A_43 = arith.addi %mul3A_41, %add3A_42 : i32
      %mul3A_44 = arith.constant 16 : i32
      %mul3A_45 = arith.muli %add3A_43, %mul3A_44 : i32
      %swap3A_46 = arith.index_cast %mul3A_45 : i32 to index
      %swap3A_47 = tpu.vector_load %arg9[%swap3A_46] {strides = array<i32>} : memref<65536xi32, #tpu.memory_space<vmem>>, vector<16xi32>,
      tpu.vector_store %arg9[%swap3A_46], %broadcast_in_dim3A_39 {strides = array<i32>} : memref<65536xi32, #tpu.memory_space<vmem>>, vector<16xi32>,
      %broadcast_in_dim3A_48 = arith.constant 0 : i32
      %broadcast_in_dim3A_49 = vector.broadcast %broadcast_in_dim3A_48 : i32 to vector<16xi32>
      %mul3A_50 = arith.constant 8 : i32
      %mul3A_51 = arith.muli %scan3A_17, %mul3A_50 : i32
      %add3A_52 = arith.constant 3 : i32
      %add3A_53 = arith.addi %mul3A_51, %add3A_52 : i32
      %mul3A_54 = arith.constant 16 : i32
      %mul3A_55 = arith.muli %add3A_53, %mul3A_54 : i32
      %swap3A_56 = arith.index_cast %mul3A_55 : i32 to index
      %swap3A_57 = tpu.vector_load %arg9[%swap3A_56] {strides = array<i32>} : memref<65536xi32, #tpu.memory_space<vmem>>, vector<16xi32>,
      tpu.vector_store %arg9[%swap3A_56], %broadcast_in_dim3A_49 {strides = array<i32>} : memref<65536xi32, #tpu.memory_space<vmem>>, vector<16xi32>,
      %broadcast_in_dim3A_58 = arith.constant 0 : i32
      %broadcast_in_dim3A_59 = vector.broadcast %broadcast_in_dim3A_58 : i32 to vector<16xi32>
      %mul3A_60 = arith.constant 8 : i32
      %mul3A_61 = arith.muli %scan3A_17, %mul3A_60 : i32
      %add3A_62 = arith.constant 4 : i32
      %add3A_63 = arith.addi %mul3A_61, %add3A_62 : i32
      %mul3A_64 = arith.constant 16 : i32
      %mul3A_65 = arith.muli %add3A_63, %mul3A_64 : i32
      %swap3A_66 = arith.index_cast %mul3A_65 : i32 to index
      %swap3A_67 = tpu.vector_load %arg9[%swap3A_66] {strides = array<i32>} : memref<65536xi32, #tpu.memory_space<vmem>>, vector<16xi32>,
      tpu.vector_store %arg9[%swap3A_66], %broadcast_in_dim3A_59 {strides = array<i32>} : memref<65536xi32, #tpu.memory_space<vmem>>, vector<16xi32>,
      %broadcast_in_dim3A_68 = arith.constant 0 : i32
      %broadcast_in_dim3A_69 = vector.broadcast %broadcast_in_dim3A_68 : i32 to vector<16xi32>
      %mul3A_70 = arith.constant 8 : i32
      %mul3A_71 = arith.muli %scan3A_17, %mul3A_70 : i32
      %add3A_72 = arith.constant 5 : i32
      %add3A_73 = arith.addi %mul3A_71, %add3A_72 : i32
      %mul3A_74 = arith.constant 16 : i32
      %mul3A_75 = arith.muli %add3A_73, %mul3A_74 : i32
      %swap3A_76 = arith.index_cast %mul3A_75 : i32 to index
      %swap3A_77 = tpu.vector_load %arg9[%swap3A_76] {strides = array<i32>} : memref<65536xi32, #tpu.memory_space<vmem>>, vector<16xi32>,
      tpu.vector_store %arg9[%swap3A_76], %broadcast_in_dim3A_69 {strides = array<i32>} : memref<65536xi32, #tpu.memory_space<vmem>>, vector<16xi32>,
      %broadcast_in_dim3A_78 = arith.constant 0 : i32
      %broadcast_in_dim3A_79 = vector.broadcast %broadcast_in_dim3A_78 : i32 to vector<16xi32>
      %mul3A_80 = arith.constant 8 : i32
      %mul3A_81 = arith.muli %scan3A_17, %mul3A_80 : i32
      %add3A_82 = arith.constant 6 : i32
      %add3A_83 = arith.addi %mul3A_81, %add3A_82 : i32
      %mul3A_84 = arith.constant 16 : i32
      %mul3A_85 = arith.muli %add3A_83, %mul3A_84 : i32
      %swap3A_86 = arith.index_cast %mul3A_85 : i32 to index
      %swap3A_87 = tpu.vector_load %arg9[%swap3A_86] {strides = array<i32>} : memref<65536xi32, #tpu.memory_space<vmem>>, vector<16xi32>,
      tpu.vector_store %arg9[%swap3A_86], %broadcast_in_dim3A_79 {strides = array<i32>} : memref<65536xi32, #tpu.memory_space<vmem>>, vector<16xi32>,
      %broadcast_in_dim3A_88 = arith.constant 0 : i32
      %broadcast_in_dim3A_89 = vector.broadcast %broadcast_in_dim3A_88 : i32 to vector<16xi32>
      %mul3A_90 = arith.constant 8 : i32
      %mul3A_91 = arith.muli %scan3A_17, %mul3A_90 : i32
      %add3A_92 = arith.constant 7 : i32
      %add3A_93 = arith.addi %mul3A_91, %add3A_92 : i32
      %mul3A_94 = arith.constant 16 : i32
      %mul3A_95 = arith.muli %add3A_93, %mul3A_94 : i32
      %swap3A_96 = arith.index_cast %mul3A_95 : i32 to index
      %swap3A_97 = tpu.vector_load %arg9[%swap3A_96] {strides = array<i32>} : memref<65536xi32, #tpu.memory_space<vmem>>, vector<16xi32>,
      tpu.vector_store %arg9[%swap3A_96], %broadcast_in_dim3A_89 {strides = array<i32>} : memref<65536xi32, #tpu.memory_space<vmem>>, vector<16xi32>,
      %scan3A_98 = arith.constant 0 : i32
      scf.yield %scan3A_98 : i32
    }
    %scan3A_7 = arith.constant 512 : i32
    "tpu.region"() ({
      %run_scoped3A = tpu.sem_alloc : memref<!tpu.dma_semaphore, #tpu.memory_space<semaphore_mem>>
      tpu.enqueue_dma source(%arg4 : memref<256xi32, #tpu.memory_space<hbm>>) target(%arg8 : memref<256xi32, #tpu.memory_space<vmem>>) target_semaphore(%run_scoped3A : memref<!tpu.dma_semaphore, #tpu.memory_space<semaphore_mem>>)
      tpu.wait_dma2 semaphore(%run_scoped3A : memref<!tpu.dma_semaphore, #tpu.memory_space<semaphore_mem>>) src(%arg4 : memref<256xi32, #tpu.memory_space<hbm>>) dst(%arg8 : memref<256xi32, #tpu.memory_space<vmem>>)
      tpu.yield
    }) : () -> ()
    %mul3A_8 = arith.constant 65536 : i32
    %mul3A_9 = arith.muli %add3A, %mul3A_8 : i32
    %scan3A_10 = arith.constant 0 : i32
    %scan3A_11 = arith.constant 0 : i32
    %scan3A_12 = arith.constant 32 : i32
    %scan3A_13 = arith.addi %scan3A_11, %scan3A_12 : i32
    %scan3A_14 = arith.constant 1 : i32
    %scan3A_15 = scf.for %scan3A_17 = %scan3A_11 to %scan3A_13 step %scan3A_14 iter_args(%scan3A_18 = %scan3A_10) -> (i32)  : i32 {
      %mul3A_19 = arith.constant 2048 : i32
      %mul3A_20 = arith.muli %scan3A_17, %mul3A_19 : i32
      %add3A_21 = arith.addi %mul3A_9, %mul3A_20 : i32
      "tpu.region"() ({
        %run_scoped3A = tpu.sem_alloc : memref<!tpu.dma_semaphore, #tpu.memory_space<semaphore_mem>>
        %dma_start3A = tpu.memref_slice %arg2[%add3A_21] : memref<2097152xf32, #tpu.memory_space<hbm>> -> memref<2048xf32, #tpu.memory_space<hbm>>
        %dma_start3A_30 = tpu.memref_slice %arg2[%add3A_21] : memref<2097152xf32, #tpu.memory_space<hbm>> -> memref<2048xf32, #tpu.memory_space<hbm>>
        tpu.enqueue_dma source(%dma_start3A_30 : memref<2048xf32, #tpu.memory_space<hbm>>) target(%arg6 : memref<2048xf32, #tpu.memory_space<vmem>>) target_semaphore(%run_scoped3A : memref<!tpu.dma_semaphore, #tpu.memory_space<semaphore_mem>>)
        %dma_wait3A = tpu.memref_slice %arg2[%add3A_21] : memref<2097152xf32, #tpu.memory_space<hbm>> -> memref<2048xf32, #tpu.memory_space<hbm>>
        %dma_wait3A_31 = tpu.memref_slice %arg2[%add3A_21] : memref<2097152xf32, #tpu.memory_space<hbm>> -> memref<2048xf32, #tpu.memory_space<hbm>>
        tpu.wait_dma2 semaphore(%run_scoped3A : memref<!tpu.dma_semaphore, #tpu.memory_space<semaphore_mem>>) src(%dma_wait3A_31 : memref<2048xf32, #tpu.memory_space<hbm>>) dst(%arg6 : memref<2048xf32, #tpu.memory_space<vmem>>)
        tpu.yield
      }) : () -> ()
      "tpu.region"() ({
        %run_scoped3A = tpu.sem_alloc : memref<!tpu.dma_semaphore, #tpu.memory_space<semaphore_mem>>
        %dma_start3A = tpu.memref_slice %arg3[%add3A_21] : memref<2097152xi32, #tpu.memory_space<hbm>> -> memref<2048xi32, #tpu.memory_space<hbm>>
        %dma_start3A_30 = tpu.memref_slice %arg3[%add3A_21] : memref<2097152xi32, #tpu.memory_space<hbm>> -> memref<2048xi32, #tpu.memory_space<hbm>>
        tpu.enqueue_dma source(%dma_start3A_30 : memref<2048xi32, #tpu.memory_space<hbm>>) target(%arg7 : memref<2048xi32, #tpu.memory_space<vmem>>) target_semaphore(%run_scoped3A : memref<!tpu.dma_semaphore, #tpu.memory_space<semaphore_mem>>)
        %dma_wait3A = tpu.memref_slice %arg3[%add3A_21] : memref<2097152xi32, #tpu.memory_space<hbm>> -> memref<2048xi32, #tpu.memory_space<hbm>>
        %dma_wait3A_31 = tpu.memref_slice %arg3[%add3A_21] : memref<2097152xi32, #tpu.memory_space<hbm>> -> memref<2048xi32, #tpu.memory_space<hbm>>
        tpu.wait_dma2 semaphore(%run_scoped3A : memref<!tpu.dma_semaphore, #tpu.memory_space<semaphore_mem>>) src(%dma_wait3A_31 : memref<2048xi32, #tpu.memory_space<hbm>>) dst(%arg7 : memref<2048xi32, #tpu.memory_space<vmem>>)
        tpu.yield
      }) : () -> ()
      %scan3A_22 = arith.constant 0 : i32
      %scan3A_23 = arith.constant 0 : i32
      %scan3A_24 = arith.constant 16 : i32
      %scan3A_25 = arith.addi %scan3A_23, %scan3A_24 : i32
      %scan3A_26 = arith.constant 1 : i32
      %scan3A_27 = scf.for %scan3A_30 = %scan3A_23 to %scan3A_25 step %scan3A_26 iter_args(%scan3A_31 = %scan3A_22) -> (i32)  : i32 {
        %mul3A_32 = arith.constant 8 : i32
        %mul3A_33 = arith.muli %scan3A_30, %mul3A_32 : i32
        %add3A_34 = arith.constant 0 : i32
        %add3A_35 = arith.addi %mul3A_33, %add3A_34 : i32
        %mul3A_36 = arith.constant 16 : i32
        %mul3A_37 = arith.muli %add3A_35, %mul3A_36 : i32
        %get3A = arith.index_cast %mul3A_37 : i32 to index
        %get3A_38 = tpu.vector_load %arg6[%get3A] {strides = array<i32>} : memref<2048xf32, #tpu.memory_space<vmem>>, vector<16xf32>,
        %mul3A_39 = arith.constant 16 : i32
        %mul3A_40 = arith.muli %add3A_35, %mul3A_39 : i32
        %get3A_41 = arith.index_cast %mul3A_40 : i32 to index
        %get3A_42 = tpu.vector_load %arg7[%get3A_41] {strides = array<i32>} : memref<2048xi32, #tpu.memory_space<vmem>>, vector<16xi32>,
        %bitcast3A = vector.bitcast %get3A_38 : vector<16xf32> to vector<16xi32>
        %mul3A_43 = arith.constant 16 : i32
        %mul3A_44 = vector.broadcast %mul3A_43 : i32 to vector<16xi32>
        %mul3A_45 = arith.muli %get3A_42, %mul3A_44 : vector<16xi32>
        %gather3A = tpu.vector_load_idx %arg8[%mul3A_45] : memref<256xi32, #tpu.memory_space<vmem>>[vector<16xi32>], vector<16xi32>,
        %shift_right_logical3A = arith.constant 24 : i32
        %shift_right_logical3A_46 = vector.broadcast %shift_right_logical3A : i32 to vector<16xi32>
        %shift_right_logical3A_47 = arith.shrui %bitcast3A, %shift_right_logical3A_46 : vector<16xi32>
        %eq3A = arith.cmpi eq, %shift_right_logical3A_47, %gather3A : vector<16xi32>
        %shift_right_logical3A_48 = arith.constant 16 : i32
        %shift_right_logical3A_49 = vector.broadcast %shift_right_logical3A_48 : i32 to vector<16xi32>
        %shift_right_logical3A_50 = arith.shrui %bitcast3A, %shift_right_logical3A_49 : vector<16xi32>
        %and3A = arith.constant 255 : i32
        %and3A_51 = vector.broadcast %and3A : i32 to vector<16xi32>
        %and3A_52 = arith.andi %shift_right_logical3A_50, %and3A_51 : vector<16xi32>
        %mul3A_53 = arith.constant 256 : i32
        %mul3A_54 = vector.broadcast %mul3A_53 : i32 to vector<16xi32>
        %mul3A_55 = arith.muli %get3A_42, %mul3A_54 : vector<16xi32>
        %add3A_56 = arith.addi %mul3A_55, %and3A_52 : vector<16xi32>
        %mul3A_57 = arith.constant 16 : i32
        %mul3A_58 = vector.broadcast %mul3A_57 : i32 to vector<16xi32>
        %mul3A_59 = arith.muli %add3A_56, %mul3A_58 : vector<16xi32>
        %add3A_60 = arith.addi %mul3A_59, %iota3A : vector<16xi32>
        tpu.vector_store_idx %arg9[%add3A_60], %broadcast_in_dim3A_1 masked %eq3A {add = true} : memref<65536xi32, #tpu.memory_space<vmem>>[vector<16xi32>], vector<16xi32>, vector<16xi1>
        %mul3A_61 = arith.constant 8 : i32
        %mul3A_62 = arith.muli %scan3A_30, %mul3A_61 : i32
        %add3A_63 = arith.constant 1 : i32
        %add3A_64 = arith.addi %mul3A_62, %add3A_63 : i32
        %mul3A_65 = arith.constant 16 : i32
        %mul3A_66 = arith.muli %add3A_64, %mul3A_65 : i32
        %get3A_67 = arith.index_cast %mul3A_66 : i32 to index
        %get3A_68 = tpu.vector_load %arg6[%get3A_67] {strides = array<i32>} : memref<2048xf32, #tpu.memory_space<vmem>>, vector<16xf32>,
        %mul3A_69 = arith.constant 16 : i32
        %mul3A_70 = arith.muli %add3A_64, %mul3A_69 : i32
        %get3A_71 = arith.index_cast %mul3A_70 : i32 to index
        %get3A_72 = tpu.vector_load %arg7[%get3A_71] {strides = array<i32>} : memref<2048xi32, #tpu.memory_space<vmem>>, vector<16xi32>,
        %bitcast3A_73 = vector.bitcast %get3A_68 : vector<16xf32> to vector<16xi32>
        %mul3A_74 = arith.constant 16 : i32
        %mul3A_75 = vector.broadcast %mul3A_74 : i32 to vector<16xi32>
        %mul3A_76 = arith.muli %get3A_72, %mul3A_75 : vector<16xi32>
        %gather3A_77 = tpu.vector_load_idx %arg8[%mul3A_76] : memref<256xi32, #tpu.memory_space<vmem>>[vector<16xi32>], vector<16xi32>,
        %shift_right_logical3A_78 = arith.constant 24 : i32
        %shift_right_logical3A_79 = vector.broadcast %shift_right_logical3A_78 : i32 to vector<16xi32>
        %shift_right_logical3A_80 = arith.shrui %bitcast3A_73, %shift_right_logical3A_79 : vector<16xi32>
        %eq3A_81 = arith.cmpi eq, %shift_right_logical3A_80, %gather3A_77 : vector<16xi32>
        %shift_right_logical3A_82 = arith.constant 16 : i32
        %shift_right_logical3A_83 = vector.broadcast %shift_right_logical3A_82 : i32 to vector<16xi32>
        %shift_right_logical3A_84 = arith.shrui %bitcast3A_73, %shift_right_logical3A_83 : vector<16xi32>
        %and3A_85 = arith.constant 255 : i32
        %and3A_86 = vector.broadcast %and3A_85 : i32 to vector<16xi32>
        %and3A_87 = arith.andi %shift_right_logical3A_84, %and3A_86 : vector<16xi32>
        %mul3A_88 = arith.constant 256 : i32
        %mul3A_89 = vector.broadcast %mul3A_88 : i32 to vector<16xi32>
        %mul3A_90 = arith.muli %get3A_72, %mul3A_89 : vector<16xi32>
        %add3A_91 = arith.addi %mul3A_90, %and3A_87 : vector<16xi32>
        %mul3A_92 = arith.constant 16 : i32
        %mul3A_93 = vector.broadcast %mul3A_92 : i32 to vector<16xi32>
        %mul3A_94 = arith.muli %add3A_91, %mul3A_93 : vector<16xi32>
        %add3A_95 = arith.addi %mul3A_94, %iota3A : vector<16xi32>
        tpu.vector_store_idx %arg9[%add3A_95], %broadcast_in_dim3A_1 masked %eq3A_81 {add = true} : memref<65536xi32, #tpu.memory_space<vmem>>[vector<16xi32>], vector<16xi32>, vector<16xi1>
        %mul3A_96 = arith.constant 8 : i32
        %mul3A_97 = arith.muli %scan3A_30, %mul3A_96 : i32
        %add3A_98 = arith.constant 2 : i32
        %add3A_99 = arith.addi %mul3A_97, %add3A_98 : i32
        %mul3A_100 = arith.constant 16 : i32
        %mul3A_101 = arith.muli %add3A_99, %mul3A_100 : i32
        %get3A_102 = arith.index_cast %mul3A_101 : i32 to index
        %get3A_103 = tpu.vector_load %arg6[%get3A_102] {strides = array<i32>} : memref<2048xf32, #tpu.memory_space<vmem>>, vector<16xf32>,
        %mul3A_104 = arith.constant 16 : i32
        %mul3A_105 = arith.muli %add3A_99, %mul3A_104 : i32
        %get3A_106 = arith.index_cast %mul3A_105 : i32 to index
        %get3A_107 = tpu.vector_load %arg7[%get3A_106] {strides = array<i32>} : memref<2048xi32, #tpu.memory_space<vmem>>, vector<16xi32>,
        %bitcast3A_108 = vector.bitcast %get3A_103 : vector<16xf32> to vector<16xi32>
        %mul3A_109 = arith.constant 16 : i32
        %mul3A_110 = vector.broadcast %mul3A_109 : i32 to vector<16xi32>
        %mul3A_111 = arith.muli %get3A_107, %mul3A_110 : vector<16xi32>
        %gather3A_112 = tpu.vector_load_idx %arg8[%mul3A_111] : memref<256xi32, #tpu.memory_space<vmem>>[vector<16xi32>], vector<16xi32>,
        %shift_right_logical3A_113 = arith.constant 24 : i32
        %shift_right_logical3A_114 = vector.broadcast %shift_right_logical3A_113 : i32 to vector<16xi32>
        %shift_right_logical3A_115 = arith.shrui %bitcast3A_108, %shift_right_logical3A_114 : vector<16xi32>
        %eq3A_116 = arith.cmpi eq, %shift_right_logical3A_115, %gather3A_112 : vector<16xi32>
        %shift_right_logical3A_117 = arith.constant 16 : i32
        %shift_right_logical3A_118 = vector.broadcast %shift_right_logical3A_117 : i32 to vector<16xi32>
        %shift_right_logical3A_119 = arith.shrui %bitcast3A_108, %shift_right_logical3A_118 : vector<16xi32>
        %and3A_120 = arith.constant 255 : i32
        %and3A_121 = vector.broadcast %and3A_120 : i32 to vector<16xi32>
        %and3A_122 = arith.andi %shift_right_logical3A_119, %and3A_121 : vector<16xi32>
        %mul3A_123 = arith.constant 256 : i32
        %mul3A_124 = vector.broadcast %mul3A_123 : i32 to vector<16xi32>
        %mul3A_125 = arith.muli %get3A_107, %mul3A_124 : vector<16xi32>
        %add3A_126 = arith.addi %mul3A_125, %and3A_122 : vector<16xi32>
        %mul3A_127 = arith.constant 16 : i32
        %mul3A_128 = vector.broadcast %mul3A_127 : i32 to vector<16xi32>
        %mul3A_129 = arith.muli %add3A_126, %mul3A_128 : vector<16xi32>
        %add3A_130 = arith.addi %mul3A_129, %iota3A : vector<16xi32>
        tpu.vector_store_idx %arg9[%add3A_130], %broadcast_in_dim3A_1 masked %eq3A_116 {add = true} : memref<65536xi32, #tpu.memory_space<vmem>>[vector<16xi32>], vector<16xi32>, vector<16xi1>
        %mul3A_131 = arith.constant 8 : i32
        %mul3A_132 = arith.muli %scan3A_30, %mul3A_131 : i32
        %add3A_133 = arith.constant 3 : i32
        %add3A_134 = arith.addi %mul3A_132, %add3A_133 : i32
        %mul3A_135 = arith.constant 16 : i32
        %mul3A_136 = arith.muli %add3A_134, %mul3A_135 : i32
        %get3A_137 = arith.index_cast %mul3A_136 : i32 to index
        %get3A_138 = tpu.vector_load %arg6[%get3A_137] {strides = array<i32>} : memref<2048xf32, #tpu.memory_space<vmem>>, vector<16xf32>,
        %mul3A_139 = arith.constant 16 : i32
        %mul3A_140 = arith.muli %add3A_134, %mul3A_139 : i32
        %get3A_141 = arith.index_cast %mul3A_140 : i32 to index
        %get3A_142 = tpu.vector_load %arg7[%get3A_141] {strides = array<i32>} : memref<2048xi32, #tpu.memory_space<vmem>>, vector<16xi32>,
        %bitcast3A_143 = vector.bitcast %get3A_138 : vector<16xf32> to vector<16xi32>
        %mul3A_144 = arith.constant 16 : i32
        %mul3A_145 = vector.broadcast %mul3A_144 : i32 to vector<16xi32>
        %mul3A_146 = arith.muli %get3A_142, %mul3A_145 : vector<16xi32>
        %gather3A_147 = tpu.vector_load_idx %arg8[%mul3A_146] : memref<256xi32, #tpu.memory_space<vmem>>[vector<16xi32>], vector<16xi32>,
        %shift_right_logical3A_148 = arith.constant 24 : i32
        %shift_right_logical3A_149 = vector.broadcast %shift_right_logical3A_148 : i32 to vector<16xi32>
        %shift_right_logical3A_150 = arith.shrui %bitcast3A_143, %shift_right_logical3A_149 : vector<16xi32>
        %eq3A_151 = arith.cmpi eq, %shift_right_logical3A_150, %gather3A_147 : vector<16xi32>
        %shift_right_logical3A_152 = arith.constant 16 : i32
        %shift_right_logical3A_153 = vector.broadcast %shift_right_logical3A_152 : i32 to vector<16xi32>
        %shift_right_logical3A_154 = arith.shrui %bitcast3A_143, %shift_right_logical3A_153 : vector<16xi32>
        %and3A_155 = arith.constant 255 : i32
        %and3A_156 = vector.broadcast %and3A_155 : i32 to vector<16xi32>
        %and3A_157 = arith.andi %shift_right_logical3A_154, %and3A_156 : vector<16xi32>
        %mul3A_158 = arith.constant 256 : i32
        %mul3A_159 = vector.broadcast %mul3A_158 : i32 to vector<16xi32>
        %mul3A_160 = arith.muli %get3A_142, %mul3A_159 : vector<16xi32>
        %add3A_161 = arith.addi %mul3A_160, %and3A_157 : vector<16xi32>
        %mul3A_162 = arith.constant 16 : i32
        %mul3A_163 = vector.broadcast %mul3A_162 : i32 to vector<16xi32>
        %mul3A_164 = arith.muli %add3A_161, %mul3A_163 : vector<16xi32>
        %add3A_165 = arith.addi %mul3A_164, %iota3A : vector<16xi32>
        tpu.vector_store_idx %arg9[%add3A_165], %broadcast_in_dim3A_1 masked %eq3A_151 {add = true} : memref<65536xi32, #tpu.memory_space<vmem>>[vector<16xi32>], vector<16xi32>, vector<16xi1>
        %mul3A_166 = arith.constant 8 : i32
        %mul3A_167 = arith.muli %scan3A_30, %mul3A_166 : i32
        %add3A_168 = arith.constant 4 : i32
        %add3A_169 = arith.addi %mul3A_167, %add3A_168 : i32
        %mul3A_170 = arith.constant 16 : i32
        %mul3A_171 = arith.muli %add3A_169, %mul3A_170 : i32
        %get3A_172 = arith.index_cast %mul3A_171 : i32 to index
        %get3A_173 = tpu.vector_load %arg6[%get3A_172] {strides = array<i32>} : memref<2048xf32, #tpu.memory_space<vmem>>, vector<16xf32>,
        %mul3A_174 = arith.constant 16 : i32
        %mul3A_175 = arith.muli %add3A_169, %mul3A_174 : i32
        %get3A_176 = arith.index_cast %mul3A_175 : i32 to index
        %get3A_177 = tpu.vector_load %arg7[%get3A_176] {strides = array<i32>} : memref<2048xi32, #tpu.memory_space<vmem>>, vector<16xi32>,
        %bitcast3A_178 = vector.bitcast %get3A_173 : vector<16xf32> to vector<16xi32>
        %mul3A_179 = arith.constant 16 : i32
        %mul3A_180 = vector.broadcast %mul3A_179 : i32 to vector<16xi32>
        %mul3A_181 = arith.muli %get3A_177, %mul3A_180 : vector<16xi32>
        %gather3A_182 = tpu.vector_load_idx %arg8[%mul3A_181] : memref<256xi32, #tpu.memory_space<vmem>>[vector<16xi32>], vector<16xi32>,
        %shift_right_logical3A_183 = arith.constant 24 : i32
        %shift_right_logical3A_184 = vector.broadcast %shift_right_logical3A_183 : i32 to vector<16xi32>
        %shift_right_logical3A_185 = arith.shrui %bitcast3A_178, %shift_right_logical3A_184 : vector<16xi32>
        %eq3A_186 = arith.cmpi eq, %shift_right_logical3A_185, %gather3A_182 : vector<16xi32>
        %shift_right_logical3A_187 = arith.constant 16 : i32
        %shift_right_logical3A_188 = vector.broadcast %shift_right_logical3A_187 : i32 to vector<16xi32>
        %shift_right_logical3A_189 = arith.shrui %bitcast3A_178, %shift_right_logical3A_188 : vector<16xi32>
        %and3A_190 = arith.constant 255 : i32
        %and3A_191 = vector.broadcast %and3A_190 : i32 to vector<16xi32>
        %and3A_192 = arith.andi %shift_right_logical3A_189, %and3A_191 : vector<16xi32>
        %mul3A_193 = arith.constant 256 : i32
        %mul3A_194 = vector.broadcast %mul3A_193 : i32 to vector<16xi32>
        %mul3A_195 = arith.muli %get3A_177, %mul3A_194 : vector<16xi32>
        %add3A_196 = arith.addi %mul3A_195, %and3A_192 : vector<16xi32>
        %mul3A_197 = arith.constant 16 : i32
        %mul3A_198 = vector.broadcast %mul3A_197 : i32 to vector<16xi32>
        %mul3A_199 = arith.muli %add3A_196, %mul3A_198 : vector<16xi32>
        %add3A_200 = arith.addi %mul3A_199, %iota3A : vector<16xi32>
        tpu.vector_store_idx %arg9[%add3A_200], %broadcast_in_dim3A_1 masked %eq3A_186 {add = true} : memref<65536xi32, #tpu.memory_space<vmem>>[vector<16xi32>], vector<16xi32>, vector<16xi1>
        %mul3A_201 = arith.constant 8 : i32
        %mul3A_202 = arith.muli %scan3A_30, %mul3A_201 : i32
        %add3A_203 = arith.constant 5 : i32
        %add3A_204 = arith.addi %mul3A_202, %add3A_203 : i32
        %mul3A_205 = arith.constant 16 : i32
        %mul3A_206 = arith.muli %add3A_204, %mul3A_205 : i32
        %get3A_207 = arith.index_cast %mul3A_206 : i32 to index
        %get3A_208 = tpu.vector_load %arg6[%get3A_207] {strides = array<i32>} : memref<2048xf32, #tpu.memory_space<vmem>>, vector<16xf32>,
        %mul3A_209 = arith.constant 16 : i32
        %mul3A_210 = arith.muli %add3A_204, %mul3A_209 : i32
        %get3A_211 = arith.index_cast %mul3A_210 : i32 to index
        %get3A_212 = tpu.vector_load %arg7[%get3A_211] {strides = array<i32>} : memref<2048xi32, #tpu.memory_space<vmem>>, vector<16xi32>,
        %bitcast3A_213 = vector.bitcast %get3A_208 : vector<16xf32> to vector<16xi32>
        %mul3A_214 = arith.constant 16 : i32
        %mul3A_215 = vector.broadcast %mul3A_214 : i32 to vector<16xi32>
        %mul3A_216 = arith.muli %get3A_212, %mul3A_215 : vector<16xi32>
        %gather3A_217 = tpu.vector_load_idx %arg8[%mul3A_216] : memref<256xi32, #tpu.memory_space<vmem>>[vector<16xi32>], vector<16xi32>,
        %shift_right_logical3A_218 = arith.constant 24 : i32
        %shift_right_logical3A_219 = vector.broadcast %shift_right_logical3A_218 : i32 to vector<16xi32>
        %shift_right_logical3A_220 = arith.shrui %bitcast3A_213, %shift_right_logical3A_219 : vector<16xi32>
        %eq3A_221 = arith.cmpi eq, %shift_right_logical3A_220, %gather3A_217 : vector<16xi32>
        %shift_right_logical3A_222 = arith.constant 16 : i32
        %shift_right_logical3A_223 = vector.broadcast %shift_right_logical3A_222 : i32 to vector<16xi32>
        %shift_right_logical3A_224 = arith.shrui %bitcast3A_213, %shift_right_logical3A_223 : vector<16xi32>
        %and3A_225 = arith.constant 255 : i32
        %and3A_226 = vector.broadcast %and3A_225 : i32 to vector<16xi32>
        %and3A_227 = arith.andi %shift_right_logical3A_224, %and3A_226 : vector<16xi32>
        %mul3A_228 = arith.constant 256 : i32
        %mul3A_229 = vector.broadcast %mul3A_228 : i32 to vector<16xi32>
        %mul3A_230 = arith.muli %get3A_212, %mul3A_229 : vector<16xi32>
        %add3A_231 = arith.addi %mul3A_230, %and3A_227 : vector<16xi32>
        %mul3A_232 = arith.constant 16 : i32
        %mul3A_233 = vector.broadcast %mul3A_232 : i32 to vector<16xi32>
        %mul3A_234 = arith.muli %add3A_231, %mul3A_233 : vector<16xi32>
        %add3A_235 = arith.addi %mul3A_234, %iota3A : vector<16xi32>
        tpu.vector_store_idx %arg9[%add3A_235], %broadcast_in_dim3A_1 masked %eq3A_221 {add = true} : memref<65536xi32, #tpu.memory_space<vmem>>[vector<16xi32>], vector<16xi32>, vector<16xi1>
        %mul3A_236 = arith.constant 8 : i32
        %mul3A_237 = arith.muli %scan3A_30, %mul3A_236 : i32
        %add3A_238 = arith.constant 6 : i32
        %add3A_239 = arith.addi %mul3A_237, %add3A_238 : i32
        %mul3A_240 = arith.constant 16 : i32
        %mul3A_241 = arith.muli %add3A_239, %mul3A_240 : i32
        %get3A_242 = arith.index_cast %mul3A_241 : i32 to index
        %get3A_243 = tpu.vector_load %arg6[%get3A_242] {strides = array<i32>} : memref<2048xf32, #tpu.memory_space<vmem>>, vector<16xf32>,
        %mul3A_244 = arith.constant 16 : i32
        %mul3A_245 = arith.muli %add3A_239, %mul3A_244 : i32
        %get3A_246 = arith.index_cast %mul3A_245 : i32 to index
        %get3A_247 = tpu.vector_load %arg7[%get3A_246] {strides = array<i32>} : memref<2048xi32, #tpu.memory_space<vmem>>, vector<16xi32>,
        %bitcast3A_248 = vector.bitcast %get3A_243 : vector<16xf32> to vector<16xi32>
        %mul3A_249 = arith.constant 16 : i32
        %mul3A_250 = vector.broadcast %mul3A_249 : i32 to vector<16xi32>
        %mul3A_251 = arith.muli %get3A_247, %mul3A_250 : vector<16xi32>
        %gather3A_252 = tpu.vector_load_idx %arg8[%mul3A_251] : memref<256xi32, #tpu.memory_space<vmem>>[vector<16xi32>], vector<16xi32>,
        %shift_right_logical3A_253 = arith.constant 24 : i32
        %shift_right_logical3A_254 = vector.broadcast %shift_right_logical3A_253 : i32 to vector<16xi32>
        %shift_right_logical3A_255 = arith.shrui %bitcast3A_248, %shift_right_logical3A_254 : vector<16xi32>
        %eq3A_256 = arith.cmpi eq, %shift_right_logical3A_255, %gather3A_252 : vector<16xi32>
        %shift_right_logical3A_257 = arith.constant 16 : i32
        %shift_right_logical3A_258 = vector.broadcast %shift_right_logical3A_257 : i32 to vector<16xi32>
        %shift_right_logical3A_259 = arith.shrui %bitcast3A_248, %shift_right_logical3A_258 : vector<16xi32>
        %and3A_260 = arith.constant 255 : i32
        %and3A_261 = vector.broadcast %and3A_260 : i32 to vector<16xi32>
        %and3A_262 = arith.andi %shift_right_logical3A_259, %and3A_261 : vector<16xi32>
        %mul3A_263 = arith.constant 256 : i32
        %mul3A_264 = vector.broadcast %mul3A_263 : i32 to vector<16xi32>
        %mul3A_265 = arith.muli %get3A_247, %mul3A_264 : vector<16xi32>
        %add3A_266 = arith.addi %mul3A_265, %and3A_262 : vector<16xi32>
        %mul3A_267 = arith.constant 16 : i32
        %mul3A_268 = vector.broadcast %mul3A_267 : i32 to vector<16xi32>
        %mul3A_269 = arith.muli %add3A_266, %mul3A_268 : vector<16xi32>
        %add3A_270 = arith.addi %mul3A_269, %iota3A : vector<16xi32>
        tpu.vector_store_idx %arg9[%add3A_270], %broadcast_in_dim3A_1 masked %eq3A_256 {add = true} : memref<65536xi32, #tpu.memory_space<vmem>>[vector<16xi32>], vector<16xi32>, vector<16xi1>
        %mul3A_271 = arith.constant 8 : i32
        %mul3A_272 = arith.muli %scan3A_30, %mul3A_271 : i32
        %add3A_273 = arith.constant 7 : i32
        %add3A_274 = arith.addi %mul3A_272, %add3A_273 : i32
        %mul3A_275 = arith.constant 16 : i32
        %mul3A_276 = arith.muli %add3A_274, %mul3A_275 : i32
        %get3A_277 = arith.index_cast %mul3A_276 : i32 to index
        %get3A_278 = tpu.vector_load %arg6[%get3A_277] {strides = array<i32>} : memref<2048xf32, #tpu.memory_space<vmem>>, vector<16xf32>,
        %mul3A_279 = arith.constant 16 : i32
        %mul3A_280 = arith.muli %add3A_274, %mul3A_279 : i32
        %get3A_281 = arith.index_cast %mul3A_280 : i32 to index
        %get3A_282 = tpu.vector_load %arg7[%get3A_281] {strides = array<i32>} : memref<2048xi32, #tpu.memory_space<vmem>>, vector<16xi32>,
        %bitcast3A_283 = vector.bitcast %get3A_278 : vector<16xf32> to vector<16xi32>
        %mul3A_284 = arith.constant 16 : i32
        %mul3A_285 = vector.broadcast %mul3A_284 : i32 to vector<16xi32>
        %mul3A_286 = arith.muli %get3A_282, %mul3A_285 : vector<16xi32>
        %gather3A_287 = tpu.vector_load_idx %arg8[%mul3A_286] : memref<256xi32, #tpu.memory_space<vmem>>[vector<16xi32>], vector<16xi32>,
        %shift_right_logical3A_288 = arith.constant 24 : i32
        %shift_right_logical3A_289 = vector.broadcast %shift_right_logical3A_288 : i32 to vector<16xi32>
        %shift_right_logical3A_290 = arith.shrui %bitcast3A_283, %shift_right_logical3A_289 : vector<16xi32>
        %eq3A_291 = arith.cmpi eq, %shift_right_logical3A_290, %gather3A_287 : vector<16xi32>
        %shift_right_logical3A_292 = arith.constant 16 : i32
        %shift_right_logical3A_293 = vector.broadcast %shift_right_logical3A_292 : i32 to vector<16xi32>
        %shift_right_logical3A_294 = arith.shrui %bitcast3A_283, %shift_right_logical3A_293 : vector<16xi32>
        %and3A_295 = arith.constant 255 : i32
        %and3A_296 = vector.broadcast %and3A_295 : i32 to vector<16xi32>
        %and3A_297 = arith.andi %shift_right_logical3A_294, %and3A_296 : vector<16xi32>
        %mul3A_298 = arith.constant 256 : i32
        %mul3A_299 = vector.broadcast %mul3A_298 : i32 to vector<16xi32>
        %mul3A_300 = arith.muli %get3A_282, %mul3A_299 : vector<16xi32>
        %add3A_301 = arith.addi %mul3A_300, %and3A_297 : vector<16xi32>
        %mul3A_302 = arith.constant 16 : i32
        %mul3A_303 = vector.broadcast %mul3A_302 : i32 to vector<16xi32>
        %mul3A_304 = arith.muli %add3A_301, %mul3A_303 : vector<16xi32>
        %add3A_305 = arith.addi %mul3A_304, %iota3A : vector<16xi32>
        tpu.vector_store_idx %arg9[%add3A_305], %broadcast_in_dim3A_1 masked %eq3A_291 {add = true} : memref<65536xi32, #tpu.memory_space<vmem>>[vector<16xi32>], vector<16xi32>, vector<16xi1>
        %scan3A_306 = arith.constant 0 : i32
        scf.yield %scan3A_306 : i32
      }
      %scan3A_28 = arith.constant 16 : i32
      %scan3A_29 = arith.constant 0 : i32
      scf.yield %scan3A_29 : i32
    }
    %scan3A_16 = arith.constant 32 : i32
    "tpu.region"() ({
      %run_scoped3A = tpu.sem_alloc : memref<!tpu.dma_semaphore, #tpu.memory_space<semaphore_mem>>
      %dma_start3A = arith.constant 0 : i32
      %dma_start3A_17 = tpu.memref_slice %arg5[%add3A, %dma_start3A] : memref<32x65536xi32, #tpu.memory_space<hbm>> -> memref<1x65536xi32, #tpu.memory_space<hbm>>
      %dma_start3A_18 = tpu.memref_squeeze %dma_start3A_17 : memref<1x65536xi32, #tpu.memory_space<hbm>> -> memref<65536xi32, #tpu.memory_space<hbm>>
      %dma_start3A_19 = arith.constant 0 : i32
      %dma_start3A_20 = tpu.memref_slice %arg5[%add3A, %dma_start3A_19] : memref<32x65536xi32, #tpu.memory_space<hbm>> -> memref<1x65536xi32, #tpu.memory_space<hbm>>
      %dma_start3A_21 = tpu.memref_squeeze %dma_start3A_20 : memref<1x65536xi32, #tpu.memory_space<hbm>> -> memref<65536xi32, #tpu.memory_space<hbm>>
      tpu.enqueue_dma source(%arg9 : memref<65536xi32, #tpu.memory_space<vmem>>) target(%dma_start3A_21 : memref<65536xi32, #tpu.memory_space<hbm>>) target_semaphore(%run_scoped3A : memref<!tpu.dma_semaphore, #tpu.memory_space<semaphore_mem>>)
      %dma_wait3A = arith.constant 0 : i32
      %dma_wait3A_22 = tpu.memref_slice %arg5[%add3A, %dma_wait3A] : memref<32x65536xi32, #tpu.memory_space<hbm>> -> memref<1x65536xi32, #tpu.memory_space<hbm>>
      %dma_wait3A_23 = tpu.memref_squeeze %dma_wait3A_22 : memref<1x65536xi32, #tpu.memory_space<hbm>> -> memref<65536xi32, #tpu.memory_space<hbm>>
      %dma_wait3A_24 = arith.constant 0 : i32
      %dma_wait3A_25 = tpu.memref_slice %arg5[%add3A, %dma_wait3A_24] : memref<32x65536xi32, #tpu.memory_space<hbm>> -> memref<1x65536xi32, #tpu.memory_space<hbm>>
      %dma_wait3A_26 = tpu.memref_squeeze %dma_wait3A_25 : memref<1x65536xi32, #tpu.memory_space<hbm>> -> memref<65536xi32, #tpu.memory_space<hbm>>
      tpu.wait_dma2 semaphore(%run_scoped3A : memref<!tpu.dma_semaphore, #tpu.memory_space<semaphore_mem>>) src(%arg9 : memref<65536xi32, #tpu.memory_space<vmem>>) dst(%dma_wait3A_26 : memref<65536xi32, #tpu.memory_space<hbm>>)
      tpu.yield
    }) : () -> ()
    return
  }
}

#map = affine_map<(d0, d1) -> (0)>
#map1 = affine_map<(d0, d1) -> (0, 0)>
module attributes {stable_mosaic.version = 14 : i64} {
  func.func @_loss_hist_body(%arg0: i32, %arg1: i32, %arg2: memref<6291456xf32, #tpu.memory_space<hbm>>, %arg3: memref<6291456xf32, #tpu.memory_space<hbm>>, %arg4: memref<2097152xi32, #tpu.memory_space<hbm>>, %arg5: memref<2097152xf32, #tpu.memory_space<hbm>>, %arg6: memref<32x65536xi32, #tpu.memory_space<hbm>>, %arg7: memref<32x16xf32, #tpu.memory_space<hbm>>, %arg8: memref<6144xf32, #tpu.memory_space<vmem>>, %arg9: memref<6144xf32, #tpu.memory_space<vmem>>, %arg10: memref<2048xi32, #tpu.memory_space<vmem>>, %arg11: memref<2048xf32, #tpu.memory_space<vmem>>, %arg12: memref<65536xi32, #tpu.memory_space<vmem>>, %arg13: memref<16xf32, #tpu.memory_space<vmem>>) attributes {dimension_semantics = [#tpu.dimension_semantics<core_parallel>, #tpu.dimension_semantics<subcore_parallel>], iteration_bounds = array<i64: 2, 16>, scalar_prefetch = 0 : i64, scratch_operands = 6 : i64, tpu.core_type = #tpu.core_type<sc_vector_subcore>, window_params = [{transform_indices = #map}, {transform_indices = #map}, {transform_indices = #map}, {transform_indices = #map}, {transform_indices = #map1}, {transform_indices = #map1}]} {
    %mul3A = arith.constant 2 : i32
    %mul3A_0 = arith.muli %arg1, %mul3A : i32
    %add3A = arith.addi %mul3A_0, %arg0 : i32
    %iota3A = tpu.iota {dimensions = array<i32: 0>} : vector<16xi32>
    %mul3A_1 = arith.constant 3 : i32
    %mul3A_2 = vector.broadcast %mul3A_1 : i32 to vector<16xi32>
    %mul3A_3 = arith.muli %iota3A, %mul3A_2 : vector<16xi32>
    %broadcast_in_dim3A = arith.constant 1 : i32
    %broadcast_in_dim3A_4 = vector.broadcast %broadcast_in_dim3A : i32 to vector<16xi32>
    %scan3A = arith.constant 0 : i32
    %scan3A_5 = arith.constant 0 : i32
    %scan3A_6 = arith.constant 512 : i32
    %scan3A_7 = arith.addi %scan3A_5, %scan3A_6 : i32
    %scan3A_8 = arith.constant 1 : i32
    %scan3A_9 = scf.for %scan3A_23 = %scan3A_5 to %scan3A_7 step %scan3A_8 iter_args(%scan3A_24 = %scan3A) -> (i32)  : i32 {
      %broadcast_in_dim3A_25 = arith.constant 0 : i32
      %broadcast_in_dim3A_26 = vector.broadcast %broadcast_in_dim3A_25 : i32 to vector<16xi32>
      %mul3A_27 = arith.constant 8 : i32
      %mul3A_28 = arith.muli %scan3A_23, %mul3A_27 : i32
      %add3A_29 = arith.constant 0 : i32
      %add3A_30 = arith.addi %mul3A_28, %add3A_29 : i32
      %mul3A_31 = arith.constant 16 : i32
      %mul3A_32 = arith.muli %add3A_30, %mul3A_31 : i32
      %swap3A_33 = arith.index_cast %mul3A_32 : i32 to index
      %swap3A_34 = tpu.vector_load %arg12[%swap3A_33] {strides = array<i32>} : memref<65536xi32, #tpu.memory_space<vmem>>, vector<16xi32>,
      tpu.vector_store %arg12[%swap3A_33], %broadcast_in_dim3A_26 {strides = array<i32>} : memref<65536xi32, #tpu.memory_space<vmem>>, vector<16xi32>,
      %broadcast_in_dim3A_35 = arith.constant 0 : i32
      %broadcast_in_dim3A_36 = vector.broadcast %broadcast_in_dim3A_35 : i32 to vector<16xi32>
      %mul3A_37 = arith.constant 8 : i32
      %mul3A_38 = arith.muli %scan3A_23, %mul3A_37 : i32
      %add3A_39 = arith.constant 1 : i32
      %add3A_40 = arith.addi %mul3A_38, %add3A_39 : i32
      %mul3A_41 = arith.constant 16 : i32
      %mul3A_42 = arith.muli %add3A_40, %mul3A_41 : i32
      %swap3A_43 = arith.index_cast %mul3A_42 : i32 to index
      %swap3A_44 = tpu.vector_load %arg12[%swap3A_43] {strides = array<i32>} : memref<65536xi32, #tpu.memory_space<vmem>>, vector<16xi32>,
      tpu.vector_store %arg12[%swap3A_43], %broadcast_in_dim3A_36 {strides = array<i32>} : memref<65536xi32, #tpu.memory_space<vmem>>, vector<16xi32>,
      %broadcast_in_dim3A_45 = arith.constant 0 : i32
      %broadcast_in_dim3A_46 = vector.broadcast %broadcast_in_dim3A_45 : i32 to vector<16xi32>
      %mul3A_47 = arith.constant 8 : i32
      %mul3A_48 = arith.muli %scan3A_23, %mul3A_47 : i32
      %add3A_49 = arith.constant 2 : i32
      %add3A_50 = arith.addi %mul3A_48, %add3A_49 : i32
      %mul3A_51 = arith.constant 16 : i32
      %mul3A_52 = arith.muli %add3A_50, %mul3A_51 : i32
      %swap3A_53 = arith.index_cast %mul3A_52 : i32 to index
      %swap3A_54 = tpu.vector_load %arg12[%swap3A_53] {strides = array<i32>} : memref<65536xi32, #tpu.memory_space<vmem>>, vector<16xi32>,
      tpu.vector_store %arg12[%swap3A_53], %broadcast_in_dim3A_46 {strides = array<i32>} : memref<65536xi32, #tpu.memory_space<vmem>>, vector<16xi32>,
      %broadcast_in_dim3A_55 = arith.constant 0 : i32
      %broadcast_in_dim3A_56 = vector.broadcast %broadcast_in_dim3A_55 : i32 to vector<16xi32>
      %mul3A_57 = arith.constant 8 : i32
      %mul3A_58 = arith.muli %scan3A_23, %mul3A_57 : i32
      %add3A_59 = arith.constant 3 : i32
      %add3A_60 = arith.addi %mul3A_58, %add3A_59 : i32
      %mul3A_61 = arith.constant 16 : i32
      %mul3A_62 = arith.muli %add3A_60, %mul3A_61 : i32
      %swap3A_63 = arith.index_cast %mul3A_62 : i32 to index
      %swap3A_64 = tpu.vector_load %arg12[%swap3A_63] {strides = array<i32>} : memref<65536xi32, #tpu.memory_space<vmem>>, vector<16xi32>,
      tpu.vector_store %arg12[%swap3A_63], %broadcast_in_dim3A_56 {strides = array<i32>} : memref<65536xi32, #tpu.memory_space<vmem>>, vector<16xi32>,
      %broadcast_in_dim3A_65 = arith.constant 0 : i32
      %broadcast_in_dim3A_66 = vector.broadcast %broadcast_in_dim3A_65 : i32 to vector<16xi32>
      %mul3A_67 = arith.constant 8 : i32
      %mul3A_68 = arith.muli %scan3A_23, %mul3A_67 : i32
      %add3A_69 = arith.constant 4 : i32
      %add3A_70 = arith.addi %mul3A_68, %add3A_69 : i32
      %mul3A_71 = arith.constant 16 : i32
      %mul3A_72 = arith.muli %add3A_70, %mul3A_71 : i32
      %swap3A_73 = arith.index_cast %mul3A_72 : i32 to index
      %swap3A_74 = tpu.vector_load %arg12[%swap3A_73] {strides = array<i32>} : memref<65536xi32, #tpu.memory_space<vmem>>, vector<16xi32>,
      tpu.vector_store %arg12[%swap3A_73], %broadcast_in_dim3A_66 {strides = array<i32>} : memref<65536xi32, #tpu.memory_space<vmem>>, vector<16xi32>,
      %broadcast_in_dim3A_75 = arith.constant 0 : i32
      %broadcast_in_dim3A_76 = vector.broadcast %broadcast_in_dim3A_75 : i32 to vector<16xi32>
      %mul3A_77 = arith.constant 8 : i32
      %mul3A_78 = arith.muli %scan3A_23, %mul3A_77 : i32
      %add3A_79 = arith.constant 5 : i32
      %add3A_80 = arith.addi %mul3A_78, %add3A_79 : i32
      %mul3A_81 = arith.constant 16 : i32
      %mul3A_82 = arith.muli %add3A_80, %mul3A_81 : i32
      %swap3A_83 = arith.index_cast %mul3A_82 : i32 to index
      %swap3A_84 = tpu.vector_load %arg12[%swap3A_83] {strides = array<i32>} : memref<65536xi32, #tpu.memory_space<vmem>>, vector<16xi32>,
      tpu.vector_store %arg12[%swap3A_83], %broadcast_in_dim3A_76 {strides = array<i32>} : memref<65536xi32, #tpu.memory_space<vmem>>, vector<16xi32>,
      %broadcast_in_dim3A_85 = arith.constant 0 : i32
      %broadcast_in_dim3A_86 = vector.broadcast %broadcast_in_dim3A_85 : i32 to vector<16xi32>
      %mul3A_87 = arith.constant 8 : i32
      %mul3A_88 = arith.muli %scan3A_23, %mul3A_87 : i32
      %add3A_89 = arith.constant 6 : i32
      %add3A_90 = arith.addi %mul3A_88, %add3A_89 : i32
      %mul3A_91 = arith.constant 16 : i32
      %mul3A_92 = arith.muli %add3A_90, %mul3A_91 : i32
      %swap3A_93 = arith.index_cast %mul3A_92 : i32 to index
      %swap3A_94 = tpu.vector_load %arg12[%swap3A_93] {strides = array<i32>} : memref<65536xi32, #tpu.memory_space<vmem>>, vector<16xi32>,
      tpu.vector_store %arg12[%swap3A_93], %broadcast_in_dim3A_86 {strides = array<i32>} : memref<65536xi32, #tpu.memory_space<vmem>>, vector<16xi32>,
      %broadcast_in_dim3A_95 = arith.constant 0 : i32
      %broadcast_in_dim3A_96 = vector.broadcast %broadcast_in_dim3A_95 : i32 to vector<16xi32>
      %mul3A_97 = arith.constant 8 : i32
      %mul3A_98 = arith.muli %scan3A_23, %mul3A_97 : i32
      %add3A_99 = arith.constant 7 : i32
      %add3A_100 = arith.addi %mul3A_98, %add3A_99 : i32
      %mul3A_101 = arith.constant 16 : i32
      %mul3A_102 = arith.muli %add3A_100, %mul3A_101 : i32
      %swap3A_103 = arith.index_cast %mul3A_102 : i32 to index
      %swap3A_104 = tpu.vector_load %arg12[%swap3A_103] {strides = array<i32>} : memref<65536xi32, #tpu.memory_space<vmem>>, vector<16xi32>,
      tpu.vector_store %arg12[%swap3A_103], %broadcast_in_dim3A_96 {strides = array<i32>} : memref<65536xi32, #tpu.memory_space<vmem>>, vector<16xi32>,
      %scan3A_105 = arith.constant 0 : i32
      scf.yield %scan3A_105 : i32
    }
    %scan3A_10 = arith.constant 512 : i32
    %broadcast_in_dim3A_11 = arith.constant 0.000000e+00 : f32
    %broadcast_in_dim3A_12 = vector.broadcast %broadcast_in_dim3A_11 : f32 to vector<16xf32>
    %swap3A = arith.constant 0 : index
    %swap3A_13 = tpu.vector_load %arg13[%swap3A] {strides = array<i32>} : memref<16xf32, #tpu.memory_space<vmem>>, vector<16xf32>,
    tpu.vector_store %arg13[%swap3A], %broadcast_in_dim3A_12 {strides = array<i32>} : memref<16xf32, #tpu.memory_space<vmem>>, vector<16xf32>,
    %mul3A_14 = arith.constant 65536 : i32
    %mul3A_15 = arith.muli %add3A, %mul3A_14 : i32
    %scan3A_16 = arith.constant 0 : i32
    %scan3A_17 = arith.constant 0 : i32
    %scan3A_18 = arith.constant 32 : i32
    %scan3A_19 = arith.addi %scan3A_17, %scan3A_18 : i32
    %scan3A_20 = arith.constant 1 : i32
    %scan3A_21 = scf.for %scan3A_23 = %scan3A_17 to %scan3A_19 step %scan3A_20 iter_args(%scan3A_24 = %scan3A_16) -> (i32)  : i32 {
      %mul3A_25 = arith.constant 2048 : i32
      %mul3A_26 = arith.muli %scan3A_23, %mul3A_25 : i32
      %add3A_27 = arith.addi %mul3A_15, %mul3A_26 : i32
      %mul3A_28 = arith.constant 3 : i32
      %mul3A_29 = arith.muli %add3A_27, %mul3A_28 : i32
      "tpu.region"() ({
        %run_scoped3A = tpu.sem_alloc : memref<!tpu.dma_semaphore, #tpu.memory_space<semaphore_mem>>
        %dma_start3A = tpu.memref_slice %arg2[%mul3A_29] : memref<6291456xf32, #tpu.memory_space<hbm>> -> memref<6144xf32, #tpu.memory_space<hbm>>
        %dma_start3A_40 = tpu.memref_slice %arg2[%mul3A_29] : memref<6291456xf32, #tpu.memory_space<hbm>> -> memref<6144xf32, #tpu.memory_space<hbm>>
        tpu.enqueue_dma source(%dma_start3A_40 : memref<6144xf32, #tpu.memory_space<hbm>>) target(%arg8 : memref<6144xf32, #tpu.memory_space<vmem>>) target_semaphore(%run_scoped3A : memref<!tpu.dma_semaphore, #tpu.memory_space<semaphore_mem>>)
        %dma_wait3A = tpu.memref_slice %arg2[%mul3A_29] : memref<6291456xf32, #tpu.memory_space<hbm>> -> memref<6144xf32, #tpu.memory_space<hbm>>
        %dma_wait3A_41 = tpu.memref_slice %arg2[%mul3A_29] : memref<6291456xf32, #tpu.memory_space<hbm>> -> memref<6144xf32, #tpu.memory_space<hbm>>
        tpu.wait_dma2 semaphore(%run_scoped3A : memref<!tpu.dma_semaphore, #tpu.memory_space<semaphore_mem>>) src(%dma_wait3A_41 : memref<6144xf32, #tpu.memory_space<hbm>>) dst(%arg8 : memref<6144xf32, #tpu.memory_space<vmem>>)
        tpu.yield
      }) : () -> ()
      %mul3A_30 = arith.constant 3 : i32
      %mul3A_31 = arith.muli %add3A_27, %mul3A_30 : i32
      "tpu.region"() ({
        %run_scoped3A = tpu.sem_alloc : memref<!tpu.dma_semaphore, #tpu.memory_space<semaphore_mem>>
        %dma_start3A = tpu.memref_slice %arg3[%mul3A_31] : memref<6291456xf32, #tpu.memory_space<hbm>> -> memref<6144xf32, #tpu.memory_space<hbm>>
        %dma_start3A_40 = tpu.memref_slice %arg3[%mul3A_31] : memref<6291456xf32, #tpu.memory_space<hbm>> -> memref<6144xf32, #tpu.memory_space<hbm>>
        tpu.enqueue_dma source(%dma_start3A_40 : memref<6144xf32, #tpu.memory_space<hbm>>) target(%arg9 : memref<6144xf32, #tpu.memory_space<vmem>>) target_semaphore(%run_scoped3A : memref<!tpu.dma_semaphore, #tpu.memory_space<semaphore_mem>>)
        %dma_wait3A = tpu.memref_slice %arg3[%mul3A_31] : memref<6291456xf32, #tpu.memory_space<hbm>> -> memref<6144xf32, #tpu.memory_space<hbm>>
        %dma_wait3A_41 = tpu.memref_slice %arg3[%mul3A_31] : memref<6291456xf32, #tpu.memory_space<hbm>> -> memref<6144xf32, #tpu.memory_space<hbm>>
        tpu.wait_dma2 semaphore(%run_scoped3A : memref<!tpu.dma_semaphore, #tpu.memory_space<semaphore_mem>>) src(%dma_wait3A_41 : memref<6144xf32, #tpu.memory_space<hbm>>) dst(%arg9 : memref<6144xf32, #tpu.memory_space<vmem>>)
        tpu.yield
      }) : () -> ()
      "tpu.region"() ({
        %run_scoped3A = tpu.sem_alloc : memref<!tpu.dma_semaphore, #tpu.memory_space<semaphore_mem>>
        %dma_start3A = tpu.memref_slice %arg4[%add3A_27] : memref<2097152xi32, #tpu.memory_space<hbm>> -> memref<2048xi32, #tpu.memory_space<hbm>>
        %dma_start3A_40 = tpu.memref_slice %arg4[%add3A_27] : memref<2097152xi32, #tpu.memory_space<hbm>> -> memref<2048xi32, #tpu.memory_space<hbm>>
        tpu.enqueue_dma source(%dma_start3A_40 : memref<2048xi32, #tpu.memory_space<hbm>>) target(%arg10 : memref<2048xi32, #tpu.memory_space<vmem>>) target_semaphore(%run_scoped3A : memref<!tpu.dma_semaphore, #tpu.memory_space<semaphore_mem>>)
        %dma_wait3A = tpu.memref_slice %arg4[%add3A_27] : memref<2097152xi32, #tpu.memory_space<hbm>> -> memref<2048xi32, #tpu.memory_space<hbm>>
        %dma_wait3A_41 = tpu.memref_slice %arg4[%add3A_27] : memref<2097152xi32, #tpu.memory_space<hbm>> -> memref<2048xi32, #tpu.memory_space<hbm>>
        tpu.wait_dma2 semaphore(%run_scoped3A : memref<!tpu.dma_semaphore, #tpu.memory_space<semaphore_mem>>) src(%dma_wait3A_41 : memref<2048xi32, #tpu.memory_space<hbm>>) dst(%arg10 : memref<2048xi32, #tpu.memory_space<vmem>>)
        tpu.yield
      }) : () -> ()
      %scan3A_32 = arith.constant 0 : i32
      %scan3A_33 = arith.constant 0 : i32
      %scan3A_34 = arith.constant 16 : i32
      %scan3A_35 = arith.addi %scan3A_33, %scan3A_34 : i32
      %scan3A_36 = arith.constant 1 : i32
      %scan3A_37 = scf.for %scan3A_40 = %scan3A_33 to %scan3A_35 step %scan3A_36 iter_args(%scan3A_41 = %scan3A_32) -> (i32)  : i32 {
        %broadcast_in_dim3A_42 = arith.constant 0.000000e+00 : f32
        %broadcast_in_dim3A_43 = vector.broadcast %broadcast_in_dim3A_42 : f32 to vector<16xf32>
        %mul3A_44 = arith.constant 8 : i32
        %mul3A_45 = arith.muli %scan3A_40, %mul3A_44 : i32
        %add3A_46 = arith.constant 0 : i32
        %add3A_47 = arith.addi %mul3A_45, %add3A_46 : i32
        %mul3A_48 = arith.constant 48 : i32
        %mul3A_49 = arith.muli %add3A_47, %mul3A_48 : i32
        %add3A_50 = vector.broadcast %mul3A_49 : i32 to vector<16xi32>
        %add3A_51 = arith.addi %mul3A_3, %add3A_50 : vector<16xi32>
        %gather3A = tpu.vector_load_idx %arg8[%add3A_51] : memref<6144xf32, #tpu.memory_space<vmem>>[vector<16xi32>], vector<16xf32>,
        %add3A_52 = vector.broadcast %mul3A_49 : i32 to vector<16xi32>
        %add3A_53 = arith.addi %mul3A_3, %add3A_52 : vector<16xi32>
        %gather3A_54 = tpu.vector_load_idx %arg9[%add3A_53] : memref<6144xf32, #tpu.memory_space<vmem>>[vector<16xi32>], vector<16xf32>,
        %add3A_55 = arith.constant 1 : i32
        %add3A_56 = arith.addi %mul3A_49, %add3A_55 : i32
        %add3A_57 = vector.broadcast %add3A_56 : i32 to vector<16xi32>
        %add3A_58 = arith.addi %mul3A_3, %add3A_57 : vector<16xi32>
        %gather3A_59 = tpu.vector_load_idx %arg8[%add3A_58] : memref<6144xf32, #tpu.memory_space<vmem>>[vector<16xi32>], vector<16xf32>,
        %add3A_60 = arith.constant 1 : i32
        %add3A_61 = arith.addi %mul3A_49, %add3A_60 : i32
        %add3A_62 = vector.broadcast %add3A_61 : i32 to vector<16xi32>
        %add3A_63 = arith.addi %mul3A_3, %add3A_62 : vector<16xi32>
        %gather3A_64 = tpu.vector_load_idx %arg9[%add3A_63] : memref<6144xf32, #tpu.memory_space<vmem>>[vector<16xi32>], vector<16xf32>,
        %add3A_65 = arith.constant 2 : i32
        %add3A_66 = arith.addi %mul3A_49, %add3A_65 : i32
        %add3A_67 = vector.broadcast %add3A_66 : i32 to vector<16xi32>
        %add3A_68 = arith.addi %mul3A_3, %add3A_67 : vector<16xi32>
        %gather3A_69 = tpu.vector_load_idx %arg8[%add3A_68] : memref<6144xf32, #tpu.memory_space<vmem>>[vector<16xi32>], vector<16xf32>,
        %add3A_70 = arith.constant 2 : i32
        %add3A_71 = arith.addi %mul3A_49, %add3A_70 : i32
        %add3A_72 = vector.broadcast %add3A_71 : i32 to vector<16xi32>
        %add3A_73 = arith.addi %mul3A_3, %add3A_72 : vector<16xi32>
        %gather3A_74 = tpu.vector_load_idx %arg9[%add3A_73] : memref<6144xf32, #tpu.memory_space<vmem>>[vector<16xi32>], vector<16xf32>,
        %sub3A = arith.subf %gather3A, %gather3A_54 : vector<16xf32>
        %abs3A = math.absf %sub3A : vector<16xf32>
        %sub3A_75 = arith.subf %gather3A_59, %gather3A_64 : vector<16xf32>
        %abs3A_76 = math.absf %sub3A_75 : vector<16xf32>
        %add3A_77 = arith.addf %abs3A, %abs3A_76 : vector<16xf32>
        %sub3A_78 = arith.subf %gather3A_69, %gather3A_74 : vector<16xf32>
        %abs3A_79 = math.absf %sub3A_78 : vector<16xf32>
        %add3A_80 = arith.addf %add3A_77, %abs3A_79 : vector<16xf32>
        %mul3A_81 = arith.constant 16 : i32
        %mul3A_82 = arith.muli %add3A_47, %mul3A_81 : i32
        %swap3A_83 = arith.index_cast %mul3A_82 : i32 to index
        %swap3A_84 = tpu.vector_load %arg11[%swap3A_83] {strides = array<i32>} : memref<2048xf32, #tpu.memory_space<vmem>>, vector<16xf32>,
        tpu.vector_store %arg11[%swap3A_83], %add3A_80 {strides = array<i32>} : memref<2048xf32, #tpu.memory_space<vmem>>, vector<16xf32>,
        %add3A_85 = arith.addf %broadcast_in_dim3A_43, %add3A_80 : vector<16xf32>
        %mul3A_86 = arith.constant 16 : i32
        %mul3A_87 = arith.muli %add3A_47, %mul3A_86 : i32
        %get3A = arith.index_cast %mul3A_87 : i32 to index
        %get3A_88 = tpu.vector_load %arg10[%get3A] {strides = array<i32>} : memref<2048xi32, #tpu.memory_space<vmem>>, vector<16xi32>,
        %bitcast3A = vector.bitcast %add3A_80 : vector<16xf32> to vector<16xi32>
        %shift_right_logical3A = arith.constant 24 : i32
        %shift_right_logical3A_89 = vector.broadcast %shift_right_logical3A : i32 to vector<16xi32>
        %shift_right_logical3A_90 = arith.shrui %bitcast3A, %shift_right_logical3A_89 : vector<16xi32>
        %mul3A_91 = arith.constant 256 : i32
        %mul3A_92 = vector.broadcast %mul3A_91 : i32 to vector<16xi32>
        %mul3A_93 = arith.muli %get3A_88, %mul3A_92 : vector<16xi32>
        %add3A_94 = arith.addi %mul3A_93, %shift_right_logical3A_90 : vector<16xi32>
        %mul3A_95 = arith.constant 16 : i32
        %mul3A_96 = vector.broadcast %mul3A_95 : i32 to vector<16xi32>
        %mul3A_97 = arith.muli %add3A_94, %mul3A_96 : vector<16xi32>
        %add3A_98 = arith.addi %mul3A_97, %iota3A : vector<16xi32>
        tpu.vector_store_idx %arg12[%add3A_98], %broadcast_in_dim3A_4 {add = true} : memref<65536xi32, #tpu.memory_space<vmem>>[vector<16xi32>], vector<16xi32>,
        %mul3A_99 = arith.constant 8 : i32
        %mul3A_100 = arith.muli %scan3A_40, %mul3A_99 : i32
        %add3A_101 = arith.constant 1 : i32
        %add3A_102 = arith.addi %mul3A_100, %add3A_101 : i32
        %mul3A_103 = arith.constant 48 : i32
        %mul3A_104 = arith.muli %add3A_102, %mul3A_103 : i32
        %add3A_105 = vector.broadcast %mul3A_104 : i32 to vector<16xi32>
        %add3A_106 = arith.addi %mul3A_3, %add3A_105 : vector<16xi32>
        %gather3A_107 = tpu.vector_load_idx %arg8[%add3A_106] : memref<6144xf32, #tpu.memory_space<vmem>>[vector<16xi32>], vector<16xf32>,
        %add3A_108 = vector.broadcast %mul3A_104 : i32 to vector<16xi32>
        %add3A_109 = arith.addi %mul3A_3, %add3A_108 : vector<16xi32>
        %gather3A_110 = tpu.vector_load_idx %arg9[%add3A_109] : memref<6144xf32, #tpu.memory_space<vmem>>[vector<16xi32>], vector<16xf32>,
        %add3A_111 = arith.constant 1 : i32
        %add3A_112 = arith.addi %mul3A_104, %add3A_111 : i32
        %add3A_113 = vector.broadcast %add3A_112 : i32 to vector<16xi32>
        %add3A_114 = arith.addi %mul3A_3, %add3A_113 : vector<16xi32>
        %gather3A_115 = tpu.vector_load_idx %arg8[%add3A_114] : memref<6144xf32, #tpu.memory_space<vmem>>[vector<16xi32>], vector<16xf32>,
        %add3A_116 = arith.constant 1 : i32
        %add3A_117 = arith.addi %mul3A_104, %add3A_116 : i32
        %add3A_118 = vector.broadcast %add3A_117 : i32 to vector<16xi32>
        %add3A_119 = arith.addi %mul3A_3, %add3A_118 : vector<16xi32>
        %gather3A_120 = tpu.vector_load_idx %arg9[%add3A_119] : memref<6144xf32, #tpu.memory_space<vmem>>[vector<16xi32>], vector<16xf32>,
        %add3A_121 = arith.constant 2 : i32
        %add3A_122 = arith.addi %mul3A_104, %add3A_121 : i32
        %add3A_123 = vector.broadcast %add3A_122 : i32 to vector<16xi32>
        %add3A_124 = arith.addi %mul3A_3, %add3A_123 : vector<16xi32>
        %gather3A_125 = tpu.vector_load_idx %arg8[%add3A_124] : memref<6144xf32, #tpu.memory_space<vmem>>[vector<16xi32>], vector<16xf32>,
        %add3A_126 = arith.constant 2 : i32
        %add3A_127 = arith.addi %mul3A_104, %add3A_126 : i32
        %add3A_128 = vector.broadcast %add3A_127 : i32 to vector<16xi32>
        %add3A_129 = arith.addi %mul3A_3, %add3A_128 : vector<16xi32>
        %gather3A_130 = tpu.vector_load_idx %arg9[%add3A_129] : memref<6144xf32, #tpu.memory_space<vmem>>[vector<16xi32>], vector<16xf32>,
        %sub3A_131 = arith.subf %gather3A_107, %gather3A_110 : vector<16xf32>
        %abs3A_132 = math.absf %sub3A_131 : vector<16xf32>
        %sub3A_133 = arith.subf %gather3A_115, %gather3A_120 : vector<16xf32>
        %abs3A_134 = math.absf %sub3A_133 : vector<16xf32>
        %add3A_135 = arith.addf %abs3A_132, %abs3A_134 : vector<16xf32>
        %sub3A_136 = arith.subf %gather3A_125, %gather3A_130 : vector<16xf32>
        %abs3A_137 = math.absf %sub3A_136 : vector<16xf32>
        %add3A_138 = arith.addf %add3A_135, %abs3A_137 : vector<16xf32>
        %mul3A_139 = arith.constant 16 : i32
        %mul3A_140 = arith.muli %add3A_102, %mul3A_139 : i32
        %swap3A_141 = arith.index_cast %mul3A_140 : i32 to index
        %swap3A_142 = tpu.vector_load %arg11[%swap3A_141] {strides = array<i32>} : memref<2048xf32, #tpu.memory_space<vmem>>, vector<16xf32>,
        tpu.vector_store %arg11[%swap3A_141], %add3A_138 {strides = array<i32>} : memref<2048xf32, #tpu.memory_space<vmem>>, vector<16xf32>,
        %add3A_143 = arith.addf %add3A_85, %add3A_138 : vector<16xf32>
        %mul3A_144 = arith.constant 16 : i32
        %mul3A_145 = arith.muli %add3A_102, %mul3A_144 : i32
        %get3A_146 = arith.index_cast %mul3A_145 : i32 to index
        %get3A_147 = tpu.vector_load %arg10[%get3A_146] {strides = array<i32>} : memref<2048xi32, #tpu.memory_space<vmem>>, vector<16xi32>,
        %bitcast3A_148 = vector.bitcast %add3A_138 : vector<16xf32> to vector<16xi32>
        %shift_right_logical3A_149 = arith.constant 24 : i32
        %shift_right_logical3A_150 = vector.broadcast %shift_right_logical3A_149 : i32 to vector<16xi32>
        %shift_right_logical3A_151 = arith.shrui %bitcast3A_148, %shift_right_logical3A_150 : vector<16xi32>
        %mul3A_152 = arith.constant 256 : i32
        %mul3A_153 = vector.broadcast %mul3A_152 : i32 to vector<16xi32>
        %mul3A_154 = arith.muli %get3A_147, %mul3A_153 : vector<16xi32>
        %add3A_155 = arith.addi %mul3A_154, %shift_right_logical3A_151 : vector<16xi32>
        %mul3A_156 = arith.constant 16 : i32
        %mul3A_157 = vector.broadcast %mul3A_156 : i32 to vector<16xi32>
        %mul3A_158 = arith.muli %add3A_155, %mul3A_157 : vector<16xi32>
        %add3A_159 = arith.addi %mul3A_158, %iota3A : vector<16xi32>
        tpu.vector_store_idx %arg12[%add3A_159], %broadcast_in_dim3A_4 {add = true} : memref<65536xi32, #tpu.memory_space<vmem>>[vector<16xi32>], vector<16xi32>,
        %mul3A_160 = arith.constant 8 : i32
        %mul3A_161 = arith.muli %scan3A_40, %mul3A_160 : i32
        %add3A_162 = arith.constant 2 : i32
        %add3A_163 = arith.addi %mul3A_161, %add3A_162 : i32
        %mul3A_164 = arith.constant 48 : i32
        %mul3A_165 = arith.muli %add3A_163, %mul3A_164 : i32
        %add3A_166 = vector.broadcast %mul3A_165 : i32 to vector<16xi32>
        %add3A_167 = arith.addi %mul3A_3, %add3A_166 : vector<16xi32>
        %gather3A_168 = tpu.vector_load_idx %arg8[%add3A_167] : memref<6144xf32, #tpu.memory_space<vmem>>[vector<16xi32>], vector<16xf32>,
        %add3A_169 = vector.broadcast %mul3A_165 : i32 to vector<16xi32>
        %add3A_170 = arith.addi %mul3A_3, %add3A_169 : vector<16xi32>
        %gather3A_171 = tpu.vector_load_idx %arg9[%add3A_170] : memref<6144xf32, #tpu.memory_space<vmem>>[vector<16xi32>], vector<16xf32>,
        %add3A_172 = arith.constant 1 : i32
        %add3A_173 = arith.addi %mul3A_165, %add3A_172 : i32
        %add3A_174 = vector.broadcast %add3A_173 : i32 to vector<16xi32>
        %add3A_175 = arith.addi %mul3A_3, %add3A_174 : vector<16xi32>
        %gather3A_176 = tpu.vector_load_idx %arg8[%add3A_175] : memref<6144xf32, #tpu.memory_space<vmem>>[vector<16xi32>], vector<16xf32>,
        %add3A_177 = arith.constant 1 : i32
        %add3A_178 = arith.addi %mul3A_165, %add3A_177 : i32
        %add3A_179 = vector.broadcast %add3A_178 : i32 to vector<16xi32>
        %add3A_180 = arith.addi %mul3A_3, %add3A_179 : vector<16xi32>
        %gather3A_181 = tpu.vector_load_idx %arg9[%add3A_180] : memref<6144xf32, #tpu.memory_space<vmem>>[vector<16xi32>], vector<16xf32>,
        %add3A_182 = arith.constant 2 : i32
        %add3A_183 = arith.addi %mul3A_165, %add3A_182 : i32
        %add3A_184 = vector.broadcast %add3A_183 : i32 to vector<16xi32>
        %add3A_185 = arith.addi %mul3A_3, %add3A_184 : vector<16xi32>
        %gather3A_186 = tpu.vector_load_idx %arg8[%add3A_185] : memref<6144xf32, #tpu.memory_space<vmem>>[vector<16xi32>], vector<16xf32>,
        %add3A_187 = arith.constant 2 : i32
        %add3A_188 = arith.addi %mul3A_165, %add3A_187 : i32
        %add3A_189 = vector.broadcast %add3A_188 : i32 to vector<16xi32>
        %add3A_190 = arith.addi %mul3A_3, %add3A_189 : vector<16xi32>
        %gather3A_191 = tpu.vector_load_idx %arg9[%add3A_190] : memref<6144xf32, #tpu.memory_space<vmem>>[vector<16xi32>], vector<16xf32>,
        %sub3A_192 = arith.subf %gather3A_168, %gather3A_171 : vector<16xf32>
        %abs3A_193 = math.absf %sub3A_192 : vector<16xf32>
        %sub3A_194 = arith.subf %gather3A_176, %gather3A_181 : vector<16xf32>
        %abs3A_195 = math.absf %sub3A_194 : vector<16xf32>
        %add3A_196 = arith.addf %abs3A_193, %abs3A_195 : vector<16xf32>
        %sub3A_197 = arith.subf %gather3A_186, %gather3A_191 : vector<16xf32>
        %abs3A_198 = math.absf %sub3A_197 : vector<16xf32>
        %add3A_199 = arith.addf %add3A_196, %abs3A_198 : vector<16xf32>
        %mul3A_200 = arith.constant 16 : i32
        %mul3A_201 = arith.muli %add3A_163, %mul3A_200 : i32
        %swap3A_202 = arith.index_cast %mul3A_201 : i32 to index
        %swap3A_203 = tpu.vector_load %arg11[%swap3A_202] {strides = array<i32>} : memref<2048xf32, #tpu.memory_space<vmem>>, vector<16xf32>,
        tpu.vector_store %arg11[%swap3A_202], %add3A_199 {strides = array<i32>} : memref<2048xf32, #tpu.memory_space<vmem>>, vector<16xf32>,
        %add3A_204 = arith.addf %add3A_143, %add3A_199 : vector<16xf32>
        %mul3A_205 = arith.constant 16 : i32
        %mul3A_206 = arith.muli %add3A_163, %mul3A_205 : i32
        %get3A_207 = arith.index_cast %mul3A_206 : i32 to index
        %get3A_208 = tpu.vector_load %arg10[%get3A_207] {strides = array<i32>} : memref<2048xi32, #tpu.memory_space<vmem>>, vector<16xi32>,
        %bitcast3A_209 = vector.bitcast %add3A_199 : vector<16xf32> to vector<16xi32>
        %shift_right_logical3A_210 = arith.constant 24 : i32
        %shift_right_logical3A_211 = vector.broadcast %shift_right_logical3A_210 : i32 to vector<16xi32>
        %shift_right_logical3A_212 = arith.shrui %bitcast3A_209, %shift_right_logical3A_211 : vector<16xi32>
        %mul3A_213 = arith.constant 256 : i32
        %mul3A_214 = vector.broadcast %mul3A_213 : i32 to vector<16xi32>
        %mul3A_215 = arith.muli %get3A_208, %mul3A_214 : vector<16xi32>
        %add3A_216 = arith.addi %mul3A_215, %shift_right_logical3A_212 : vector<16xi32>
        %mul3A_217 = arith.constant 16 : i32
        %mul3A_218 = vector.broadcast %mul3A_217 : i32 to vector<16xi32>
        %mul3A_219 = arith.muli %add3A_216, %mul3A_218 : vector<16xi32>
        %add3A_220 = arith.addi %mul3A_219, %iota3A : vector<16xi32>
        tpu.vector_store_idx %arg12[%add3A_220], %broadcast_in_dim3A_4 {add = true} : memref<65536xi32, #tpu.memory_space<vmem>>[vector<16xi32>], vector<16xi32>,
        %mul3A_221 = arith.constant 8 : i32
        %mul3A_222 = arith.muli %scan3A_40, %mul3A_221 : i32
        %add3A_223 = arith.constant 3 : i32
        %add3A_224 = arith.addi %mul3A_222, %add3A_223 : i32
        %mul3A_225 = arith.constant 48 : i32
        %mul3A_226 = arith.muli %add3A_224, %mul3A_225 : i32
        %add3A_227 = vector.broadcast %mul3A_226 : i32 to vector<16xi32>
        %add3A_228 = arith.addi %mul3A_3, %add3A_227 : vector<16xi32>
        %gather3A_229 = tpu.vector_load_idx %arg8[%add3A_228] : memref<6144xf32, #tpu.memory_space<vmem>>[vector<16xi32>], vector<16xf32>,
        %add3A_230 = vector.broadcast %mul3A_226 : i32 to vector<16xi32>
        %add3A_231 = arith.addi %mul3A_3, %add3A_230 : vector<16xi32>
        %gather3A_232 = tpu.vector_load_idx %arg9[%add3A_231] : memref<6144xf32, #tpu.memory_space<vmem>>[vector<16xi32>], vector<16xf32>,
        %add3A_233 = arith.constant 1 : i32
        %add3A_234 = arith.addi %mul3A_226, %add3A_233 : i32
        %add3A_235 = vector.broadcast %add3A_234 : i32 to vector<16xi32>
        %add3A_236 = arith.addi %mul3A_3, %add3A_235 : vector<16xi32>
        %gather3A_237 = tpu.vector_load_idx %arg8[%add3A_236] : memref<6144xf32, #tpu.memory_space<vmem>>[vector<16xi32>], vector<16xf32>,
        %add3A_238 = arith.constant 1 : i32
        %add3A_239 = arith.addi %mul3A_226, %add3A_238 : i32
        %add3A_240 = vector.broadcast %add3A_239 : i32 to vector<16xi32>
        %add3A_241 = arith.addi %mul3A_3, %add3A_240 : vector<16xi32>
        %gather3A_242 = tpu.vector_load_idx %arg9[%add3A_241] : memref<6144xf32, #tpu.memory_space<vmem>>[vector<16xi32>], vector<16xf32>,
        %add3A_243 = arith.constant 2 : i32
        %add3A_244 = arith.addi %mul3A_226, %add3A_243 : i32
        %add3A_245 = vector.broadcast %add3A_244 : i32 to vector<16xi32>
        %add3A_246 = arith.addi %mul3A_3, %add3A_245 : vector<16xi32>
        %gather3A_247 = tpu.vector_load_idx %arg8[%add3A_246] : memref<6144xf32, #tpu.memory_space<vmem>>[vector<16xi32>], vector<16xf32>,
        %add3A_248 = arith.constant 2 : i32
        %add3A_249 = arith.addi %mul3A_226, %add3A_248 : i32
        %add3A_250 = vector.broadcast %add3A_249 : i32 to vector<16xi32>
        %add3A_251 = arith.addi %mul3A_3, %add3A_250 : vector<16xi32>
        %gather3A_252 = tpu.vector_load_idx %arg9[%add3A_251] : memref<6144xf32, #tpu.memory_space<vmem>>[vector<16xi32>], vector<16xf32>,
        %sub3A_253 = arith.subf %gather3A_229, %gather3A_232 : vector<16xf32>
        %abs3A_254 = math.absf %sub3A_253 : vector<16xf32>
        %sub3A_255 = arith.subf %gather3A_237, %gather3A_242 : vector<16xf32>
        %abs3A_256 = math.absf %sub3A_255 : vector<16xf32>
        %add3A_257 = arith.addf %abs3A_254, %abs3A_256 : vector<16xf32>
        %sub3A_258 = arith.subf %gather3A_247, %gather3A_252 : vector<16xf32>
        %abs3A_259 = math.absf %sub3A_258 : vector<16xf32>
        %add3A_260 = arith.addf %add3A_257, %abs3A_259 : vector<16xf32>
        %mul3A_261 = arith.constant 16 : i32
        %mul3A_262 = arith.muli %add3A_224, %mul3A_261 : i32
        %swap3A_263 = arith.index_cast %mul3A_262 : i32 to index
        %swap3A_264 = tpu.vector_load %arg11[%swap3A_263] {strides = array<i32>} : memref<2048xf32, #tpu.memory_space<vmem>>, vector<16xf32>,
        tpu.vector_store %arg11[%swap3A_263], %add3A_260 {strides = array<i32>} : memref<2048xf32, #tpu.memory_space<vmem>>, vector<16xf32>,
        %add3A_265 = arith.addf %add3A_204, %add3A_260 : vector<16xf32>
        %mul3A_266 = arith.constant 16 : i32
        %mul3A_267 = arith.muli %add3A_224, %mul3A_266 : i32
        %get3A_268 = arith.index_cast %mul3A_267 : i32 to index
        %get3A_269 = tpu.vector_load %arg10[%get3A_268] {strides = array<i32>} : memref<2048xi32, #tpu.memory_space<vmem>>, vector<16xi32>,
        %bitcast3A_270 = vector.bitcast %add3A_260 : vector<16xf32> to vector<16xi32>
        %shift_right_logical3A_271 = arith.constant 24 : i32
        %shift_right_logical3A_272 = vector.broadcast %shift_right_logical3A_271 : i32 to vector<16xi32>
        %shift_right_logical3A_273 = arith.shrui %bitcast3A_270, %shift_right_logical3A_272 : vector<16xi32>
        %mul3A_274 = arith.constant 256 : i32
        %mul3A_275 = vector.broadcast %mul3A_274 : i32 to vector<16xi32>
        %mul3A_276 = arith.muli %get3A_269, %mul3A_275 : vector<16xi32>
        %add3A_277 = arith.addi %mul3A_276, %shift_right_logical3A_273 : vector<16xi32>
        %mul3A_278 = arith.constant 16 : i32
        %mul3A_279 = vector.broadcast %mul3A_278 : i32 to vector<16xi32>
        %mul3A_280 = arith.muli %add3A_277, %mul3A_279 : vector<16xi32>
        %add3A_281 = arith.addi %mul3A_280, %iota3A : vector<16xi32>
        tpu.vector_store_idx %arg12[%add3A_281], %broadcast_in_dim3A_4 {add = true} : memref<65536xi32, #tpu.memory_space<vmem>>[vector<16xi32>], vector<16xi32>,
        %mul3A_282 = arith.constant 8 : i32
        %mul3A_283 = arith.muli %scan3A_40, %mul3A_282 : i32
        %add3A_284 = arith.constant 4 : i32
        %add3A_285 = arith.addi %mul3A_283, %add3A_284 : i32
        %mul3A_286 = arith.constant 48 : i32
        %mul3A_287 = arith.muli %add3A_285, %mul3A_286 : i32
        %add3A_288 = vector.broadcast %mul3A_287 : i32 to vector<16xi32>
        %add3A_289 = arith.addi %mul3A_3, %add3A_288 : vector<16xi32>
        %gather3A_290 = tpu.vector_load_idx %arg8[%add3A_289] : memref<6144xf32, #tpu.memory_space<vmem>>[vector<16xi32>], vector<16xf32>,
        %add3A_291 = vector.broadcast %mul3A_287 : i32 to vector<16xi32>
        %add3A_292 = arith.addi %mul3A_3, %add3A_291 : vector<16xi32>
        %gather3A_293 = tpu.vector_load_idx %arg9[%add3A_292] : memref<6144xf32, #tpu.memory_space<vmem>>[vector<16xi32>], vector<16xf32>,
        %add3A_294 = arith.constant 1 : i32
        %add3A_295 = arith.addi %mul3A_287, %add3A_294 : i32
        %add3A_296 = vector.broadcast %add3A_295 : i32 to vector<16xi32>
        %add3A_297 = arith.addi %mul3A_3, %add3A_296 : vector<16xi32>
        %gather3A_298 = tpu.vector_load_idx %arg8[%add3A_297] : memref<6144xf32, #tpu.memory_space<vmem>>[vector<16xi32>], vector<16xf32>,
        %add3A_299 = arith.constant 1 : i32
        %add3A_300 = arith.addi %mul3A_287, %add3A_299 : i32
        %add3A_301 = vector.broadcast %add3A_300 : i32 to vector<16xi32>
        %add3A_302 = arith.addi %mul3A_3, %add3A_301 : vector<16xi32>
        %gather3A_303 = tpu.vector_load_idx %arg9[%add3A_302] : memref<6144xf32, #tpu.memory_space<vmem>>[vector<16xi32>], vector<16xf32>,
        %add3A_304 = arith.constant 2 : i32
        %add3A_305 = arith.addi %mul3A_287, %add3A_304 : i32
        %add3A_306 = vector.broadcast %add3A_305 : i32 to vector<16xi32>
        %add3A_307 = arith.addi %mul3A_3, %add3A_306 : vector<16xi32>
        %gather3A_308 = tpu.vector_load_idx %arg8[%add3A_307] : memref<6144xf32, #tpu.memory_space<vmem>>[vector<16xi32>], vector<16xf32>,
        %add3A_309 = arith.constant 2 : i32
        %add3A_310 = arith.addi %mul3A_287, %add3A_309 : i32
        %add3A_311 = vector.broadcast %add3A_310 : i32 to vector<16xi32>
        %add3A_312 = arith.addi %mul3A_3, %add3A_311 : vector<16xi32>
        %gather3A_313 = tpu.vector_load_idx %arg9[%add3A_312] : memref<6144xf32, #tpu.memory_space<vmem>>[vector<16xi32>], vector<16xf32>,
        %sub3A_314 = arith.subf %gather3A_290, %gather3A_293 : vector<16xf32>
        %abs3A_315 = math.absf %sub3A_314 : vector<16xf32>
        %sub3A_316 = arith.subf %gather3A_298, %gather3A_303 : vector<16xf32>
        %abs3A_317 = math.absf %sub3A_316 : vector<16xf32>
        %add3A_318 = arith.addf %abs3A_315, %abs3A_317 : vector<16xf32>
        %sub3A_319 = arith.subf %gather3A_308, %gather3A_313 : vector<16xf32>
        %abs3A_320 = math.absf %sub3A_319 : vector<16xf32>
        %add3A_321 = arith.addf %add3A_318, %abs3A_320 : vector<16xf32>
        %mul3A_322 = arith.constant 16 : i32
        %mul3A_323 = arith.muli %add3A_285, %mul3A_322 : i32
        %swap3A_324 = arith.index_cast %mul3A_323 : i32 to index
        %swap3A_325 = tpu.vector_load %arg11[%swap3A_324] {strides = array<i32>} : memref<2048xf32, #tpu.memory_space<vmem>>, vector<16xf32>,
        tpu.vector_store %arg11[%swap3A_324], %add3A_321 {strides = array<i32>} : memref<2048xf32, #tpu.memory_space<vmem>>, vector<16xf32>,
        %add3A_326 = arith.addf %add3A_265, %add3A_321 : vector<16xf32>
        %mul3A_327 = arith.constant 16 : i32
        %mul3A_328 = arith.muli %add3A_285, %mul3A_327 : i32
        %get3A_329 = arith.index_cast %mul3A_328 : i32 to index
        %get3A_330 = tpu.vector_load %arg10[%get3A_329] {strides = array<i32>} : memref<2048xi32, #tpu.memory_space<vmem>>, vector<16xi32>,
        %bitcast3A_331 = vector.bitcast %add3A_321 : vector<16xf32> to vector<16xi32>
        %shift_right_logical3A_332 = arith.constant 24 : i32
        %shift_right_logical3A_333 = vector.broadcast %shift_right_logical3A_332 : i32 to vector<16xi32>
        %shift_right_logical3A_334 = arith.shrui %bitcast3A_331, %shift_right_logical3A_333 : vector<16xi32>
        %mul3A_335 = arith.constant 256 : i32
        %mul3A_336 = vector.broadcast %mul3A_335 : i32 to vector<16xi32>
        %mul3A_337 = arith.muli %get3A_330, %mul3A_336 : vector<16xi32>
        %add3A_338 = arith.addi %mul3A_337, %shift_right_logical3A_334 : vector<16xi32>
        %mul3A_339 = arith.constant 16 : i32
        %mul3A_340 = vector.broadcast %mul3A_339 : i32 to vector<16xi32>
        %mul3A_341 = arith.muli %add3A_338, %mul3A_340 : vector<16xi32>
        %add3A_342 = arith.addi %mul3A_341, %iota3A : vector<16xi32>
        tpu.vector_store_idx %arg12[%add3A_342], %broadcast_in_dim3A_4 {add = true} : memref<65536xi32, #tpu.memory_space<vmem>>[vector<16xi32>], vector<16xi32>,
        %mul3A_343 = arith.constant 8 : i32
        %mul3A_344 = arith.muli %scan3A_40, %mul3A_343 : i32
        %add3A_345 = arith.constant 5 : i32
        %add3A_346 = arith.addi %mul3A_344, %add3A_345 : i32
        %mul3A_347 = arith.constant 48 : i32
        %mul3A_348 = arith.muli %add3A_346, %mul3A_347 : i32
        %add3A_349 = vector.broadcast %mul3A_348 : i32 to vector<16xi32>
        %add3A_350 = arith.addi %mul3A_3, %add3A_349 : vector<16xi32>
        %gather3A_351 = tpu.vector_load_idx %arg8[%add3A_350] : memref<6144xf32, #tpu.memory_space<vmem>>[vector<16xi32>], vector<16xf32>,
        %add3A_352 = vector.broadcast %mul3A_348 : i32 to vector<16xi32>
        %add3A_353 = arith.addi %mul3A_3, %add3A_352 : vector<16xi32>
        %gather3A_354 = tpu.vector_load_idx %arg9[%add3A_353] : memref<6144xf32, #tpu.memory_space<vmem>>[vector<16xi32>], vector<16xf32>,
        %add3A_355 = arith.constant 1 : i32
        %add3A_356 = arith.addi %mul3A_348, %add3A_355 : i32
        %add3A_357 = vector.broadcast %add3A_356 : i32 to vector<16xi32>
        %add3A_358 = arith.addi %mul3A_3, %add3A_357 : vector<16xi32>
        %gather3A_359 = tpu.vector_load_idx %arg8[%add3A_358] : memref<6144xf32, #tpu.memory_space<vmem>>[vector<16xi32>], vector<16xf32>,
        %add3A_360 = arith.constant 1 : i32
        %add3A_361 = arith.addi %mul3A_348, %add3A_360 : i32
        %add3A_362 = vector.broadcast %add3A_361 : i32 to vector<16xi32>
        %add3A_363 = arith.addi %mul3A_3, %add3A_362 : vector<16xi32>
        %gather3A_364 = tpu.vector_load_idx %arg9[%add3A_363] : memref<6144xf32, #tpu.memory_space<vmem>>[vector<16xi32>], vector<16xf32>,
        %add3A_365 = arith.constant 2 : i32
        %add3A_366 = arith.addi %mul3A_348, %add3A_365 : i32
        %add3A_367 = vector.broadcast %add3A_366 : i32 to vector<16xi32>
        %add3A_368 = arith.addi %mul3A_3, %add3A_367 : vector<16xi32>
        %gather3A_369 = tpu.vector_load_idx %arg8[%add3A_368] : memref<6144xf32, #tpu.memory_space<vmem>>[vector<16xi32>], vector<16xf32>,
        %add3A_370 = arith.constant 2 : i32
        %add3A_371 = arith.addi %mul3A_348, %add3A_370 : i32
        %add3A_372 = vector.broadcast %add3A_371 : i32 to vector<16xi32>
        %add3A_373 = arith.addi %mul3A_3, %add3A_372 : vector<16xi32>
        %gather3A_374 = tpu.vector_load_idx %arg9[%add3A_373] : memref<6144xf32, #tpu.memory_space<vmem>>[vector<16xi32>], vector<16xf32>,
        %sub3A_375 = arith.subf %gather3A_351, %gather3A_354 : vector<16xf32>
        %abs3A_376 = math.absf %sub3A_375 : vector<16xf32>
        %sub3A_377 = arith.subf %gather3A_359, %gather3A_364 : vector<16xf32>
        %abs3A_378 = math.absf %sub3A_377 : vector<16xf32>
        %add3A_379 = arith.addf %abs3A_376, %abs3A_378 : vector<16xf32>
        %sub3A_380 = arith.subf %gather3A_369, %gather3A_374 : vector<16xf32>
        %abs3A_381 = math.absf %sub3A_380 : vector<16xf32>
        %add3A_382 = arith.addf %add3A_379, %abs3A_381 : vector<16xf32>
        %mul3A_383 = arith.constant 16 : i32
        %mul3A_384 = arith.muli %add3A_346, %mul3A_383 : i32
        %swap3A_385 = arith.index_cast %mul3A_384 : i32 to index
        %swap3A_386 = tpu.vector_load %arg11[%swap3A_385] {strides = array<i32>} : memref<2048xf32, #tpu.memory_space<vmem>>, vector<16xf32>,
        tpu.vector_store %arg11[%swap3A_385], %add3A_382 {strides = array<i32>} : memref<2048xf32, #tpu.memory_space<vmem>>, vector<16xf32>,
        %add3A_387 = arith.addf %add3A_326, %add3A_382 : vector<16xf32>
        %mul3A_388 = arith.constant 16 : i32
        %mul3A_389 = arith.muli %add3A_346, %mul3A_388 : i32
        %get3A_390 = arith.index_cast %mul3A_389 : i32 to index
        %get3A_391 = tpu.vector_load %arg10[%get3A_390] {strides = array<i32>} : memref<2048xi32, #tpu.memory_space<vmem>>, vector<16xi32>,
        %bitcast3A_392 = vector.bitcast %add3A_382 : vector<16xf32> to vector<16xi32>
        %shift_right_logical3A_393 = arith.constant 24 : i32
        %shift_right_logical3A_394 = vector.broadcast %shift_right_logical3A_393 : i32 to vector<16xi32>
        %shift_right_logical3A_395 = arith.shrui %bitcast3A_392, %shift_right_logical3A_394 : vector<16xi32>
        %mul3A_396 = arith.constant 256 : i32
        %mul3A_397 = vector.broadcast %mul3A_396 : i32 to vector<16xi32>
        %mul3A_398 = arith.muli %get3A_391, %mul3A_397 : vector<16xi32>
        %add3A_399 = arith.addi %mul3A_398, %shift_right_logical3A_395 : vector<16xi32>
        %mul3A_400 = arith.constant 16 : i32
        %mul3A_401 = vector.broadcast %mul3A_400 : i32 to vector<16xi32>
        %mul3A_402 = arith.muli %add3A_399, %mul3A_401 : vector<16xi32>
        %add3A_403 = arith.addi %mul3A_402, %iota3A : vector<16xi32>
        tpu.vector_store_idx %arg12[%add3A_403], %broadcast_in_dim3A_4 {add = true} : memref<65536xi32, #tpu.memory_space<vmem>>[vector<16xi32>], vector<16xi32>,
        %mul3A_404 = arith.constant 8 : i32
        %mul3A_405 = arith.muli %scan3A_40, %mul3A_404 : i32
        %add3A_406 = arith.constant 6 : i32
        %add3A_407 = arith.addi %mul3A_405, %add3A_406 : i32
        %mul3A_408 = arith.constant 48 : i32
        %mul3A_409 = arith.muli %add3A_407, %mul3A_408 : i32
        %add3A_410 = vector.broadcast %mul3A_409 : i32 to vector<16xi32>
        %add3A_411 = arith.addi %mul3A_3, %add3A_410 : vector<16xi32>
        %gather3A_412 = tpu.vector_load_idx %arg8[%add3A_411] : memref<6144xf32, #tpu.memory_space<vmem>>[vector<16xi32>], vector<16xf32>,
        %add3A_413 = vector.broadcast %mul3A_409 : i32 to vector<16xi32>
        %add3A_414 = arith.addi %mul3A_3, %add3A_413 : vector<16xi32>
        %gather3A_415 = tpu.vector_load_idx %arg9[%add3A_414] : memref<6144xf32, #tpu.memory_space<vmem>>[vector<16xi32>], vector<16xf32>,
        %add3A_416 = arith.constant 1 : i32
        %add3A_417 = arith.addi %mul3A_409, %add3A_416 : i32
        %add3A_418 = vector.broadcast %add3A_417 : i32 to vector<16xi32>
        %add3A_419 = arith.addi %mul3A_3, %add3A_418 : vector<16xi32>
        %gather3A_420 = tpu.vector_load_idx %arg8[%add3A_419] : memref<6144xf32, #tpu.memory_space<vmem>>[vector<16xi32>], vector<16xf32>,
        %add3A_421 = arith.constant 1 : i32
        %add3A_422 = arith.addi %mul3A_409, %add3A_421 : i32
        %add3A_423 = vector.broadcast %add3A_422 : i32 to vector<16xi32>
        %add3A_424 = arith.addi %mul3A_3, %add3A_423 : vector<16xi32>
        %gather3A_425 = tpu.vector_load_idx %arg9[%add3A_424] : memref<6144xf32, #tpu.memory_space<vmem>>[vector<16xi32>], vector<16xf32>,
        %add3A_426 = arith.constant 2 : i32
        %add3A_427 = arith.addi %mul3A_409, %add3A_426 : i32
        %add3A_428 = vector.broadcast %add3A_427 : i32 to vector<16xi32>
        %add3A_429 = arith.addi %mul3A_3, %add3A_428 : vector<16xi32>
        %gather3A_430 = tpu.vector_load_idx %arg8[%add3A_429] : memref<6144xf32, #tpu.memory_space<vmem>>[vector<16xi32>], vector<16xf32>,
        %add3A_431 = arith.constant 2 : i32
        %add3A_432 = arith.addi %mul3A_409, %add3A_431 : i32
        %add3A_433 = vector.broadcast %add3A_432 : i32 to vector<16xi32>
        %add3A_434 = arith.addi %mul3A_3, %add3A_433 : vector<16xi32>
        %gather3A_435 = tpu.vector_load_idx %arg9[%add3A_434] : memref<6144xf32, #tpu.memory_space<vmem>>[vector<16xi32>], vector<16xf32>,
        %sub3A_436 = arith.subf %gather3A_412, %gather3A_415 : vector<16xf32>
        %abs3A_437 = math.absf %sub3A_436 : vector<16xf32>
        %sub3A_438 = arith.subf %gather3A_420, %gather3A_425 : vector<16xf32>
        %abs3A_439 = math.absf %sub3A_438 : vector<16xf32>
        %add3A_440 = arith.addf %abs3A_437, %abs3A_439 : vector<16xf32>
        %sub3A_441 = arith.subf %gather3A_430, %gather3A_435 : vector<16xf32>
        %abs3A_442 = math.absf %sub3A_441 : vector<16xf32>
        %add3A_443 = arith.addf %add3A_440, %abs3A_442 : vector<16xf32>
        %mul3A_444 = arith.constant 16 : i32
        %mul3A_445 = arith.muli %add3A_407, %mul3A_444 : i32
        %swap3A_446 = arith.index_cast %mul3A_445 : i32 to index
        %swap3A_447 = tpu.vector_load %arg11[%swap3A_446] {strides = array<i32>} : memref<2048xf32, #tpu.memory_space<vmem>>, vector<16xf32>,
        tpu.vector_store %arg11[%swap3A_446], %add3A_443 {strides = array<i32>} : memref<2048xf32, #tpu.memory_space<vmem>>, vector<16xf32>,
        %add3A_448 = arith.addf %add3A_387, %add3A_443 : vector<16xf32>
        %mul3A_449 = arith.constant 16 : i32
        %mul3A_450 = arith.muli %add3A_407, %mul3A_449 : i32
        %get3A_451 = arith.index_cast %mul3A_450 : i32 to index
        %get3A_452 = tpu.vector_load %arg10[%get3A_451] {strides = array<i32>} : memref<2048xi32, #tpu.memory_space<vmem>>, vector<16xi32>,
        %bitcast3A_453 = vector.bitcast %add3A_443 : vector<16xf32> to vector<16xi32>
        %shift_right_logical3A_454 = arith.constant 24 : i32
        %shift_right_logical3A_455 = vector.broadcast %shift_right_logical3A_454 : i32 to vector<16xi32>
        %shift_right_logical3A_456 = arith.shrui %bitcast3A_453, %shift_right_logical3A_455 : vector<16xi32>
        %mul3A_457 = arith.constant 256 : i32
        %mul3A_458 = vector.broadcast %mul3A_457 : i32 to vector<16xi32>
        %mul3A_459 = arith.muli %get3A_452, %mul3A_458 : vector<16xi32>
        %add3A_460 = arith.addi %mul3A_459, %shift_right_logical3A_456 : vector<16xi32>
        %mul3A_461 = arith.constant 16 : i32
        %mul3A_462 = vector.broadcast %mul3A_461 : i32 to vector<16xi32>
        %mul3A_463 = arith.muli %add3A_460, %mul3A_462 : vector<16xi32>
        %add3A_464 = arith.addi %mul3A_463, %iota3A : vector<16xi32>
        tpu.vector_store_idx %arg12[%add3A_464], %broadcast_in_dim3A_4 {add = true} : memref<65536xi32, #tpu.memory_space<vmem>>[vector<16xi32>], vector<16xi32>,
        %mul3A_465 = arith.constant 8 : i32
        %mul3A_466 = arith.muli %scan3A_40, %mul3A_465 : i32
        %add3A_467 = arith.constant 7 : i32
        %add3A_468 = arith.addi %mul3A_466, %add3A_467 : i32
        %mul3A_469 = arith.constant 48 : i32
        %mul3A_470 = arith.muli %add3A_468, %mul3A_469 : i32
        %add3A_471 = vector.broadcast %mul3A_470 : i32 to vector<16xi32>
        %add3A_472 = arith.addi %mul3A_3, %add3A_471 : vector<16xi32>
        %gather3A_473 = tpu.vector_load_idx %arg8[%add3A_472] : memref<6144xf32, #tpu.memory_space<vmem>>[vector<16xi32>], vector<16xf32>,
        %add3A_474 = vector.broadcast %mul3A_470 : i32 to vector<16xi32>
        %add3A_475 = arith.addi %mul3A_3, %add3A_474 : vector<16xi32>
        %gather3A_476 = tpu.vector_load_idx %arg9[%add3A_475] : memref<6144xf32, #tpu.memory_space<vmem>>[vector<16xi32>], vector<16xf32>,
        %add3A_477 = arith.constant 1 : i32
        %add3A_478 = arith.addi %mul3A_470, %add3A_477 : i32
        %add3A_479 = vector.broadcast %add3A_478 : i32 to vector<16xi32>
        %add3A_480 = arith.addi %mul3A_3, %add3A_479 : vector<16xi32>
        %gather3A_481 = tpu.vector_load_idx %arg8[%add3A_480] : memref<6144xf32, #tpu.memory_space<vmem>>[vector<16xi32>], vector<16xf32>,
        %add3A_482 = arith.constant 1 : i32
        %add3A_483 = arith.addi %mul3A_470, %add3A_482 : i32
        %add3A_484 = vector.broadcast %add3A_483 : i32 to vector<16xi32>
        %add3A_485 = arith.addi %mul3A_3, %add3A_484 : vector<16xi32>
        %gather3A_486 = tpu.vector_load_idx %arg9[%add3A_485] : memref<6144xf32, #tpu.memory_space<vmem>>[vector<16xi32>], vector<16xf32>,
        %add3A_487 = arith.constant 2 : i32
        %add3A_488 = arith.addi %mul3A_470, %add3A_487 : i32
        %add3A_489 = vector.broadcast %add3A_488 : i32 to vector<16xi32>
        %add3A_490 = arith.addi %mul3A_3, %add3A_489 : vector<16xi32>
        %gather3A_491 = tpu.vector_load_idx %arg8[%add3A_490] : memref<6144xf32, #tpu.memory_space<vmem>>[vector<16xi32>], vector<16xf32>,
        %add3A_492 = arith.constant 2 : i32
        %add3A_493 = arith.addi %mul3A_470, %add3A_492 : i32
        %add3A_494 = vector.broadcast %add3A_493 : i32 to vector<16xi32>
        %add3A_495 = arith.addi %mul3A_3, %add3A_494 : vector<16xi32>
        %gather3A_496 = tpu.vector_load_idx %arg9[%add3A_495] : memref<6144xf32, #tpu.memory_space<vmem>>[vector<16xi32>], vector<16xf32>,
        %sub3A_497 = arith.subf %gather3A_473, %gather3A_476 : vector<16xf32>
        %abs3A_498 = math.absf %sub3A_497 : vector<16xf32>
        %sub3A_499 = arith.subf %gather3A_481, %gather3A_486 : vector<16xf32>
        %abs3A_500 = math.absf %sub3A_499 : vector<16xf32>
        %add3A_501 = arith.addf %abs3A_498, %abs3A_500 : vector<16xf32>
        %sub3A_502 = arith.subf %gather3A_491, %gather3A_496 : vector<16xf32>
        %abs3A_503 = math.absf %sub3A_502 : vector<16xf32>
        %add3A_504 = arith.addf %add3A_501, %abs3A_503 : vector<16xf32>
        %mul3A_505 = arith.constant 16 : i32
        %mul3A_506 = arith.muli %add3A_468, %mul3A_505 : i32
        %swap3A_507 = arith.index_cast %mul3A_506 : i32 to index
        %swap3A_508 = tpu.vector_load %arg11[%swap3A_507] {strides = array<i32>} : memref<2048xf32, #tpu.memory_space<vmem>>, vector<16xf32>,
        tpu.vector_store %arg11[%swap3A_507], %add3A_504 {strides = array<i32>} : memref<2048xf32, #tpu.memory_space<vmem>>, vector<16xf32>,
        %add3A_509 = arith.addf %add3A_448, %add3A_504 : vector<16xf32>
        %mul3A_510 = arith.constant 16 : i32
        %mul3A_511 = arith.muli %add3A_468, %mul3A_510 : i32
        %get3A_512 = arith.index_cast %mul3A_511 : i32 to index
        %get3A_513 = tpu.vector_load %arg10[%get3A_512] {strides = array<i32>} : memref<2048xi32, #tpu.memory_space<vmem>>, vector<16xi32>,
        %bitcast3A_514 = vector.bitcast %add3A_504 : vector<16xf32> to vector<16xi32>
        %shift_right_logical3A_515 = arith.constant 24 : i32
        %shift_right_logical3A_516 = vector.broadcast %shift_right_logical3A_515 : i32 to vector<16xi32>
        %shift_right_logical3A_517 = arith.shrui %bitcast3A_514, %shift_right_logical3A_516 : vector<16xi32>
        %mul3A_518 = arith.constant 256 : i32
        %mul3A_519 = vector.broadcast %mul3A_518 : i32 to vector<16xi32>
        %mul3A_520 = arith.muli %get3A_513, %mul3A_519 : vector<16xi32>
        %add3A_521 = arith.addi %mul3A_520, %shift_right_logical3A_517 : vector<16xi32>
        %mul3A_522 = arith.constant 16 : i32
        %mul3A_523 = vector.broadcast %mul3A_522 : i32 to vector<16xi32>
        %mul3A_524 = arith.muli %add3A_521, %mul3A_523 : vector<16xi32>
        %add3A_525 = arith.addi %mul3A_524, %iota3A : vector<16xi32>
        tpu.vector_store_idx %arg12[%add3A_525], %broadcast_in_dim3A_4 {add = true} : memref<65536xi32, #tpu.memory_space<vmem>>[vector<16xi32>], vector<16xi32>,
        %get3A_526 = arith.constant 0 : index
        %get3A_527 = tpu.vector_load %arg13[%get3A_526] {strides = array<i32>} : memref<16xf32, #tpu.memory_space<vmem>>, vector<16xf32>,
        %add3A_528 = arith.addf %get3A_527, %add3A_509 : vector<16xf32>
        %swap3A_529 = arith.constant 0 : index
        %swap3A_530 = tpu.vector_load %arg13[%swap3A_529] {strides = array<i32>} : memref<16xf32, #tpu.memory_space<vmem>>, vector<16xf32>,
        tpu.vector_store %arg13[%swap3A_529], %add3A_528 {strides = array<i32>} : memref<16xf32, #tpu.memory_space<vmem>>, vector<16xf32>,
        %scan3A_531 = arith.constant 0 : i32
        scf.yield %scan3A_531 : i32
      }
      %scan3A_38 = arith.constant 16 : i32
      "tpu.region"() ({
        %run_scoped3A = tpu.sem_alloc : memref<!tpu.dma_semaphore, #tpu.memory_space<semaphore_mem>>
        %dma_start3A = tpu.memref_slice %arg5[%add3A_27] : memref<2097152xf32, #tpu.memory_space<hbm>> -> memref<2048xf32, #tpu.memory_space<hbm>>
        %dma_start3A_40 = tpu.memref_slice %arg5[%add3A_27] : memref<2097152xf32, #tpu.memory_space<hbm>> -> memref<2048xf32, #tpu.memory_space<hbm>>
        tpu.enqueue_dma source(%arg11 : memref<2048xf32, #tpu.memory_space<vmem>>) target(%dma_start3A_40 : memref<2048xf32, #tpu.memory_space<hbm>>) target_semaphore(%run_scoped3A : memref<!tpu.dma_semaphore, #tpu.memory_space<semaphore_mem>>)
        %dma_wait3A = tpu.memref_slice %arg5[%add3A_27] : memref<2097152xf32, #tpu.memory_space<hbm>> -> memref<2048xf32, #tpu.memory_space<hbm>>
        %dma_wait3A_41 = tpu.memref_slice %arg5[%add3A_27] : memref<2097152xf32, #tpu.memory_space<hbm>> -> memref<2048xf32, #tpu.memory_space<hbm>>
        tpu.wait_dma2 semaphore(%run_scoped3A : memref<!tpu.dma_semaphore, #tpu.memory_space<semaphore_mem>>) src(%arg11 : memref<2048xf32, #tpu.memory_space<vmem>>) dst(%dma_wait3A_41 : memref<2048xf32, #tpu.memory_space<hbm>>)
        tpu.yield
      }) : () -> ()
      %scan3A_39 = arith.constant 0 : i32
      scf.yield %scan3A_39 : i32
    }
    %scan3A_22 = arith.constant 32 : i32
    "tpu.region"() ({
      %run_scoped3A = tpu.sem_alloc : memref<!tpu.dma_semaphore, #tpu.memory_space<semaphore_mem>>
      %dma_start3A = arith.constant 0 : i32
      %dma_start3A_23 = tpu.memref_slice %arg6[%add3A, %dma_start3A] : memref<32x65536xi32, #tpu.memory_space<hbm>> -> memref<1x65536xi32, #tpu.memory_space<hbm>>
      %dma_start3A_24 = tpu.memref_squeeze %dma_start3A_23 : memref<1x65536xi32, #tpu.memory_space<hbm>> -> memref<65536xi32, #tpu.memory_space<hbm>>
      %dma_start3A_25 = arith.constant 0 : i32
      %dma_start3A_26 = tpu.memref_slice %arg6[%add3A, %dma_start3A_25] : memref<32x65536xi32, #tpu.memory_space<hbm>> -> memref<1x65536xi32, #tpu.memory_space<hbm>>
      %dma_start3A_27 = tpu.memref_squeeze %dma_start3A_26 : memref<1x65536xi32, #tpu.memory_space<hbm>> -> memref<65536xi32, #tpu.memory_space<hbm>>
      tpu.enqueue_dma source(%arg12 : memref<65536xi32, #tpu.memory_space<vmem>>) target(%dma_start3A_27 : memref<65536xi32, #tpu.memory_space<hbm>>) target_semaphore(%run_scoped3A : memref<!tpu.dma_semaphore, #tpu.memory_space<semaphore_mem>>)
      %dma_wait3A = arith.constant 0 : i32
      %dma_wait3A_28 = tpu.memref_slice %arg6[%add3A, %dma_wait3A] : memref<32x65536xi32, #tpu.memory_space<hbm>> -> memref<1x65536xi32, #tpu.memory_space<hbm>>
      %dma_wait3A_29 = tpu.memref_squeeze %dma_wait3A_28 : memref<1x65536xi32, #tpu.memory_space<hbm>> -> memref<65536xi32, #tpu.memory_space<hbm>>
      %dma_wait3A_30 = arith.constant 0 : i32
      %dma_wait3A_31 = tpu.memref_slice %arg6[%add3A, %dma_wait3A_30] : memref<32x65536xi32, #tpu.memory_space<hbm>> -> memref<1x65536xi32, #tpu.memory_space<hbm>>
      %dma_wait3A_32 = tpu.memref_squeeze %dma_wait3A_31 : memref<1x65536xi32, #tpu.memory_space<hbm>> -> memref<65536xi32, #tpu.memory_space<hbm>>
      tpu.wait_dma2 semaphore(%run_scoped3A : memref<!tpu.dma_semaphore, #tpu.memory_space<semaphore_mem>>) src(%arg12 : memref<65536xi32, #tpu.memory_space<vmem>>) dst(%dma_wait3A_32 : memref<65536xi32, #tpu.memory_space<hbm>>)
      tpu.yield
    }) : () -> ()
    "tpu.region"() ({
      %run_scoped3A = tpu.sem_alloc : memref<!tpu.dma_semaphore, #tpu.memory_space<semaphore_mem>>
      %dma_start3A = arith.constant 0 : i32
      %dma_start3A_23 = tpu.memref_slice %arg7[%add3A, %dma_start3A] : memref<32x16xf32, #tpu.memory_space<hbm>> -> memref<1x16xf32, #tpu.memory_space<hbm>>
      %dma_start3A_24 = tpu.memref_squeeze %dma_start3A_23 : memref<1x16xf32, #tpu.memory_space<hbm>> -> memref<16xf32, #tpu.memory_space<hbm>>
      %dma_start3A_25 = arith.constant 0 : i32
      %dma_start3A_26 = tpu.memref_slice %arg7[%add3A, %dma_start3A_25] : memref<32x16xf32, #tpu.memory_space<hbm>> -> memref<1x16xf32, #tpu.memory_space<hbm>>
      %dma_start3A_27 = tpu.memref_squeeze %dma_start3A_26 : memref<1x16xf32, #tpu.memory_space<hbm>> -> memref<16xf32, #tpu.memory_space<hbm>>
      tpu.enqueue_dma source(%arg13 : memref<16xf32, #tpu.memory_space<vmem>>) target(%dma_start3A_27 : memref<16xf32, #tpu.memory_space<hbm>>) target_semaphore(%run_scoped3A : memref<!tpu.dma_semaphore, #tpu.memory_space<semaphore_mem>>)
      %dma_wait3A = arith.constant 0 : i32
      %dma_wait3A_28 = tpu.memref_slice %arg7[%add3A, %dma_wait3A] : memref<32x16xf32, #tpu.memory_space<hbm>> -> memref<1x16xf32, #tpu.memory_space<hbm>>
      %dma_wait3A_29 = tpu.memref_squeeze %dma_wait3A_28 : memref<1x16xf32, #tpu.memory_space<hbm>> -> memref<16xf32, #tpu.memory_space<hbm>>
      %dma_wait3A_30 = arith.constant 0 : i32
      %dma_wait3A_31 = tpu.memref_slice %arg7[%add3A, %dma_wait3A_30] : memref<32x16xf32, #tpu.memory_space<hbm>> -> memref<1x16xf32, #tpu.memory_space<hbm>>
      %dma_wait3A_32 = tpu.memref_squeeze %dma_wait3A_31 : memref<1x16xf32, #tpu.memory_space<hbm>> -> memref<16xf32, #tpu.memory_space<hbm>>
      tpu.wait_dma2 semaphore(%run_scoped3A : memref<!tpu.dma_semaphore, #tpu.memory_space<semaphore_mem>>) src(%arg13 : memref<16xf32, #tpu.memory_space<vmem>>) dst(%dma_wait3A_32 : memref<16xf32, #tpu.memory_space<hbm>>)
      tpu.yield
    }) : () -> ()
    return
  }
}

#map = affine_map<(d0, d1) -> (0, 0)>
#map1 = affine_map<(d0, d1) -> (0)>
module attributes {stable_mosaic.version = 14 : i64} {
  func.func @_med_body(%arg0: i32, %arg1: i32, %arg2: memref<32x65536xi32, #tpu.memory_space<hbm>>, %arg3: memref<256xi32, #tpu.memory_space<hbm>>, %arg4: memref<16x16xf32, #tpu.memory_space<hbm>>, %arg5: memref<4096xi32, #tpu.memory_space<vmem>>, %arg6: memref<4096xi32, #tpu.memory_space<vmem>>, %arg7: memref<256xi32, #tpu.memory_space<vmem>>, %arg8: memref<16xf32, #tpu.memory_space<vmem>>) attributes {dimension_semantics = [#tpu.dimension_semantics<core_parallel>, #tpu.dimension_semantics<subcore_parallel>], iteration_bounds = array<i64: 2, 16>, scalar_prefetch = 0 : i64, scratch_operands = 4 : i64, tpu.core_type = #tpu.core_type<sc_vector_subcore>, window_params = [{transform_indices = #map}, {transform_indices = #map1}, {transform_indices = #map}]} {
    %eq3A = arith.constant 0 : i32
    %eq3A_0 = arith.cmpi eq, %arg0, %eq3A : i32
    %convert_element_type3A = arith.extui %eq3A_0 : i1 to i32
    %cond3A = arith.constant 0 : i32
    %cond3A_1 = arith.cmpi ne, %convert_element_type3A, %cond3A : i32
    scf.if %cond3A_1 {
      %scan3A = arith.constant 0 : i32
      %scan3A_2 = arith.constant 0 : i32
      %scan3A_3 = arith.constant 32 : i32
      %scan3A_4 = arith.addi %scan3A_2, %scan3A_3 : i32
      %scan3A_5 = arith.constant 1 : i32
      %scan3A_6 = scf.for %scan3A_77 = %scan3A_2 to %scan3A_4 step %scan3A_5 iter_args(%scan3A_78 = %scan3A) -> (i32)  : i32 {
        %broadcast_in_dim3A_79 = arith.constant 0 : i32
        %broadcast_in_dim3A_80 = vector.broadcast %broadcast_in_dim3A_79 : i32 to vector<16xi32>
        %mul3A_81 = arith.constant 8 : i32
        %mul3A_82 = arith.muli %scan3A_77, %mul3A_81 : i32
        %add3A_83 = arith.constant 0 : i32
        %add3A_84 = arith.addi %mul3A_82, %add3A_83 : i32
        %mul3A_85 = arith.constant 16 : i32
        %mul3A_86 = arith.muli %add3A_84, %mul3A_85 : i32
        %swap3A_87 = arith.index_cast %mul3A_86 : i32 to index
        %swap3A_88 = tpu.vector_load %arg6[%swap3A_87] {strides = array<i32>} : memref<4096xi32, #tpu.memory_space<vmem>>, vector<16xi32>,
        tpu.vector_store %arg6[%swap3A_87], %broadcast_in_dim3A_80 {strides = array<i32>} : memref<4096xi32, #tpu.memory_space<vmem>>, vector<16xi32>,
        %broadcast_in_dim3A_89 = arith.constant 0 : i32
        %broadcast_in_dim3A_90 = vector.broadcast %broadcast_in_dim3A_89 : i32 to vector<16xi32>
        %mul3A_91 = arith.constant 8 : i32
        %mul3A_92 = arith.muli %scan3A_77, %mul3A_91 : i32
        %add3A_93 = arith.constant 1 : i32
        %add3A_94 = arith.addi %mul3A_92, %add3A_93 : i32
        %mul3A_95 = arith.constant 16 : i32
        %mul3A_96 = arith.muli %add3A_94, %mul3A_95 : i32
        %swap3A_97 = arith.index_cast %mul3A_96 : i32 to index
        %swap3A_98 = tpu.vector_load %arg6[%swap3A_97] {strides = array<i32>} : memref<4096xi32, #tpu.memory_space<vmem>>, vector<16xi32>,
        tpu.vector_store %arg6[%swap3A_97], %broadcast_in_dim3A_90 {strides = array<i32>} : memref<4096xi32, #tpu.memory_space<vmem>>, vector<16xi32>,
        %broadcast_in_dim3A_99 = arith.constant 0 : i32
        %broadcast_in_dim3A_100 = vector.broadcast %broadcast_in_dim3A_99 : i32 to vector<16xi32>
        %mul3A_101 = arith.constant 8 : i32
        %mul3A_102 = arith.muli %scan3A_77, %mul3A_101 : i32
        %add3A_103 = arith.constant 2 : i32
        %add3A_104 = arith.addi %mul3A_102, %add3A_103 : i32
        %mul3A_105 = arith.constant 16 : i32
        %mul3A_106 = arith.muli %add3A_104, %mul3A_105 : i32
        %swap3A_107 = arith.index_cast %mul3A_106 : i32 to index
        %swap3A_108 = tpu.vector_load %arg6[%swap3A_107] {strides = array<i32>} : memref<4096xi32, #tpu.memory_space<vmem>>, vector<16xi32>,
        tpu.vector_store %arg6[%swap3A_107], %broadcast_in_dim3A_100 {strides = array<i32>} : memref<4096xi32, #tpu.memory_space<vmem>>, vector<16xi32>,
        %broadcast_in_dim3A_109 = arith.constant 0 : i32
        %broadcast_in_dim3A_110 = vector.broadcast %broadcast_in_dim3A_109 : i32 to vector<16xi32>
        %mul3A_111 = arith.constant 8 : i32
        %mul3A_112 = arith.muli %scan3A_77, %mul3A_111 : i32
        %add3A_113 = arith.constant 3 : i32
        %add3A_114 = arith.addi %mul3A_112, %add3A_113 : i32
        %mul3A_115 = arith.constant 16 : i32
        %mul3A_116 = arith.muli %add3A_114, %mul3A_115 : i32
        %swap3A_117 = arith.index_cast %mul3A_116 : i32 to index
        %swap3A_118 = tpu.vector_load %arg6[%swap3A_117] {strides = array<i32>} : memref<4096xi32, #tpu.memory_space<vmem>>, vector<16xi32>,
        tpu.vector_store %arg6[%swap3A_117], %broadcast_in_dim3A_110 {strides = array<i32>} : memref<4096xi32, #tpu.memory_space<vmem>>, vector<16xi32>,
        %broadcast_in_dim3A_119 = arith.constant 0 : i32
        %broadcast_in_dim3A_120 = vector.broadcast %broadcast_in_dim3A_119 : i32 to vector<16xi32>
        %mul3A_121 = arith.constant 8 : i32
        %mul3A_122 = arith.muli %scan3A_77, %mul3A_121 : i32
        %add3A_123 = arith.constant 4 : i32
        %add3A_124 = arith.addi %mul3A_122, %add3A_123 : i32
        %mul3A_125 = arith.constant 16 : i32
        %mul3A_126 = arith.muli %add3A_124, %mul3A_125 : i32
        %swap3A_127 = arith.index_cast %mul3A_126 : i32 to index
        %swap3A_128 = tpu.vector_load %arg6[%swap3A_127] {strides = array<i32>} : memref<4096xi32, #tpu.memory_space<vmem>>, vector<16xi32>,
        tpu.vector_store %arg6[%swap3A_127], %broadcast_in_dim3A_120 {strides = array<i32>} : memref<4096xi32, #tpu.memory_space<vmem>>, vector<16xi32>,
        %broadcast_in_dim3A_129 = arith.constant 0 : i32
        %broadcast_in_dim3A_130 = vector.broadcast %broadcast_in_dim3A_129 : i32 to vector<16xi32>
        %mul3A_131 = arith.constant 8 : i32
        %mul3A_132 = arith.muli %scan3A_77, %mul3A_131 : i32
        %add3A_133 = arith.constant 5 : i32
        %add3A_134 = arith.addi %mul3A_132, %add3A_133 : i32
        %mul3A_135 = arith.constant 16 : i32
        %mul3A_136 = arith.muli %add3A_134, %mul3A_135 : i32
        %swap3A_137 = arith.index_cast %mul3A_136 : i32 to index
        %swap3A_138 = tpu.vector_load %arg6[%swap3A_137] {strides = array<i32>} : memref<4096xi32, #tpu.memory_space<vmem>>, vector<16xi32>,
        tpu.vector_store %arg6[%swap3A_137], %broadcast_in_dim3A_130 {strides = array<i32>} : memref<4096xi32, #tpu.memory_space<vmem>>, vector<16xi32>,
        %broadcast_in_dim3A_139 = arith.constant 0 : i32
        %broadcast_in_dim3A_140 = vector.broadcast %broadcast_in_dim3A_139 : i32 to vector<16xi32>
        %mul3A_141 = arith.constant 8 : i32
        %mul3A_142 = arith.muli %scan3A_77, %mul3A_141 : i32
        %add3A_143 = arith.constant 6 : i32
        %add3A_144 = arith.addi %mul3A_142, %add3A_143 : i32
        %mul3A_145 = arith.constant 16 : i32
        %mul3A_146 = arith.muli %add3A_144, %mul3A_145 : i32
        %swap3A_147 = arith.index_cast %mul3A_146 : i32 to index
        %swap3A_148 = tpu.vector_load %arg6[%swap3A_147] {strides = array<i32>} : memref<4096xi32, #tpu.memory_space<vmem>>, vector<16xi32>,
        tpu.vector_store %arg6[%swap3A_147], %broadcast_in_dim3A_140 {strides = array<i32>} : memref<4096xi32, #tpu.memory_space<vmem>>, vector<16xi32>,
        %broadcast_in_dim3A_149 = arith.constant 0 : i32
        %broadcast_in_dim3A_150 = vector.broadcast %broadcast_in_dim3A_149 : i32 to vector<16xi32>
        %mul3A_151 = arith.constant 8 : i32
        %mul3A_152 = arith.muli %scan3A_77, %mul3A_151 : i32
        %add3A_153 = arith.constant 7 : i32
        %add3A_154 = arith.addi %mul3A_152, %add3A_153 : i32
        %mul3A_155 = arith.constant 16 : i32
        %mul3A_156 = arith.muli %add3A_154, %mul3A_155 : i32
        %swap3A_157 = arith.index_cast %mul3A_156 : i32 to index
        %swap3A_158 = tpu.vector_load %arg6[%swap3A_157] {strides = array<i32>} : memref<4096xi32, #tpu.memory_space<vmem>>, vector<16xi32>,
        tpu.vector_store %arg6[%swap3A_157], %broadcast_in_dim3A_150 {strides = array<i32>} : memref<4096xi32, #tpu.memory_space<vmem>>, vector<16xi32>,
        %scan3A_159 = arith.constant 0 : i32
        scf.yield %scan3A_159 : i32
      }
      %scan3A_7 = arith.constant 32 : i32
      %scan3A_8 = arith.constant 0 : i32
      %scan3A_9 = arith.constant 0 : i32
      %scan3A_10 = arith.constant 32 : i32
      %scan3A_11 = arith.addi %scan3A_9, %scan3A_10 : i32
      %scan3A_12 = arith.constant 1 : i32
      %scan3A_13 = scf.for %scan3A_77 = %scan3A_9 to %scan3A_11 step %scan3A_12 iter_args(%scan3A_78 = %scan3A_8) -> (i32)  : i32 {
        %mul3A_79 = arith.constant 4096 : i32
        %mul3A_80 = arith.muli %arg1, %mul3A_79 : i32
        "tpu.region"() ({
          %run_scoped3A = tpu.sem_alloc : memref<!tpu.dma_semaphore, #tpu.memory_space<semaphore_mem>>
          %dma_start3A = tpu.memref_slice %arg2[%scan3A_77, %mul3A_80] : memref<32x65536xi32, #tpu.memory_space<hbm>> -> memref<1x4096xi32, #tpu.memory_space<hbm>>
          %dma_start3A_89 = tpu.memref_squeeze %dma_start3A : memref<1x4096xi32, #tpu.memory_space<hbm>> -> memref<4096xi32, #tpu.memory_space<hbm>>
          %dma_start3A_90 = tpu.memref_slice %arg2[%scan3A_77, %mul3A_80] : memref<32x65536xi32, #tpu.memory_space<hbm>> -> memref<1x4096xi32, #tpu.memory_space<hbm>>
          %dma_start3A_91 = tpu.memref_squeeze %dma_start3A_90 : memref<1x4096xi32, #tpu.memory_space<hbm>> -> memref<4096xi32, #tpu.memory_space<hbm>>
          tpu.enqueue_dma source(%dma_start3A_91 : memref<4096xi32, #tpu.memory_space<hbm>>) target(%arg5 : memref<4096xi32, #tpu.memory_space<vmem>>) target_semaphore(%run_scoped3A : memref<!tpu.dma_semaphore, #tpu.memory_space<semaphore_mem>>)
          %dma_wait3A = tpu.memref_slice %arg2[%scan3A_77, %mul3A_80] : memref<32x65536xi32, #tpu.memory_space<hbm>> -> memref<1x4096xi32, #tpu.memory_space<hbm>>
          %dma_wait3A_92 = tpu.memref_squeeze %dma_wait3A : memref<1x4096xi32, #tpu.memory_space<hbm>> -> memref<4096xi32, #tpu.memory_space<hbm>>
          %dma_wait3A_93 = tpu.memref_slice %arg2[%scan3A_77, %mul3A_80] : memref<32x65536xi32, #tpu.memory_space<hbm>> -> memref<1x4096xi32, #tpu.memory_space<hbm>>
          %dma_wait3A_94 = tpu.memref_squeeze %dma_wait3A_93 : memref<1x4096xi32, #tpu.memory_space<hbm>> -> memref<4096xi32, #tpu.memory_space<hbm>>
          tpu.wait_dma2 semaphore(%run_scoped3A : memref<!tpu.dma_semaphore, #tpu.memory_space<semaphore_mem>>) src(%dma_wait3A_94 : memref<4096xi32, #tpu.memory_space<hbm>>) dst(%arg5 : memref<4096xi32, #tpu.memory_space<vmem>>)
          tpu.yield
        }) : () -> ()
        %scan3A_81 = arith.constant 0 : i32
        %scan3A_82 = arith.constant 0 : i32
        %scan3A_83 = arith.constant 32 : i32
        %scan3A_84 = arith.addi %scan3A_82, %scan3A_83 : i32
        %scan3A_85 = arith.constant 1 : i32
        %scan3A_86 = scf.for %scan3A_89 = %scan3A_82 to %scan3A_84 step %scan3A_85 iter_args(%scan3A_90 = %scan3A_81) -> (i32)  : i32 {
          %mul3A_91 = arith.constant 8 : i32
          %mul3A_92 = arith.muli %scan3A_89, %mul3A_91 : i32
          %add3A_93 = arith.constant 0 : i32
          %add3A_94 = arith.addi %mul3A_92, %add3A_93 : i32
          %mul3A_95 = arith.constant 16 : i32
          %mul3A_96 = arith.muli %add3A_94, %mul3A_95 : i32
          %get3A_97 = arith.index_cast %mul3A_96 : i32 to index
          %get3A_98 = tpu.vector_load %arg6[%get3A_97] {strides = array<i32>} : memref<4096xi32, #tpu.memory_space<vmem>>, vector<16xi32>,
          %mul3A_99 = arith.constant 16 : i32
          %mul3A_100 = arith.muli %add3A_94, %mul3A_99 : i32
          %get3A_101 = arith.index_cast %mul3A_100 : i32 to index
          %get3A_102 = tpu.vector_load %arg5[%get3A_101] {strides = array<i32>} : memref<4096xi32, #tpu.memory_space<vmem>>, vector<16xi32>,
          %add3A_103 = arith.addi %get3A_98, %get3A_102 : vector<16xi32>
          %mul3A_104 = arith.constant 16 : i32
          %mul3A_105 = arith.muli %add3A_94, %mul3A_104 : i32
          %swap3A_106 = arith.index_cast %mul3A_105 : i32 to index
          %swap3A_107 = tpu.vector_load %arg6[%swap3A_106] {strides = array<i32>} : memref<4096xi32, #tpu.memory_space<vmem>>, vector<16xi32>,
          tpu.vector_store %arg6[%swap3A_106], %add3A_103 {strides = array<i32>} : memref<4096xi32, #tpu.memory_space<vmem>>, vector<16xi32>,
          %mul3A_108 = arith.constant 8 : i32
          %mul3A_109 = arith.muli %scan3A_89, %mul3A_108 : i32
          %add3A_110 = arith.constant 1 : i32
          %add3A_111 = arith.addi %mul3A_109, %add3A_110 : i32
          %mul3A_112 = arith.constant 16 : i32
          %mul3A_113 = arith.muli %add3A_111, %mul3A_112 : i32
          %get3A_114 = arith.index_cast %mul3A_113 : i32 to index
          %get3A_115 = tpu.vector_load %arg6[%get3A_114] {strides = array<i32>} : memref<4096xi32, #tpu.memory_space<vmem>>, vector<16xi32>,
          %mul3A_116 = arith.constant 16 : i32
          %mul3A_117 = arith.muli %add3A_111, %mul3A_116 : i32
          %get3A_118 = arith.index_cast %mul3A_117 : i32 to index
          %get3A_119 = tpu.vector_load %arg5[%get3A_118] {strides = array<i32>} : memref<4096xi32, #tpu.memory_space<vmem>>, vector<16xi32>,
          %add3A_120 = arith.addi %get3A_115, %get3A_119 : vector<16xi32>
          %mul3A_121 = arith.constant 16 : i32
          %mul3A_122 = arith.muli %add3A_111, %mul3A_121 : i32
          %swap3A_123 = arith.index_cast %mul3A_122 : i32 to index
          %swap3A_124 = tpu.vector_load %arg6[%swap3A_123] {strides = array<i32>} : memref<4096xi32, #tpu.memory_space<vmem>>, vector<16xi32>,
          tpu.vector_store %arg6[%swap3A_123], %add3A_120 {strides = array<i32>} : memref<4096xi32, #tpu.memory_space<vmem>>, vector<16xi32>,
          %mul3A_125 = arith.constant 8 : i32
          %mul3A_126 = arith.muli %scan3A_89, %mul3A_125 : i32
          %add3A_127 = arith.constant 2 : i32
          %add3A_128 = arith.addi %mul3A_126, %add3A_127 : i32
          %mul3A_129 = arith.constant 16 : i32
          %mul3A_130 = arith.muli %add3A_128, %mul3A_129 : i32
          %get3A_131 = arith.index_cast %mul3A_130 : i32 to index
          %get3A_132 = tpu.vector_load %arg6[%get3A_131] {strides = array<i32>} : memref<4096xi32, #tpu.memory_space<vmem>>, vector<16xi32>,
          %mul3A_133 = arith.constant 16 : i32
          %mul3A_134 = arith.muli %add3A_128, %mul3A_133 : i32
          %get3A_135 = arith.index_cast %mul3A_134 : i32 to index
          %get3A_136 = tpu.vector_load %arg5[%get3A_135] {strides = array<i32>} : memref<4096xi32, #tpu.memory_space<vmem>>, vector<16xi32>,
          %add3A_137 = arith.addi %get3A_132, %get3A_136 : vector<16xi32>
          %mul3A_138 = arith.constant 16 : i32
          %mul3A_139 = arith.muli %add3A_128, %mul3A_138 : i32
          %swap3A_140 = arith.index_cast %mul3A_139 : i32 to index
          %swap3A_141 = tpu.vector_load %arg6[%swap3A_140] {strides = array<i32>} : memref<4096xi32, #tpu.memory_space<vmem>>, vector<16xi32>,
          tpu.vector_store %arg6[%swap3A_140], %add3A_137 {strides = array<i32>} : memref<4096xi32, #tpu.memory_space<vmem>>, vector<16xi32>,
          %mul3A_142 = arith.constant 8 : i32
          %mul3A_143 = arith.muli %scan3A_89, %mul3A_142 : i32
          %add3A_144 = arith.constant 3 : i32
          %add3A_145 = arith.addi %mul3A_143, %add3A_144 : i32
          %mul3A_146 = arith.constant 16 : i32
          %mul3A_147 = arith.muli %add3A_145, %mul3A_146 : i32
          %get3A_148 = arith.index_cast %mul3A_147 : i32 to index
          %get3A_149 = tpu.vector_load %arg6[%get3A_148] {strides = array<i32>} : memref<4096xi32, #tpu.memory_space<vmem>>, vector<16xi32>,
          %mul3A_150 = arith.constant 16 : i32
          %mul3A_151 = arith.muli %add3A_145, %mul3A_150 : i32
          %get3A_152 = arith.index_cast %mul3A_151 : i32 to index
          %get3A_153 = tpu.vector_load %arg5[%get3A_152] {strides = array<i32>} : memref<4096xi32, #tpu.memory_space<vmem>>, vector<16xi32>,
          %add3A_154 = arith.addi %get3A_149, %get3A_153 : vector<16xi32>
          %mul3A_155 = arith.constant 16 : i32
          %mul3A_156 = arith.muli %add3A_145, %mul3A_155 : i32
          %swap3A_157 = arith.index_cast %mul3A_156 : i32 to index
          %swap3A_158 = tpu.vector_load %arg6[%swap3A_157] {strides = array<i32>} : memref<4096xi32, #tpu.memory_space<vmem>>, vector<16xi32>,
          tpu.vector_store %arg6[%swap3A_157], %add3A_154 {strides = array<i32>} : memref<4096xi32, #tpu.memory_space<vmem>>, vector<16xi32>,
          %mul3A_159 = arith.constant 8 : i32
          %mul3A_160 = arith.muli %scan3A_89, %mul3A_159 : i32
          %add3A_161 = arith.constant 4 : i32
          %add3A_162 = arith.addi %mul3A_160, %add3A_161 : i32
          %mul3A_163 = arith.constant 16 : i32
          %mul3A_164 = arith.muli %add3A_162, %mul3A_163 : i32
          %get3A_165 = arith.index_cast %mul3A_164 : i32 to index
          %get3A_166 = tpu.vector_load %arg6[%get3A_165] {strides = array<i32>} : memref<4096xi32, #tpu.memory_space<vmem>>, vector<16xi32>,
          %mul3A_167 = arith.constant 16 : i32
          %mul3A_168 = arith.muli %add3A_162, %mul3A_167 : i32
          %get3A_169 = arith.index_cast %mul3A_168 : i32 to index
          %get3A_170 = tpu.vector_load %arg5[%get3A_169] {strides = array<i32>} : memref<4096xi32, #tpu.memory_space<vmem>>, vector<16xi32>,
          %add3A_171 = arith.addi %get3A_166, %get3A_170 : vector<16xi32>
          %mul3A_172 = arith.constant 16 : i32
          %mul3A_173 = arith.muli %add3A_162, %mul3A_172 : i32
          %swap3A_174 = arith.index_cast %mul3A_173 : i32 to index
          %swap3A_175 = tpu.vector_load %arg6[%swap3A_174] {strides = array<i32>} : memref<4096xi32, #tpu.memory_space<vmem>>, vector<16xi32>,
          tpu.vector_store %arg6[%swap3A_174], %add3A_171 {strides = array<i32>} : memref<4096xi32, #tpu.memory_space<vmem>>, vector<16xi32>,
          %mul3A_176 = arith.constant 8 : i32
          %mul3A_177 = arith.muli %scan3A_89, %mul3A_176 : i32
          %add3A_178 = arith.constant 5 : i32
          %add3A_179 = arith.addi %mul3A_177, %add3A_178 : i32
          %mul3A_180 = arith.constant 16 : i32
          %mul3A_181 = arith.muli %add3A_179, %mul3A_180 : i32
          %get3A_182 = arith.index_cast %mul3A_181 : i32 to index
          %get3A_183 = tpu.vector_load %arg6[%get3A_182] {strides = array<i32>} : memref<4096xi32, #tpu.memory_space<vmem>>, vector<16xi32>,
          %mul3A_184 = arith.constant 16 : i32
          %mul3A_185 = arith.muli %add3A_179, %mul3A_184 : i32
          %get3A_186 = arith.index_cast %mul3A_185 : i32 to index
          %get3A_187 = tpu.vector_load %arg5[%get3A_186] {strides = array<i32>} : memref<4096xi32, #tpu.memory_space<vmem>>, vector<16xi32>,
          %add3A_188 = arith.addi %get3A_183, %get3A_187 : vector<16xi32>
          %mul3A_189 = arith.constant 16 : i32
          %mul3A_190 = arith.muli %add3A_179, %mul3A_189 : i32
          %swap3A_191 = arith.index_cast %mul3A_190 : i32 to index
          %swap3A_192 = tpu.vector_load %arg6[%swap3A_191] {strides = array<i32>} : memref<4096xi32, #tpu.memory_space<vmem>>, vector<16xi32>,
          tpu.vector_store %arg6[%swap3A_191], %add3A_188 {strides = array<i32>} : memref<4096xi32, #tpu.memory_space<vmem>>, vector<16xi32>,
          %mul3A_193 = arith.constant 8 : i32
          %mul3A_194 = arith.muli %scan3A_89, %mul3A_193 : i32
          %add3A_195 = arith.constant 6 : i32
          %add3A_196 = arith.addi %mul3A_194, %add3A_195 : i32
          %mul3A_197 = arith.constant 16 : i32
          %mul3A_198 = arith.muli %add3A_196, %mul3A_197 : i32
          %get3A_199 = arith.index_cast %mul3A_198 : i32 to index
          %get3A_200 = tpu.vector_load %arg6[%get3A_199] {strides = array<i32>} : memref<4096xi32, #tpu.memory_space<vmem>>, vector<16xi32>,
          %mul3A_201 = arith.constant 16 : i32
          %mul3A_202 = arith.muli %add3A_196, %mul3A_201 : i32
          %get3A_203 = arith.index_cast %mul3A_202 : i32 to index
          %get3A_204 = tpu.vector_load %arg5[%get3A_203] {strides = array<i32>} : memref<4096xi32, #tpu.memory_space<vmem>>, vector<16xi32>,
          %add3A_205 = arith.addi %get3A_200, %get3A_204 : vector<16xi32>
          %mul3A_206 = arith.constant 16 : i32
          %mul3A_207 = arith.muli %add3A_196, %mul3A_206 : i32
          %swap3A_208 = arith.index_cast %mul3A_207 : i32 to index
          %swap3A_209 = tpu.vector_load %arg6[%swap3A_208] {strides = array<i32>} : memref<4096xi32, #tpu.memory_space<vmem>>, vector<16xi32>,
          tpu.vector_store %arg6[%swap3A_208], %add3A_205 {strides = array<i32>} : memref<4096xi32, #tpu.memory_space<vmem>>, vector<16xi32>,
          %mul3A_210 = arith.constant 8 : i32
          %mul3A_211 = arith.muli %scan3A_89, %mul3A_210 : i32
          %add3A_212 = arith.constant 7 : i32
          %add3A_213 = arith.addi %mul3A_211, %add3A_212 : i32
          %mul3A_214 = arith.constant 16 : i32
          %mul3A_215 = arith.muli %add3A_213, %mul3A_214 : i32
          %get3A_216 = arith.index_cast %mul3A_215 : i32 to index
          %get3A_217 = tpu.vector_load %arg6[%get3A_216] {strides = array<i32>} : memref<4096xi32, #tpu.memory_space<vmem>>, vector<16xi32>,
          %mul3A_218 = arith.constant 16 : i32
          %mul3A_219 = arith.muli %add3A_213, %mul3A_218 : i32
          %get3A_220 = arith.index_cast %mul3A_219 : i32 to index
          %get3A_221 = tpu.vector_load %arg5[%get3A_220] {strides = array<i32>} : memref<4096xi32, #tpu.memory_space<vmem>>, vector<16xi32>,
          %add3A_222 = arith.addi %get3A_217, %get3A_221 : vector<16xi32>
          %mul3A_223 = arith.constant 16 : i32
          %mul3A_224 = arith.muli %add3A_213, %mul3A_223 : i32
          %swap3A_225 = arith.index_cast %mul3A_224 : i32 to index
          %swap3A_226 = tpu.vector_load %arg6[%swap3A_225] {strides = array<i32>} : memref<4096xi32, #tpu.memory_space<vmem>>, vector<16xi32>,
          tpu.vector_store %arg6[%swap3A_225], %add3A_222 {strides = array<i32>} : memref<4096xi32, #tpu.memory_space<vmem>>, vector<16xi32>,
          %scan3A_227 = arith.constant 0 : i32
          scf.yield %scan3A_227 : i32
        }
        %scan3A_87 = arith.constant 32 : i32
        %scan3A_88 = arith.constant 0 : i32
        scf.yield %scan3A_88 : i32
      }
      %scan3A_14 = arith.constant 32 : i32
      "tpu.region"() ({
        %run_scoped3A = tpu.sem_alloc : memref<!tpu.dma_semaphore, #tpu.memory_space<semaphore_mem>>
        tpu.enqueue_dma source(%arg3 : memref<256xi32, #tpu.memory_space<hbm>>) target(%arg7 : memref<256xi32, #tpu.memory_space<vmem>>) target_semaphore(%run_scoped3A : memref<!tpu.dma_semaphore, #tpu.memory_space<semaphore_mem>>)
        tpu.wait_dma2 semaphore(%run_scoped3A : memref<!tpu.dma_semaphore, #tpu.memory_space<semaphore_mem>>) src(%arg3 : memref<256xi32, #tpu.memory_space<hbm>>) dst(%arg7 : memref<256xi32, #tpu.memory_space<vmem>>)
        tpu.yield
      }) : () -> ()
      %mul3A = arith.constant 16 : i32
      %mul3A_15 = arith.muli %arg1, %mul3A : i32
      %get3A = arith.index_cast %mul3A_15 : i32 to index
      %get3A_16 = tpu.vector_load %arg7[%get3A] {strides = array<i32>} : memref<256xi32, #tpu.memory_space<vmem>>, vector<16xi32>,
      %iota3A = tpu.iota {dimensions = array<i32: 0>} : vector<16xi32>
      %eq3A_17 = arith.constant 0 : i32
      %eq3A_18 = vector.broadcast %eq3A_17 : i32 to vector<16xi32>
      %eq3A_19 = arith.cmpi eq, %iota3A, %eq3A_18 : vector<16xi32>
      %jit3A = arith.constant 0 : i32
      %broadcast_in_dim3A = vector.broadcast %jit3A : i32 to vector<16xi32>
      %select_n3A = arith.select %eq3A_19, %get3A_16, %broadcast_in_dim3A : vector<16xi1>, vector<16xi32>
      %reduce_sum3A = arith.constant true
      %reduce_sum3A_20 = vector.broadcast %reduce_sum3A : i1 to vector<16xi1>
      %reduce_sum3A_21 = tpu.scan <sum>, %select_n3A masked %reduce_sum3A_20 : vector<16xi32>, vector<16xi1> -> vector<16xi32>
      %reduce_sum3A_22 = vector.extract %reduce_sum3A_21[15] : i32 from vector<16xi32>
      %mul3A_23 = arith.constant 16 : i32
      %mul3A_24 = arith.muli %arg1, %mul3A_23 : i32
      %get3A_25 = arith.index_cast %mul3A_24 : i32 to index
      %get3A_26 = tpu.vector_load %arg7[%get3A_25] {strides = array<i32>} : memref<256xi32, #tpu.memory_space<vmem>>, vector<16xi32>,
      %iota3A_27 = tpu.iota {dimensions = array<i32: 0>} : vector<16xi32>
      %eq3A_28 = arith.constant 1 : i32
      %eq3A_29 = vector.broadcast %eq3A_28 : i32 to vector<16xi32>
      %eq3A_30 = arith.cmpi eq, %iota3A_27, %eq3A_29 : vector<16xi32>
      %jit3A_31 = arith.constant 0 : i32
      %broadcast_in_dim3A_32 = vector.broadcast %jit3A_31 : i32 to vector<16xi32>
      %select_n3A_33 = arith.select %eq3A_30, %get3A_26, %broadcast_in_dim3A_32 : vector<16xi1>, vector<16xi32>
      %reduce_sum3A_34 = arith.constant true
      %reduce_sum3A_35 = vector.broadcast %reduce_sum3A_34 : i1 to vector<16xi1>
      %reduce_sum3A_36 = tpu.scan <sum>, %select_n3A_33 masked %reduce_sum3A_35 : vector<16xi32>, vector<16xi1> -> vector<16xi32>
      %reduce_sum3A_37 = vector.extract %reduce_sum3A_36[15] : i32 from vector<16xi32>
      %mul3A_38 = arith.constant 16 : i32
      %mul3A_39 = arith.muli %arg1, %mul3A_38 : i32
      %get3A_40 = arith.index_cast %mul3A_39 : i32 to index
      %get3A_41 = tpu.vector_load %arg7[%get3A_40] {strides = array<i32>} : memref<256xi32, #tpu.memory_space<vmem>>, vector<16xi32>,
      %iota3A_42 = tpu.iota {dimensions = array<i32: 0>} : vector<16xi32>
      %eq3A_43 = arith.constant 2 : i32
      %eq3A_44 = vector.broadcast %eq3A_43 : i32 to vector<16xi32>
      %eq3A_45 = arith.cmpi eq, %iota3A_42, %eq3A_44 : vector<16xi32>
      %jit3A_46 = arith.constant 0 : i32
      %broadcast_in_dim3A_47 = vector.broadcast %jit3A_46 : i32 to vector<16xi32>
      %select_n3A_48 = arith.select %eq3A_45, %get3A_41, %broadcast_in_dim3A_47 : vector<16xi1>, vector<16xi32>
      %reduce_sum3A_49 = arith.constant true
      %reduce_sum3A_50 = vector.broadcast %reduce_sum3A_49 : i1 to vector<16xi1>
      %reduce_sum3A_51 = tpu.scan <sum>, %select_n3A_48 masked %reduce_sum3A_50 : vector<16xi32>, vector<16xi1> -> vector<16xi32>
      %reduce_sum3A_52 = vector.extract %reduce_sum3A_51[15] : i32 from vector<16xi32>
      %scan3A_53 = arith.constant 0 : i32
      %scan3A_54 = arith.constant -1 : i32
      %scan3A_55 = arith.constant 0 : i32
      %scan3A_56 = arith.constant 0 : i32
      %scan3A_57 = arith.constant 256 : i32
      %scan3A_58 = arith.addi %scan3A_56, %scan3A_57 : i32
      %scan3A_59 = arith.constant 1 : i32
      %scan3A_60:3 = scf.for %scan3A_77 = %scan3A_56 to %scan3A_58 step %scan3A_59 iter_args(%scan3A_78 = %scan3A_53, %scan3A_79 = %scan3A_54, %scan3A_80 = %scan3A_55) -> (i32, i32, i32)  : i32 {
        %mul3A_81 = arith.constant 16 : i32
        %mul3A_82 = arith.muli %scan3A_77, %mul3A_81 : i32
        %get3A_83 = arith.index_cast %mul3A_82 : i32 to index
        %get3A_84 = tpu.vector_load %arg6[%get3A_83] {strides = array<i32>} : memref<4096xi32, #tpu.memory_space<vmem>>, vector<16xi32>,
        %reduce_sum3A_85 = arith.constant true
        %reduce_sum3A_86 = vector.broadcast %reduce_sum3A_85 : i1 to vector<16xi1>
        %reduce_sum3A_87 = tpu.scan <sum>, %get3A_84 masked %reduce_sum3A_86 : vector<16xi32>, vector<16xi1> -> vector<16xi32>
        %reduce_sum3A_88 = vector.extract %reduce_sum3A_87[15] : i32 from vector<16xi32>
        %lt3A_89 = arith.constant 0 : i32
        %lt3A_90 = arith.cmpi slt, %scan3A_79, %lt3A_89 : i32
        %add3A_91 = arith.addi %scan3A_78, %reduce_sum3A_88 : i32
        %gt3A_92 = arith.cmpi sgt, %add3A_91, %reduce_sum3A_37 : i32
        %and3A = arith.andi %lt3A_90, %gt3A_92 : i1
        %select_n3A_93 = arith.select %and3A, %scan3A_77, %scan3A_79 : i32
        %select_n3A_94 = arith.select %and3A, %scan3A_78, %scan3A_80 : i32
        %add3A_95 = arith.addi %scan3A_78, %reduce_sum3A_88 : i32
        scf.yield %add3A_95, %select_n3A_93, %select_n3A_94 : i32, i32, i32
      }
      %scan3A_61 = arith.constant 256 : i32
      %lt3A = arith.constant 0 : i32
      %lt3A_62 = arith.cmpi slt, %scan3A_60#1, %lt3A : i32
      %jit3A_63 = arith.constant 0 : i32
      %select_n3A_64 = arith.select %lt3A_62, %jit3A_63, %scan3A_60#1 : i32
      %shift_left3A = arith.constant 16 : i32
      %shift_left3A_65 = arith.shli %reduce_sum3A_22, %shift_left3A : i32
      %shift_left3A_66 = arith.constant 8 : i32
      %shift_left3A_67 = arith.shli %select_n3A_64, %shift_left3A_66 : i32
      %or3A = arith.ori %shift_left3A_65, %shift_left3A_67 : i32
      %or3A_68 = arith.constant 128 : i32
      %or3A_69 = arith.ori %or3A, %or3A_68 : i32
      %gt3A = arith.constant 0 : i32
      %gt3A_70 = arith.cmpi sgt, %reduce_sum3A_52, %gt3A : i32
      %jit3A_71 = arith.constant 2139095040 : i32
      %select_n3A_72 = arith.select %gt3A_70, %or3A_69, %jit3A_71 : i32
      %broadcast_in_dim3A_73 = arith.constant 0 : i32
      %broadcast_in_dim3A_74 = vector.broadcast %broadcast_in_dim3A_73 : i32 to vector<16xi32>
      %add3A = vector.broadcast %select_n3A_72 : i32 to vector<16xi32>
      %add3A_75 = arith.addi %broadcast_in_dim3A_74, %add3A : vector<16xi32>
      %bitcast3A = vector.bitcast %add3A_75 : vector<16xi32> to vector<16xf32>
      %swap3A = arith.constant 0 : index
      %swap3A_76 = tpu.vector_load %arg8[%swap3A] {strides = array<i32>} : memref<16xf32, #tpu.memory_space<vmem>>, vector<16xf32>,
      tpu.vector_store %arg8[%swap3A], %bitcast3A {strides = array<i32>} : memref<16xf32, #tpu.memory_space<vmem>>, vector<16xf32>,
      "tpu.region"() ({
        %run_scoped3A = tpu.sem_alloc : memref<!tpu.dma_semaphore, #tpu.memory_space<semaphore_mem>>
        %dma_start3A = arith.constant 0 : i32
        %dma_start3A_77 = tpu.memref_slice %arg4[%arg1, %dma_start3A] : memref<16x16xf32, #tpu.memory_space<hbm>> -> memref<1x16xf32, #tpu.memory_space<hbm>>
        %dma_start3A_78 = tpu.memref_squeeze %dma_start3A_77 : memref<1x16xf32, #tpu.memory_space<hbm>> -> memref<16xf32, #tpu.memory_space<hbm>>
        %dma_start3A_79 = arith.constant 0 : i32
        %dma_start3A_80 = tpu.memref_slice %arg4[%arg1, %dma_start3A_79] : memref<16x16xf32, #tpu.memory_space<hbm>> -> memref<1x16xf32, #tpu.memory_space<hbm>>
        %dma_start3A_81 = tpu.memref_squeeze %dma_start3A_80 : memref<1x16xf32, #tpu.memory_space<hbm>> -> memref<16xf32, #tpu.memory_space<hbm>>
        tpu.enqueue_dma source(%arg8 : memref<16xf32, #tpu.memory_space<vmem>>) target(%dma_start3A_81 : memref<16xf32, #tpu.memory_space<hbm>>) target_semaphore(%run_scoped3A : memref<!tpu.dma_semaphore, #tpu.memory_space<semaphore_mem>>)
        %dma_wait3A = arith.constant 0 : i32
        %dma_wait3A_82 = tpu.memref_slice %arg4[%arg1, %dma_wait3A] : memref<16x16xf32, #tpu.memory_space<hbm>> -> memref<1x16xf32, #tpu.memory_space<hbm>>
        %dma_wait3A_83 = tpu.memref_squeeze %dma_wait3A_82 : memref<1x16xf32, #tpu.memory_space<hbm>> -> memref<16xf32, #tpu.memory_space<hbm>>
        %dma_wait3A_84 = arith.constant 0 : i32
        %dma_wait3A_85 = tpu.memref_slice %arg4[%arg1, %dma_wait3A_84] : memref<16x16xf32, #tpu.memory_space<hbm>> -> memref<1x16xf32, #tpu.memory_space<hbm>>
        %dma_wait3A_86 = tpu.memref_squeeze %dma_wait3A_85 : memref<1x16xf32, #tpu.memory_space<hbm>> -> memref<16xf32, #tpu.memory_space<hbm>>
        tpu.wait_dma2 semaphore(%run_scoped3A : memref<!tpu.dma_semaphore, #tpu.memory_space<semaphore_mem>>) src(%arg8 : memref<16xf32, #tpu.memory_space<vmem>>) dst(%dma_wait3A_86 : memref<16xf32, #tpu.memory_space<hbm>>)
        tpu.yield
      }) : () -> ()
    } else {
    }
    return
  }
}

#map = affine_map<(d0, d1) -> (0, 0)>
#map1 = affine_map<(d0, d1) -> (0)>
module attributes {stable_mosaic.version = 14 : i64} {
  func.func @_copy_body(%arg0: i32, %arg1: i32, %arg2: memref<16x16xf32, #tpu.memory_space<hbm>>, %arg3: memref<250112xf32, #tpu.memory_space<hbm>>, %arg4: memref<16xi32, #tpu.memory_space<hbm>>, %arg5: memref<32xi32, #tpu.memory_space<hbm>>, %arg6: memref<250112xf32, #tpu.memory_space<hbm>>, %arg7: memref<16x16xf32, #tpu.memory_space<vmem>>, %arg8: memref<7816xf32, #tpu.memory_space<vmem>>, %arg9: memref<16xi32, #tpu.memory_space<vmem>>, %arg10: memref<32xi32, #tpu.memory_space<vmem>>) attributes {dimension_semantics = [#tpu.dimension_semantics<core_parallel>, #tpu.dimension_semantics<subcore_parallel>], iteration_bounds = array<i64: 2, 16>, scalar_prefetch = 0 : i64, scratch_operands = 4 : i64, tpu.core_type = #tpu.core_type<sc_vector_subcore>, window_params = [{transform_indices = #map}, {transform_indices = #map1}, {transform_indices = #map1}, {transform_indices = #map1}, {transform_indices = #map1}]} {
    %mul3A = arith.constant 2 : i32
    %mul3A_0 = arith.muli %arg1, %mul3A : i32
    %add3A = arith.addi %mul3A_0, %arg0 : i32
    %iota3A = tpu.iota {dimensions = array<i32: 0>} : vector<16xi32>
    "tpu.region"() ({
      %run_scoped3A = tpu.sem_alloc : memref<!tpu.dma_semaphore, #tpu.memory_space<semaphore_mem>>
      tpu.enqueue_dma source(%arg2 : memref<16x16xf32, #tpu.memory_space<hbm>>) target(%arg7 : memref<16x16xf32, #tpu.memory_space<vmem>>) target_semaphore(%run_scoped3A : memref<!tpu.dma_semaphore, #tpu.memory_space<semaphore_mem>>)
      tpu.wait_dma2 semaphore(%run_scoped3A : memref<!tpu.dma_semaphore, #tpu.memory_space<semaphore_mem>>) src(%arg2 : memref<16x16xf32, #tpu.memory_space<hbm>>) dst(%arg7 : memref<16x16xf32, #tpu.memory_space<vmem>>)
      tpu.yield
    }) : () -> ()
    %broadcast_in_dim3A = arith.constant 0 : i32
    %broadcast_in_dim3A_1 = vector.broadcast %broadcast_in_dim3A : i32 to vector<16xi32>
    %gather3A = tpu.vector_load_idx %arg7[%iota3A, %broadcast_in_dim3A_1] : memref<16x16xf32, #tpu.memory_space<vmem>>[vector<16xi32>, vector<16xi32>], vector<16xf32>,
    %mul3A_2 = arith.constant 7816 : i32
    %mul3A_3 = arith.muli %add3A, %mul3A_2 : i32
    "tpu.region"() ({
      %run_scoped3A = tpu.sem_alloc : memref<!tpu.dma_semaphore, #tpu.memory_space<semaphore_mem>>
      %dma_start3A = tpu.memref_slice %arg3[%mul3A_3] : memref<250112xf32, #tpu.memory_space<hbm>> -> memref<7816xf32, #tpu.memory_space<hbm>>
      %dma_start3A_22 = tpu.memref_slice %arg3[%mul3A_3] : memref<250112xf32, #tpu.memory_space<hbm>> -> memref<7816xf32, #tpu.memory_space<hbm>>
      tpu.enqueue_dma source(%dma_start3A_22 : memref<7816xf32, #tpu.memory_space<hbm>>) target(%arg8 : memref<7816xf32, #tpu.memory_space<vmem>>) target_semaphore(%run_scoped3A : memref<!tpu.dma_semaphore, #tpu.memory_space<semaphore_mem>>)
      %dma_wait3A = tpu.memref_slice %arg3[%mul3A_3] : memref<250112xf32, #tpu.memory_space<hbm>> -> memref<7816xf32, #tpu.memory_space<hbm>>
      %dma_wait3A_23 = tpu.memref_slice %arg3[%mul3A_3] : memref<250112xf32, #tpu.memory_space<hbm>> -> memref<7816xf32, #tpu.memory_space<hbm>>
      tpu.wait_dma2 semaphore(%run_scoped3A : memref<!tpu.dma_semaphore, #tpu.memory_space<semaphore_mem>>) src(%dma_wait3A_23 : memref<7816xf32, #tpu.memory_space<hbm>>) dst(%arg8 : memref<7816xf32, #tpu.memory_space<vmem>>)
      tpu.yield
    }) : () -> ()
    "tpu.region"() ({
      %run_scoped3A = tpu.sem_alloc : memref<!tpu.dma_semaphore, #tpu.memory_space<semaphore_mem>>
      tpu.enqueue_dma source(%arg4 : memref<16xi32, #tpu.memory_space<hbm>>) target(%arg9 : memref<16xi32, #tpu.memory_space<vmem>>) target_semaphore(%run_scoped3A : memref<!tpu.dma_semaphore, #tpu.memory_space<semaphore_mem>>)
      tpu.wait_dma2 semaphore(%run_scoped3A : memref<!tpu.dma_semaphore, #tpu.memory_space<semaphore_mem>>) src(%arg4 : memref<16xi32, #tpu.memory_space<hbm>>) dst(%arg9 : memref<16xi32, #tpu.memory_space<vmem>>)
      tpu.yield
    }) : () -> ()
    "tpu.region"() ({
      %run_scoped3A = tpu.sem_alloc : memref<!tpu.dma_semaphore, #tpu.memory_space<semaphore_mem>>
      tpu.enqueue_dma source(%arg5 : memref<32xi32, #tpu.memory_space<hbm>>) target(%arg10 : memref<32xi32, #tpu.memory_space<vmem>>) target_semaphore(%run_scoped3A : memref<!tpu.dma_semaphore, #tpu.memory_space<semaphore_mem>>)
      tpu.wait_dma2 semaphore(%run_scoped3A : memref<!tpu.dma_semaphore, #tpu.memory_space<semaphore_mem>>) src(%arg5 : memref<32xi32, #tpu.memory_space<hbm>>) dst(%arg10 : memref<32xi32, #tpu.memory_space<vmem>>)
      tpu.yield
    }) : () -> ()
    %get3A = arith.constant 0 : index
    %get3A_4 = tpu.vector_load %arg9[%get3A] {strides = array<i32>} : memref<16xi32, #tpu.memory_space<vmem>>, vector<16xi32>,
    %get3A_5 = arith.constant 0 : index
    %get3A_6 = tpu.vector_load %arg10[%get3A_5] {strides = array<i32>} : memref<32xi32, #tpu.memory_space<vmem>>, vector<16xi32>,
    %get3A_7 = arith.constant 16 : index
    %get3A_8 = tpu.vector_load %arg10[%get3A_7] {strides = array<i32>} : memref<32xi32, #tpu.memory_space<vmem>>, vector<16xi32>,
    %mul3A_9 = arith.constant 5 : i32
    %mul3A_10 = vector.broadcast %mul3A_9 : i32 to vector<16xi32>
    %mul3A_11 = arith.muli %get3A_4, %mul3A_10 : vector<16xi32>
    %add3A_12 = arith.addi %mul3A_11, %get3A_8 : vector<16xi32>
    %gt3A = arith.constant 0 : i32
    %gt3A_13 = vector.broadcast %gt3A : i32 to vector<16xi32>
    %gt3A_14 = arith.cmpi sgt, %get3A_6, %gt3A_13 : vector<16xi32>
    %ge3A = vector.broadcast %mul3A_3 : i32 to vector<16xi32>
    %ge3A_15 = arith.cmpi sge, %add3A_12, %ge3A : vector<16xi32>
    %and3A = arith.andi %gt3A_14, %ge3A_15 : vector<16xi1>
    %add3A_16 = arith.constant 7816 : i32
    %add3A_17 = arith.addi %mul3A_3, %add3A_16 : i32
    %lt3A = vector.broadcast %add3A_17 : i32 to vector<16xi32>
    %lt3A_18 = arith.cmpi slt, %add3A_12, %lt3A : vector<16xi32>
    %and3A_19 = arith.andi %and3A, %lt3A_18 : vector<16xi1>
    %sub3A = vector.broadcast %mul3A_3 : i32 to vector<16xi32>
    %sub3A_20 = arith.subi %add3A_12, %sub3A : vector<16xi32>
    %jit3A = arith.constant 0 : i32
    %broadcast_in_dim3A_21 = vector.broadcast %jit3A : i32 to vector<16xi32>
    %select_n3A = arith.select %and3A_19, %sub3A_20, %broadcast_in_dim3A_21 : vector<16xi1>, vector<16xi32>
    tpu.vector_store_idx %arg8[%select_n3A], %gather3A masked %and3A_19 : memref<7816xf32, #tpu.memory_space<vmem>>[vector<16xi32>], vector<16xf32>, vector<16xi1>
    "tpu.region"() ({
      %run_scoped3A = tpu.sem_alloc : memref<!tpu.dma_semaphore, #tpu.memory_space<semaphore_mem>>
      %dma_start3A = tpu.memref_slice %arg6[%mul3A_3] : memref<250112xf32, #tpu.memory_space<hbm>> -> memref<7816xf32, #tpu.memory_space<hbm>>
      %dma_start3A_22 = tpu.memref_slice %arg6[%mul3A_3] : memref<250112xf32, #tpu.memory_space<hbm>> -> memref<7816xf32, #tpu.memory_space<hbm>>
      tpu.enqueue_dma source(%arg8 : memref<7816xf32, #tpu.memory_space<vmem>>) target(%dma_start3A_22 : memref<7816xf32, #tpu.memory_space<hbm>>) target_semaphore(%run_scoped3A : memref<!tpu.dma_semaphore, #tpu.memory_space<semaphore_mem>>)
      %dma_wait3A = tpu.memref_slice %arg6[%mul3A_3] : memref<250112xf32, #tpu.memory_space<hbm>> -> memref<7816xf32, #tpu.memory_space<hbm>>
      %dma_wait3A_23 = tpu.memref_slice %arg6[%mul3A_3] : memref<250112xf32, #tpu.memory_space<hbm>> -> memref<7816xf32, #tpu.memory_space<hbm>>
      tpu.wait_dma2 semaphore(%run_scoped3A : memref<!tpu.dma_semaphore, #tpu.memory_space<semaphore_mem>>) src(%arg8 : memref<7816xf32, #tpu.memory_space<vmem>>) dst(%dma_wait3A_23 : memref<7816xf32, #tpu.memory_space<hbm>>)
      tpu.yield
    }) : () -> ()
    return
  }
}

#map = affine_map<(d0, d1) -> (0)>
#map1 = affine_map<(d0, d1) -> (0, 0)>
module attributes {stable_mosaic.version = 14 : i64} {
  func.func @_refine_body(%arg0: i32, %arg1: i32, %arg2: memref<2097152xf32, #tpu.memory_space<hbm>>, %arg3: memref<2097152xi32, #tpu.memory_space<hbm>>, %arg4: memref<256xi32, #tpu.memory_space<hbm>>, %arg5: memref<32x65536xi32, #tpu.memory_space<hbm>>, %arg6: memref<2048xf32, #tpu.memory_space<vmem>>, %arg7: memref<2048xi32, #tpu.memory_space<vmem>>, %arg8: memref<256xi32, #tpu.memory_space<vmem>>, %arg9: memref<65536xi32, #tpu.memory_space<vmem>>) attributes {dimension_semantics = [#tpu.dimension_semantics<core_parallel>, #tpu.dimension_semantics<subcore_parallel>], iteration_bounds = array<i64: 2, 16>, scalar_prefetch = 0 : i64, scratch_operands = 4 : i64, tpu.core_type = #tpu.core_type<sc_vector_subcore>, window_params = [{transform_indices = #map}, {transform_indices = #map}, {transform_indices = #map}, {transform_indices = #map1}]} {
    %mul3A = arith.constant 2 : i32
    %mul3A_0 = arith.muli %arg1, %mul3A : i32
    %add3A = arith.addi %mul3A_0, %arg0 : i32
    %iota3A = tpu.iota {dimensions = array<i32: 0>} : vector<16xi32>
    %broadcast_in_dim3A = arith.constant 1 : i32
    %broadcast_in_dim3A_1 = vector.broadcast %broadcast_in_dim3A : i32 to vector<16xi32>
    %scan3A = arith.constant 0 : i32
    %scan3A_2 = arith.constant 0 : i32
    %scan3A_3 = arith.constant 512 : i32
    %scan3A_4 = arith.addi %scan3A_2, %scan3A_3 : i32
    %scan3A_5 = arith.constant 1 : i32
    %scan3A_6 = scf.for %scan3A_17 = %scan3A_2 to %scan3A_4 step %scan3A_5 iter_args(%scan3A_18 = %scan3A) -> (i32)  : i32 {
      %broadcast_in_dim3A_19 = arith.constant 0 : i32
      %broadcast_in_dim3A_20 = vector.broadcast %broadcast_in_dim3A_19 : i32 to vector<16xi32>
      %mul3A_21 = arith.constant 8 : i32
      %mul3A_22 = arith.muli %scan3A_17, %mul3A_21 : i32
      %add3A_23 = arith.constant 0 : i32
      %add3A_24 = arith.addi %mul3A_22, %add3A_23 : i32
      %mul3A_25 = arith.constant 16 : i32
      %mul3A_26 = arith.muli %add3A_24, %mul3A_25 : i32
      %swap3A = arith.index_cast %mul3A_26 : i32 to index
      %swap3A_27 = tpu.vector_load %arg9[%swap3A] {strides = array<i32>} : memref<65536xi32, #tpu.memory_space<vmem>>, vector<16xi32>,
      tpu.vector_store %arg9[%swap3A], %broadcast_in_dim3A_20 {strides = array<i32>} : memref<65536xi32, #tpu.memory_space<vmem>>, vector<16xi32>,
      %broadcast_in_dim3A_28 = arith.constant 0 : i32
      %broadcast_in_dim3A_29 = vector.broadcast %broadcast_in_dim3A_28 : i32 to vector<16xi32>
      %mul3A_30 = arith.constant 8 : i32
      %mul3A_31 = arith.muli %scan3A_17, %mul3A_30 : i32
      %add3A_32 = arith.constant 1 : i32
      %add3A_33 = arith.addi %mul3A_31, %add3A_32 : i32
      %mul3A_34 = arith.constant 16 : i32
      %mul3A_35 = arith.muli %add3A_33, %mul3A_34 : i32
      %swap3A_36 = arith.index_cast %mul3A_35 : i32 to index
      %swap3A_37 = tpu.vector_load %arg9[%swap3A_36] {strides = array<i32>} : memref<65536xi32, #tpu.memory_space<vmem>>, vector<16xi32>,
      tpu.vector_store %arg9[%swap3A_36], %broadcast_in_dim3A_29 {strides = array<i32>} : memref<65536xi32, #tpu.memory_space<vmem>>, vector<16xi32>,
      %broadcast_in_dim3A_38 = arith.constant 0 : i32
      %broadcast_in_dim3A_39 = vector.broadcast %broadcast_in_dim3A_38 : i32 to vector<16xi32>
      %mul3A_40 = arith.constant 8 : i32
      %mul3A_41 = arith.muli %scan3A_17, %mul3A_40 : i32
      %add3A_42 = arith.constant 2 : i32
      %add3A_43 = arith.addi %mul3A_41, %add3A_42 : i32
      %mul3A_44 = arith.constant 16 : i32
      %mul3A_45 = arith.muli %add3A_43, %mul3A_44 : i32
      %swap3A_46 = arith.index_cast %mul3A_45 : i32 to index
      %swap3A_47 = tpu.vector_load %arg9[%swap3A_46] {strides = array<i32>} : memref<65536xi32, #tpu.memory_space<vmem>>, vector<16xi32>,
      tpu.vector_store %arg9[%swap3A_46], %broadcast_in_dim3A_39 {strides = array<i32>} : memref<65536xi32, #tpu.memory_space<vmem>>, vector<16xi32>,
      %broadcast_in_dim3A_48 = arith.constant 0 : i32
      %broadcast_in_dim3A_49 = vector.broadcast %broadcast_in_dim3A_48 : i32 to vector<16xi32>
      %mul3A_50 = arith.constant 8 : i32
      %mul3A_51 = arith.muli %scan3A_17, %mul3A_50 : i32
      %add3A_52 = arith.constant 3 : i32
      %add3A_53 = arith.addi %mul3A_51, %add3A_52 : i32
      %mul3A_54 = arith.constant 16 : i32
      %mul3A_55 = arith.muli %add3A_53, %mul3A_54 : i32
      %swap3A_56 = arith.index_cast %mul3A_55 : i32 to index
      %swap3A_57 = tpu.vector_load %arg9[%swap3A_56] {strides = array<i32>} : memref<65536xi32, #tpu.memory_space<vmem>>, vector<16xi32>,
      tpu.vector_store %arg9[%swap3A_56], %broadcast_in_dim3A_49 {strides = array<i32>} : memref<65536xi32, #tpu.memory_space<vmem>>, vector<16xi32>,
      %broadcast_in_dim3A_58 = arith.constant 0 : i32
      %broadcast_in_dim3A_59 = vector.broadcast %broadcast_in_dim3A_58 : i32 to vector<16xi32>
      %mul3A_60 = arith.constant 8 : i32
      %mul3A_61 = arith.muli %scan3A_17, %mul3A_60 : i32
      %add3A_62 = arith.constant 4 : i32
      %add3A_63 = arith.addi %mul3A_61, %add3A_62 : i32
      %mul3A_64 = arith.constant 16 : i32
      %mul3A_65 = arith.muli %add3A_63, %mul3A_64 : i32
      %swap3A_66 = arith.index_cast %mul3A_65 : i32 to index
      %swap3A_67 = tpu.vector_load %arg9[%swap3A_66] {strides = array<i32>} : memref<65536xi32, #tpu.memory_space<vmem>>, vector<16xi32>,
      tpu.vector_store %arg9[%swap3A_66], %broadcast_in_dim3A_59 {strides = array<i32>} : memref<65536xi32, #tpu.memory_space<vmem>>, vector<16xi32>,
      %broadcast_in_dim3A_68 = arith.constant 0 : i32
      %broadcast_in_dim3A_69 = vector.broadcast %broadcast_in_dim3A_68 : i32 to vector<16xi32>
      %mul3A_70 = arith.constant 8 : i32
      %mul3A_71 = arith.muli %scan3A_17, %mul3A_70 : i32
      %add3A_72 = arith.constant 5 : i32
      %add3A_73 = arith.addi %mul3A_71, %add3A_72 : i32
      %mul3A_74 = arith.constant 16 : i32
      %mul3A_75 = arith.muli %add3A_73, %mul3A_74 : i32
      %swap3A_76 = arith.index_cast %mul3A_75 : i32 to index
      %swap3A_77 = tpu.vector_load %arg9[%swap3A_76] {strides = array<i32>} : memref<65536xi32, #tpu.memory_space<vmem>>, vector<16xi32>,
      tpu.vector_store %arg9[%swap3A_76], %broadcast_in_dim3A_69 {strides = array<i32>} : memref<65536xi32, #tpu.memory_space<vmem>>, vector<16xi32>,
      %broadcast_in_dim3A_78 = arith.constant 0 : i32
      %broadcast_in_dim3A_79 = vector.broadcast %broadcast_in_dim3A_78 : i32 to vector<16xi32>
      %mul3A_80 = arith.constant 8 : i32
      %mul3A_81 = arith.muli %scan3A_17, %mul3A_80 : i32
      %add3A_82 = arith.constant 6 : i32
      %add3A_83 = arith.addi %mul3A_81, %add3A_82 : i32
      %mul3A_84 = arith.constant 16 : i32
      %mul3A_85 = arith.muli %add3A_83, %mul3A_84 : i32
      %swap3A_86 = arith.index_cast %mul3A_85 : i32 to index
      %swap3A_87 = tpu.vector_load %arg9[%swap3A_86] {strides = array<i32>} : memref<65536xi32, #tpu.memory_space<vmem>>, vector<16xi32>,
      tpu.vector_store %arg9[%swap3A_86], %broadcast_in_dim3A_79 {strides = array<i32>} : memref<65536xi32, #tpu.memory_space<vmem>>, vector<16xi32>,
      %broadcast_in_dim3A_88 = arith.constant 0 : i32
      %broadcast_in_dim3A_89 = vector.broadcast %broadcast_in_dim3A_88 : i32 to vector<16xi32>
      %mul3A_90 = arith.constant 8 : i32
      %mul3A_91 = arith.muli %scan3A_17, %mul3A_90 : i32
      %add3A_92 = arith.constant 7 : i32
      %add3A_93 = arith.addi %mul3A_91, %add3A_92 : i32
      %mul3A_94 = arith.constant 16 : i32
      %mul3A_95 = arith.muli %add3A_93, %mul3A_94 : i32
      %swap3A_96 = arith.index_cast %mul3A_95 : i32 to index
      %swap3A_97 = tpu.vector_load %arg9[%swap3A_96] {strides = array<i32>} : memref<65536xi32, #tpu.memory_space<vmem>>, vector<16xi32>,
      tpu.vector_store %arg9[%swap3A_96], %broadcast_in_dim3A_89 {strides = array<i32>} : memref<65536xi32, #tpu.memory_space<vmem>>, vector<16xi32>,
      %scan3A_98 = arith.constant 0 : i32
      scf.yield %scan3A_98 : i32
    }
    %scan3A_7 = arith.constant 512 : i32
    "tpu.region"() ({
      %run_scoped3A = tpu.sem_alloc : memref<!tpu.dma_semaphore, #tpu.memory_space<semaphore_mem>>
      tpu.enqueue_dma source(%arg4 : memref<256xi32, #tpu.memory_space<hbm>>) target(%arg8 : memref<256xi32, #tpu.memory_space<vmem>>) target_semaphore(%run_scoped3A : memref<!tpu.dma_semaphore, #tpu.memory_space<semaphore_mem>>)
      tpu.wait_dma2 semaphore(%run_scoped3A : memref<!tpu.dma_semaphore, #tpu.memory_space<semaphore_mem>>) src(%arg4 : memref<256xi32, #tpu.memory_space<hbm>>) dst(%arg8 : memref<256xi32, #tpu.memory_space<vmem>>)
      tpu.yield
    }) : () -> ()
    %mul3A_8 = arith.constant 65536 : i32
    %mul3A_9 = arith.muli %add3A, %mul3A_8 : i32
    %scan3A_10 = arith.constant 0 : i32
    %scan3A_11 = arith.constant 0 : i32
    %scan3A_12 = arith.constant 32 : i32
    %scan3A_13 = arith.addi %scan3A_11, %scan3A_12 : i32
    %scan3A_14 = arith.constant 1 : i32
    %scan3A_15 = scf.for %scan3A_17 = %scan3A_11 to %scan3A_13 step %scan3A_14 iter_args(%scan3A_18 = %scan3A_10) -> (i32)  : i32 {
      %mul3A_19 = arith.constant 2048 : i32
      %mul3A_20 = arith.muli %scan3A_17, %mul3A_19 : i32
      %add3A_21 = arith.addi %mul3A_9, %mul3A_20 : i32
      "tpu.region"() ({
        %run_scoped3A = tpu.sem_alloc : memref<!tpu.dma_semaphore, #tpu.memory_space<semaphore_mem>>
        %dma_start3A = tpu.memref_slice %arg2[%add3A_21] : memref<2097152xf32, #tpu.memory_space<hbm>> -> memref<2048xf32, #tpu.memory_space<hbm>>
        %dma_start3A_30 = tpu.memref_slice %arg2[%add3A_21] : memref<2097152xf32, #tpu.memory_space<hbm>> -> memref<2048xf32, #tpu.memory_space<hbm>>
        tpu.enqueue_dma source(%dma_start3A_30 : memref<2048xf32, #tpu.memory_space<hbm>>) target(%arg6 : memref<2048xf32, #tpu.memory_space<vmem>>) target_semaphore(%run_scoped3A : memref<!tpu.dma_semaphore, #tpu.memory_space<semaphore_mem>>)
        %dma_wait3A = tpu.memref_slice %arg2[%add3A_21] : memref<2097152xf32, #tpu.memory_space<hbm>> -> memref<2048xf32, #tpu.memory_space<hbm>>
        %dma_wait3A_31 = tpu.memref_slice %arg2[%add3A_21] : memref<2097152xf32, #tpu.memory_space<hbm>> -> memref<2048xf32, #tpu.memory_space<hbm>>
        tpu.wait_dma2 semaphore(%run_scoped3A : memref<!tpu.dma_semaphore, #tpu.memory_space<semaphore_mem>>) src(%dma_wait3A_31 : memref<2048xf32, #tpu.memory_space<hbm>>) dst(%arg6 : memref<2048xf32, #tpu.memory_space<vmem>>)
        tpu.yield
      }) : () -> ()
      "tpu.region"() ({
        %run_scoped3A = tpu.sem_alloc : memref<!tpu.dma_semaphore, #tpu.memory_space<semaphore_mem>>
        %dma_start3A = tpu.memref_slice %arg3[%add3A_21] : memref<2097152xi32, #tpu.memory_space<hbm>> -> memref<2048xi32, #tpu.memory_space<hbm>>
        %dma_start3A_30 = tpu.memref_slice %arg3[%add3A_21] : memref<2097152xi32, #tpu.memory_space<hbm>> -> memref<2048xi32, #tpu.memory_space<hbm>>
        tpu.enqueue_dma source(%dma_start3A_30 : memref<2048xi32, #tpu.memory_space<hbm>>) target(%arg7 : memref<2048xi32, #tpu.memory_space<vmem>>) target_semaphore(%run_scoped3A : memref<!tpu.dma_semaphore, #tpu.memory_space<semaphore_mem>>)
        %dma_wait3A = tpu.memref_slice %arg3[%add3A_21] : memref<2097152xi32, #tpu.memory_space<hbm>> -> memref<2048xi32, #tpu.memory_space<hbm>>
        %dma_wait3A_31 = tpu.memref_slice %arg3[%add3A_21] : memref<2097152xi32, #tpu.memory_space<hbm>> -> memref<2048xi32, #tpu.memory_space<hbm>>
        tpu.wait_dma2 semaphore(%run_scoped3A : memref<!tpu.dma_semaphore, #tpu.memory_space<semaphore_mem>>) src(%dma_wait3A_31 : memref<2048xi32, #tpu.memory_space<hbm>>) dst(%arg7 : memref<2048xi32, #tpu.memory_space<vmem>>)
        tpu.yield
      }) : () -> ()
      %scan3A_22 = arith.constant 0 : i32
      %scan3A_23 = arith.constant 0 : i32
      %scan3A_24 = arith.constant 16 : i32
      %scan3A_25 = arith.addi %scan3A_23, %scan3A_24 : i32
      %scan3A_26 = arith.constant 1 : i32
      %scan3A_27 = scf.for %scan3A_30 = %scan3A_23 to %scan3A_25 step %scan3A_26 iter_args(%scan3A_31 = %scan3A_22) -> (i32)  : i32 {
        %mul3A_32 = arith.constant 8 : i32
        %mul3A_33 = arith.muli %scan3A_30, %mul3A_32 : i32
        %add3A_34 = arith.constant 0 : i32
        %add3A_35 = arith.addi %mul3A_33, %add3A_34 : i32
        %mul3A_36 = arith.constant 16 : i32
        %mul3A_37 = arith.muli %add3A_35, %mul3A_36 : i32
        %get3A = arith.index_cast %mul3A_37 : i32 to index
        %get3A_38 = tpu.vector_load %arg6[%get3A] {strides = array<i32>} : memref<2048xf32, #tpu.memory_space<vmem>>, vector<16xf32>,
        %mul3A_39 = arith.constant 16 : i32
        %mul3A_40 = arith.muli %add3A_35, %mul3A_39 : i32
        %get3A_41 = arith.index_cast %mul3A_40 : i32 to index
        %get3A_42 = tpu.vector_load %arg7[%get3A_41] {strides = array<i32>} : memref<2048xi32, #tpu.memory_space<vmem>>, vector<16xi32>,
        %bitcast3A = vector.bitcast %get3A_38 : vector<16xf32> to vector<16xi32>
        %mul3A_43 = arith.constant 16 : i32
        %mul3A_44 = vector.broadcast %mul3A_43 : i32 to vector<16xi32>
        %mul3A_45 = arith.muli %get3A_42, %mul3A_44 : vector<16xi32>
        %gather3A = tpu.vector_load_idx %arg8[%mul3A_45] : memref<256xi32, #tpu.memory_space<vmem>>[vector<16xi32>], vector<16xi32>,
        %shift_right_logical3A = arith.constant 16 : i32
        %shift_right_logical3A_46 = vector.broadcast %shift_right_logical3A : i32 to vector<16xi32>
        %shift_right_logical3A_47 = arith.shrui %bitcast3A, %shift_right_logical3A_46 : vector<16xi32>
        %eq3A = arith.cmpi eq, %shift_right_logical3A_47, %gather3A : vector<16xi32>
        %shift_right_logical3A_48 = arith.constant 8 : i32
        %shift_right_logical3A_49 = vector.broadcast %shift_right_logical3A_48 : i32 to vector<16xi32>
        %shift_right_logical3A_50 = arith.shrui %bitcast3A, %shift_right_logical3A_49 : vector<16xi32>
        %and3A = arith.constant 255 : i32
        %and3A_51 = vector.broadcast %and3A : i32 to vector<16xi32>
        %and3A_52 = arith.andi %shift_right_logical3A_50, %and3A_51 : vector<16xi32>
        %mul3A_53 = arith.constant 256 : i32
        %mul3A_54 = vector.broadcast %mul3A_53 : i32 to vector<16xi32>
        %mul3A_55 = arith.muli %get3A_42, %mul3A_54 : vector<16xi32>
        %add3A_56 = arith.addi %mul3A_55, %and3A_52 : vector<16xi32>
        %mul3A_57 = arith.constant 16 : i32
        %mul3A_58 = vector.broadcast %mul3A_57 : i32 to vector<16xi32>
        %mul3A_59 = arith.muli %add3A_56, %mul3A_58 : vector<16xi32>
        %add3A_60 = arith.addi %mul3A_59, %iota3A : vector<16xi32>
        tpu.vector_store_idx %arg9[%add3A_60], %broadcast_in_dim3A_1 masked %eq3A {add = true} : memref<65536xi32, #tpu.memory_space<vmem>>[vector<16xi32>], vector<16xi32>, vector<16xi1>
        %mul3A_61 = arith.constant 8 : i32
        %mul3A_62 = arith.muli %scan3A_30, %mul3A_61 : i32
        %add3A_63 = arith.constant 1 : i32
        %add3A_64 = arith.addi %mul3A_62, %add3A_63 : i32
        %mul3A_65 = arith.constant 16 : i32
        %mul3A_66 = arith.muli %add3A_64, %mul3A_65 : i32
        %get3A_67 = arith.index_cast %mul3A_66 : i32 to index
        %get3A_68 = tpu.vector_load %arg6[%get3A_67] {strides = array<i32>} : memref<2048xf32, #tpu.memory_space<vmem>>, vector<16xf32>,
        %mul3A_69 = arith.constant 16 : i32
        %mul3A_70 = arith.muli %add3A_64, %mul3A_69 : i32
        %get3A_71 = arith.index_cast %mul3A_70 : i32 to index
        %get3A_72 = tpu.vector_load %arg7[%get3A_71] {strides = array<i32>} : memref<2048xi32, #tpu.memory_space<vmem>>, vector<16xi32>,
        %bitcast3A_73 = vector.bitcast %get3A_68 : vector<16xf32> to vector<16xi32>
        %mul3A_74 = arith.constant 16 : i32
        %mul3A_75 = vector.broadcast %mul3A_74 : i32 to vector<16xi32>
        %mul3A_76 = arith.muli %get3A_72, %mul3A_75 : vector<16xi32>
        %gather3A_77 = tpu.vector_load_idx %arg8[%mul3A_76] : memref<256xi32, #tpu.memory_space<vmem>>[vector<16xi32>], vector<16xi32>,
        %shift_right_logical3A_78 = arith.constant 16 : i32
        %shift_right_logical3A_79 = vector.broadcast %shift_right_logical3A_78 : i32 to vector<16xi32>
        %shift_right_logical3A_80 = arith.shrui %bitcast3A_73, %shift_right_logical3A_79 : vector<16xi32>
        %eq3A_81 = arith.cmpi eq, %shift_right_logical3A_80, %gather3A_77 : vector<16xi32>
        %shift_right_logical3A_82 = arith.constant 8 : i32
        %shift_right_logical3A_83 = vector.broadcast %shift_right_logical3A_82 : i32 to vector<16xi32>
        %shift_right_logical3A_84 = arith.shrui %bitcast3A_73, %shift_right_logical3A_83 : vector<16xi32>
        %and3A_85 = arith.constant 255 : i32
        %and3A_86 = vector.broadcast %and3A_85 : i32 to vector<16xi32>
        %and3A_87 = arith.andi %shift_right_logical3A_84, %and3A_86 : vector<16xi32>
        %mul3A_88 = arith.constant 256 : i32
        %mul3A_89 = vector.broadcast %mul3A_88 : i32 to vector<16xi32>
        %mul3A_90 = arith.muli %get3A_72, %mul3A_89 : vector<16xi32>
        %add3A_91 = arith.addi %mul3A_90, %and3A_87 : vector<16xi32>
        %mul3A_92 = arith.constant 16 : i32
        %mul3A_93 = vector.broadcast %mul3A_92 : i32 to vector<16xi32>
        %mul3A_94 = arith.muli %add3A_91, %mul3A_93 : vector<16xi32>
        %add3A_95 = arith.addi %mul3A_94, %iota3A : vector<16xi32>
        tpu.vector_store_idx %arg9[%add3A_95], %broadcast_in_dim3A_1 masked %eq3A_81 {add = true} : memref<65536xi32, #tpu.memory_space<vmem>>[vector<16xi32>], vector<16xi32>, vector<16xi1>
        %mul3A_96 = arith.constant 8 : i32
        %mul3A_97 = arith.muli %scan3A_30, %mul3A_96 : i32
        %add3A_98 = arith.constant 2 : i32
        %add3A_99 = arith.addi %mul3A_97, %add3A_98 : i32
        %mul3A_100 = arith.constant 16 : i32
        %mul3A_101 = arith.muli %add3A_99, %mul3A_100 : i32
        %get3A_102 = arith.index_cast %mul3A_101 : i32 to index
        %get3A_103 = tpu.vector_load %arg6[%get3A_102] {strides = array<i32>} : memref<2048xf32, #tpu.memory_space<vmem>>, vector<16xf32>,
        %mul3A_104 = arith.constant 16 : i32
        %mul3A_105 = arith.muli %add3A_99, %mul3A_104 : i32
        %get3A_106 = arith.index_cast %mul3A_105 : i32 to index
        %get3A_107 = tpu.vector_load %arg7[%get3A_106] {strides = array<i32>} : memref<2048xi32, #tpu.memory_space<vmem>>, vector<16xi32>,
        %bitcast3A_108 = vector.bitcast %get3A_103 : vector<16xf32> to vector<16xi32>
        %mul3A_109 = arith.constant 16 : i32
        %mul3A_110 = vector.broadcast %mul3A_109 : i32 to vector<16xi32>
        %mul3A_111 = arith.muli %get3A_107, %mul3A_110 : vector<16xi32>
        %gather3A_112 = tpu.vector_load_idx %arg8[%mul3A_111] : memref<256xi32, #tpu.memory_space<vmem>>[vector<16xi32>], vector<16xi32>,
        %shift_right_logical3A_113 = arith.constant 16 : i32
        %shift_right_logical3A_114 = vector.broadcast %shift_right_logical3A_113 : i32 to vector<16xi32>
        %shift_right_logical3A_115 = arith.shrui %bitcast3A_108, %shift_right_logical3A_114 : vector<16xi32>
        %eq3A_116 = arith.cmpi eq, %shift_right_logical3A_115, %gather3A_112 : vector<16xi32>
        %shift_right_logical3A_117 = arith.constant 8 : i32
        %shift_right_logical3A_118 = vector.broadcast %shift_right_logical3A_117 : i32 to vector<16xi32>
        %shift_right_logical3A_119 = arith.shrui %bitcast3A_108, %shift_right_logical3A_118 : vector<16xi32>
        %and3A_120 = arith.constant 255 : i32
        %and3A_121 = vector.broadcast %and3A_120 : i32 to vector<16xi32>
        %and3A_122 = arith.andi %shift_right_logical3A_119, %and3A_121 : vector<16xi32>
        %mul3A_123 = arith.constant 256 : i32
        %mul3A_124 = vector.broadcast %mul3A_123 : i32 to vector<16xi32>
        %mul3A_125 = arith.muli %get3A_107, %mul3A_124 : vector<16xi32>
        %add3A_126 = arith.addi %mul3A_125, %and3A_122 : vector<16xi32>
        %mul3A_127 = arith.constant 16 : i32
        %mul3A_128 = vector.broadcast %mul3A_127 : i32 to vector<16xi32>
        %mul3A_129 = arith.muli %add3A_126, %mul3A_128 : vector<16xi32>
        %add3A_130 = arith.addi %mul3A_129, %iota3A : vector<16xi32>
        tpu.vector_store_idx %arg9[%add3A_130], %broadcast_in_dim3A_1 masked %eq3A_116 {add = true} : memref<65536xi32, #tpu.memory_space<vmem>>[vector<16xi32>], vector<16xi32>, vector<16xi1>
        %mul3A_131 = arith.constant 8 : i32
        %mul3A_132 = arith.muli %scan3A_30, %mul3A_131 : i32
        %add3A_133 = arith.constant 3 : i32
        %add3A_134 = arith.addi %mul3A_132, %add3A_133 : i32
        %mul3A_135 = arith.constant 16 : i32
        %mul3A_136 = arith.muli %add3A_134, %mul3A_135 : i32
        %get3A_137 = arith.index_cast %mul3A_136 : i32 to index
        %get3A_138 = tpu.vector_load %arg6[%get3A_137] {strides = array<i32>} : memref<2048xf32, #tpu.memory_space<vmem>>, vector<16xf32>,
        %mul3A_139 = arith.constant 16 : i32
        %mul3A_140 = arith.muli %add3A_134, %mul3A_139 : i32
        %get3A_141 = arith.index_cast %mul3A_140 : i32 to index
        %get3A_142 = tpu.vector_load %arg7[%get3A_141] {strides = array<i32>} : memref<2048xi32, #tpu.memory_space<vmem>>, vector<16xi32>,
        %bitcast3A_143 = vector.bitcast %get3A_138 : vector<16xf32> to vector<16xi32>
        %mul3A_144 = arith.constant 16 : i32
        %mul3A_145 = vector.broadcast %mul3A_144 : i32 to vector<16xi32>
        %mul3A_146 = arith.muli %get3A_142, %mul3A_145 : vector<16xi32>
        %gather3A_147 = tpu.vector_load_idx %arg8[%mul3A_146] : memref<256xi32, #tpu.memory_space<vmem>>[vector<16xi32>], vector<16xi32>,
        %shift_right_logical3A_148 = arith.constant 16 : i32
        %shift_right_logical3A_149 = vector.broadcast %shift_right_logical3A_148 : i32 to vector<16xi32>
        %shift_right_logical3A_150 = arith.shrui %bitcast3A_143, %shift_right_logical3A_149 : vector<16xi32>
        %eq3A_151 = arith.cmpi eq, %shift_right_logical3A_150, %gather3A_147 : vector<16xi32>
        %shift_right_logical3A_152 = arith.constant 8 : i32
        %shift_right_logical3A_153 = vector.broadcast %shift_right_logical3A_152 : i32 to vector<16xi32>
        %shift_right_logical3A_154 = arith.shrui %bitcast3A_143, %shift_right_logical3A_153 : vector<16xi32>
        %and3A_155 = arith.constant 255 : i32
        %and3A_156 = vector.broadcast %and3A_155 : i32 to vector<16xi32>
        %and3A_157 = arith.andi %shift_right_logical3A_154, %and3A_156 : vector<16xi32>
        %mul3A_158 = arith.constant 256 : i32
        %mul3A_159 = vector.broadcast %mul3A_158 : i32 to vector<16xi32>
        %mul3A_160 = arith.muli %get3A_142, %mul3A_159 : vector<16xi32>
        %add3A_161 = arith.addi %mul3A_160, %and3A_157 : vector<16xi32>
        %mul3A_162 = arith.constant 16 : i32
        %mul3A_163 = vector.broadcast %mul3A_162 : i32 to vector<16xi32>
        %mul3A_164 = arith.muli %add3A_161, %mul3A_163 : vector<16xi32>
        %add3A_165 = arith.addi %mul3A_164, %iota3A : vector<16xi32>
        tpu.vector_store_idx %arg9[%add3A_165], %broadcast_in_dim3A_1 masked %eq3A_151 {add = true} : memref<65536xi32, #tpu.memory_space<vmem>>[vector<16xi32>], vector<16xi32>, vector<16xi1>
        %mul3A_166 = arith.constant 8 : i32
        %mul3A_167 = arith.muli %scan3A_30, %mul3A_166 : i32
        %add3A_168 = arith.constant 4 : i32
        %add3A_169 = arith.addi %mul3A_167, %add3A_168 : i32
        %mul3A_170 = arith.constant 16 : i32
        %mul3A_171 = arith.muli %add3A_169, %mul3A_170 : i32
        %get3A_172 = arith.index_cast %mul3A_171 : i32 to index
        %get3A_173 = tpu.vector_load %arg6[%get3A_172] {strides = array<i32>} : memref<2048xf32, #tpu.memory_space<vmem>>, vector<16xf32>,
        %mul3A_174 = arith.constant 16 : i32
        %mul3A_175 = arith.muli %add3A_169, %mul3A_174 : i32
        %get3A_176 = arith.index_cast %mul3A_175 : i32 to index
        %get3A_177 = tpu.vector_load %arg7[%get3A_176] {strides = array<i32>} : memref<2048xi32, #tpu.memory_space<vmem>>, vector<16xi32>,
        %bitcast3A_178 = vector.bitcast %get3A_173 : vector<16xf32> to vector<16xi32>
        %mul3A_179 = arith.constant 16 : i32
        %mul3A_180 = vector.broadcast %mul3A_179 : i32 to vector<16xi32>
        %mul3A_181 = arith.muli %get3A_177, %mul3A_180 : vector<16xi32>
        %gather3A_182 = tpu.vector_load_idx %arg8[%mul3A_181] : memref<256xi32, #tpu.memory_space<vmem>>[vector<16xi32>], vector<16xi32>,
        %shift_right_logical3A_183 = arith.constant 16 : i32
        %shift_right_logical3A_184 = vector.broadcast %shift_right_logical3A_183 : i32 to vector<16xi32>
        %shift_right_logical3A_185 = arith.shrui %bitcast3A_178, %shift_right_logical3A_184 : vector<16xi32>
        %eq3A_186 = arith.cmpi eq, %shift_right_logical3A_185, %gather3A_182 : vector<16xi32>
        %shift_right_logical3A_187 = arith.constant 8 : i32
        %shift_right_logical3A_188 = vector.broadcast %shift_right_logical3A_187 : i32 to vector<16xi32>
        %shift_right_logical3A_189 = arith.shrui %bitcast3A_178, %shift_right_logical3A_188 : vector<16xi32>
        %and3A_190 = arith.constant 255 : i32
        %and3A_191 = vector.broadcast %and3A_190 : i32 to vector<16xi32>
        %and3A_192 = arith.andi %shift_right_logical3A_189, %and3A_191 : vector<16xi32>
        %mul3A_193 = arith.constant 256 : i32
        %mul3A_194 = vector.broadcast %mul3A_193 : i32 to vector<16xi32>
        %mul3A_195 = arith.muli %get3A_177, %mul3A_194 : vector<16xi32>
        %add3A_196 = arith.addi %mul3A_195, %and3A_192 : vector<16xi32>
        %mul3A_197 = arith.constant 16 : i32
        %mul3A_198 = vector.broadcast %mul3A_197 : i32 to vector<16xi32>
        %mul3A_199 = arith.muli %add3A_196, %mul3A_198 : vector<16xi32>
        %add3A_200 = arith.addi %mul3A_199, %iota3A : vector<16xi32>
        tpu.vector_store_idx %arg9[%add3A_200], %broadcast_in_dim3A_1 masked %eq3A_186 {add = true} : memref<65536xi32, #tpu.memory_space<vmem>>[vector<16xi32>], vector<16xi32>, vector<16xi1>
        %mul3A_201 = arith.constant 8 : i32
        %mul3A_202 = arith.muli %scan3A_30, %mul3A_201 : i32
        %add3A_203 = arith.constant 5 : i32
        %add3A_204 = arith.addi %mul3A_202, %add3A_203 : i32
        %mul3A_205 = arith.constant 16 : i32
        %mul3A_206 = arith.muli %add3A_204, %mul3A_205 : i32
        %get3A_207 = arith.index_cast %mul3A_206 : i32 to index
        %get3A_208 = tpu.vector_load %arg6[%get3A_207] {strides = array<i32>} : memref<2048xf32, #tpu.memory_space<vmem>>, vector<16xf32>,
        %mul3A_209 = arith.constant 16 : i32
        %mul3A_210 = arith.muli %add3A_204, %mul3A_209 : i32
        %get3A_211 = arith.index_cast %mul3A_210 : i32 to index
        %get3A_212 = tpu.vector_load %arg7[%get3A_211] {strides = array<i32>} : memref<2048xi32, #tpu.memory_space<vmem>>, vector<16xi32>,
        %bitcast3A_213 = vector.bitcast %get3A_208 : vector<16xf32> to vector<16xi32>
        %mul3A_214 = arith.constant 16 : i32
        %mul3A_215 = vector.broadcast %mul3A_214 : i32 to vector<16xi32>
        %mul3A_216 = arith.muli %get3A_212, %mul3A_215 : vector<16xi32>
        %gather3A_217 = tpu.vector_load_idx %arg8[%mul3A_216] : memref<256xi32, #tpu.memory_space<vmem>>[vector<16xi32>], vector<16xi32>,
        %shift_right_logical3A_218 = arith.constant 16 : i32
        %shift_right_logical3A_219 = vector.broadcast %shift_right_logical3A_218 : i32 to vector<16xi32>
        %shift_right_logical3A_220 = arith.shrui %bitcast3A_213, %shift_right_logical3A_219 : vector<16xi32>
        %eq3A_221 = arith.cmpi eq, %shift_right_logical3A_220, %gather3A_217 : vector<16xi32>
        %shift_right_logical3A_222 = arith.constant 8 : i32
        %shift_right_logical3A_223 = vector.broadcast %shift_right_logical3A_222 : i32 to vector<16xi32>
        %shift_right_logical3A_224 = arith.shrui %bitcast3A_213, %shift_right_logical3A_223 : vector<16xi32>
        %and3A_225 = arith.constant 255 : i32
        %and3A_226 = vector.broadcast %and3A_225 : i32 to vector<16xi32>
        %and3A_227 = arith.andi %shift_right_logical3A_224, %and3A_226 : vector<16xi32>
        %mul3A_228 = arith.constant 256 : i32
        %mul3A_229 = vector.broadcast %mul3A_228 : i32 to vector<16xi32>
        %mul3A_230 = arith.muli %get3A_212, %mul3A_229 : vector<16xi32>
        %add3A_231 = arith.addi %mul3A_230, %and3A_227 : vector<16xi32>
        %mul3A_232 = arith.constant 16 : i32
        %mul3A_233 = vector.broadcast %mul3A_232 : i32 to vector<16xi32>
        %mul3A_234 = arith.muli %add3A_231, %mul3A_233 : vector<16xi32>
        %add3A_235 = arith.addi %mul3A_234, %iota3A : vector<16xi32>
        tpu.vector_store_idx %arg9[%add3A_235], %broadcast_in_dim3A_1 masked %eq3A_221 {add = true} : memref<65536xi32, #tpu.memory_space<vmem>>[vector<16xi32>], vector<16xi32>, vector<16xi1>
        %mul3A_236 = arith.constant 8 : i32
        %mul3A_237 = arith.muli %scan3A_30, %mul3A_236 : i32
        %add3A_238 = arith.constant 6 : i32
        %add3A_239 = arith.addi %mul3A_237, %add3A_238 : i32
        %mul3A_240 = arith.constant 16 : i32
        %mul3A_241 = arith.muli %add3A_239, %mul3A_240 : i32
        %get3A_242 = arith.index_cast %mul3A_241 : i32 to index
        %get3A_243 = tpu.vector_load %arg6[%get3A_242] {strides = array<i32>} : memref<2048xf32, #tpu.memory_space<vmem>>, vector<16xf32>,
        %mul3A_244 = arith.constant 16 : i32
        %mul3A_245 = arith.muli %add3A_239, %mul3A_244 : i32
        %get3A_246 = arith.index_cast %mul3A_245 : i32 to index
        %get3A_247 = tpu.vector_load %arg7[%get3A_246] {strides = array<i32>} : memref<2048xi32, #tpu.memory_space<vmem>>, vector<16xi32>,
        %bitcast3A_248 = vector.bitcast %get3A_243 : vector<16xf32> to vector<16xi32>
        %mul3A_249 = arith.constant 16 : i32
        %mul3A_250 = vector.broadcast %mul3A_249 : i32 to vector<16xi32>
        %mul3A_251 = arith.muli %get3A_247, %mul3A_250 : vector<16xi32>
        %gather3A_252 = tpu.vector_load_idx %arg8[%mul3A_251] : memref<256xi32, #tpu.memory_space<vmem>>[vector<16xi32>], vector<16xi32>,
        %shift_right_logical3A_253 = arith.constant 16 : i32
        %shift_right_logical3A_254 = vector.broadcast %shift_right_logical3A_253 : i32 to vector<16xi32>
        %shift_right_logical3A_255 = arith.shrui %bitcast3A_248, %shift_right_logical3A_254 : vector<16xi32>
        %eq3A_256 = arith.cmpi eq, %shift_right_logical3A_255, %gather3A_252 : vector<16xi32>
        %shift_right_logical3A_257 = arith.constant 8 : i32
        %shift_right_logical3A_258 = vector.broadcast %shift_right_logical3A_257 : i32 to vector<16xi32>
        %shift_right_logical3A_259 = arith.shrui %bitcast3A_248, %shift_right_logical3A_258 : vector<16xi32>
        %and3A_260 = arith.constant 255 : i32
        %and3A_261 = vector.broadcast %and3A_260 : i32 to vector<16xi32>
        %and3A_262 = arith.andi %shift_right_logical3A_259, %and3A_261 : vector<16xi32>
        %mul3A_263 = arith.constant 256 : i32
        %mul3A_264 = vector.broadcast %mul3A_263 : i32 to vector<16xi32>
        %mul3A_265 = arith.muli %get3A_247, %mul3A_264 : vector<16xi32>
        %add3A_266 = arith.addi %mul3A_265, %and3A_262 : vector<16xi32>
        %mul3A_267 = arith.constant 16 : i32
        %mul3A_268 = vector.broadcast %mul3A_267 : i32 to vector<16xi32>
        %mul3A_269 = arith.muli %add3A_266, %mul3A_268 : vector<16xi32>
        %add3A_270 = arith.addi %mul3A_269, %iota3A : vector<16xi32>
        tpu.vector_store_idx %arg9[%add3A_270], %broadcast_in_dim3A_1 masked %eq3A_256 {add = true} : memref<65536xi32, #tpu.memory_space<vmem>>[vector<16xi32>], vector<16xi32>, vector<16xi1>
        %mul3A_271 = arith.constant 8 : i32
        %mul3A_272 = arith.muli %scan3A_30, %mul3A_271 : i32
        %add3A_273 = arith.constant 7 : i32
        %add3A_274 = arith.addi %mul3A_272, %add3A_273 : i32
        %mul3A_275 = arith.constant 16 : i32
        %mul3A_276 = arith.muli %add3A_274, %mul3A_275 : i32
        %get3A_277 = arith.index_cast %mul3A_276 : i32 to index
        %get3A_278 = tpu.vector_load %arg6[%get3A_277] {strides = array<i32>} : memref<2048xf32, #tpu.memory_space<vmem>>, vector<16xf32>,
        %mul3A_279 = arith.constant 16 : i32
        %mul3A_280 = arith.muli %add3A_274, %mul3A_279 : i32
        %get3A_281 = arith.index_cast %mul3A_280 : i32 to index
        %get3A_282 = tpu.vector_load %arg7[%get3A_281] {strides = array<i32>} : memref<2048xi32, #tpu.memory_space<vmem>>, vector<16xi32>,
        %bitcast3A_283 = vector.bitcast %get3A_278 : vector<16xf32> to vector<16xi32>
        %mul3A_284 = arith.constant 16 : i32
        %mul3A_285 = vector.broadcast %mul3A_284 : i32 to vector<16xi32>
        %mul3A_286 = arith.muli %get3A_282, %mul3A_285 : vector<16xi32>
        %gather3A_287 = tpu.vector_load_idx %arg8[%mul3A_286] : memref<256xi32, #tpu.memory_space<vmem>>[vector<16xi32>], vector<16xi32>,
        %shift_right_logical3A_288 = arith.constant 16 : i32
        %shift_right_logical3A_289 = vector.broadcast %shift_right_logical3A_288 : i32 to vector<16xi32>
        %shift_right_logical3A_290 = arith.shrui %bitcast3A_283, %shift_right_logical3A_289 : vector<16xi32>
        %eq3A_291 = arith.cmpi eq, %shift_right_logical3A_290, %gather3A_287 : vector<16xi32>
        %shift_right_logical3A_292 = arith.constant 8 : i32
        %shift_right_logical3A_293 = vector.broadcast %shift_right_logical3A_292 : i32 to vector<16xi32>
        %shift_right_logical3A_294 = arith.shrui %bitcast3A_283, %shift_right_logical3A_293 : vector<16xi32>
        %and3A_295 = arith.constant 255 : i32
        %and3A_296 = vector.broadcast %and3A_295 : i32 to vector<16xi32>
        %and3A_297 = arith.andi %shift_right_logical3A_294, %and3A_296 : vector<16xi32>
        %mul3A_298 = arith.constant 256 : i32
        %mul3A_299 = vector.broadcast %mul3A_298 : i32 to vector<16xi32>
        %mul3A_300 = arith.muli %get3A_282, %mul3A_299 : vector<16xi32>
        %add3A_301 = arith.addi %mul3A_300, %and3A_297 : vector<16xi32>
        %mul3A_302 = arith.constant 16 : i32
        %mul3A_303 = vector.broadcast %mul3A_302 : i32 to vector<16xi32>
        %mul3A_304 = arith.muli %add3A_301, %mul3A_303 : vector<16xi32>
        %add3A_305 = arith.addi %mul3A_304, %iota3A : vector<16xi32>
        tpu.vector_store_idx %arg9[%add3A_305], %broadcast_in_dim3A_1 masked %eq3A_291 {add = true} : memref<65536xi32, #tpu.memory_space<vmem>>[vector<16xi32>], vector<16xi32>, vector<16xi1>
        %scan3A_306 = arith.constant 0 : i32
        scf.yield %scan3A_306 : i32
      }
      %scan3A_28 = arith.constant 16 : i32
      %scan3A_29 = arith.constant 0 : i32
      scf.yield %scan3A_29 : i32
    }
    %scan3A_16 = arith.constant 32 : i32
    "tpu.region"() ({
      %run_scoped3A = tpu.sem_alloc : memref<!tpu.dma_semaphore, #tpu.memory_space<semaphore_mem>>
      %dma_start3A = arith.constant 0 : i32
      %dma_start3A_17 = tpu.memref_slice %arg5[%add3A, %dma_start3A] : memref<32x65536xi32, #tpu.memory_space<hbm>> -> memref<1x65536xi32, #tpu.memory_space<hbm>>
      %dma_start3A_18 = tpu.memref_squeeze %dma_start3A_17 : memref<1x65536xi32, #tpu.memory_space<hbm>> -> memref<65536xi32, #tpu.memory_space<hbm>>
      %dma_start3A_19 = arith.constant 0 : i32
      %dma_start3A_20 = tpu.memref_slice %arg5[%add3A, %dma_start3A_19] : memref<32x65536xi32, #tpu.memory_space<hbm>> -> memref<1x65536xi32, #tpu.memory_space<hbm>>
      %dma_start3A_21 = tpu.memref_squeeze %dma_start3A_20 : memref<1x65536xi32, #tpu.memory_space<hbm>> -> memref<65536xi32, #tpu.memory_space<hbm>>
      tpu.enqueue_dma source(%arg9 : memref<65536xi32, #tpu.memory_space<vmem>>) target(%dma_start3A_21 : memref<65536xi32, #tpu.memory_space<hbm>>) target_semaphore(%run_scoped3A : memref<!tpu.dma_semaphore, #tpu.memory_space<semaphore_mem>>)
      %dma_wait3A = arith.constant 0 : i32
      %dma_wait3A_22 = tpu.memref_slice %arg5[%add3A, %dma_wait3A] : memref<32x65536xi32, #tpu.memory_space<hbm>> -> memref<1x65536xi32, #tpu.memory_space<hbm>>
      %dma_wait3A_23 = tpu.memref_squeeze %dma_wait3A_22 : memref<1x65536xi32, #tpu.memory_space<hbm>> -> memref<65536xi32, #tpu.memory_space<hbm>>
      %dma_wait3A_24 = arith.constant 0 : i32
      %dma_wait3A_25 = tpu.memref_slice %arg5[%add3A, %dma_wait3A_24] : memref<32x65536xi32, #tpu.memory_space<hbm>> -> memref<1x65536xi32, #tpu.memory_space<hbm>>
      %dma_wait3A_26 = tpu.memref_squeeze %dma_wait3A_25 : memref<1x65536xi32, #tpu.memory_space<hbm>> -> memref<65536xi32, #tpu.memory_space<hbm>>
      tpu.wait_dma2 semaphore(%run_scoped3A : memref<!tpu.dma_semaphore, #tpu.memory_space<semaphore_mem>>) src(%arg9 : memref<65536xi32, #tpu.memory_space<vmem>>) dst(%dma_wait3A_26 : memref<65536xi32, #tpu.memory_space<hbm>>)
      tpu.yield
    }) : () -> ()
    return
  }
}

</mosaic_0001>

<sc_bundles>
// kernel: kernel.12.cloned.1.call-start
scs
__scs_entry_jumppad:
0x0: {  	(pc) =	sbr.rel $0x88, $3  }
0x1: {  	(tag) =	ssettag $0x0;
	lr =	simm.s32 $0x1  }
0x2: {  	[smem:$0x3F9B] =	sst lr;
	_ =	strace $0xD0000000  }
0x3: {  	_ = 	snop  }
0x4: {  	_ = 	snop  }
0x5: {  	_ = 	snop  }
0x6: {  	_ = 	snop  }
0x7: {  	_ = 	snop  }
__scs_overlays_trampoline_lowered:
0x8: {  	[smem:$0x3FAA] =	sst s0  }
0x9: {  	[smem:$0x3FAB] =	sst s1  }
0xa: {  	[smem:$0x3FAC] =	sst s2  }
0xb: {  	[smem:$0x3FAD] =	sst s3  }
0xc: {  	[smem:$0x3FAE] =	sst s4  }
0xd: {  	[smem:$0x3FAF] =	sst s5  }
0xe: {  	[smem:$0x3FB0] =	sst s6  }
0xf: {  	[smem:$0x3FB1] =	sst s7  }
0x10: {  	[smem:$0x3FB2] =	sst s8  }
0x11: {  	[smem:$0x3FB3] =	sst s9;
	s0 =	simm.s32 @!p0 $0x0  }
0x12: {  	s1 =	sld [smem:$0x3F99];
	s0 =	simm.s32 @p0 $0x1  }
0x13: {  	[smem:$0x3FB4] =	sst s0;
	s0 =	simm.s32 @!p1 $0x0  }
0x14: {  	s2 =	sld [smem:$0x3F98];
	s0 =	simm.s32 @p1 $0x1  }
0x15: {  	[smem:$0x3FB5] =	sst s0;
	s0 =	simm.s32 @!p2 $0x0  }
0x16: {  	s3 =	sld [smem:$0x3FDB];
	s0 =	simm.s32 @p2 $0x1  }
0x17: {  	s4 =	simm.s32 $0x1BF5;
	[smem:$0x3FB7] =	sst s0  }
0x18: {  	s0 =	sld [smem:$0x3F9A];
	_ =	swait.ge [sflag:s4], $0x0  }
0x19: {  	s7 =	sld [smem:$0x3F9B]  }
0x1a: {  	s8 =	sadd.s32 $0xFFFFE003, lr  }
0x1b: {  	s9 =	sadd.s32 $0xFFFFFEF7, lr;
	s5 =	simm.s32 $0xFFFFFFFF;
	p2 =	slt.u32 s8, $0xFFFFF086  }
0x1c: {  	p1 =	slt.u32 s9, $0xF7A;
	s5 =	simm.s32 @!p2 $0x0  }
0x1d: {  	s5 =	simm.s32 @p1 $0x1;
	p0 =	seq.s32 s7, s2  }
0x1e: {  	s7 =	smul.u32 @!p0 $0xF7A, s2;
	p2 =	seq.s32 @!p0 s5, $0x0  }
0x1f: {  	s9 =	smul.u32 $0xF7A, s1;
	s8 =	simm.s32 @!p0 $0x1BF5;
	p2 =	por !p2, p0  }
0x20: {  	[sflag:s8] =	ssyncset.s32 @!p0 $0xFFFFF086;
	s6 =	sadd.s32 @!p0 s3, s7;
	s7 =	simm.s32 @!p0 $0x108  }
0x21: {  	s3 =	sadd.s32 s3, s9;
	s6 =	sadd.s32 @!p0 $0x88, s6;
	s7 =	simm.s32 @p2 $0x1082  }
0x22: {  	[simem:s7], [sflag:s8] =	dma.local @!p0 [hbm:s6], $0xF7A  }
0x23: {  	s9 =	sor.u32 $0xD0000000, s2;
	s6 =	simm.s32 $0x108;
	_ =	swait.ge @!p0 [sflag:s8], $0x0  }
0x24: {  	s3 =	sadd.s32 $0x88, s3;
	s6 =	simm.s32 @!p1 $0x1082;
	[sflag:s4] =	ssyncset.s32 $0xFFFFF086  }
0x25: {  	[simem:s6], [sflag:s4] =	dma.local [hbm:s3], $0xF7A  }
0x26: {  	[smem:$0x3F9B] =	sst s1;
	(tag) =	ssettag s2;
	_ =	strace s9  }
0x27: {  	s1 =	sld [smem:$0x3FAB]  }
0x28: {  	s2 =	sld [smem:$0x3FAC]  }
0x29: {  	s4 =	sld [smem:$0x3FAE]  }
0x2a: {  	p0 =	seq.s32 s5, $0x0;
	s5 =	sld [smem:$0x3FAF]  }
0x2b: {  	s6 =	sld [smem:$0x3FB0]  }
0x2c: {  	s7 =	sld [smem:$0x3FB1]  }
0x2d: {  	s3 =	simm.s32 $0x108;
	s8 =	sld [smem:$0x3FB2]  }
0x2e: {  	s3 =	simm.s32 @!p0 $0x1082;
	s9 =	sld [smem:$0x3FB3]  }
0x2f: {  	lr =	sadd.s32 s0, s3;
	s0 =	sld [smem:$0x3FAA]  }
0x30: {  	s3 =	sld [smem:$0x3FAD]  }
0x31: {  	[smem:$0x3FB6] =	sst s10  }
0x32: {  	s10 =	sld [smem:$0x3FB4];
	_ =	sdelay $0x3  }
0x33: {  	p0 =	seq.s32 s10, $0x1;
	s10 =	sld [smem:$0x3FB6];
	_ =	sdelay $0x3  }
0x34: {  	[smem:$0x3FB6] =	sst s10  }
0x35: {  	s10 =	sld [smem:$0x3FB5];
	_ =	sdelay $0x3  }
0x36: {  	p1 =	seq.s32 s10, $0x1;
	s10 =	sld [smem:$0x3FB6];
	_ =	sdelay $0x3  }
0x37: {  	[smem:$0x3FB6] =	sst s10  }
0x38: {  	s10 =	sld [smem:$0x3FB7]  }
0x39: {  	_ = 	snop;
	(pc) =	sbr.ind lr, $3  }
0x3a: {  	_ = 	snop  }
0x3b: {  	_ = 	snop  }
0x3c: {  	p2 =	seq.s32 s10, $0x1;
	s10 =	sld [smem:$0x3FB6]  }
0x3d: {  	_ =	shalt  }
0x3e: {  	_ =	shalt  }
0x3f: {  	_ =	shalt  }
0x40: {  	_ =	shalt  }
0x41: {  	_ =	shalt  }
0x42: {  	_ =	shalt  }
0x43: {  	_ =	shalt  }
0x44: {  	_ =	shalt  }
0x45: {  	_ =	shalt  }
0x46: {  	_ =	shalt  }
0x47: {  	_ =	shalt  }
0x48: {  	_ =	shalt  }
0x49: {  	_ =	shalt  }
0x4a: {  	_ =	shalt  }
0x4b: {  	_ =	shalt  }
0x4c: {  	_ =	shalt  }
0x4d: {  	_ =	shalt  }
0x4e: {  	_ =	shalt  }
0x4f: {  	_ =	shalt  }
0x50: {  	_ =	shalt  }
0x51: {  	_ =	shalt  }
0x52: {  	_ =	shalt  }
0x53: {  	_ =	shalt  }
0x54: {  	_ =	shalt  }
0x55: {  	_ =	shalt  }
0x56: {  	_ =	shalt  }
0x57: {  	_ =	shalt  }
0x58: {  	_ =	shalt  }
0x59: {  	_ =	shalt  }
0x5a: {  	_ =	shalt  }
0x5b: {  	_ =	shalt  }
0x5c: {  	_ =	shalt  }
0x5d: {  	_ =	shalt  }
0x5e: {  	_ =	shalt  }
0x5f: {  	_ =	shalt  }
0x60: {  	_ =	shalt  }
0x61: {  	_ =	shalt  }
0x62: {  	_ =	shalt  }
0x63: {  	_ =	shalt  }
0x64: {  	_ =	shalt  }
0x65: {  	_ =	shalt  }
0x66: {  	_ =	shalt  }
0x67: {  	_ =	shalt  }
0x68: {  	_ =	shalt  }
0x69: {  	_ =	shalt  }
0x6a: {  	_ =	shalt  }
0x6b: {  	_ =	shalt  }
0x6c: {  	_ =	shalt  }
0x6d: {  	_ =	shalt  }
0x6e: {  	_ =	shalt  }
0x6f: {  	_ =	shalt  }
0x70: {  	_ =	shalt  }
0x71: {  	_ =	shalt  }
0x72: {  	_ =	shalt  }
0x73: {  	_ =	shalt  }
0x74: {  	_ =	shalt  }
0x75: {  	_ =	shalt  }
0x76: {  	_ =	shalt  }
0x77: {  	_ =	shalt  }
0x78: {  	_ =	shalt  }
0x79: {  	_ =	shalt  }
0x7a: {  	_ =	shalt  }
0x7b: {  	_ =	shalt  }
0x7c: {  	_ =	shalt  }
0x7d: {  	_ =	shalt  }
0x7e: {  	_ =	shalt  }
0x7f: {  	_ =	shalt  }
0x80: {  	_ =	shalt  }
0x81: {  	_ =	shalt  }
0x82: {  	_ =	shalt  }
0x83: {  	_ =	shalt  }
0x84: {  	_ =	shalt  }
0x85: {  	_ =	shalt  }
0x86: {  	_ =	shalt  }
0x87: {  	_ =	shalt  }
.Lfunc_end0:
.L_simem_size_0:
called_computation.1_lowered:
.L_overlay_start_0:
0x88: {  	s2 =	sld [smem:$0x3FD9]  }
0x89: {  	s3 =	sld [smem:$0x3FFE];
	_ =	sdelay $0x1  }
0x8a: {  	s1 =	srdreg.scid  }
0x8b: {  	s0 =	sand.u32 $0x1, s1  }
0x8c: {  	s14 =	sshll.u32 s0, $0xA;
	s2 =	sadd.s32 s3, s2  }
0x8d: {  	s2 =	sadd.s32 s2, s14  }
0x8e: {  	[smem:$0x3FC2] =	sst s2  }
0x8f: {  	_ = 	snop  }
0x90: {  	s2 =	sld [smem:$0x3FD0];
	_ =	sdelay $0x2  }
0x91: {  	s15 =	simm.s32 $0xA;
	s4 =	simm.s32 $0x10  }
0x92: {  	[smem:s4], [sflag:s15] =	dma.local [hbm:s2], $0x1  }
0x93: {  	_ =	swait.eq [sflag:s15], $0x1  }
0x94: {  	[sflag:s15] =	ssyncset.done $0x0  }
0x95: {  	s16 =	sld [smem:$0x10];
	[sflag:s15] =	ssyncadd.s32 $0xFFFFFFFF  }
0x96: {  	s17 =	sld [smem:$0x11];
	(tm) =	ssettm $0x1  }
0x97: {  	s18 =	sld [smem:$0x3FFB];
	_ =	sdelay $0x3  }
0x98: {  	_ =	strace s18  }
0x99: {  	s4 =	sld [smem:$0x3FFC];
	_ =	sdelay $0x3  }
0x9a: {  	_ =	strace s4  }
0x9b: {  	s4 =	sld [smem:$0x3FFD];
	_ =	sdelay $0x3  }
0x9c: {  	_ =	strace s4  }
0x9d: {  	_ =	strace $0x8FFFFFFF  }
0x9e: {  	s19 =	sld [smem:$0x3FDB];
	_ =	sdelay $0x1  }
0x9f: {  	s5 =	simm.s32 $_scs_section_size  }
0xa0: {  	s6 =	simm.s32 $_size__tile_overlayer_lowered;
	s7 =	simm.s32 $_tile_overlayer_lowered  }
0xa1: {  	s22 =	simm.s32 $0x1BFF;
	s21 =	sshll.u32 s7, $0x1;
	s4 =	sadd.s32 s5, s19  }
0xa2: {  	s8 =	simm.s32 $0x0;
	s20 =	sshll.u32 s6, $0x1;
	s6 =	sadd.s32 s21, s4  }
0xa3: {  	[timem:s8], [sflag:s22] =	dma.local [hbm:s6], s20  }
0xa4: {  	_ =	swait.ge [sflag:s22], s20  }
0xa5: {  	s5 =	ssub.s32 $0x0, s20;
	[sflag:s22] =	ssyncset.done $0x0  }
0xa6: {  	[sflag:s22] =	ssyncadd.s32 s5;
	_ =	sdelay $0x1  }
0xa7: {  	s23 =	simm.s32 $0x1B8B  }
0xa8: {  	_ =	swait.ge [sflag:s23], $0x1  }
0xa9: {  	[sflag:s23] =	ssyncset.done $0x0  }
0xaa: {  	s25 =	simm.s32 $0x1B8E;
	s24 =	sld [smem:$0x3FFE];
	[sflag:s23] =	ssyncadd.s32 $0xFFFFFFFF  }
0xab: {  	s26 =	simm.s32 $execute0_lowered;
	[smem:$0x3FD2] =	sst s25  }
0xac: {  	s6 =	sshll.u32 s26, $0x1;
	_ =	strace $0x80000049;
	[dreg:$0x1] =	wrdreg $0xFFFFFFFF  }
0xad: {  	s28 =	simm.s32 $_size_execute0_lowered;
	s4 =	sadd.s32 s4, s6;
	[dreg:$0x0] =	wrdreg $0x0  }
0xae: {  	s6 =	sshll.u32 s28, $0x1;
	[dreg:$0x2] =	wrdreg s4  }
0xaf: {  	[dreg:$0x3] =	wrdreg s6  }
0xb0: {  	[dreg:$0x4] =	wrdreg $0xC0  }
0xb1: {  	_ =	task [dreg:s8], $0x5FFFF  }
0xb2: {  	[dreg:$0x1] =	wrdreg $0xFFFFFFFF  }
0xb3: {  	[dreg:$0x0] =	wrdreg $0x60  }
0xb4: {  	[dreg:$0x2] =	wrdreg s24  }
0xb5: {  	[dreg:$0x3] =	wrdreg s17  }
0xb6: {  	[dreg:$0x4] =	wrdreg s16  }
0xb7: {  	[dreg:$0x5] =	wrdreg $0x9  }
0xb8: {  	_ =	task.clear_ibuf [dreg:s8], $0x6FFFF;
	_ =	strace $0x90000049  }
0xb9: {  	s29 =	simm.s32 $0x9;
	_ =	strace $0x8000004B  }
0xba: {  	_ =	swait.ge [sflag:s29], $0x1  }
0xbb: {  	[sflag:s29] =	ssyncadd.s32 $0xFFFFFFFF  }
0xbc: {  	_ =	strace $0x9000004B  }
0xbd: {  	_ =	sfence  }
0xbe: {  	s30 =	sld [smem:$0x0];
	_ =	sdelay $0x2  }
0xbf: {  	s31 =	sshll.u32 s1, $0xD;
	s1 =	sshrl.u32 s1, $0x2  }
0xc0: {  	s3 =	sand.u32 $0x4000, s31;
	s1 =	sadd.s32 s1, s30  }
0xc1: {  	s0 =	sor.u32 s3, s0;
	s1 =	sshll.u32 s1, $0x11  }
0xc2: {  	s0 =	sor.u32 s1, s0  }
0xc3: {  	s0 =	sadd.s32 $0x8F2B, s0  }
0xc4: {  	[sflag:s0] =	ssyncadd.remote.s32 $0x1  }
0xc5: {  	_ =	sfence.sel $0xFFFF  }
0xc6: {  	[dreg:$0x0] =	wrdreg $0xFFFFFFFF;
	(pc) =	sbr.abs _section_cstart, $3  }
0xc7: {  	[dreg:$0x1] =	wrdreg $0xFFFFFFFF  }
0xc8: {  	_ =	task.clear_ibuf [dreg:s8], $0x2FFFF;
	_ =	strace $0x9FFFFFFF  }
0xc9: {  	(tm) =	ssettm $0x7FFFFFFF  }
tec
execute0_lowered:
.L_overlay_start_1:
0x0: {  	(tag) =	ssettag $0x1  }
0x1: {  	s0 =	rddreg [dreg:$0x0]  }
0x2: {  	s7 =	rddreg [dreg:$0x1]  }
0x3: {  	s2 =	rddreg [dreg:$0x2];
	s3 =	simm.s32 $0x0  }
0x4: {  	s1 =	stileid.u32;
	s4 =	srdreg.scid;
	s10 =	simm.s32 $0x1  }
0x5: {  	s11 =	simm.s32 $0x80;
	s12 =	simm.s32 $0x400;
	s13 =	simm.s32 $0x2000  }
0x6: {  	s14 =	simm.s32 $0x2080;
	s15 =	simm.s32 $0x2280;
	[smem:$0x7FF] =	sst s3  }
0x7: {  	s5 =	sshll.u32 s1, $0xC;
	s9 =	sand.u32 $0x1, s4;
	s4 =	sadd.s32 $0x82A00, s0  }
0x8: {  	p1 =	seq.s32 s1, $0x0;
	s8 =	ssub.s32 $0x2, s9;
	p0 =	seq.s32 s9, $0x1  }
0x9: {  	s6 =	sadd.s32 s5, s0;
	s30 =	sshrl.u32 s8, $0x1;
	p0 =	por !p1, !p0  }
0xa: {  	s5 =	sadd.s32 $0x82C00, s0;
	s0 =	ssub.s32 s8, s30;
	p1 =	por !p0, !p0  }
.Ltmp0:
0xb: {  	s8 =	smax.u32 s0, $0x1;
	s0 =	simm.s32 @!p1 $0x0;
	(pc) =	sbr.rel .LBB2_1-.Ltmp0, $4  }
0xc: {  	s31 =	sshll.u32 s1, $0x4;
	p2 =	sne.s32 s9, $0x0;
	s0 =	simm.s32 @p1 $0x1  }
0xd: {  	_ =	strace $0x8000004A;
	[smem:$0x7FC] =	sst s0;
	s0 =	simm.s32 @!p2 $0x0  }
0xe: {  	v0 =	vimm.s32 $0x0;
	s16 =	simm.s32 $0x0;
	s7 =	sadd.s32 s7, s31;
	s0 =	simm.s32 @p2 $0x1  }
0xf: {  	vm0 =	vcmask $0x300;
	vm1 =	vcmask $0x704;
	vm2 =	vcmask $0xB08;
	s9 =	simm.s32 $0x2300;
	s6 =	sadd.s32 $0x2A00, s6;
	[smem:$0x7FD] =	sst s0  }
.LBB2_15:
0x10: {  	s16 =	sadd.s32 $0x1, s16  }
0x11: {  	p0 =	sne.s32 s16, s8  }
.Ltmp1:
0x12: {  	_ = 	snop;
	(pc) =	sbr.rel @!p0 .LBB2_16-.Ltmp1, $1  }
0x13: {  	_ =	sdelay $0x3  }
.LBB2_1:
0x14: {  	[tilespmem:s9], [sflag:$0x1] =	stream.linear.gather [hbm4b:s5+s3], $0x1, $0x38;
	[tilespmem:$0x2380] =	vst v63  }
0x15: {  	_ =	swait.ge [sflag:s10], $0x1  }
0x16: {  	[sflag:s10] =	ssyncset.done $0x0  }
0x17: {  	[sflag:s10] =	ssyncadd.s32 $0xFFFFFFFF  }
0x18: {  	v1 =	vld [tilespmem:$0x2300];
	_ =	sdelay $0x4  }
0x19: {  	(v2sf) =	vpush v1, $0x0;
	_ =	sdelay $0xa  }
.Ltmp2:
0x1a: {  	_ = 	snop;
	(pc) =	sbr.rel @p2 .LBB2_13-.Ltmp2, $2  }
0x1b: {  	_ =	sdelay $0x2  }
0x1c: {  	s17 =	spop (v2sf)  }
0x1d: {  	s0 =	sshra.s32 s3, $0x2;
	s18 =	sadd.s32 $0x200, s3  }
.LBB2_3:
0x1e: {  	p2 =	sne.s32 s18, $0x3E00;
	[tilespmem:s0+$0x1070] =	vst v0  }
0x1f: {  	[tilespmem:s0+$0x1000] =	vst v0  }
0x20: {  	[tilespmem:s0+$0x1010] =	vst v0  }
.Ltmp3:
0x21: {  	[tilespmem:s0+$0x1020] =	vst v0;
	(pc) =	sbr.rel @p2 .LBB2_3-.Ltmp3, $4  }
0x22: {  	[tilespmem:s0+$0x1030] =	vst v0  }
0x23: {  	[tilespmem:s0+$0x1040] =	vst v0  }
0x24: {  	[tilespmem:s0+$0x1050] =	vst v0  }
0x25: {  	[tilespmem:s0+$0x1060] =	vst v0;
	s0 =	sshra.s32 s18, $0x2;
	s18 =	sadd.s32 $0x200, s18  }
0x26: {  	[tilespmem:s0+$0x1070] =	vst v0  }
0x27: {  	[tilespmem:s0+$0x1000] =	vst v0  }
0x28: {  	[tilespmem:s0+$0x1010] =	vst v0  }
0x29: {  	[tilespmem:s0+$0x1020] =	vst v0  }
0x2a: {  	[tilespmem:s0+$0x1030] =	vst v0  }
0x2b: {  	[tilespmem:s0+$0x1040] =	vst v0  }
0x2c: {  	[tilespmem:s0+$0x1050] =	vst v0  }
0x2d: {  	s18 =	simm.s32 $0x0;
	[tilespmem:s0+$0x1060] =	vst v0;
	s19 =	simm.s32 $0x0  }
.LBB2_5:
0x2e: {  	s0 =	sshll.u32 s19, $0xD  }
0x2f: {  	s20 =	sshll.u32 s19, $0x4;
	s0 =	sand.u32 $0x30000, s0  }
0x30: {  	s20 =	sand.u32 $0x70, s20;
	s0 =	sadd.s32 s0, s6  }
0x31: {  	s0 =	sadd.s32 s20, s0  }
0x32: {  	[tilespmem:s18], [sflag:$0x1] =	stream.strided.gather [hbm4b:s0+s11], $0x1000, s12, s11, $0x38;
	[tilespmem:$0x2380] =	vst v63  }
0x33: {  	_ =	swait.ge [sflag:s10], $0x1000  }
0x34: {  	[sflag:s10] =	ssyncset.done $0x0  }
0x35: {  	s20 =	simm.s32 $0x0;
	[sflag:s10] =	ssyncadd.s32 $0xFFFFF000  }
0x36: {  	v7 =	vld [tilespmem:s20+$0x0]  }
0x37: {  	v9 =	vld [tilespmem:s20+$0x10]  }
0x38: {  	v6 =	vld [tilespmem:s20+$0x20]  }
0x39: {  	v5 =	vld [tilespmem:s20+$0x30]  }
0x3a: {  	v4 =	vld [tilespmem:s20+$0x40]  }
0x3b: {  	v3 =	vld [tilespmem:s20+$0x50]  }
0x3c: {  	v2 =	vld [tilespmem:s20+$0x60]  }
0x3d: {  	v1 =	vld [tilespmem:s20+$0x70]  }
0x3e: {  	v12 =	vld [tilespmem:s20+$0x1000]  }
0x3f: {  	v13 =	vld [tilespmem:s20+$0x1010]  }
0x40: {  	v11 =	vld [tilespmem:s20+$0x1020]  }
0x41: {  	v10 =	vld [tilespmem:s20+$0x1030]  }
0x42: {  	v8 =	vld [tilespmem:s20+$0x1040]  }
0x43: {  	v12 =	vadd.s32 v12, v7;
	v7 =	vld [tilespmem:s20+$0x1050]  }
0x44: {  	s21 =	simm.s32 $0x200;
	[tilespmem:s20+$0x1000] =	vst v12;
	v12 =	vadd.s32 v13, v9;
	v9 =	vld [tilespmem:s20+$0x1060]  }
.LBB2_6:
0x45: {  	s0 =	sshra.s32 s21, $0x2;
	p2 =	sne.s32 s21, $0x3E00;
	[tilespmem:s20+$0x1010] =	vst v12;
	v6 =	vadd.s32 v11, v6;
	v11 =	vld [tilespmem:s20+$0x1070]  }
0x46: {  	v12 =	vld [tilespmem:s0+$0x0];
	[tilespmem:s20+$0x1020] =	vst v6;
	v5 =	vadd.s32 v10, v5  }
0x47: {  	v13 =	vld [tilespmem:s0+$0x10];
	[tilespmem:s20+$0x1030] =	vst v5;
	v4 =	vadd.s32 v8, v4  }
0x48: {  	v6 =	vld [tilespmem:s0+$0x20];
	[tilespmem:s20+$0x1040] =	vst v4;
	v3 =	vadd.s32 v7, v3  }
0x49: {  	v5 =	vld [tilespmem:s0+$0x30];
	[tilespmem:s20+$0x1050] =	vst v3;
	v2 =	vadd.s32 v9, v2  }
0x4a: {  	v4 =	vld [tilespmem:s0+$0x40];
	[tilespmem:s20+$0x1060] =	vst v2;
	v1 =	vadd.s32 v11, v1  }
0x4b: {  	v3 =	vld [tilespmem:s0+$0x50];
	[tilespmem:s20+$0x1070] =	vst v1;
	s20 =	smov.u32 s0  }
0x4c: {  	v2 =	vld [tilespmem:s20+$0x60]  }
0x4d: {  	v1 =	vld [tilespmem:s20+$0x70]  }
0x4e: {  	v7 =	vld [tilespmem:s20+$0x1000]  }
0x4f: {  	v9 =	vld [tilespmem:s20+$0x1010]  }
.Ltmp4:
0x50: {  	v11 =	vld [tilespmem:s20+$0x1020];
	(pc) =	sbr.rel @p2 .LBB2_6-.Ltmp4, $4  }
0x51: {  	v10 =	vld [tilespmem:s20+$0x1030]  }
0x52: {  	v8 =	vld [tilespmem:s20+$0x1040]  }
0x53: {  	v12 =	vadd.s32 v7, v12;
	v7 =	vld [tilespmem:s20+$0x1050]  }
0x54: {  	s21 =	sadd.s32 $0x200, s21;
	[tilespmem:s20+$0x1000] =	vst v12;
	v12 =	vadd.s32 v9, v13;
	v9 =	vld [tilespmem:s20+$0x1060]  }
0x55: {  	[tilespmem:s20+$0x1010] =	vst v12;
	v6 =	vadd.s32 v11, v6;
	v63 =	vld [tilespmem:s20+$0x1070];
	s19 =	sadd.s32 $0x1, s19  }
0x56: {  	[tilespmem:s20+$0x1020] =	vst v6;
	v5 =	vadd.s32 v10, v5;
	p2 =	sne.s32 s19, $0x20  }
.Ltmp5:
0x57: {  	[tilespmem:s20+$0x1030] =	vst v5;
	v4 =	vadd.s32 v8, v4;
	(pc) =	sbr.rel @p2 .LBB2_5-.Ltmp5, $4  }
0x58: {  	[tilespmem:s20+$0x1040] =	vst v4;
	v3 =	vadd.s32 v7, v3  }
0x59: {  	[tilespmem:s20+$0x1050] =	vst v3;
	v2 =	vadd.s32 v9, v2  }
0x5a: {  	[tilespmem:s20+$0x1060] =	vst v2;
	v1 =	vadd.s32 v63, v1  }
0x5b: {  	[tilespmem:s20+$0x1070] =	vst v1  }
0x5c: {  	s0 =	simm.s32 $0x0  }
0x5d: {  	s30 =	simm.s32 $0x10;
	v1 =	vld [tilespmem:s0+$0x1000]  }
0x5e: {  	v2 =	vld [tilespmem:s30+$0x1000];
	_ =	sdelay $0x3  }
0x5f: {  	(xrf0) =	vadd.scan.msk.s32 $0xffff, v1  }
0x60: {  	(xrf0) =	vadd.scan.msk.s32 $0xffff, v2;
	_ =	sdelay $0x4  }
0x61: {  	s31 =	simm.s32 $0x20;
	v2, _, _ =	vpop (xrf0)  }
0x62: {  	v1 =	vld [tilespmem:s31+$0x1000];
	(v2sf) =	vpush v2, $0xF;
	v2, _, _ =	vpop (xrf0)  }
0x63: {  	(v2sf) =	vpush v2, $0xF;
	_ =	sdelay $0x3  }
0x64: {  	s19 =	simm.s32 $0x30;
	(xrf0) =	vadd.scan.msk.s32 $0xffff, v1  }
0x65: {  	v1 =	vld [tilespmem:s19+$0x1000];
	_ =	sdelay $0x3  }
0x66: {  	s18 =	simm.s32 $0x100;
	s0 =	simm.s32 $0x0  }
.LBB2_9:
0x67: {  	s19 =	sshra.s32 s18, $0x2;
	p2 =	sne.s32 s18, $0x3FC0;
	s18 =	sadd.s32 $0x40, s18;
	(xrf0) =	vadd.scan.msk.s32 $0xffff, v1;
	v2, _, _ =	vpop (xrf0)  }
.Ltmp6:
0x68: {  	v1 =	vld [tilespmem:s19+$0x1000];
	(v2sf) =	vpush v2, $0xF;
	(pc) =	sbr.rel @p2 .LBB2_9-.Ltmp6, $3  }
0x69: {  	_ =	sdelay $0x1  }
0x6a: {  	s19 =	spop (v2sf)  }
0x6b: {  	s0 =	sadd.s32 s0, s19  }
0x6c: {  	(xrf0) =	vadd.scan.msk.s32 $0xffff, v1;
	s18 =	simm.s32 $0x1000  }
0x6d: {  	v2 =	vld [tilespmem:s18+$0x0];
	_ =	sdelay $0x3  }
0x6e: {  	v1, _, _ =	vpop (xrf0)  }
0x6f: {  	(v2sf) =	vpush v1, $0xF;
	v1, _, _ =	vpop (xrf0);
	(xrf0) =	vadd.scan.msk.s32 $0xffff, v2;
	_ =	sdelay $0x1  }
0x70: {  	(v2sf) =	vpush v1, $0xF;
	_ =	sdelay $0x3  }
0x71: {  	s26 =	simm.s32 $0x1010;
	v1, _, _ =	vpop (xrf0)  }
0x72: {  	(v2sf) =	vpush v1, $0xF;
	v1 =	vld [tilespmem:s26+$0x0];
	_ =	sdelay $0x2  }
0x73: {  	s21 =	simm.s32 $0x1020  }
0x74: {  	v2 =	vld [tilespmem:s21+$0x0]  }
0x75: {  	(xrf0) =	vadd.scan.msk.s32 $0xffff, v1;
	_ =	sdelay $0x1  }
0x76: {  	s23 =	spop (v2sf)  }
0x77: {  	s0 =	sadd.s32 s0, s23;
	s19 =	spop (v2sf)  }
0x78: {  	s0 =	sadd.s32 s0, s19;
	s24 =	spop (v2sf);
	(xrf0) =	vadd.scan.msk.s32 $0xffff, v2  }
0x79: {  	s0 =	sadd.s32 s0, s24;
	s25 =	spop (v2sf)  }
0x7a: {  	s18 =	sadd.s32 s0, s25;
	v2, _, _ =	vpop (xrf0)  }
0x7b: {  	s1 =	sadd.s32 $0xFFFFFFFF, s18;
	(v2sf) =	vpush v2, $0xF  }
0x7c: {  	s23 =	simm.s32 $0x1030;
	s20 =	sand.u32 $0x1, s1  }
0x7d: {  	v1 =	vld [tilespmem:s23+$0x0];
	p2 =	slt.s32 s1, $0x1;
	p3 =	seq.s32 s20, $0x1  }
0x7e: {  	s28 =	simm.s32 $0x1;
	s22 =	sshrl.u32 s1, $0x1F;
	v2, _, _ =	vpop (xrf0);
	p2 =	por !p2, !p3  }
0x7f: {  	s19 =	simm.s32 $0x1;
	s0 =	sadd.s32 s22, s1;
	(v2sf) =	vpush v2, $0xF;
	p2 =	por !p2, !p2  }
0x80: {  	p6 =	por $0x1, $0x1;
	s0 =	sshra.s32 s0, $0x1;
	s19 =	simm.s32 @!p2 $0x0  }
0x81: {  	s30 =	simm.s32 $0x5;
	s31 =	simm.s32 $0x1040;
	s19 =	ssub.s32 s0, s19  }
0x82: {  	(xrf0) =	vadd.scan.msk.s32 $0xffff, v1;
	s24 =	spop (v2sf);
	p2 =	sgt.s32 s18, $0x0;
	s22 =	smov.u32 s19  }
0x83: {  	s29 =	simm.s32 $0x0;
	s24 =	sadd.s32 $0x0, s24;
	s22 =	simm.s32 @!p2 $0x0  }
0x84: {  	s21 =	simm.s32 $0x0;
	s26 =	simm.s32 $0x2;
	v1 =	vld [tilespmem:s31+$0x0];
	p4 =	sgt.s32 s24, s22  }
0x85: {  	s23 =	simm.s32 $0x4;
	s25 =	simm.s32 $0x3;
	p3 =	por !p6, !p4  }
0x86: {  	s20 =	simm.s32 $0xFFFFFFFF;
	s0 =	simm.s32 $0x0;
	p3 =	por !p3, !p3  }
.LBB2_11:
0x87: {  	p4 =	sne.s32 s30, $0xFF;
	s20 =	smov.u32 @p3 s0;
	s21 =	smov.u32 @p3 s29  }
0x88: {  	v2, _, _ =	vpop (xrf0);
	s0 =	smov.u32 s28;
	s28 =	smov.u32 s26;
	s26 =	smov.u32 s25  }
0x89: {  	s25 =	smov.u32 s23;
	s23 =	smov.u32 s30;
	s30 =	sadd.s32 $0x1, s30;
	(xrf0) =	vadd.scan.msk.s32 $0xffff, v1;
	(v2sf) =	vpush v2, $0xF  }
.Ltmp7:
0x8a: {  	s31 =	sadd.s32 $0x10, s31;
	s1 =	spop (v2sf);
	(pc) =	sbr.rel @p4 .LBB2_11-.Ltmp7, $4  }
0x8b: {  	s29 =	smov.u32 s24;
	v1 =	vld [tilespmem:s31+$0x0];
	s24 =	sadd.s32 s24, s1  }
0x8c: {  	p3 =	slt.s32 s20, $0x0;
	p5 =	sgt.s32 s24, s22  }
0x8d: {  	p3 =	por !p3, !p5  }
0x8e: {  	p3 =	por !p3, !p3  }
0x8f: {  	_ = 	snop  }
0x90: {  	(xrf0) =	vadd.scan.msk.s32 $0xffff, v1;
	_ =	sdelay $0x1  }
0x91: {  	v1, _, _ =	vpop (xrf0)  }
0x92: {  	(v2sf) =	vpush v1, $0xF;
	_ =	sdelay $0x2  }
0x93: {  	v1, _, _ =	vpop (xrf0)  }
0x94: {  	(v2sf) =	vpush v1, $0xF;
	_ =	sdelay $0x2  }
0x95: {  	s1 =	spop (v2sf)  }
0x96: {  	s20 =	smov.u32 @p3 s0;
	s0 =	sadd.s32 s24, s1  }
0x97: {  	p4 =	slt.s32 s20, $0x0;
	p5 =	sgt.s32 s0, s22  }
0x98: {  	p4 =	por !p4, !p5  }
0x99: {  	p4 =	por !p4, !p4;
	s31 =	spop (v2sf)  }
0x9a: {  	s20 =	smov.u32 @p4 s28;
	s1 =	sadd.s32 s0, s31  }
0x9b: {  	p0 =	slt.s32 s20, $0x0;
	p6 =	sgt.s32 s1, s22  }
0x9c: {  	p5 =	por !p0, !p6  }
0x9d: {  	p5 =	por !p5, !p5;
	s30 =	spop (v2sf)  }
0x9e: {  	s20 =	smov.u32 @p5 s26;
	s26 =	sadd.s32 s1, s30  }
0x9f: {  	p1 =	slt.s32 s20, $0x0;
	p0 =	sgt.s32 s26, s22  }
0xa0: {  	p0 =	por !p1, !p0  }
0xa1: {  	p0 =	por !p0, !p0;
	s31 =	spop (v2sf)  }
0xa2: {  	s20 =	smov.u32 @p0 s25;
	s28 =	sadd.s32 s26, s31  }
0xa3: {  	p6 =	slt.s32 s20, $0x0;
	p1 =	sgt.s32 s28, s22  }
0xa4: {  	s21 =	smov.u32 @p3 s29;
	p1 =	por !p6, !p1  }
0xa5: {  	s21 =	smov.u32 @p4 s24;
	p1 =	por !p1, !p1  }
0xa6: {  	s21 =	smov.u32 @p5 s0;
	s20 =	smov.u32 @p1 s23  }
0xa7: {  	s21 =	smov.u32 @p0 s1;
	p0 =	sgt.s32 s20, $0x0  }
0xa8: {  	s21 =	smov.u32 @p1 s26;
	s20 =	simm.s32 @!p0 $0x0  }
0xa9: {  	s0 =	ssub.s32 s19, s21;
	v1 =	vmov s20  }
0xaa: {  	s0 =	simm.s32 @!p2 $0x0;
	v1 =	vnsel vm0, $0x0, v1  }
0xab: {  	v1 =	vsel vm1, s0, v1  }
0xac: {  	v1 =	vsel vm2, s18, v1  }
0xad: {  	[tilespmem:$0x2000] =	vst v1  }
0xae: {  	[hbm4b:s7+s3] =	stream.linear.scatter [tilespmem:s13], [sflag:$0x1], $0x80, $0x38;
	[tilespmem:$0x2380] =	vst v63  }
0xaf: {  	_ =	swait.ge [sflag:s10], $0x80  }
0xb0: {  	s30 =	sld [smem:$0x7FC]  }
0xb1: {  	s31 =	sld [smem:$0x7FD];
	_ =	sdelay $0x1  }
0xb2: {  	[sflag:s10] =	ssyncset.done $0x0  }
0xb3: {  	[sflag:s10] =	ssyncadd.s32 $0xFFFFFF80;
	p1 =	seq.s32 s30, $0x1;
	p2 =	seq.s32 s31, $0x1  }
.LBB2_13:
.Ltmp8:
0xb4: {  	(pc) =	sbr.rel @!p1 .LBB2_15-.Ltmp8, $1  }
0xb5: {  	_ =	sdelay $0x3  }
0xb6: {  	[tilespmem:s14], [sflag:$0x1] =	stream.linear.gather [hbm4b:s4+s3], $0x200, $0x38;
	[tilespmem:$0x2380] =	vst v63  }
0xb7: {  	_ =	swait.ge [sflag:s10], $0x200  }
0xb8: {  	[sflag:s10] =	ssyncset.done $0x0  }
0xb9: {  	[sflag:s10] =	ssyncadd.s32 $0xFFFFFE00  }
0xba: {  	v1 =	vld [tilespmem:$0x2080];
	_ =	sdelay $0x1  }
0xbb: {  	v2 =	vld [tilespmem:$0x2090];
	_ =	sdelay $0x1  }
0xbc: {  	v3 =	vld [tilespmem:$0x20A0]  }
0xbd: {  	v1 =	vadd.f32 $0.0e+00, v1  }
0xbe: {  	v4 =	vld [tilespmem:$0x20B0]  }
0xbf: {  	v1 =	vadd.f32 v2, v1  }
0xc0: {  	v2 =	vld [tilespmem:$0x20C0]  }
0xc1: {  	v1 =	vadd.f32 v3, v1  }
0xc2: {  	v3 =	vld [tilespmem:$0x20D0]  }
0xc3: {  	v1 =	vadd.f32 v4, v1  }
0xc4: {  	v55 =	vld [tilespmem:$0x20E0]  }
0xc5: {  	v1 =	vadd.f32 v2, v1  }
0xc6: {  	v2 =	vld [tilespmem:$0x20F0]  }
0xc7: {  	v1 =	vadd.f32 v3, v1  }
0xc8: {  	v3 =	vld [tilespmem:$0x2100]  }
0xc9: {  	v1 =	vadd.f32 v55, v1  }
0xca: {  	v56 =	vld [tilespmem:$0x2110]  }
0xcb: {  	v1 =	vadd.f32 v2, v1  }
0xcc: {  	v2 =	vld [tilespmem:$0x2120]  }
0xcd: {  	v1 =	vadd.f32 v3, v1  }
0xce: {  	v3 =	vld [tilespmem:$0x2130]  }
0xcf: {  	v1 =	vadd.f32 v56, v1  }
0xd0: {  	v57 =	vld [tilespmem:$0x2140]  }
0xd1: {  	v1 =	vadd.f32 v2, v1  }
0xd2: {  	v2 =	vld [tilespmem:$0x2150]  }
0xd3: {  	v1 =	vadd.f32 v3, v1  }
0xd4: {  	v3 =	vld [tilespmem:$0x2160]  }
0xd5: {  	v1 =	vadd.f32 v57, v1  }
0xd6: {  	v58 =	vld [tilespmem:$0x2170]  }
0xd7: {  	v1 =	vadd.f32 v2, v1  }
0xd8: {  	v2 =	vld [tilespmem:$0x2180]  }
0xd9: {  	v1 =	vadd.f32 v3, v1  }
0xda: {  	v3 =	vld [tilespmem:$0x2190]  }
0xdb: {  	v1 =	vadd.f32 v58, v1  }
0xdc: {  	v59 =	vld [tilespmem:$0x21A0]  }
0xdd: {  	v1 =	vadd.f32 v2, v1  }
0xde: {  	v2 =	vld [tilespmem:$0x21B0]  }
0xdf: {  	v1 =	vadd.f32 v3, v1  }
0xe0: {  	v3 =	vld [tilespmem:$0x21C0]  }
0xe1: {  	v1 =	vadd.f32 v59, v1  }
0xe2: {  	v60 =	vld [tilespmem:$0x21D0]  }
0xe3: {  	v1 =	vadd.f32 v2, v1  }
0xe4: {  	v2 =	vld [tilespmem:$0x21E0]  }
0xe5: {  	v1 =	vadd.f32 v3, v1  }
0xe6: {  	v3 =	vld [tilespmem:$0x21F0]  }
0xe7: {  	v1 =	vadd.f32 v60, v1  }
0xe8: {  	v61 =	vld [tilespmem:$0x2200]  }
0xe9: {  	v1 =	vadd.f32 v2, v1  }
0xea: {  	v2 =	vld [tilespmem:$0x2210]  }
0xeb: {  	v1 =	vadd.f32 v3, v1  }
0xec: {  	v3 =	vld [tilespmem:$0x2220]  }
0xed: {  	v1 =	vadd.f32 v61, v1  }
0xee: {  	v62 =	vld [tilespmem:$0x2230]  }
0xef: {  	v1 =	vadd.f32 v2, v1  }
0xf0: {  	v2 =	vld [tilespmem:$0x2240]  }
0xf1: {  	v1 =	vadd.f32 v3, v1  }
0xf2: {  	v3 =	vld [tilespmem:$0x2250]  }
0xf3: {  	v1 =	vadd.f32 v62, v1  }
0xf4: {  	v63 =	vld [tilespmem:$0x2260]  }
0xf5: {  	v1 =	vadd.f32 v2, v1  }
0xf6: {  	v2 =	vld [tilespmem:$0x2270]  }
0xf7: {  	v1 =	vadd.f32 v3, v1;
	_ =	sdelay $0x1  }
0xf8: {  	v1 =	vadd.f32 v63, v1;
	_ =	sdelay $0x1  }
0xf9: {  	v1 =	vadd.f32 v2, v1;
	_ =	sdelay $0x1  }
0xfa: {  	(xrf2) =	vadd.scan.msk.f32 $0xffff, v1;
	_ =	sdelay $0x9  }
0xfb: {  	v1, _, _ =	vpop (xrf2)  }
0xfc: {  	(v2sf) =	vpush v1, $0xF;
	_ =	sdelay $0xe  }
0xfd: {  	s0 =	spop (v2sf)  }
0xfe: {  	s0 =	smul.f32 s0, s17;
	_ =	sdelay $0x1  }
0xff: {  	v1 =	vmov s0  }
0x100: {  	v1 =	vadd.f32 $0.0e+00, v1;
	_ =	sdelay $0x1  }
0x101: {  	v1 =	vbroadcast v1, $0x0;
	_ =	sdelay $0x1  }
.Ltmp9:
0x102: {  	[tilespmem:$0x2280] =	vst v1;
	(pc) =	sbr.rel .LBB2_15-.Ltmp9, $4  }
0x103: {  	[hbm4b:s2+s3] =	stream.linear.scatter [tilespmem:s15], [sflag:$0x1], $0x80, $0x38;
	[tilespmem:$0x2380] =	vst v63  }
0x104: {  	_ =	swait.ge [sflag:s10], $0x80  }
0x105: {  	[sflag:s10] =	ssyncset.done $0x0  }
0x106: {  	[sflag:s10] =	ssyncadd.s32 $0xFFFFFF80  }
.LBB2_16:
0x107: {  	_ =	sfence.sel $0x180000  }
0x108: {  	[bflag:$0x0] =	sbarrier.arrive $0xFFFF  }
0x109: {  	_ =	strace $0x9000004A  }
0x10a: {  	s0 =	stileid.u32;
	[bflag:$0x2] =	sbarrier.arrive $0xFFFF  }
0x10b: {  	p0 =	sne.s32 s0, $0x0;
	s0 =	rddreg [dreg:$0x3]  }
0x10c: {  	s0 =	sadd.s32 @!p0 $0x100000, s0  }
0x10d: {  	[sflag:s0] =	ssyncadd.tile.s32 @!p0 $0x1;
	_ =	shalt  }
.Lfunc_end2:
_tile_overlayer_lowered:
.L_overlay_start_2:
0x10e: {  	(tag) =	ssettag $0x2  }
0x10f: {  	s0 =	rddreg [dreg:$0x0];
	s2 =	stileid.u32  }
0x110: {  	s1 =	rddreg [dreg:$0x1];
	p0 =	sne.s32 s2, $0x0  }
0x111: {  	s3 =	rddreg [dreg:$0x2];
	[bflag:$0x3] =	sbarrier.arrive $0xFFFF;
	s2 =	simm.s32 @!p0 $0x1C01  }
0x112: {  	[timem:s3], [sflag:s2] =	dma.local @!p0 [hbm:s0], s1  }
0x113: {  	s0 =	simm.s32 @!p0 $0x1  }
0x114: {  	_ =	swait.ge @!p0 [sflag:s0], s1  }
0x115: {  	s1 =	ssub.s32 @!p0 $0x0, s1;
	[sflag:s0] =	ssyncset.done @!p0 $0x0  }
0x116: {  	[sflag:s0] =	ssyncadd.s32 @!p0 s1  }
0x117: {  	[bflag:$0x3] =	sbarrier.arrive $0xFFFF  }
0x118: {  	_ =	shalt  }

// kernel: kernel.15.cloned.1.call-start
scs
__scs_entry_jumppad:
0x0: {  	(pc) =	sbr.rel $0x88, $3  }
0x1: {  	(tag) =	ssettag $0x0;
	lr =	simm.s32 $0x1  }
0x2: {  	[smem:$0x3F9B] =	sst lr;
	_ =	strace $0xD0000000  }
0x3: {  	_ = 	snop  }
0x4: {  	_ = 	snop  }
0x5: {  	_ = 	snop  }
0x6: {  	_ = 	snop  }
0x7: {  	_ = 	snop  }
__scs_overlays_trampoline_lowered:
0x8: {  	[smem:$0x3FAA] =	sst s0  }
0x9: {  	[smem:$0x3FAB] =	sst s1  }
0xa: {  	[smem:$0x3FAC] =	sst s2  }
0xb: {  	[smem:$0x3FAD] =	sst s3  }
0xc: {  	[smem:$0x3FAE] =	sst s4  }
0xd: {  	[smem:$0x3FAF] =	sst s5  }
0xe: {  	[smem:$0x3FB0] =	sst s6  }
0xf: {  	[smem:$0x3FB1] =	sst s7  }
0x10: {  	[smem:$0x3FB2] =	sst s8  }
0x11: {  	[smem:$0x3FB3] =	sst s9;
	s0 =	simm.s32 @!p0 $0x0  }
0x12: {  	s1 =	sld [smem:$0x3F99];
	s0 =	simm.s32 @p0 $0x1  }
0x13: {  	[smem:$0x3FB4] =	sst s0;
	s0 =	simm.s32 @!p1 $0x0  }
0x14: {  	s2 =	sld [smem:$0x3F98];
	s0 =	simm.s32 @p1 $0x1  }
0x15: {  	[smem:$0x3FB5] =	sst s0;
	s0 =	simm.s32 @!p2 $0x0  }
0x16: {  	s3 =	sld [smem:$0x3FDB];
	s0 =	simm.s32 @p2 $0x1  }
0x17: {  	s4 =	simm.s32 $0x1BF5;
	[smem:$0x3FB7] =	sst s0  }
0x18: {  	s0 =	sld [smem:$0x3F9A];
	_ =	swait.ge [sflag:s4], $0x0  }
0x19: {  	s7 =	sld [smem:$0x3F9B]  }
0x1a: {  	s8 =	sadd.s32 $0xFFFFE003, lr  }
0x1b: {  	s9 =	sadd.s32 $0xFFFFFEF7, lr;
	s5 =	simm.s32 $0xFFFFFFFF;
	p2 =	slt.u32 s8, $0xFFFFF086  }
0x1c: {  	p1 =	slt.u32 s9, $0xF7A;
	s5 =	simm.s32 @!p2 $0x0  }
0x1d: {  	s5 =	simm.s32 @p1 $0x1;
	p0 =	seq.s32 s7, s2  }
0x1e: {  	s7 =	smul.u32 @!p0 $0xF7A, s2;
	p2 =	seq.s32 @!p0 s5, $0x0  }
0x1f: {  	s9 =	smul.u32 $0xF7A, s1;
	s8 =	simm.s32 @!p0 $0x1BF5;
	p2 =	por !p2, p0  }
0x20: {  	[sflag:s8] =	ssyncset.s32 @!p0 $0xFFFFF086;
	s6 =	sadd.s32 @!p0 s3, s7;
	s7 =	simm.s32 @!p0 $0x108  }
0x21: {  	s3 =	sadd.s32 s3, s9;
	s6 =	sadd.s32 @!p0 $0x88, s6;
	s7 =	simm.s32 @p2 $0x1082  }
0x22: {  	[simem:s7], [sflag:s8] =	dma.local @!p0 [hbm:s6], $0xF7A  }
0x23: {  	s9 =	sor.u32 $0xD0000000, s2;
	s6 =	simm.s32 $0x108;
	_ =	swait.ge @!p0 [sflag:s8], $0x0  }
0x24: {  	s3 =	sadd.s32 $0x88, s3;
	s6 =	simm.s32 @!p1 $0x1082;
	[sflag:s4] =	ssyncset.s32 $0xFFFFF086  }
0x25: {  	[simem:s6], [sflag:s4] =	dma.local [hbm:s3], $0xF7A  }
0x26: {  	[smem:$0x3F9B] =	sst s1;
	(tag) =	ssettag s2;
	_ =	strace s9  }
0x27: {  	s1 =	sld [smem:$0x3FAB]  }
0x28: {  	s2 =	sld [smem:$0x3FAC]  }
0x29: {  	s4 =	sld [smem:$0x3FAE]  }
0x2a: {  	p0 =	seq.s32 s5, $0x0;
	s5 =	sld [smem:$0x3FAF]  }
0x2b: {  	s6 =	sld [smem:$0x3FB0]  }
0x2c: {  	s7 =	sld [smem:$0x3FB1]  }
0x2d: {  	s3 =	simm.s32 $0x108;
	s8 =	sld [smem:$0x3FB2]  }
0x2e: {  	s3 =	simm.s32 @!p0 $0x1082;
	s9 =	sld [smem:$0x3FB3]  }
0x2f: {  	lr =	sadd.s32 s0, s3;
	s0 =	sld [smem:$0x3FAA]  }
0x30: {  	s3 =	sld [smem:$0x3FAD]  }
0x31: {  	[smem:$0x3FB6] =	sst s10  }
0x32: {  	s10 =	sld [smem:$0x3FB4];
	_ =	sdelay $0x3  }
0x33: {  	p0 =	seq.s32 s10, $0x1;
	s10 =	sld [smem:$0x3FB6];
	_ =	sdelay $0x3  }
0x34: {  	[smem:$0x3FB6] =	sst s10  }
0x35: {  	s10 =	sld [smem:$0x3FB5];
	_ =	sdelay $0x3  }
0x36: {  	p1 =	seq.s32 s10, $0x1;
	s10 =	sld [smem:$0x3FB6];
	_ =	sdelay $0x3  }
0x37: {  	[smem:$0x3FB6] =	sst s10  }
0x38: {  	s10 =	sld [smem:$0x3FB7]  }
0x39: {  	_ = 	snop;
	(pc) =	sbr.ind lr, $3  }
0x3a: {  	_ = 	snop  }
0x3b: {  	_ = 	snop  }
0x3c: {  	p2 =	seq.s32 s10, $0x1;
	s10 =	sld [smem:$0x3FB6]  }
0x3d: {  	_ =	shalt  }
0x3e: {  	_ =	shalt  }
0x3f: {  	_ =	shalt  }
0x40: {  	_ =	shalt  }
0x41: {  	_ =	shalt  }
0x42: {  	_ =	shalt  }
0x43: {  	_ =	shalt  }
0x44: {  	_ =	shalt  }
0x45: {  	_ =	shalt  }
0x46: {  	_ =	shalt  }
0x47: {  	_ =	shalt  }
0x48: {  	_ =	shalt  }
0x49: {  	_ =	shalt  }
0x4a: {  	_ =	shalt  }
0x4b: {  	_ =	shalt  }
0x4c: {  	_ =	shalt  }
0x4d: {  	_ =	shalt  }
0x4e: {  	_ =	shalt  }
0x4f: {  	_ =	shalt  }
0x50: {  	_ =	shalt  }
0x51: {  	_ =	shalt  }
0x52: {  	_ =	shalt  }
0x53: {  	_ =	shalt  }
0x54: {  	_ =	shalt  }
0x55: {  	_ =	shalt  }
0x56: {  	_ =	shalt  }
0x57: {  	_ =	shalt  }
0x58: {  	_ =	shalt  }
0x59: {  	_ =	shalt  }
0x5a: {  	_ =	shalt  }
0x5b: {  	_ =	shalt  }
0x5c: {  	_ =	shalt  }
0x5d: {  	_ =	shalt  }
0x5e: {  	_ =	shalt  }
0x5f: {  	_ =	shalt  }
0x60: {  	_ =	shalt  }
0x61: {  	_ =	shalt  }
0x62: {  	_ =	shalt  }
0x63: {  	_ =	shalt  }
0x64: {  	_ =	shalt  }
0x65: {  	_ =	shalt  }
0x66: {  	_ =	shalt  }
0x67: {  	_ =	shalt  }
0x68: {  	_ =	shalt  }
0x69: {  	_ =	shalt  }
0x6a: {  	_ =	shalt  }
0x6b: {  	_ =	shalt  }
0x6c: {  	_ =	shalt  }
0x6d: {  	_ =	shalt  }
0x6e: {  	_ =	shalt  }
0x6f: {  	_ =	shalt  }
0x70: {  	_ =	shalt  }
0x71: {  	_ =	shalt  }
0x72: {  	_ =	shalt  }
0x73: {  	_ =	shalt  }
0x74: {  	_ =	shalt  }
0x75: {  	_ =	shalt  }
0x76: {  	_ =	shalt  }
0x77: {  	_ =	shalt  }
0x78: {  	_ =	shalt  }
0x79: {  	_ =	shalt  }
0x7a: {  	_ =	shalt  }
0x7b: {  	_ =	shalt  }
0x7c: {  	_ =	shalt  }
0x7d: {  	_ =	shalt  }
0x7e: {  	_ =	shalt  }
0x7f: {  	_ =	shalt  }
0x80: {  	_ =	shalt  }
0x81: {  	_ =	shalt  }
0x82: {  	_ =	shalt  }
0x83: {  	_ =	shalt  }
0x84: {  	_ =	shalt  }
0x85: {  	_ =	shalt  }
0x86: {  	_ =	shalt  }
0x87: {  	_ =	shalt  }
.Lfunc_end0:
.L_simem_size_0:
called_computation.2_lowered:
.L_overlay_start_0:
0x88: {  	s2 =	sld [smem:$0x3FD9]  }
0x89: {  	s3 =	sld [smem:$0x3FFE];
	_ =	sdelay $0x1  }
0x8a: {  	s1 =	srdreg.scid  }
0x8b: {  	s0 =	sand.u32 $0x1, s1  }
0x8c: {  	s17 =	sshll.u32 s0, $0xA;
	s2 =	sadd.s32 s3, s2  }
0x8d: {  	s2 =	sadd.s32 s2, s17  }
0x8e: {  	[smem:$0x3FC2] =	sst s2  }
0x8f: {  	_ = 	snop  }
0x90: {  	s2 =	sld [smem:$0x3FC7];
	(tm) =	ssettm $0x1  }
0x91: {  	s18 =	sld [smem:$0x3FFB];
	_ =	sdelay $0x3  }
0x92: {  	_ =	strace s18  }
0x93: {  	s3 =	sld [smem:$0x3FFC];
	_ =	sdelay $0x3  }
0x94: {  	_ =	strace s3  }
0x95: {  	s3 =	sld [smem:$0x3FFD];
	_ =	sdelay $0x3  }
0x96: {  	_ =	strace s3  }
0x97: {  	_ =	strace $0x8FFFFFFF  }
0x98: {  	s19 =	sld [smem:$0x3FDB];
	_ =	sdelay $0x1  }
0x99: {  	s4 =	simm.s32 $_scs_section_size  }
0x9a: {  	s5 =	simm.s32 $_size__tile_overlayer_lowered;
	s6 =	simm.s32 $_tile_overlayer_lowered  }
0x9b: {  	s22 =	simm.s32 $0x1BFF;
	s21 =	sshll.u32 s6, $0x1;
	s3 =	sadd.s32 s4, s19  }
0x9c: {  	s7 =	simm.s32 $0x0;
	s20 =	sshll.u32 s5, $0x1;
	s5 =	sadd.s32 s21, s3  }
0x9d: {  	[timem:s7], [sflag:s22] =	dma.local [hbm:s5], s20  }
0x9e: {  	_ =	swait.ge [sflag:s22], s20  }
0x9f: {  	s4 =	ssub.s32 $0x0, s20;
	[sflag:s22] =	ssyncset.done $0x0  }
0xa0: {  	[sflag:s22] =	ssyncadd.s32 s4;
	_ =	sdelay $0x1  }
0xa1: {  	s23 =	simm.s32 $0x1B8B  }
0xa2: {  	_ =	swait.ge [sflag:s23], $0x1  }
0xa3: {  	[sflag:s23] =	ssyncset.done $0x0  }
0xa4: {  	s25 =	simm.s32 $0x1B8E;
	s24 =	sld [smem:$0x3FFE];
	[sflag:s23] =	ssyncadd.s32 $0xFFFFFFFF  }
0xa5: {  	s26 =	simm.s32 $execute0_lowered;
	[smem:$0x3FD2] =	sst s25  }
0xa6: {  	s5 =	sshll.u32 s26, $0x1;
	_ =	strace $0x8000004C;
	[dreg:$0x1] =	wrdreg $0xFFFFFFFF  }
0xa7: {  	s28 =	simm.s32 $_size_execute0_lowered;
	s3 =	sadd.s32 s3, s5;
	[dreg:$0x0] =	wrdreg $0x0  }
0xa8: {  	s5 =	sshll.u32 s28, $0x1;
	[dreg:$0x2] =	wrdreg s3  }
0xa9: {  	[dreg:$0x3] =	wrdreg s5  }
0xaa: {  	[dreg:$0x4] =	wrdreg $0xC0  }
0xab: {  	_ =	task [dreg:s7], $0x5FFFF  }
0xac: {  	[dreg:$0x1] =	wrdreg $0xFFFFFFFF  }
0xad: {  	[dreg:$0x0] =	wrdreg $0x60  }
0xae: {  	[dreg:$0x2] =	wrdreg s24  }
0xaf: {  	[dreg:$0x3] =	wrdreg s2  }
0xb0: {  	[dreg:$0x4] =	wrdreg $0x9  }
0xb1: {  	_ =	task.clear_ibuf [dreg:s7], $0x5FFFF;
	_ =	strace $0x9000004C  }
0xb2: {  	s29 =	simm.s32 $0x9;
	_ =	strace $0x8000004E  }
0xb3: {  	_ =	swait.ge [sflag:s29], $0x1  }
0xb4: {  	[sflag:s29] =	ssyncadd.s32 $0xFFFFFFFF  }
0xb5: {  	_ =	strace $0x9000004E  }
0xb6: {  	_ =	sfence  }
0xb7: {  	s30 =	sld [smem:$0x0];
	_ =	sdelay $0x2  }
0xb8: {  	s31 =	sshll.u32 s1, $0xD;
	s1 =	sshrl.u32 s1, $0x2  }
0xb9: {  	s3 =	sand.u32 $0x4000, s31;
	s1 =	sadd.s32 s1, s30  }
0xba: {  	s0 =	sor.u32 s3, s0;
	s1 =	sshll.u32 s1, $0x11  }
0xbb: {  	s0 =	sor.u32 s1, s0  }
0xbc: {  	s0 =	sadd.s32 $0x8F2B, s0  }
0xbd: {  	[sflag:s0] =	ssyncadd.remote.s32 $0x1  }
0xbe: {  	_ =	sfence.sel $0xFFFF  }
0xbf: {  	[dreg:$0x0] =	wrdreg $0xFFFFFFFF;
	(pc) =	sbr.abs _section_cstart, $3  }
0xc0: {  	[dreg:$0x1] =	wrdreg $0xFFFFFFFF  }
0xc1: {  	_ =	task.clear_ibuf [dreg:s7], $0x2FFFF;
	_ =	strace $0x9FFFFFFF  }
0xc2: {  	(tm) =	ssettm $0x7FFFFFFF  }
0xc3: {  	_ =	shalt  }
tec
execute0_lowered:
.L_overlay_start_1:
0x0: {  	(tag) =	ssettag $0x1  }
0x1: {  	s5 =	rddreg [dreg:$0x0]  }
0x2: {  	s2 =	rddreg [dreg:$0x1]  }
0x3: {  	s0 =	rddreg [dreg:$0x2];
	s3 =	simm.s32 $0x0  }
0x4: {  	s1 =	stileid.u32;
	s4 =	srdreg.scid;
	s11 =	simm.s32 $0x800  }
0x5: {  	s12 =	simm.s32 $0x1100;
	s13 =	simm.s32 $0x80;
	s14 =	simm.s32 $0x400  }
0x6: {  	[smem:$0x7FF] =	sst s3;
	s6 =	sand.u32 $0x1, s4;
	s7 =	sshll.u32 s1, $0x1  }
0x7: {  	s4 =	sadd.s32 $0x42A00, s5;
	s8 =	sshll.u32 s1, $0xE;
	_ =	strace $0x8000004D  }
0x8: {  	s7 =	sor.u32 s6, s7;
	s8 =	sand.u32 $0x30000, s8;
	s6 =	ssub.s32 $0x2, s6  }
0x9: {  	s9 =	sshll.u32 s7, $0x4;
	s8 =	sadd.s32 s8, s5;
	s10 =	sshrl.u32 s6, $0x1  }
0xa: {  	s5 =	sadd.s32 $0x2A00, s5;
	s9 =	sand.u32 $0x70, s9;
	s10 =	ssub.s32 s6, s10  }
0xb: {  	s6 =	sshll.u32 s7, $0xD;
	s8 =	sadd.s32 s9, s8;
	s9 =	simm.s32 $0x1000  }
0xc: {  	v0 =	vimm.s32 $0x0;
	v1 =	vlaneseq.u32;
	v2 =	vimm.s32 $0x1;
	s7 =	sadd.s32 $0x82C00, s8;
	s8 =	smax.u32 s10, $0x1;
	s10 =	simm.s32 $0x1  }
.LBB2_1:
0xd: {  	s15 =	simm.s32 $0x0;
	s16 =	simm.s32 $0x200  }
.LBB2_2:
0xe: {  	p0 =	sne.s32 s16, $0x3FE00;
	[tilespmem:s15+$0x1170] =	vst v0  }
0xf: {  	[tilespmem:s15+$0x1100] =	vst v0  }
0x10: {  	[tilespmem:s15+$0x1110] =	vst v0  }
.Ltmp0:
0x11: {  	[tilespmem:s15+$0x1120] =	vst v0;
	(pc) =	sbr.rel @p0 .LBB2_2-.Ltmp0, $4  }
0x12: {  	[tilespmem:s15+$0x1130] =	vst v0  }
0x13: {  	[tilespmem:s15+$0x1140] =	vst v0  }
0x14: {  	[tilespmem:s15+$0x1150] =	vst v0  }
0x15: {  	[tilespmem:s15+$0x1160] =	vst v0;
	s15 =	sshra.s32 s16, $0x2;
	s16 =	sadd.s32 $0x200, s16  }
0x16: {  	[tilespmem:s15+$0x1170] =	vst v0  }
0x17: {  	[tilespmem:s15+$0x1100] =	vst v0  }
0x18: {  	[tilespmem:s15+$0x1110] =	vst v0  }
0x19: {  	[tilespmem:s15+$0x1120] =	vst v0  }
0x1a: {  	[tilespmem:s15+$0x1130] =	vst v0  }
0x1b: {  	[tilespmem:s15+$0x1140] =	vst v0  }
0x1c: {  	[tilespmem:s15+$0x1150] =	vst v0  }
0x1d: {  	[tilespmem:s15+$0x1160] =	vst v0;
	s15 =	simm.s32 $0x0  }
0x1e: {  	[tilespmem:s9], [sflag:$0x1] =	stream.linear.gather [hbm4b:s5+s15], $0x100, $0x38;
	[tilespmem:$0x11100] =	vst v63  }
0x1f: {  	_ =	swait.ge [sflag:s10], $0x100  }
0x20: {  	[sflag:s10] =	ssyncset.done $0x0  }
0x21: {  	s16 =	simm.s32 $0x0;
	[sflag:s10] =	ssyncadd.s32 $0xFFFFFF00  }
.LBB2_4:
0x22: {  	s17 =	sshll.u32 s16, $0x8  }
0x23: {  	s17 =	sadd.s32 s6, s17  }
0x24: {  	s18 =	sadd.s32 s4, s17  }
0x25: {  	[tilespmem:s15], [sflag:$0x1] =	stream.linear.gather [hbm4b:s18+s15], $0x800, $0x38;
	[tilespmem:$0x11100] =	vst v63  }
0x26: {  	_ =	swait.ge [sflag:s10], $0x800  }
0x27: {  	[sflag:s10] =	ssyncset.done $0x0  }
0x28: {  	s17 =	sadd.s32 s2, s17;
	[sflag:s10] =	ssyncadd.s32 $0xFFFFF800  }
0x29: {  	[tilespmem:s11], [sflag:$0x1] =	stream.linear.gather [hbm4b:s17+s15], $0x800, $0x38;
	[tilespmem:$0x11100] =	vst v63  }
0x2a: {  	_ =	swait.ge [sflag:s10], $0x800  }
0x2b: {  	[sflag:s10] =	ssyncset.done $0x0  }
0x2c: {  	s17 =	simm.s32 $0x0;
	[sflag:s10] =	ssyncadd.s32 $0xFFFFF800  }
.LBB2_5:
0x2d: {  	s18 =	sshra.s32 s17, $0x2  }
0x2e: {  	v3 =	vld [tilespmem:s18+$0x800];
	_ =	sdelay $0x4  }
0x2f: {  	v4 =	vshll.u32 v3, $0x4;
	_ =	sdelay $0x1  }
0x30: {  	v5 =	vld [tilespmem:s18+$0x0];
	_ =	sdelay $0x2  }
0x31: {  	v4 =	vld.idx.msk [tilespmem:v4+s9+$0x0], $0xffff;
	_ =	sdelay $0x1  }
0x32: {  	v6 =	vshrl.u32 v5, $0xC  }
0x33: {  	v3 =	vshll.u32 v3, $0xC;
	v7 =	vand.u32 $0xF80, v6  }
0x34: {  	v5 =	vshrl.u32 v5, $0x18;
	v6 =	vand.u32 $0x70, v6;
	v3 =	vor.u32 v7, v3  }
0x35: {  	v3 =	vor.u32 v3, v6;
	vm0 =	veq.s32 v5, v4  }
0x36: {  	v3 =	vor.u32 v1, v3;
	_ =	sdelay $0x4  }
0x37: {  	[tilespmem:v3+s12+$0x0] =	vst.idx.add.s32.msk vm0, v2  }
0x38: {  	v3 =	vld [tilespmem:s18+$0x810];
	_ =	sdelay $0x4  }
0x39: {  	v36 =	vshll.u32 v3, $0x4;
	_ =	sdelay $0x1  }
0x3a: {  	v37 =	vld [tilespmem:s18+$0x10];
	_ =	sdelay $0x2  }
0x3b: {  	v4 =	vld.idx.msk [tilespmem:v36+s9+$0x0], $0xffff;
	_ =	sdelay $0x1  }
0x3c: {  	v38 =	vshrl.u32 v37, $0xC  }
0x3d: {  	v3 =	vshll.u32 v3, $0xC;
	v39 =	vand.u32 $0xF80, v38  }
0x3e: {  	v5 =	vshrl.u32 v37, $0x18;
	v6 =	vand.u32 $0x70, v38;
	v3 =	vor.u32 v39, v3  }
0x3f: {  	v3 =	vor.u32 v3, v6;
	vm9 =	veq.s32 v5, v4  }
0x40: {  	v3 =	vor.u32 v1, v3;
	_ =	sdelay $0x4  }
0x41: {  	[tilespmem:v3+s12+$0x0] =	vst.idx.add.s32.msk vm9, v2  }
0x42: {  	v3 =	vld [tilespmem:s18+$0x820];
	_ =	sdelay $0x4  }
0x43: {  	v40 =	vshll.u32 v3, $0x4;
	_ =	sdelay $0x1  }
0x44: {  	v41 =	vld [tilespmem:s18+$0x20];
	_ =	sdelay $0x2  }
0x45: {  	v4 =	vld.idx.msk [tilespmem:v40+s9+$0x0], $0xffff;
	_ =	sdelay $0x1  }
0x46: {  	v42 =	vshrl.u32 v41, $0xC  }
0x47: {  	v3 =	vshll.u32 v3, $0xC;
	v43 =	vand.u32 $0xF80, v42  }
0x48: {  	v5 =	vshrl.u32 v41, $0x18;
	v6 =	vand.u32 $0x70, v42;
	v3 =	vor.u32 v43, v3  }
0x49: {  	v3 =	vor.u32 v3, v6;
	vm10 =	veq.s32 v5, v4  }
0x4a: {  	v3 =	vor.u32 v1, v3;
	_ =	sdelay $0x4  }
0x4b: {  	[tilespmem:v3+s12+$0x0] =	vst.idx.add.s32.msk vm10, v2  }
0x4c: {  	v3 =	vld [tilespmem:s18+$0x830];
	_ =	sdelay $0x4  }
0x4d: {  	v44 =	vshll.u32 v3, $0x4;
	_ =	sdelay $0x1  }
0x4e: {  	v45 =	vld [tilespmem:s18+$0x30];
	_ =	sdelay $0x2  }
0x4f: {  	v4 =	vld.idx.msk [tilespmem:v44+s9+$0x0], $0xffff;
	_ =	sdelay $0x1  }
0x50: {  	v46 =	vshrl.u32 v45, $0xC  }
0x51: {  	v3 =	vshll.u32 v3, $0xC;
	v47 =	vand.u32 $0xF80, v46  }
0x52: {  	v5 =	vshrl.u32 v45, $0x18;
	v6 =	vand.u32 $0x70, v46;
	v3 =	vor.u32 v47, v3  }
0x53: {  	v3 =	vor.u32 v3, v6;
	vm11 =	veq.s32 v5, v4  }
0x54: {  	v3 =	vor.u32 v1, v3;
	_ =	sdelay $0x4  }
0x55: {  	[tilespmem:v3+s12+$0x0] =	vst.idx.add.s32.msk vm11, v2  }
0x56: {  	v3 =	vld [tilespmem:s18+$0x840];
	_ =	sdelay $0x4  }
0x57: {  	v48 =	vshll.u32 v3, $0x4;
	_ =	sdelay $0x1  }
0x58: {  	v49 =	vld [tilespmem:s18+$0x40];
	_ =	sdelay $0x2  }
0x59: {  	v4 =	vld.idx.msk [tilespmem:v48+s9+$0x0], $0xffff;
	_ =	sdelay $0x1  }
0x5a: {  	v50 =	vshrl.u32 v49, $0xC  }
0x5b: {  	v3 =	vshll.u32 v3, $0xC;
	v51 =	vand.u32 $0xF80, v50  }
0x5c: {  	v5 =	vshrl.u32 v49, $0x18;
	v6 =	vand.u32 $0x70, v50;
	v3 =	vor.u32 v51, v3  }
0x5d: {  	v3 =	vor.u32 v3, v6;
	vm12 =	veq.s32 v5, v4  }
0x5e: {  	v3 =	vor.u32 v1, v3;
	_ =	sdelay $0x4  }
0x5f: {  	[tilespmem:v3+s12+$0x0] =	vst.idx.add.s32.msk vm12, v2  }
0x60: {  	v3 =	vld [tilespmem:s18+$0x850];
	_ =	sdelay $0x4  }
0x61: {  	v52 =	vshll.u32 v3, $0x4;
	_ =	sdelay $0x1  }
0x62: {  	v53 =	vld [tilespmem:s18+$0x50];
	_ =	sdelay $0x2  }
0x63: {  	v4 =	vld.idx.msk [tilespmem:v52+s9+$0x0], $0xffff;
	_ =	sdelay $0x1  }
0x64: {  	v54 =	vshrl.u32 v53, $0xC  }
0x65: {  	v3 =	vshll.u32 v3, $0xC;
	v55 =	vand.u32 $0xF80, v54  }
0x66: {  	v5 =	vshrl.u32 v53, $0x18;
	v6 =	vand.u32 $0x70, v54;
	v3 =	vor.u32 v55, v3  }
0x67: {  	v3 =	vor.u32 v3, v6;
	vm13 =	veq.s32 v5, v4  }
0x68: {  	v3 =	vor.u32 v1, v3;
	_ =	sdelay $0x4  }
0x69: {  	[tilespmem:v3+s12+$0x0] =	vst.idx.add.s32.msk vm13, v2  }
0x6a: {  	v3 =	vld [tilespmem:s18+$0x860];
	_ =	sdelay $0x4  }
0x6b: {  	v56 =	vshll.u32 v3, $0x4;
	_ =	sdelay $0x1  }
0x6c: {  	v57 =	vld [tilespmem:s18+$0x60];
	_ =	sdelay $0x2  }
0x6d: {  	v4 =	vld.idx.msk [tilespmem:v56+s9+$0x0], $0xffff;
	_ =	sdelay $0x1  }
0x6e: {  	v58 =	vshrl.u32 v57, $0xC  }
0x6f: {  	v3 =	vshll.u32 v3, $0xC;
	v59 =	vand.u32 $0xF80, v58  }
0x70: {  	v5 =	vshrl.u32 v57, $0x18;
	v6 =	vand.u32 $0x70, v58;
	v3 =	vor.u32 v59, v3  }
0x71: {  	v3 =	vor.u32 v3, v6;
	vm14 =	veq.s32 v5, v4  }
0x72: {  	v3 =	vor.u32 v1, v3;
	_ =	sdelay $0x4  }
0x73: {  	[tilespmem:v3+s12+$0x0] =	vst.idx.add.s32.msk vm14, v2  }
0x74: {  	v3 =	vld [tilespmem:s18+$0x870];
	_ =	sdelay $0x4  }
0x75: {  	v60 =	vshll.u32 v3, $0x4;
	_ =	sdelay $0x1  }
0x76: {  	v61 =	vld [tilespmem:s18+$0x70];
	_ =	sdelay $0x2  }
0x77: {  	v4 =	vld.idx.msk [tilespmem:v60+s9+$0x0], $0xffff;
	_ =	sdelay $0x1  }
0x78: {  	v62 =	vshrl.u32 v61, $0xC  }
0x79: {  	v3 =	vshll.u32 v3, $0xC;
	v63 =	vand.u32 $0xF80, v62  }
0x7a: {  	v5 =	vshrl.u32 v61, $0x18;
	v6 =	vand.u32 $0x70, v62;
	v3 =	vor.u32 v63, v3  }
0x7b: {  	v3 =	vor.u32 v3, v6;
	vm15 =	veq.s32 v5, v4  }
0x7c: {  	p0 =	sne.s32 s17, $0x1E00;
	v3 =	vor.u32 v1, v3  }
.Ltmp1:
0x7d: {  	_ = 	snop;
	(pc) =	sbr.rel @p0 .LBB2_5-.Ltmp1, $2  }
0x7e: {  	_ =	sdelay $0x2  }
0x7f: {  	s17 =	sadd.s32 $0x200, s17;
	[tilespmem:v3+s12+$0x0] =	vst.idx.add.s32.msk vm15, v2  }
0x80: {  	s16 =	sadd.s32 $0x1, s16  }
0x81: {  	p0 =	sne.s32 s16, $0x20  }
.Ltmp2:
0x82: {  	_ = 	snop;
	(pc) =	sbr.rel @p0 .LBB2_4-.Ltmp2, $1  }
0x83: {  	_ =	sdelay $0x3  }
0x84: {  	s3 =	sadd.s32 $0x1, s3  }
0x85: {  	p0 =	sne.s32 s3, s8  }
.Ltmp3:
0x86: {  	_ = 	snop;
	(pc) =	sbr.rel @p0 .LBB2_1-.Ltmp3, $4  }
0x87: {  	[hbm4b:s7+s13] =	stream.strided.scatter [tilespmem:s12], [sflag:$0x1], $0x10000, s14, s13, $0x38;
	[tilespmem:$0x11100] =	vst v63  }
0x88: {  	_ =	swait.ge [sflag:s10], $0x10000  }
0x89: {  	[sflag:s10] =	ssyncset.done $0x0  }
0x8a: {  	[sflag:s10] =	ssyncadd.s32 $0xFFFF0000  }
0x8b: {  	_ =	sfence.sel $0x180000  }
0x8c: {  	[bflag:$0x0] =	sbarrier.arrive $0xFFFF  }
0x8d: {  	p0 =	sne.s32 s1, $0x0;
	_ =	strace $0x9000004D  }
0x8e: {  	s0 =	sadd.s32 @!p0 $0x100000, s0;
	[bflag:$0x2] =	sbarrier.arrive $0xFFFF  }
0x8f: {  	[sflag:s0] =	ssyncadd.tile.s32 @!p0 $0x1;
	_ =	shalt  }
.Lfunc_end2:
_tile_overlayer_lowered:
.L_overlay_start_2:
0x90: {  	(tag) =	ssettag $0x2  }
0x91: {  	s0 =	rddreg [dreg:$0x0];
	s2 =	stileid.u32  }
0x92: {  	s1 =	rddreg [dreg:$0x1];
	p0 =	sne.s32 s2, $0x0  }
0x93: {  	s3 =	rddreg [dreg:$0x2];
	[bflag:$0x3] =	sbarrier.arrive $0xFFFF;
	s2 =	simm.s32 @!p0 $0x1C01  }
0x94: {  	[timem:s3], [sflag:s2] =	dma.local @!p0 [hbm:s0], s1  }
0x95: {  	s0 =	simm.s32 @!p0 $0x1  }
0x96: {  	_ =	swait.ge @!p0 [sflag:s0], s1  }
0x97: {  	s1 =	ssub.s32 @!p0 $0x0, s1;
	[sflag:s0] =	ssyncset.done @!p0 $0x0  }
0x98: {  	[sflag:s0] =	ssyncadd.s32 @!p0 s1  }
0x99: {  	[bflag:$0x3] =	sbarrier.arrive $0xFFFF  }
0x9a: {  	_ =	shalt  }

// kernel: kernel.18.cloned.1.call-start
scs
__scs_entry_jumppad:
0x0: {  	(pc) =	sbr.rel $0x88, $3  }
0x1: {  	(tag) =	ssettag $0x0;
	lr =	simm.s32 $0x1  }
0x2: {  	[smem:$0x3F9B] =	sst lr;
	_ =	strace $0xD0000000  }
0x3: {  	_ = 	snop  }
0x4: {  	_ = 	snop  }
0x5: {  	_ = 	snop  }
0x6: {  	_ = 	snop  }
0x7: {  	_ = 	snop  }
__scs_overlays_trampoline_lowered:
0x8: {  	[smem:$0x3FAA] =	sst s0  }
0x9: {  	[smem:$0x3FAB] =	sst s1  }
0xa: {  	[smem:$0x3FAC] =	sst s2  }
0xb: {  	[smem:$0x3FAD] =	sst s3  }
0xc: {  	[smem:$0x3FAE] =	sst s4  }
0xd: {  	[smem:$0x3FAF] =	sst s5  }
0xe: {  	[smem:$0x3FB0] =	sst s6  }
0xf: {  	[smem:$0x3FB1] =	sst s7  }
0x10: {  	[smem:$0x3FB2] =	sst s8  }
0x11: {  	[smem:$0x3FB3] =	sst s9;
	s0 =	simm.s32 @!p0 $0x0  }
0x12: {  	s1 =	sld [smem:$0x3F99];
	s0 =	simm.s32 @p0 $0x1  }
0x13: {  	[smem:$0x3FB4] =	sst s0;
	s0 =	simm.s32 @!p1 $0x0  }
0x14: {  	s2 =	sld [smem:$0x3F98];
	s0 =	simm.s32 @p1 $0x1  }
0x15: {  	[smem:$0x3FB5] =	sst s0;
	s0 =	simm.s32 @!p2 $0x0  }
0x16: {  	s3 =	sld [smem:$0x3FDB];
	s0 =	simm.s32 @p2 $0x1  }
0x17: {  	s4 =	simm.s32 $0x1BF5;
	[smem:$0x3FB7] =	sst s0  }
0x18: {  	s0 =	sld [smem:$0x3F9A];
	_ =	swait.ge [sflag:s4], $0x0  }
0x19: {  	s7 =	sld [smem:$0x3F9B]  }
0x1a: {  	s8 =	sadd.s32 $0xFFFFE003, lr  }
0x1b: {  	s9 =	sadd.s32 $0xFFFFFEF7, lr;
	s5 =	simm.s32 $0xFFFFFFFF;
	p2 =	slt.u32 s8, $0xFFFFF086  }
0x1c: {  	p1 =	slt.u32 s9, $0xF7A;
	s5 =	simm.s32 @!p2 $0x0  }
0x1d: {  	s5 =	simm.s32 @p1 $0x1;
	p0 =	seq.s32 s7, s2  }
0x1e: {  	s7 =	smul.u32 @!p0 $0xF7A, s2;
	p2 =	seq.s32 @!p0 s5, $0x0  }
0x1f: {  	s9 =	smul.u32 $0xF7A, s1;
	s8 =	simm.s32 @!p0 $0x1BF5;
	p2 =	por !p2, p0  }
0x20: {  	[sflag:s8] =	ssyncset.s32 @!p0 $0xFFFFF086;
	s6 =	sadd.s32 @!p0 s3, s7;
	s7 =	simm.s32 @!p0 $0x108  }
0x21: {  	s3 =	sadd.s32 s3, s9;
	s6 =	sadd.s32 @!p0 $0x88, s6;
	s7 =	simm.s32 @p2 $0x1082  }
0x22: {  	[simem:s7], [sflag:s8] =	dma.local @!p0 [hbm:s6], $0xF7A  }
0x23: {  	s9 =	sor.u32 $0xD0000000, s2;
	s6 =	simm.s32 $0x108;
	_ =	swait.ge @!p0 [sflag:s8], $0x0  }
0x24: {  	s3 =	sadd.s32 $0x88, s3;
	s6 =	simm.s32 @!p1 $0x1082;
	[sflag:s4] =	ssyncset.s32 $0xFFFFF086  }
0x25: {  	[simem:s6], [sflag:s4] =	dma.local [hbm:s3], $0xF7A  }
0x26: {  	[smem:$0x3F9B] =	sst s1;
	(tag) =	ssettag s2;
	_ =	strace s9  }
0x27: {  	s1 =	sld [smem:$0x3FAB]  }
0x28: {  	s2 =	sld [smem:$0x3FAC]  }
0x29: {  	s4 =	sld [smem:$0x3FAE]  }
0x2a: {  	p0 =	seq.s32 s5, $0x0;
	s5 =	sld [smem:$0x3FAF]  }
0x2b: {  	s6 =	sld [smem:$0x3FB0]  }
0x2c: {  	s7 =	sld [smem:$0x3FB1]  }
0x2d: {  	s3 =	simm.s32 $0x108;
	s8 =	sld [smem:$0x3FB2]  }
0x2e: {  	s3 =	simm.s32 @!p0 $0x1082;
	s9 =	sld [smem:$0x3FB3]  }
0x2f: {  	lr =	sadd.s32 s0, s3;
	s0 =	sld [smem:$0x3FAA]  }
0x30: {  	s3 =	sld [smem:$0x3FAD]  }
0x31: {  	[smem:$0x3FB6] =	sst s10  }
0x32: {  	s10 =	sld [smem:$0x3FB4];
	_ =	sdelay $0x3  }
0x33: {  	p0 =	seq.s32 s10, $0x1;
	s10 =	sld [smem:$0x3FB6];
	_ =	sdelay $0x3  }
0x34: {  	[smem:$0x3FB6] =	sst s10  }
0x35: {  	s10 =	sld [smem:$0x3FB5];
	_ =	sdelay $0x3  }
0x36: {  	p1 =	seq.s32 s10, $0x1;
	s10 =	sld [smem:$0x3FB6];
	_ =	sdelay $0x3  }
0x37: {  	[smem:$0x3FB6] =	sst s10  }
0x38: {  	s10 =	sld [smem:$0x3FB7]  }
0x39: {  	_ = 	snop;
	(pc) =	sbr.ind lr, $3  }
0x3a: {  	_ = 	snop  }
0x3b: {  	_ = 	snop  }
0x3c: {  	p2 =	seq.s32 s10, $0x1;
	s10 =	sld [smem:$0x3FB6]  }
0x3d: {  	_ =	shalt  }
0x3e: {  	_ =	shalt  }
0x3f: {  	_ =	shalt  }
0x40: {  	_ =	shalt  }
0x41: {  	_ =	shalt  }
0x42: {  	_ =	shalt  }
0x43: {  	_ =	shalt  }
0x44: {  	_ =	shalt  }
0x45: {  	_ =	shalt  }
0x46: {  	_ =	shalt  }
0x47: {  	_ =	shalt  }
0x48: {  	_ =	shalt  }
0x49: {  	_ =	shalt  }
0x4a: {  	_ =	shalt  }
0x4b: {  	_ =	shalt  }
0x4c: {  	_ =	shalt  }
0x4d: {  	_ =	shalt  }
0x4e: {  	_ =	shalt  }
0x4f: {  	_ =	shalt  }
0x50: {  	_ =	shalt  }
0x51: {  	_ =	shalt  }
0x52: {  	_ =	shalt  }
0x53: {  	_ =	shalt  }
0x54: {  	_ =	shalt  }
0x55: {  	_ =	shalt  }
0x56: {  	_ =	shalt  }
0x57: {  	_ =	shalt  }
0x58: {  	_ =	shalt  }
0x59: {  	_ =	shalt  }
0x5a: {  	_ =	shalt  }
0x5b: {  	_ =	shalt  }
0x5c: {  	_ =	shalt  }
0x5d: {  	_ =	shalt  }
0x5e: {  	_ =	shalt  }
0x5f: {  	_ =	shalt  }
0x60: {  	_ =	shalt  }
0x61: {  	_ =	shalt  }
0x62: {  	_ =	shalt  }
0x63: {  	_ =	shalt  }
0x64: {  	_ =	shalt  }
0x65: {  	_ =	shalt  }
0x66: {  	_ =	shalt  }
0x67: {  	_ =	shalt  }
0x68: {  	_ =	shalt  }
0x69: {  	_ =	shalt  }
0x6a: {  	_ =	shalt  }
0x6b: {  	_ =	shalt  }
0x6c: {  	_ =	shalt  }
0x6d: {  	_ =	shalt  }
0x6e: {  	_ =	shalt  }
0x6f: {  	_ =	shalt  }
0x70: {  	_ =	shalt  }
0x71: {  	_ =	shalt  }
0x72: {  	_ =	shalt  }
0x73: {  	_ =	shalt  }
0x74: {  	_ =	shalt  }
0x75: {  	_ =	shalt  }
0x76: {  	_ =	shalt  }
0x77: {  	_ =	shalt  }
0x78: {  	_ =	shalt  }
0x79: {  	_ =	shalt  }
0x7a: {  	_ =	shalt  }
0x7b: {  	_ =	shalt  }
0x7c: {  	_ =	shalt  }
0x7d: {  	_ =	shalt  }
0x7e: {  	_ =	shalt  }
0x7f: {  	_ =	shalt  }
0x80: {  	_ =	shalt  }
0x81: {  	_ =	shalt  }
0x82: {  	_ =	shalt  }
0x83: {  	_ =	shalt  }
0x84: {  	_ =	shalt  }
0x85: {  	_ =	shalt  }
0x86: {  	_ =	shalt  }
0x87: {  	_ =	shalt  }
.Lfunc_end0:
.L_simem_size_0:
called_computation.3_lowered:
.L_overlay_start_0:
0x88: {  	s2 =	sld [smem:$0x3FD9]  }
0x89: {  	s3 =	sld [smem:$0x3FFE];
	_ =	sdelay $0x1  }
0x8a: {  	s1 =	srdreg.scid  }
0x8b: {  	s0 =	sand.u32 $0x1, s1  }
0x8c: {  	s14 =	sshll.u32 s0, $0xA;
	s2 =	sadd.s32 s3, s2  }
0x8d: {  	s2 =	sadd.s32 s2, s14  }
0x8e: {  	[smem:$0x3FC2] =	sst s2  }
0x8f: {  	_ = 	snop  }
0x90: {  	s2 =	sld [smem:$0x3FD0];
	_ =	sdelay $0x2  }
0x91: {  	s15 =	simm.s32 $0xA;
	s4 =	simm.s32 $0x10  }
0x92: {  	[smem:s4], [sflag:s15] =	dma.local [hbm:s2], $0x1  }
0x93: {  	_ =	swait.eq [sflag:s15], $0x1  }
0x94: {  	[sflag:s15] =	ssyncset.done $0x0  }
0x95: {  	[sflag:s15] =	ssyncadd.s32 $0xFFFFFFFF  }
0x96: {  	s16 =	sld [smem:$0x11];
	(tm) =	ssettm $0x1  }
0x97: {  	s17 =	sld [smem:$0x3FFB];
	_ =	sdelay $0x3  }
0x98: {  	_ =	strace s17  }
0x99: {  	s3 =	sld [smem:$0x3FFC];
	_ =	sdelay $0x3  }
0x9a: {  	_ =	strace s3  }
0x9b: {  	s3 =	sld [smem:$0x3FFD];
	_ =	sdelay $0x3  }
0x9c: {  	_ =	strace s3  }
0x9d: {  	_ =	strace $0x8FFFFFFF  }
0x9e: {  	s18 =	sld [smem:$0x3FDB];
	_ =	sdelay $0x1  }
0x9f: {  	s19 =	simm.s32 $_scs_section_size  }
0xa0: {  	s5 =	simm.s32 $_size__tile_overlayer_lowered;
	s6 =	simm.s32 $_tile_overlayer_lowered  }
0xa1: {  	s22 =	simm.s32 $0x1BFF;
	s21 =	sshll.u32 s6, $0x1;
	s3 =	sadd.s32 s19, s18  }
0xa2: {  	s7 =	simm.s32 $0x0;
	s20 =	sshll.u32 s5, $0x1;
	s5 =	sadd.s32 s21, s3  }
0xa3: {  	[timem:s7], [sflag:s22] =	dma.local [hbm:s5], s20  }
0xa4: {  	_ =	swait.ge [sflag:s22], s20  }
0xa5: {  	s4 =	ssub.s32 $0x0, s20;
	[sflag:s22] =	ssyncset.done $0x0  }
0xa6: {  	[sflag:s22] =	ssyncadd.s32 s4;
	_ =	sdelay $0x1  }
0xa7: {  	s23 =	simm.s32 $0x1B8B  }
0xa8: {  	_ =	swait.ge [sflag:s23], $0x1  }
0xa9: {  	[sflag:s23] =	ssyncset.done $0x0  }
0xaa: {  	s25 =	simm.s32 $0x1B8E;
	s24 =	sld [smem:$0x3FFE];
	[sflag:s23] =	ssyncadd.s32 $0xFFFFFFFF  }
0xab: {  	s26 =	simm.s32 $execute0_lowered;
	[smem:$0x3FD2] =	sst s25  }
0xac: {  	s5 =	sshll.u32 s26, $0x1;
	_ =	strace $0x8000004F;
	[dreg:$0x1] =	wrdreg $0xFFFFFFFF  }
0xad: {  	s28 =	simm.s32 $_size_execute0_lowered;
	s3 =	sadd.s32 s3, s5;
	[dreg:$0x0] =	wrdreg $0x0  }
0xae: {  	s5 =	sshll.u32 s28, $0x1;
	[dreg:$0x2] =	wrdreg s3  }
0xaf: {  	[dreg:$0x3] =	wrdreg s5  }
0xb0: {  	[dreg:$0x4] =	wrdreg $0xC0  }
0xb1: {  	_ =	task [dreg:s7], $0x5FFFF  }
0xb2: {  	[dreg:$0x1] =	wrdreg $0xFFFFFFFF  }
0xb3: {  	[dreg:$0x0] =	wrdreg $0x60  }
0xb4: {  	[dreg:$0x2] =	wrdreg s24  }
0xb5: {  	[dreg:$0x3] =	wrdreg s16  }
0xb6: {  	[dreg:$0x4] =	wrdreg $0x9  }
0xb7: {  	_ =	task.clear_ibuf [dreg:s7], $0x5FFFF;
	_ =	strace $0x9000004F  }
0xb8: {  	s29 =	simm.s32 $0x9;
	_ =	strace $0x80000051  }
0xb9: {  	_ =	swait.ge [sflag:s29], $0x1  }
0xba: {  	[sflag:s29] =	ssyncadd.s32 $0xFFFFFFFF  }
0xbb: {  	_ =	strace $0x90000051  }
0xbc: {  	_ =	sfence  }
0xbd: {  	s30 =	sld [smem:$0x0];
	_ =	sdelay $0x2  }
0xbe: {  	s31 =	sshll.u32 s1, $0xD;
	s1 =	sshrl.u32 s1, $0x2  }
0xbf: {  	s3 =	sand.u32 $0x4000, s31;
	s1 =	sadd.s32 s1, s30  }
0xc0: {  	s0 =	sor.u32 s3, s0;
	s1 =	sshll.u32 s1, $0x11  }
0xc1: {  	s0 =	sor.u32 s1, s0  }
0xc2: {  	s0 =	sadd.s32 $0x8F2B, s0  }
0xc3: {  	[sflag:s0] =	ssyncadd.remote.s32 $0x1  }
0xc4: {  	_ =	sfence.sel $0xFFFF  }
0xc5: {  	[dreg:$0x0] =	wrdreg $0xFFFFFFFF;
	(pc) =	sbr.abs _section_cstart, $3  }
0xc6: {  	[dreg:$0x1] =	wrdreg $0xFFFFFFFF  }
0xc7: {  	_ =	task.clear_ibuf [dreg:s7], $0x2FFFF;
	_ =	strace $0x9FFFFFFF  }
0xc8: {  	(tm) =	ssettm $0x7FFFFFFF  }
0xc9: {  	_ =	shalt  }
tec
execute0_lowered:
.L_overlay_start_1:
0x0: {  	(tag) =	ssettag $0x1  }
0x1: {  	s1 =	srdreg.scid  }
0x2: {  	s1 =	sand.u32 $0x1, s1  }
0x3: {  	p0 =	seq.s32 s1, $0x1  }
.Ltmp0:
0x4: {  	_ = 	snop;
	(pc) =	sbr.rel @p0 .LBB2_10-.Ltmp0, $4  }
0x5: {  	s3 =	rddreg [dreg:$0x0]  }
0x6: {  	s2 =	rddreg [dreg:$0x1];
	s4 =	simm.s32 $0x0  }
0x7: {  	[smem:$0x7FF] =	sst s4  }
0x8: {  	s0 =	rddreg [dreg:$0x2];
	_ =	strace $0x80000050;
	s1 =	stileid.u32  }
0x9: {  	s4 =	sshll.u32 s1, $0xC;
	s6 =	sshll.u32 s1, $0x4;
	s8 =	simm.s32 $0x0  }
0xa: {  	s5 =	sadd.s32 s4, s3;
	s4 =	sadd.s32 $0x2A00, s3;
	s3 =	sshll.u32 s1, $0x6  }
0xb: {  	v0 =	vimm.s32 $0x0;
	s2 =	sadd.s32 s2, s6;
	s6 =	simm.s32 $0x200;
	s5 =	sadd.s32 $0x82C00, s5  }
.LBB2_2:
0xc: {  	p0 =	sne.s32 s6, $0x3E00;
	[tilespmem:s8+$0x1070] =	vst v0  }
0xd: {  	[tilespmem:s8+$0x1000] =	vst v0  }
0xe: {  	[tilespmem:s8+$0x1010] =	vst v0  }
.Ltmp1:
0xf: {  	[tilespmem:s8+$0x1020] =	vst v0;
	(pc) =	sbr.rel @p0 .LBB2_2-.Ltmp1, $4  }
0x10: {  	[tilespmem:s8+$0x1030] =	vst v0  }
0x11: {  	[tilespmem:s8+$0x1040] =	vst v0  }
0x12: {  	[tilespmem:s8+$0x1050] =	vst v0  }
0x13: {  	[tilespmem:s8+$0x1060] =	vst v0;
	s8 =	sshra.s32 s6, $0x2;
	s6 =	sadd.s32 $0x200, s6  }
0x14: {  	[tilespmem:s8+$0x1070] =	vst v0  }
0x15: {  	[tilespmem:s8+$0x1000] =	vst v0  }
0x16: {  	[tilespmem:s8+$0x1010] =	vst v0  }
0x17: {  	[tilespmem:s8+$0x1020] =	vst v0  }
0x18: {  	[tilespmem:s8+$0x1030] =	vst v0  }
0x19: {  	[tilespmem:s8+$0x1040] =	vst v0  }
0x1a: {  	[tilespmem:s8+$0x1050] =	vst v0;
	s6 =	simm.s32 $0x0;
	s7 =	simm.s32 $0x80  }
0x1b: {  	[tilespmem:s8+$0x1060] =	vst v0;
	s8 =	simm.s32 $0x400;
	s9 =	simm.s32 $0x1;
	s10 =	simm.s32 $0x0  }
.LBB2_4:
0x1c: {  	s11 =	sshll.u32 s10, $0xD  }
0x1d: {  	s12 =	sshll.u32 s10, $0x4;
	s11 =	sand.u32 $0x30000, s11  }
0x1e: {  	s12 =	sand.u32 $0x70, s12;
	s11 =	sadd.s32 s11, s5  }
0x1f: {  	s11 =	sadd.s32 s12, s11  }
0x20: {  	[tilespmem:s6], [sflag:$0x1] =	stream.strided.gather [hbm4b:s11+s7], $0x1000, s8, s7, $0x38;
	[tilespmem:$0x2180] =	vst v63  }
0x21: {  	_ =	swait.ge [sflag:s9], $0x1000  }
0x22: {  	[sflag:s9] =	ssyncset.done $0x0  }
0x23: {  	s11 =	simm.s32 $0x0;
	[sflag:s9] =	ssyncadd.s32 $0xFFFFF000  }
0x24: {  	v6 =	vld [tilespmem:s11+$0x0]  }
0x25: {  	v8 =	vld [tilespmem:s11+$0x10]  }
0x26: {  	v5 =	vld [tilespmem:s11+$0x20]  }
0x27: {  	v4 =	vld [tilespmem:s11+$0x30]  }
0x28: {  	v3 =	vld [tilespmem:s11+$0x40]  }
0x29: {  	v2 =	vld [tilespmem:s11+$0x50]  }
0x2a: {  	v1 =	vld [tilespmem:s11+$0x60]  }
0x2b: {  	v0 =	vld [tilespmem:s11+$0x70]  }
0x2c: {  	v11 =	vld [tilespmem:s11+$0x1000]  }
0x2d: {  	v12 =	vld [tilespmem:s11+$0x1010]  }
0x2e: {  	v10 =	vld [tilespmem:s11+$0x1020]  }
0x2f: {  	v9 =	vld [tilespmem:s11+$0x1030]  }
0x30: {  	v7 =	vld [tilespmem:s11+$0x1040]  }
0x31: {  	v11 =	vadd.s32 v11, v6;
	v6 =	vld [tilespmem:s11+$0x1050]  }
0x32: {  	s12 =	simm.s32 $0x200;
	[tilespmem:s11+$0x1000] =	vst v11;
	v11 =	vadd.s32 v12, v8;
	v8 =	vld [tilespmem:s11+$0x1060]  }
.LBB2_5:
0x33: {  	s13 =	sshra.s32 s12, $0x2;
	p0 =	sne.s32 s12, $0x3E00;
	[tilespmem:s11+$0x1010] =	vst v11;
	v5 =	vadd.s32 v10, v5;
	v10 =	vld [tilespmem:s11+$0x1070]  }
0x34: {  	v11 =	vld [tilespmem:s13+$0x0];
	[tilespmem:s11+$0x1020] =	vst v5;
	v4 =	vadd.s32 v9, v4  }
0x35: {  	v12 =	vld [tilespmem:s13+$0x10];
	[tilespmem:s11+$0x1030] =	vst v4;
	v3 =	vadd.s32 v7, v3  }
0x36: {  	v5 =	vld [tilespmem:s13+$0x20];
	[tilespmem:s11+$0x1040] =	vst v3;
	v2 =	vadd.s32 v6, v2  }
0x37: {  	v4 =	vld [tilespmem:s13+$0x30];
	[tilespmem:s11+$0x1050] =	vst v2;
	v1 =	vadd.s32 v8, v1  }
0x38: {  	v3 =	vld [tilespmem:s13+$0x40];
	[tilespmem:s11+$0x1060] =	vst v1;
	v0 =	vadd.s32 v10, v0  }
0x39: {  	v2 =	vld [tilespmem:s13+$0x50];
	[tilespmem:s11+$0x1070] =	vst v0;
	s11 =	smov.u32 s13  }
0x3a: {  	v1 =	vld [tilespmem:s11+$0x60]  }
0x3b: {  	v0 =	vld [tilespmem:s11+$0x70]  }
0x3c: {  	v6 =	vld [tilespmem:s11+$0x1000]  }
0x3d: {  	v8 =	vld [tilespmem:s11+$0x1010]  }
.Ltmp2:
0x3e: {  	v10 =	vld [tilespmem:s11+$0x1020];
	(pc) =	sbr.rel @p0 .LBB2_5-.Ltmp2, $4  }
0x3f: {  	v9 =	vld [tilespmem:s11+$0x1030]  }
0x40: {  	v7 =	vld [tilespmem:s11+$0x1040]  }
0x41: {  	v11 =	vadd.s32 v6, v11;
	v6 =	vld [tilespmem:s11+$0x1050]  }
0x42: {  	s12 =	sadd.s32 $0x200, s12;
	[tilespmem:s11+$0x1000] =	vst v11;
	v11 =	vadd.s32 v8, v12;
	v8 =	vld [tilespmem:s11+$0x1060]  }
0x43: {  	[tilespmem:s11+$0x1010] =	vst v11;
	v5 =	vadd.s32 v10, v5;
	v63 =	vld [tilespmem:s11+$0x1070];
	s10 =	sadd.s32 $0x1, s10  }
0x44: {  	[tilespmem:s11+$0x1020] =	vst v5;
	v4 =	vadd.s32 v9, v4;
	p0 =	sne.s32 s10, $0x20  }
.Ltmp3:
0x45: {  	[tilespmem:s11+$0x1030] =	vst v4;
	v3 =	vadd.s32 v7, v3;
	(pc) =	sbr.rel @p0 .LBB2_4-.Ltmp3, $4  }
0x46: {  	[tilespmem:s11+$0x1040] =	vst v3;
	v2 =	vadd.s32 v6, v2  }
0x47: {  	[tilespmem:s11+$0x1050] =	vst v2;
	v1 =	vadd.s32 v8, v1  }
0x48: {  	[tilespmem:s11+$0x1060] =	vst v1;
	v0 =	vadd.s32 v63, v0  }
0x49: {  	[tilespmem:s11+$0x1070] =	vst v0  }
0x4a: {  	s5 =	simm.s32 $0x0;
	s6 =	simm.s32 $0x2000;
	s25 =	simm.s32 $0x1  }
0x4b: {  	[tilespmem:s6], [sflag:$0x1] =	stream.linear.gather [hbm4b:s4+s5], $0x100, $0x38;
	[tilespmem:$0x2180] =	vst v63  }
0x4c: {  	_ =	swait.ge [sflag:s25], $0x100  }
0x4d: {  	[sflag:s25] =	ssyncset.done $0x0  }
0x4e: {  	s3 =	sshrl.u32 s3, $0x2;
	[sflag:s25] =	ssyncadd.s32 $0xFFFFFF00  }
0x4f: {  	v0 =	vld [tilespmem:s3+$0x2000];
	_ =	sdelay $0x2  }
0x50: {  	s26 =	simm.s32 $0x1000  }
0x51: {  	vm0 =	vcmask $0x308;
	v1 =	vld [tilespmem:s26+$0x0]  }
0x52: {  	v2 =	vsel vm0, $0x0, v0  }
0x53: {  	(xrf0) =	vadd.scan.msk.s32 $0xffff, v2;
	_ =	sdelay $0x2  }
0x54: {  	(xrf0) =	vadd.scan.msk.s32 $0xffff, v1;
	_ =	sdelay $0x2  }
0x55: {  	v1, _, _ =	vpop (xrf0)  }
0x56: {  	(v2sf) =	vpush v1, $0xF;
	_ =	sdelay $0x1  }
0x57: {  	s28 =	simm.s32 $0x1010;
	v1, _, _ =	vpop (xrf0)  }
0x58: {  	(v2sf) =	vpush v1, $0xF;
	v1 =	vld [tilespmem:s28+$0x0];
	_ =	sdelay $0x2  }
0x59: {  	s29 =	simm.s32 $0x1020  }
0x5a: {  	v2 =	vld [tilespmem:s29+$0x0]  }
0x5b: {  	(xrf0) =	vadd.scan.msk.s32 $0xffff, v1;
	_ =	sdelay $0x3  }
0x5c: {  	(xrf0) =	vadd.scan.msk.s32 $0xffff, v2;
	_ =	sdelay $0x1  }
0x5d: {  	v2, _, _ =	vpop (xrf0)  }
0x5e: {  	s3 =	spop (v2sf);
	(v2sf) =	vpush v2, $0xF  }
0x5f: {  	s30 =	simm.s32 $0x1030  }
0x60: {  	v1 =	vld [tilespmem:s30+$0x0]  }
0x61: {  	v2, _, _ =	vpop (xrf0)  }
0x62: {  	s31 =	spop (v2sf);
	(v2sf) =	vpush v2, $0xF;
	_ =	sdelay $0x2  }
0x63: {  	s10 =	simm.s32 $0x1;
	s9 =	simm.s32 $0x2;
	(xrf0) =	vadd.scan.msk.s32 $0xffff, v1  }
0x64: {  	s8 =	simm.s32 $0x3;
	s14 =	simm.s32 $0x1040;
	s7 =	sadd.s32 $0x0, s31  }
0x65: {  	p0 =	por $0x1, $0x1;
	s13 =	simm.s32 $0x5;
	v1 =	vld [tilespmem:s14+$0x0];
	p1 =	sgt.s32 s7, s3  }
0x66: {  	s12 =	simm.s32 $0x0;
	s11 =	simm.s32 $0x0;
	p0 =	por !p0, !p1  }
0x67: {  	s4 =	simm.s32 $0xFFFFFFFF;
	s6 =	simm.s32 $0x4;
	p0 =	por !p0, !p0  }
.LBB2_8:
0x68: {  	p1 =	sne.s32 s13, $0xFF;
	s4 =	smov.u32 @p0 s12;
	s5 =	smov.u32 @p0 s11  }
0x69: {  	v2, _, _ =	vpop (xrf0);
	s12 =	smov.u32 s10;
	s10 =	smov.u32 s9;
	s9 =	smov.u32 s8  }
0x6a: {  	s8 =	smov.u32 s6;
	s6 =	smov.u32 s13;
	s13 =	sadd.s32 $0x1, s13;
	(xrf0) =	vadd.scan.msk.s32 $0xffff, v1;
	(v2sf) =	vpush v2, $0xF  }
.Ltmp4:
0x6b: {  	s14 =	sadd.s32 $0x10, s14;
	s15 =	spop (v2sf);
	(pc) =	sbr.rel @p1 .LBB2_8-.Ltmp4, $4  }
0x6c: {  	s11 =	smov.u32 s7;
	v1 =	vld [tilespmem:s14+$0x0];
	s7 =	sadd.s32 s7, s15  }
0x6d: {  	p0 =	slt.s32 s4, $0x0;
	p2 =	sgt.s32 s7, s3  }
0x6e: {  	p0 =	por !p0, !p2  }
0x6f: {  	p0 =	por !p0, !p0  }
0x70: {  	_ = 	snop  }
0x71: {  	(xrf0) =	vadd.scan.msk.s32 $0xffff, v1;
	_ =	sdelay $0x1  }
0x72: {  	v57, _, _ =	vpop (xrf0)  }
0x73: {  	(v2sf) =	vpush v57, $0xF  }
0x74: {  	vm0 =	vmmov $0x1  }
0x75: {  	vm12 =	vcmask $0x70C;
	v58 =	vnsel vm0, $0x0, v0  }
0x76: {  	v60 =	vsel vm12, $0x0, v0;
	(xrf0) =	vadd.scan.msk.s32 $0xffff, v58;
	v59, _, _ =	vpop (xrf0)  }
0x77: {  	(xrf0) =	vadd.scan.msk.s32 $0xffff, v60;
	(v2sf) =	vpush v59, $0xF;
	_ =	sdelay $0x2  }
0x78: {  	s13 =	spop (v2sf)  }
0x79: {  	s4 =	smov.u32 @p0 s12;
	s12 =	sadd.s32 s7, s13  }
0x7a: {  	p1 =	slt.s32 s4, $0x0;
	p2 =	sgt.s32 s12, s3;
	v61, _, _ =	vpop (xrf0)  }
0x7b: {  	p1 =	por !p1, !p2;
	(v2sf) =	vpush v61, $0xF;
	v62, _, _ =	vpop (xrf0)  }
0x7c: {  	p1 =	por !p1, !p1;
	s22 =	spop (v2sf);
	(v2sf) =	vpush v62, $0xF  }
0x7d: {  	s4 =	smov.u32 @p1 s10;
	s10 =	sadd.s32 s12, s22  }
0x7e: {  	p5 =	slt.s32 s4, $0x0;
	p3 =	sgt.s32 s10, s3  }
0x7f: {  	p2 =	por !p5, !p3  }
0x80: {  	p2 =	por !p2, !p2;
	s23 =	spop (v2sf)  }
0x81: {  	s4 =	smov.u32 @p2 s9;
	s9 =	sadd.s32 s10, s23  }
0x82: {  	p6 =	slt.s32 s4, $0x0;
	p4 =	sgt.s32 s9, s3  }
0x83: {  	p3 =	por !p6, !p4  }
0x84: {  	p3 =	por !p3, !p3;
	s24 =	spop (v2sf)  }
0x85: {  	s4 =	smov.u32 @p3 s8;
	s25 =	sadd.s32 s9, s24  }
0x86: {  	s5 =	smov.u32 @p0 s11;
	p5 =	slt.s32 s4, $0x0;
	p6 =	sgt.s32 s25, s3  }
0x87: {  	s5 =	smov.u32 @p1 s7;
	p0 =	por !p5, !p6  }
0x88: {  	s5 =	smov.u32 @p2 s12;
	p0 =	por !p0, !p0  }
0x89: {  	s5 =	smov.u32 @p3 s10;
	s4 =	smov.u32 @p0 s6  }
0x8a: {  	v0 =	vbroadcast v62, $0xF;
	s26 =	spop (v2sf);
	s5 =	smov.u32 @p0 s9;
	p0 =	sgt.s32 s4, $0x0  }
0x8b: {  	vm13 =	vcmask $0xB08;
	v63 =	vlaneseq.u32;
	s6 =	sshll.u32 s26, $0x8;
	s28 =	spop (v2sf);
	s4 =	simm.s32 @!p0 $0x0  }
0x8c: {  	vm14 =	veq.s32 v63, $0x0;
	v0 =	vnsel vm13, $0x0, v0;
	s3 =	ssub.s32 s3, s5;
	p0 =	sgt.s32 s28, $0x0;
	s4 =	sor.u32 s6, s4  }
0x8d: {  	vm15 =	veq.s32 v63, $0x1;
	s3 =	simm.s32 @!p0 $0x0;
	v0 =	vsel vm14, s4, v0  }
0x8e: {  	v0 =	vsel vm15, s3, v0  }
0x8f: {  	s29 =	simm.s32 $0x0;
	s30 =	simm.s32 $0x2100;
	s31 =	simm.s32 $0x1;
	[tilespmem:$0x2100] =	vst v0  }
0x90: {  	[hbm4b:s2+s29] =	stream.linear.scatter [tilespmem:s30], [sflag:$0x1], $0x80, $0x38;
	[tilespmem:$0x2180] =	vst v63  }
0x91: {  	_ =	swait.ge [sflag:s31], $0x80  }
0x92: {  	[sflag:s31] =	ssyncset.done $0x0  }
0x93: {  	[sflag:s31] =	ssyncadd.s32 $0xFFFFFF80  }
.LBB2_10:
0x94: {  	_ =	sfence.sel $0x180000  }
0x95: {  	[bflag:$0x0] =	sbarrier.arrive $0xFFFF  }
0x96: {  	p0 =	sne.s32 s1, $0x0;
	_ =	strace $0x90000050  }
0x97: {  	s0 =	sadd.s32 @!p0 $0x100000, s0;
	[bflag:$0x2] =	sbarrier.arrive $0xFFFF  }
0x98: {  	[sflag:s0] =	ssyncadd.tile.s32 @!p0 $0x1;
	_ =	shalt  }
.Lfunc_end2:
_tile_overlayer_lowered:
.L_overlay_start_2:
0x99: {  	(tag) =	ssettag $0x2  }
0x9a: {  	s0 =	rddreg [dreg:$0x0];
	s2 =	stileid.u32  }
0x9b: {  	s1 =	rddreg [dreg:$0x1];
	p0 =	sne.s32 s2, $0x0  }
0x9c: {  	s3 =	rddreg [dreg:$0x2];
	[bflag:$0x3] =	sbarrier.arrive $0xFFFF;
	s2 =	simm.s32 @!p0 $0x1C01  }
0x9d: {  	[timem:s3], [sflag:s2] =	dma.local @!p0 [hbm:s0], s1  }
0x9e: {  	s0 =	simm.s32 @!p0 $0x1  }
0x9f: {  	_ =	swait.ge @!p0 [sflag:s0], s1  }
0xa0: {  	s1 =	ssub.s32 @!p0 $0x0, s1;
	[sflag:s0] =	ssyncset.done @!p0 $0x0  }
0xa1: {  	[sflag:s0] =	ssyncadd.s32 @!p0 s1  }
0xa2: {  	[bflag:$0x3] =	sbarrier.arrive $0xFFFF  }
0xa3: {  	_ =	shalt  }

// kernel: kernel.21.cloned.1.call-start
scs
__scs_entry_jumppad:
0x0: {  	(pc) =	sbr.rel $0x88, $3  }
0x1: {  	(tag) =	ssettag $0x0;
	lr =	simm.s32 $0x1  }
0x2: {  	[smem:$0x3F9B] =	sst lr;
	_ =	strace $0xD0000000  }
0x3: {  	_ = 	snop  }
0x4: {  	_ = 	snop  }
0x5: {  	_ = 	snop  }
0x6: {  	_ = 	snop  }
0x7: {  	_ = 	snop  }
__scs_overlays_trampoline_lowered:
0x8: {  	[smem:$0x3FAA] =	sst s0  }
0x9: {  	[smem:$0x3FAB] =	sst s1  }
0xa: {  	[smem:$0x3FAC] =	sst s2  }
0xb: {  	[smem:$0x3FAD] =	sst s3  }
0xc: {  	[smem:$0x3FAE] =	sst s4  }
0xd: {  	[smem:$0x3FAF] =	sst s5  }
0xe: {  	[smem:$0x3FB0] =	sst s6  }
0xf: {  	[smem:$0x3FB1] =	sst s7  }
0x10: {  	[smem:$0x3FB2] =	sst s8  }
0x11: {  	[smem:$0x3FB3] =	sst s9;
	s0 =	simm.s32 @!p0 $0x0  }
0x12: {  	s1 =	sld [smem:$0x3F99];
	s0 =	simm.s32 @p0 $0x1  }
0x13: {  	[smem:$0x3FB4] =	sst s0;
	s0 =	simm.s32 @!p1 $0x0  }
0x14: {  	s2 =	sld [smem:$0x3F98];
	s0 =	simm.s32 @p1 $0x1  }
0x15: {  	[smem:$0x3FB5] =	sst s0;
	s0 =	simm.s32 @!p2 $0x0  }
0x16: {  	s3 =	sld [smem:$0x3FDB];
	s0 =	simm.s32 @p2 $0x1  }
0x17: {  	s4 =	simm.s32 $0x1BF5;
	[smem:$0x3FB7] =	sst s0  }
0x18: {  	s0 =	sld [smem:$0x3F9A];
	_ =	swait.ge [sflag:s4], $0x0  }
0x19: {  	s7 =	sld [smem:$0x3F9B]  }
0x1a: {  	s8 =	sadd.s32 $0xFFFFE003, lr  }
0x1b: {  	s9 =	sadd.s32 $0xFFFFFEF7, lr;
	s5 =	simm.s32 $0xFFFFFFFF;
	p2 =	slt.u32 s8, $0xFFFFF086  }
0x1c: {  	p1 =	slt.u32 s9, $0xF7A;
	s5 =	simm.s32 @!p2 $0x0  }
0x1d: {  	s5 =	simm.s32 @p1 $0x1;
	p0 =	seq.s32 s7, s2  }
0x1e: {  	s7 =	smul.u32 @!p0 $0xF7A, s2;
	p2 =	seq.s32 @!p0 s5, $0x0  }
0x1f: {  	s9 =	smul.u32 $0xF7A, s1;
	s8 =	simm.s32 @!p0 $0x1BF5;
	p2 =	por !p2, p0  }
0x20: {  	[sflag:s8] =	ssyncset.s32 @!p0 $0xFFFFF086;
	s6 =	sadd.s32 @!p0 s3, s7;
	s7 =	simm.s32 @!p0 $0x108  }
0x21: {  	s3 =	sadd.s32 s3, s9;
	s6 =	sadd.s32 @!p0 $0x88, s6;
	s7 =	simm.s32 @p2 $0x1082  }
0x22: {  	[simem:s7], [sflag:s8] =	dma.local @!p0 [hbm:s6], $0xF7A  }
0x23: {  	s9 =	sor.u32 $0xD0000000, s2;
	s6 =	simm.s32 $0x108;
	_ =	swait.ge @!p0 [sflag:s8], $0x0  }
0x24: {  	s3 =	sadd.s32 $0x88, s3;
	s6 =	simm.s32 @!p1 $0x1082;
	[sflag:s4] =	ssyncset.s32 $0xFFFFF086  }
0x25: {  	[simem:s6], [sflag:s4] =	dma.local [hbm:s3], $0xF7A  }
0x26: {  	[smem:$0x3F9B] =	sst s1;
	(tag) =	ssettag s2;
	_ =	strace s9  }
0x27: {  	s1 =	sld [smem:$0x3FAB]  }
0x28: {  	s2 =	sld [smem:$0x3FAC]  }
0x29: {  	s4 =	sld [smem:$0x3FAE]  }
0x2a: {  	p0 =	seq.s32 s5, $0x0;
	s5 =	sld [smem:$0x3FAF]  }
0x2b: {  	s6 =	sld [smem:$0x3FB0]  }
0x2c: {  	s7 =	sld [smem:$0x3FB1]  }
0x2d: {  	s3 =	simm.s32 $0x108;
	s8 =	sld [smem:$0x3FB2]  }
0x2e: {  	s3 =	simm.s32 @!p0 $0x1082;
	s9 =	sld [smem:$0x3FB3]  }
0x2f: {  	lr =	sadd.s32 s0, s3;
	s0 =	sld [smem:$0x3FAA]  }
0x30: {  	s3 =	sld [smem:$0x3FAD]  }
0x31: {  	[smem:$0x3FB6] =	sst s10  }
0x32: {  	s10 =	sld [smem:$0x3FB4];
	_ =	sdelay $0x3  }
0x33: {  	p0 =	seq.s32 s10, $0x1;
	s10 =	sld [smem:$0x3FB6];
	_ =	sdelay $0x3  }
0x34: {  	[smem:$0x3FB6] =	sst s10  }
0x35: {  	s10 =	sld [smem:$0x3FB5];
	_ =	sdelay $0x3  }
0x36: {  	p1 =	seq.s32 s10, $0x1;
	s10 =	sld [smem:$0x3FB6];
	_ =	sdelay $0x3  }
0x37: {  	[smem:$0x3FB6] =	sst s10  }
0x38: {  	s10 =	sld [smem:$0x3FB7]  }
0x39: {  	_ = 	snop;
	(pc) =	sbr.ind lr, $3  }
0x3a: {  	_ = 	snop  }
0x3b: {  	_ = 	snop  }
0x3c: {  	p2 =	seq.s32 s10, $0x1;
	s10 =	sld [smem:$0x3FB6]  }
0x3d: {  	_ =	shalt  }
0x3e: {  	_ =	shalt  }
0x3f: {  	_ =	shalt  }
0x40: {  	_ =	shalt  }
0x41: {  	_ =	shalt  }
0x42: {  	_ =	shalt  }
0x43: {  	_ =	shalt  }
0x44: {  	_ =	shalt  }
0x45: {  	_ =	shalt  }
0x46: {  	_ =	shalt  }
0x47: {  	_ =	shalt  }
0x48: {  	_ =	shalt  }
0x49: {  	_ =	shalt  }
0x4a: {  	_ =	shalt  }
0x4b: {  	_ =	shalt  }
0x4c: {  	_ =	shalt  }
0x4d: {  	_ =	shalt  }
0x4e: {  	_ =	shalt  }
0x4f: {  	_ =	shalt  }
0x50: {  	_ =	shalt  }
0x51: {  	_ =	shalt  }
0x52: {  	_ =	shalt  }
0x53: {  	_ =	shalt  }
0x54: {  	_ =	shalt  }
0x55: {  	_ =	shalt  }
0x56: {  	_ =	shalt  }
0x57: {  	_ =	shalt  }
0x58: {  	_ =	shalt  }
0x59: {  	_ =	shalt  }
0x5a: {  	_ =	shalt  }
0x5b: {  	_ =	shalt  }
0x5c: {  	_ =	shalt  }
0x5d: {  	_ =	shalt  }
0x5e: {  	_ =	shalt  }
0x5f: {  	_ =	shalt  }
0x60: {  	_ =	shalt  }
0x61: {  	_ =	shalt  }
0x62: {  	_ =	shalt  }
0x63: {  	_ =	shalt  }
0x64: {  	_ =	shalt  }
0x65: {  	_ =	shalt  }
0x66: {  	_ =	shalt  }
0x67: {  	_ =	shalt  }
0x68: {  	_ =	shalt  }
0x69: {  	_ =	shalt  }
0x6a: {  	_ =	shalt  }
0x6b: {  	_ =	shalt  }
0x6c: {  	_ =	shalt  }
0x6d: {  	_ =	shalt  }
0x6e: {  	_ =	shalt  }
0x6f: {  	_ =	shalt  }
0x70: {  	_ =	shalt  }
0x71: {  	_ =	shalt  }
0x72: {  	_ =	shalt  }
0x73: {  	_ =	shalt  }
0x74: {  	_ =	shalt  }
0x75: {  	_ =	shalt  }
0x76: {  	_ =	shalt  }
0x77: {  	_ =	shalt  }
0x78: {  	_ =	shalt  }
0x79: {  	_ =	shalt  }
0x7a: {  	_ =	shalt  }
0x7b: {  	_ =	shalt  }
0x7c: {  	_ =	shalt  }
0x7d: {  	_ =	shalt  }
0x7e: {  	_ =	shalt  }
0x7f: {  	_ =	shalt  }
0x80: {  	_ =	shalt  }
0x81: {  	_ =	shalt  }
0x82: {  	_ =	shalt  }
0x83: {  	_ =	shalt  }
0x84: {  	_ =	shalt  }
0x85: {  	_ =	shalt  }
0x86: {  	_ =	shalt  }
0x87: {  	_ =	shalt  }
.Lfunc_end0:
.L_simem_size_0:
called_computation.4_lowered:
.L_overlay_start_0:
0x88: {  	s2 =	sld [smem:$0x3FD9]  }
0x89: {  	s3 =	sld [smem:$0x3FFE];
	_ =	sdelay $0x1  }
0x8a: {  	s1 =	srdreg.scid  }
0x8b: {  	s0 =	sand.u32 $0x1, s1  }
0x8c: {  	s17 =	sshll.u32 s0, $0xA;
	s2 =	sadd.s32 s3, s2  }
0x8d: {  	s2 =	sadd.s32 s2, s17  }
0x8e: {  	[smem:$0x3FC2] =	sst s2  }
0x8f: {  	_ = 	snop  }
0x90: {  	s2 =	sld [smem:$0x3FC7];
	(tm) =	ssettm $0x1  }
0x91: {  	s18 =	sld [smem:$0x3FFB];
	_ =	sdelay $0x3  }
0x92: {  	_ =	strace s18  }
0x93: {  	s3 =	sld [smem:$0x3FFC];
	_ =	sdelay $0x3  }
0x94: {  	_ =	strace s3  }
0x95: {  	s3 =	sld [smem:$0x3FFD];
	_ =	sdelay $0x3  }
0x96: {  	_ =	strace s3  }
0x97: {  	_ =	strace $0x8FFFFFFF  }
0x98: {  	s19 =	sld [smem:$0x3FDB];
	_ =	sdelay $0x1  }
0x99: {  	s4 =	simm.s32 $_scs_section_size  }
0x9a: {  	s5 =	simm.s32 $_size__tile_overlayer_lowered;
	s6 =	simm.s32 $_tile_overlayer_lowered  }
0x9b: {  	s22 =	simm.s32 $0x1BFF;
	s21 =	sshll.u32 s6, $0x1;
	s3 =	sadd.s32 s4, s19  }
0x9c: {  	s7 =	simm.s32 $0x0;
	s20 =	sshll.u32 s5, $0x1;
	s5 =	sadd.s32 s21, s3  }
0x9d: {  	[timem:s7], [sflag:s22] =	dma.local [hbm:s5], s20  }
0x9e: {  	_ =	swait.ge [sflag:s22], s20  }
0x9f: {  	s4 =	ssub.s32 $0x0, s20;
	[sflag:s22] =	ssyncset.done $0x0  }
0xa0: {  	[sflag:s22] =	ssyncadd.s32 s4;
	_ =	sdelay $0x1  }
0xa1: {  	s23 =	simm.s32 $0x1B8B  }
0xa2: {  	_ =	swait.ge [sflag:s23], $0x1  }
0xa3: {  	[sflag:s23] =	ssyncset.done $0x0  }
0xa4: {  	s25 =	simm.s32 $0x1B8E;
	s24 =	sld [smem:$0x3FFE];
	[sflag:s23] =	ssyncadd.s32 $0xFFFFFFFF  }
0xa5: {  	s26 =	simm.s32 $execute0_lowered;
	[smem:$0x3FD2] =	sst s25  }
0xa6: {  	s5 =	sshll.u32 s26, $0x1;
	_ =	strace $0x80000052;
	[dreg:$0x1] =	wrdreg $0xFFFFFFFF  }
0xa7: {  	s28 =	simm.s32 $_size_execute0_lowered;
	s3 =	sadd.s32 s3, s5;
	[dreg:$0x0] =	wrdreg $0x0  }
0xa8: {  	s5 =	sshll.u32 s28, $0x1;
	[dreg:$0x2] =	wrdreg s3  }
0xa9: {  	[dreg:$0x3] =	wrdreg s5  }
0xaa: {  	[dreg:$0x4] =	wrdreg $0xC0  }
0xab: {  	_ =	task [dreg:s7], $0x5FFFF  }
0xac: {  	[dreg:$0x1] =	wrdreg $0xFFFFFFFF  }
0xad: {  	[dreg:$0x0] =	wrdreg $0x60  }
0xae: {  	[dreg:$0x2] =	wrdreg s24  }
0xaf: {  	[dreg:$0x3] =	wrdreg s2  }
0xb0: {  	[dreg:$0x4] =	wrdreg $0x9  }
0xb1: {  	_ =	task.clear_ibuf [dreg:s7], $0x5FFFF;
	_ =	strace $0x90000052  }
0xb2: {  	s29 =	simm.s32 $0x9;
	_ =	strace $0x80000054  }
0xb3: {  	_ =	swait.ge [sflag:s29], $0x1  }
0xb4: {  	[sflag:s29] =	ssyncadd.s32 $0xFFFFFFFF  }
0xb5: {  	_ =	strace $0x90000054  }
0xb6: {  	_ =	sfence  }
0xb7: {  	s30 =	sld [smem:$0x0];
	_ =	sdelay $0x2  }
0xb8: {  	s31 =	sshll.u32 s1, $0xD;
	s1 =	sshrl.u32 s1, $0x2  }
0xb9: {  	s3 =	sand.u32 $0x4000, s31;
	s1 =	sadd.s32 s1, s30  }
0xba: {  	s0 =	sor.u32 s3, s0;
	s1 =	sshll.u32 s1, $0x11  }
0xbb: {  	s0 =	sor.u32 s1, s0  }
0xbc: {  	s0 =	sadd.s32 $0x8F2B, s0  }
0xbd: {  	[sflag:s0] =	ssyncadd.remote.s32 $0x1  }
0xbe: {  	_ =	sfence.sel $0xFFFF  }
0xbf: {  	[dreg:$0x0] =	wrdreg $0xFFFFFFFF;
	(pc) =	sbr.abs _section_cstart, $3  }
0xc0: {  	[dreg:$0x1] =	wrdreg $0xFFFFFFFF  }
0xc1: {  	_ =	task.clear_ibuf [dreg:s7], $0x2FFFF;
	_ =	strace $0x9FFFFFFF  }
0xc2: {  	(tm) =	ssettm $0x7FFFFFFF  }
0xc3: {  	_ =	shalt  }
tec
execute0_lowered:
.L_overlay_start_1:
0x0: {  	(tag) =	ssettag $0x1  }
0x1: {  	s5 =	rddreg [dreg:$0x0]  }
0x2: {  	s2 =	rddreg [dreg:$0x1]  }
0x3: {  	s0 =	rddreg [dreg:$0x2];
	s3 =	simm.s32 $0x0  }
0x4: {  	s1 =	stileid.u32;
	s4 =	srdreg.scid;
	s11 =	simm.s32 $0x800  }
0x5: {  	s12 =	simm.s32 $0x1100;
	s13 =	simm.s32 $0x80;
	s14 =	simm.s32 $0x400  }
0x6: {  	[smem:$0x7FF] =	sst s3;
	s6 =	sand.u32 $0x1, s4;
	s7 =	sshll.u32 s1, $0x1  }
0x7: {  	s4 =	sadd.s32 $0x42A00, s5;
	s8 =	sshll.u32 s1, $0xE;
	_ =	strace $0x80000053  }
0x8: {  	s7 =	sor.u32 s6, s7;
	s8 =	sand.u32 $0x30000, s8;
	s6 =	ssub.s32 $0x2, s6  }
0x9: {  	s9 =	sshll.u32 s7, $0x4;
	s8 =	sadd.s32 s8, s5;
	s10 =	sshrl.u32 s6, $0x1  }
0xa: {  	s5 =	sadd.s32 $0x2A00, s5;
	s9 =	sand.u32 $0x70, s9;
	s10 =	ssub.s32 s6, s10  }
0xb: {  	s6 =	sshll.u32 s7, $0xD;
	s8 =	sadd.s32 s9, s8;
	s9 =	simm.s32 $0x1000  }
0xc: {  	v0 =	vimm.s32 $0x0;
	v1 =	vlaneseq.u32;
	v2 =	vimm.s32 $0x1;
	s7 =	sadd.s32 $0x82A00, s8;
	s8 =	smax.u32 s10, $0x1;
	s10 =	simm.s32 $0x1  }
.LBB2_1:
0xd: {  	s15 =	simm.s32 $0x0;
	s16 =	simm.s32 $0x200  }
.LBB2_2:
0xe: {  	p0 =	sne.s32 s16, $0x3FE00;
	[tilespmem:s15+$0x1170] =	vst v0  }
0xf: {  	[tilespmem:s15+$0x1100] =	vst v0  }
0x10: {  	[tilespmem:s15+$0x1110] =	vst v0  }
.Ltmp0:
0x11: {  	[tilespmem:s15+$0x1120] =	vst v0;
	(pc) =	sbr.rel @p0 .LBB2_2-.Ltmp0, $4  }
0x12: {  	[tilespmem:s15+$0x1130] =	vst v0  }
0x13: {  	[tilespmem:s15+$0x1140] =	vst v0  }
0x14: {  	[tilespmem:s15+$0x1150] =	vst v0  }
0x15: {  	[tilespmem:s15+$0x1160] =	vst v0;
	s15 =	sshra.s32 s16, $0x2;
	s16 =	sadd.s32 $0x200, s16  }
0x16: {  	[tilespmem:s15+$0x1170] =	vst v0  }
0x17: {  	[tilespmem:s15+$0x1100] =	vst v0  }
0x18: {  	[tilespmem:s15+$0x1110] =	vst v0  }
0x19: {  	[tilespmem:s15+$0x1120] =	vst v0  }
0x1a: {  	[tilespmem:s15+$0x1130] =	vst v0  }
0x1b: {  	[tilespmem:s15+$0x1140] =	vst v0  }
0x1c: {  	[tilespmem:s15+$0x1150] =	vst v0  }
0x1d: {  	[tilespmem:s15+$0x1160] =	vst v0;
	s15 =	simm.s32 $0x0  }
0x1e: {  	[tilespmem:s9], [sflag:$0x1] =	stream.linear.gather [hbm4b:s5+s15], $0x100, $0x38;
	[tilespmem:$0x11100] =	vst v63  }
0x1f: {  	_ =	swait.ge [sflag:s10], $0x100  }
0x20: {  	[sflag:s10] =	ssyncset.done $0x0  }
0x21: {  	s16 =	simm.s32 $0x0;
	[sflag:s10] =	ssyncadd.s32 $0xFFFFFF00  }
.LBB2_4:
0x22: {  	s17 =	sshll.u32 s16, $0x8  }
0x23: {  	s17 =	sadd.s32 s6, s17  }
0x24: {  	s18 =	sadd.s32 s4, s17  }
0x25: {  	[tilespmem:s15], [sflag:$0x1] =	stream.linear.gather [hbm4b:s18+s15], $0x800, $0x38;
	[tilespmem:$0x11100] =	vst v63  }
0x26: {  	_ =	swait.ge [sflag:s10], $0x800  }
0x27: {  	[sflag:s10] =	ssyncset.done $0x0  }
0x28: {  	s17 =	sadd.s32 s2, s17;
	[sflag:s10] =	ssyncadd.s32 $0xFFFFF800  }
0x29: {  	[tilespmem:s11], [sflag:$0x1] =	stream.linear.gather [hbm4b:s17+s15], $0x800, $0x38;
	[tilespmem:$0x11100] =	vst v63  }
0x2a: {  	_ =	swait.ge [sflag:s10], $0x800  }
0x2b: {  	[sflag:s10] =	ssyncset.done $0x0  }
0x2c: {  	s17 =	simm.s32 $0x0;
	[sflag:s10] =	ssyncadd.s32 $0xFFFFF800  }
.LBB2_5:
0x2d: {  	s18 =	sshra.s32 s17, $0x2  }
0x2e: {  	v3 =	vld [tilespmem:s18+$0x800];
	_ =	sdelay $0x4  }
0x2f: {  	v4 =	vshll.u32 v3, $0x4;
	_ =	sdelay $0x1  }
0x30: {  	v5 =	vld [tilespmem:s18+$0x0];
	_ =	sdelay $0x2  }
0x31: {  	v4 =	vld.idx.msk [tilespmem:v4+s9+$0x0], $0xffff;
	_ =	sdelay $0x1  }
0x32: {  	v6 =	vshrl.u32 v5, $0x4  }
0x33: {  	v3 =	vshll.u32 v3, $0xC;
	v7 =	vand.u32 $0xF80, v6  }
0x34: {  	v5 =	vshrl.u32 v5, $0x10;
	v6 =	vand.u32 $0x70, v6;
	v3 =	vor.u32 v7, v3  }
0x35: {  	v3 =	vor.u32 v3, v6;
	vm0 =	veq.s32 v5, v4  }
0x36: {  	v3 =	vor.u32 v1, v3;
	_ =	sdelay $0x4  }
0x37: {  	[tilespmem:v3+s12+$0x0] =	vst.idx.add.s32.msk vm0, v2  }
0x38: {  	v3 =	vld [tilespmem:s18+$0x810];
	_ =	sdelay $0x4  }
0x39: {  	v36 =	vshll.u32 v3, $0x4;
	_ =	sdelay $0x1  }
0x3a: {  	v37 =	vld [tilespmem:s18+$0x10];
	_ =	sdelay $0x2  }
0x3b: {  	v4 =	vld.idx.msk [tilespmem:v36+s9+$0x0], $0xffff;
	_ =	sdelay $0x1  }
0x3c: {  	v38 =	vshrl.u32 v37, $0x4  }
0x3d: {  	v3 =	vshll.u32 v3, $0xC;
	v39 =	vand.u32 $0xF80, v38  }
0x3e: {  	v5 =	vshrl.u32 v37, $0x10;
	v6 =	vand.u32 $0x70, v38;
	v3 =	vor.u32 v39, v3  }
0x3f: {  	v3 =	vor.u32 v3, v6;
	vm9 =	veq.s32 v5, v4  }
0x40: {  	v3 =	vor.u32 v1, v3;
	_ =	sdelay $0x4  }
0x41: {  	[tilespmem:v3+s12+$0x0] =	vst.idx.add.s32.msk vm9, v2  }
0x42: {  	v3 =	vld [tilespmem:s18+$0x820];
	_ =	sdelay $0x4  }
0x43: {  	v40 =	vshll.u32 v3, $0x4;
	_ =	sdelay $0x1  }
0x44: {  	v41 =	vld [tilespmem:s18+$0x20];
	_ =	sdelay $0x2  }
0x45: {  	v4 =	vld.idx.msk [tilespmem:v40+s9+$0x0], $0xffff;
	_ =	sdelay $0x1  }
0x46: {  	v42 =	vshrl.u32 v41, $0x4  }
0x47: {  	v3 =	vshll.u32 v3, $0xC;
	v43 =	vand.u32 $0xF80, v42  }
0x48: {  	v5 =	vshrl.u32 v41, $0x10;
	v6 =	vand.u32 $0x70, v42;
	v3 =	vor.u32 v43, v3  }
0x49: {  	v3 =	vor.u32 v3, v6;
	vm10 =	veq.s32 v5, v4  }
0x4a: {  	v3 =	vor.u32 v1, v3;
	_ =	sdelay $0x4  }
0x4b: {  	[tilespmem:v3+s12+$0x0] =	vst.idx.add.s32.msk vm10, v2  }
0x4c: {  	v3 =	vld [tilespmem:s18+$0x830];
	_ =	sdelay $0x4  }
0x4d: {  	v44 =	vshll.u32 v3, $0x4;
	_ =	sdelay $0x1  }
0x4e: {  	v45 =	vld [tilespmem:s18+$0x30];
	_ =	sdelay $0x2  }
0x4f: {  	v4 =	vld.idx.msk [tilespmem:v44+s9+$0x0], $0xffff;
	_ =	sdelay $0x1  }
0x50: {  	v46 =	vshrl.u32 v45, $0x4  }
0x51: {  	v3 =	vshll.u32 v3, $0xC;
	v47 =	vand.u32 $0xF80, v46  }
0x52: {  	v5 =	vshrl.u32 v45, $0x10;
	v6 =	vand.u32 $0x70, v46;
	v3 =	vor.u32 v47, v3  }
0x53: {  	v3 =	vor.u32 v3, v6;
	vm11 =	veq.s32 v5, v4  }
0x54: {  	v3 =	vor.u32 v1, v3;
	_ =	sdelay $0x4  }
0x55: {  	[tilespmem:v3+s12+$0x0] =	vst.idx.add.s32.msk vm11, v2  }
0x56: {  	v3 =	vld [tilespmem:s18+$0x840];
	_ =	sdelay $0x4  }
0x57: {  	v48 =	vshll.u32 v3, $0x4;
	_ =	sdelay $0x1  }
0x58: {  	v49 =	vld [tilespmem:s18+$0x40];
	_ =	sdelay $0x2  }
0x59: {  	v4 =	vld.idx.msk [tilespmem:v48+s9+$0x0], $0xffff;
	_ =	sdelay $0x1  }
0x5a: {  	v50 =	vshrl.u32 v49, $0x4  }
0x5b: {  	v3 =	vshll.u32 v3, $0xC;
	v51 =	vand.u32 $0xF80, v50  }
0x5c: {  	v5 =	vshrl.u32 v49, $0x10;
	v6 =	vand.u32 $0x70, v50;
	v3 =	vor.u32 v51, v3  }
0x5d: {  	v3 =	vor.u32 v3, v6;
	vm12 =	veq.s32 v5, v4  }
0x5e: {  	v3 =	vor.u32 v1, v3;
	_ =	sdelay $0x4  }
0x5f: {  	[tilespmem:v3+s12+$0x0] =	vst.idx.add.s32.msk vm12, v2  }
0x60: {  	v3 =	vld [tilespmem:s18+$0x850];
	_ =	sdelay $0x4  }
0x61: {  	v52 =	vshll.u32 v3, $0x4;
	_ =	sdelay $0x1  }
0x62: {  	v53 =	vld [tilespmem:s18+$0x50];
	_ =	sdelay $0x2  }
0x63: {  	v4 =	vld.idx.msk [tilespmem:v52+s9+$0x0], $0xffff;
	_ =	sdelay $0x1  }
0x64: {  	v54 =	vshrl.u32 v53, $0x4  }
0x65: {  	v3 =	vshll.u32 v3, $0xC;
	v55 =	vand.u32 $0xF80, v54  }
0x66: {  	v5 =	vshrl.u32 v53, $0x10;
	v6 =	vand.u32 $0x70, v54;
	v3 =	vor.u32 v55, v3  }
0x67: {  	v3 =	vor.u32 v3, v6;
	vm13 =	veq.s32 v5, v4  }
0x68: {  	v3 =	vor.u32 v1, v3;
	_ =	sdelay $0x4  }
0x69: {  	[tilespmem:v3+s12+$0x0] =	vst.idx.add.s32.msk vm13, v2  }
0x6a: {  	v3 =	vld [tilespmem:s18+$0x860];
	_ =	sdelay $0x4  }
0x6b: {  	v56 =	vshll.u32 v3, $0x4;
	_ =	sdelay $0x1  }
0x6c: {  	v57 =	vld [tilespmem:s18+$0x60];
	_ =	sdelay $0x2  }
0x6d: {  	v4 =	vld.idx.msk [tilespmem:v56+s9+$0x0], $0xffff;
	_ =	sdelay $0x1  }
0x6e: {  	v58 =	vshrl.u32 v57, $0x4  }
0x6f: {  	v3 =	vshll.u32 v3, $0xC;
	v59 =	vand.u32 $0xF80, v58  }
0x70: {  	v5 =	vshrl.u32 v57, $0x10;
	v6 =	vand.u32 $0x70, v58;
	v3 =	vor.u32 v59, v3  }
0x71: {  	v3 =	vor.u32 v3, v6;
	vm14 =	veq.s32 v5, v4  }
0x72: {  	v3 =	vor.u32 v1, v3;
	_ =	sdelay $0x4  }
0x73: {  	[tilespmem:v3+s12+$0x0] =	vst.idx.add.s32.msk vm14, v2  }
0x74: {  	v3 =	vld [tilespmem:s18+$0x870];
	_ =	sdelay $0x4  }
0x75: {  	v60 =	vshll.u32 v3, $0x4;
	_ =	sdelay $0x1  }
0x76: {  	v61 =	vld [tilespmem:s18+$0x70];
	_ =	sdelay $0x2  }
0x77: {  	v4 =	vld.idx.msk [tilespmem:v60+s9+$0x0], $0xffff;
	_ =	sdelay $0x1  }
0x78: {  	v62 =	vshrl.u32 v61, $0x4  }
0x79: {  	v3 =	vshll.u32 v3, $0xC;
	v63 =	vand.u32 $0xF80, v62  }
0x7a: {  	v5 =	vshrl.u32 v61, $0x10;
	v6 =	vand.u32 $0x70, v62;
	v3 =	vor.u32 v63, v3  }
0x7b: {  	v3 =	vor.u32 v3, v6;
	vm15 =	veq.s32 v5, v4  }
0x7c: {  	p0 =	sne.s32 s17, $0x1E00;
	v3 =	vor.u32 v1, v3  }
.Ltmp1:
0x7d: {  	_ = 	snop;
	(pc) =	sbr.rel @p0 .LBB2_5-.Ltmp1, $2  }
0x7e: {  	_ =	sdelay $0x2  }
0x7f: {  	s17 =	sadd.s32 $0x200, s17;
	[tilespmem:v3+s12+$0x0] =	vst.idx.add.s32.msk vm15, v2  }
0x80: {  	s16 =	sadd.s32 $0x1, s16  }
0x81: {  	p0 =	sne.s32 s16, $0x20  }
.Ltmp2:
0x82: {  	_ = 	snop;
	(pc) =	sbr.rel @p0 .LBB2_4-.Ltmp2, $1  }
0x83: {  	_ =	sdelay $0x3  }
0x84: {  	s3 =	sadd.s32 $0x1, s3  }
0x85: {  	p0 =	sne.s32 s3, s8  }
.Ltmp3:
0x86: {  	_ = 	snop;
	(pc) =	sbr.rel @p0 .LBB2_1-.Ltmp3, $4  }
0x87: {  	[hbm4b:s7+s13] =	stream.strided.scatter [tilespmem:s12], [sflag:$0x1], $0x10000, s14, s13, $0x38;
	[tilespmem:$0x11100] =	vst v63  }
0x88: {  	_ =	swait.ge [sflag:s10], $0x10000  }
0x89: {  	[sflag:s10] =	ssyncset.done $0x0  }
0x8a: {  	[sflag:s10] =	ssyncadd.s32 $0xFFFF0000  }
0x8b: {  	_ =	sfence.sel $0x180000  }
0x8c: {  	[bflag:$0x0] =	sbarrier.arrive $0xFFFF  }
0x8d: {  	p0 =	sne.s32 s1, $0x0;
	_ =	strace $0x90000053  }
0x8e: {  	s0 =	sadd.s32 @!p0 $0x100000, s0;
	[bflag:$0x2] =	sbarrier.arrive $0xFFFF  }
0x8f: {  	[sflag:s0] =	ssyncadd.tile.s32 @!p0 $0x1;
	_ =	shalt  }
.Lfunc_end2:
_tile_overlayer_lowered:
.L_overlay_start_2:
0x90: {  	(tag) =	ssettag $0x2  }
0x91: {  	s0 =	rddreg [dreg:$0x0];
	s2 =	stileid.u32  }
0x92: {  	s1 =	rddreg [dreg:$0x1];
	p0 =	sne.s32 s2, $0x0  }
0x93: {  	s3 =	rddreg [dreg:$0x2];
	[bflag:$0x3] =	sbarrier.arrive $0xFFFF;
	s2 =	simm.s32 @!p0 $0x1C01  }
0x94: {  	[timem:s3], [sflag:s2] =	dma.local @!p0 [hbm:s0], s1  }
0x95: {  	s0 =	simm.s32 @!p0 $0x1  }
0x96: {  	_ =	swait.ge @!p0 [sflag:s0], s1  }
0x97: {  	s1 =	ssub.s32 @!p0 $0x0, s1;
	[sflag:s0] =	ssyncset.done @!p0 $0x0  }
0x98: {  	[sflag:s0] =	ssyncadd.s32 @!p0 s1  }
0x99: {  	[bflag:$0x3] =	sbarrier.arrive $0xFFFF  }
0x9a: {  	_ =	shalt  }

// kernel: kernel.24.cloned.1.call-start
scs
__scs_entry_jumppad:
0x0: {  	(pc) =	sbr.rel $0x88, $3  }
0x1: {  	(tag) =	ssettag $0x0;
	lr =	simm.s32 $0x1  }
0x2: {  	[smem:$0x3F9B] =	sst lr;
	_ =	strace $0xD0000000  }
0x3: {  	_ = 	snop  }
0x4: {  	_ = 	snop  }
0x5: {  	_ = 	snop  }
0x6: {  	_ = 	snop  }
0x7: {  	_ = 	snop  }
__scs_overlays_trampoline_lowered:
0x8: {  	[smem:$0x3FAA] =	sst s0  }
0x9: {  	[smem:$0x3FAB] =	sst s1  }
0xa: {  	[smem:$0x3FAC] =	sst s2  }
0xb: {  	[smem:$0x3FAD] =	sst s3  }
0xc: {  	[smem:$0x3FAE] =	sst s4  }
0xd: {  	[smem:$0x3FAF] =	sst s5  }
0xe: {  	[smem:$0x3FB0] =	sst s6  }
0xf: {  	[smem:$0x3FB1] =	sst s7  }
0x10: {  	[smem:$0x3FB2] =	sst s8  }
0x11: {  	[smem:$0x3FB3] =	sst s9;
	s0 =	simm.s32 @!p0 $0x0  }
0x12: {  	s1 =	sld [smem:$0x3F99];
	s0 =	simm.s32 @p0 $0x1  }
0x13: {  	[smem:$0x3FB4] =	sst s0;
	s0 =	simm.s32 @!p1 $0x0  }
0x14: {  	s2 =	sld [smem:$0x3F98];
	s0 =	simm.s32 @p1 $0x1  }
0x15: {  	[smem:$0x3FB5] =	sst s0;
	s0 =	simm.s32 @!p2 $0x0  }
0x16: {  	s3 =	sld [smem:$0x3FDB];
	s0 =	simm.s32 @p2 $0x1  }
0x17: {  	s4 =	simm.s32 $0x1BF5;
	[smem:$0x3FB7] =	sst s0  }
0x18: {  	s0 =	sld [smem:$0x3F9A];
	_ =	swait.ge [sflag:s4], $0x0  }
0x19: {  	s7 =	sld [smem:$0x3F9B]  }
0x1a: {  	s8 =	sadd.s32 $0xFFFFE003, lr  }
0x1b: {  	s9 =	sadd.s32 $0xFFFFFEF7, lr;
	s5 =	simm.s32 $0xFFFFFFFF;
	p2 =	slt.u32 s8, $0xFFFFF086  }
0x1c: {  	p1 =	slt.u32 s9, $0xF7A;
	s5 =	simm.s32 @!p2 $0x0  }
0x1d: {  	s5 =	simm.s32 @p1 $0x1;
	p0 =	seq.s32 s7, s2  }
0x1e: {  	s7 =	smul.u32 @!p0 $0xF7A, s2;
	p2 =	seq.s32 @!p0 s5, $0x0  }
0x1f: {  	s9 =	smul.u32 $0xF7A, s1;
	s8 =	simm.s32 @!p0 $0x1BF5;
	p2 =	por !p2, p0  }
0x20: {  	[sflag:s8] =	ssyncset.s32 @!p0 $0xFFFFF086;
	s6 =	sadd.s32 @!p0 s3, s7;
	s7 =	simm.s32 @!p0 $0x108  }
0x21: {  	s3 =	sadd.s32 s3, s9;
	s6 =	sadd.s32 @!p0 $0x88, s6;
	s7 =	simm.s32 @p2 $0x1082  }
0x22: {  	[simem:s7], [sflag:s8] =	dma.local @!p0 [hbm:s6], $0xF7A  }
0x23: {  	s9 =	sor.u32 $0xD0000000, s2;
	s6 =	simm.s32 $0x108;
	_ =	swait.ge @!p0 [sflag:s8], $0x0  }
0x24: {  	s3 =	sadd.s32 $0x88, s3;
	s6 =	simm.s32 @!p1 $0x1082;
	[sflag:s4] =	ssyncset.s32 $0xFFFFF086  }
0x25: {  	[simem:s6], [sflag:s4] =	dma.local [hbm:s3], $0xF7A  }
0x26: {  	[smem:$0x3F9B] =	sst s1;
	(tag) =	ssettag s2;
	_ =	strace s9  }
0x27: {  	s1 =	sld [smem:$0x3FAB]  }
0x28: {  	s2 =	sld [smem:$0x3FAC]  }
0x29: {  	s4 =	sld [smem:$0x3FAE]  }
0x2a: {  	p0 =	seq.s32 s5, $0x0;
	s5 =	sld [smem:$0x3FAF]  }
0x2b: {  	s6 =	sld [smem:$0x3FB0]  }
0x2c: {  	s7 =	sld [smem:$0x3FB1]  }
0x2d: {  	s3 =	simm.s32 $0x108;
	s8 =	sld [smem:$0x3FB2]  }
0x2e: {  	s3 =	simm.s32 @!p0 $0x1082;
	s9 =	sld [smem:$0x3FB3]  }
0x2f: {  	lr =	sadd.s32 s0, s3;
	s0 =	sld [smem:$0x3FAA]  }
0x30: {  	s3 =	sld [smem:$0x3FAD]  }
0x31: {  	[smem:$0x3FB6] =	sst s10  }
0x32: {  	s10 =	sld [smem:$0x3FB4];
	_ =	sdelay $0x3  }
0x33: {  	p0 =	seq.s32 s10, $0x1;
	s10 =	sld [smem:$0x3FB6];
	_ =	sdelay $0x3  }
0x34: {  	[smem:$0x3FB6] =	sst s10  }
0x35: {  	s10 =	sld [smem:$0x3FB5];
	_ =	sdelay $0x3  }
0x36: {  	p1 =	seq.s32 s10, $0x1;
	s10 =	sld [smem:$0x3FB6];
	_ =	sdelay $0x3  }
0x37: {  	[smem:$0x3FB6] =	sst s10  }
0x38: {  	s10 =	sld [smem:$0x3FB7]  }
0x39: {  	_ = 	snop;
	(pc) =	sbr.ind lr, $3  }
0x3a: {  	_ = 	snop  }
0x3b: {  	_ = 	snop  }
0x3c: {  	p2 =	seq.s32 s10, $0x1;
	s10 =	sld [smem:$0x3FB6]  }
0x3d: {  	_ =	shalt  }
0x3e: {  	_ =	shalt  }
0x3f: {  	_ =	shalt  }
0x40: {  	_ =	shalt  }
0x41: {  	_ =	shalt  }
0x42: {  	_ =	shalt  }
0x43: {  	_ =	shalt  }
0x44: {  	_ =	shalt  }
0x45: {  	_ =	shalt  }
0x46: {  	_ =	shalt  }
0x47: {  	_ =	shalt  }
0x48: {  	_ =	shalt  }
0x49: {  	_ =	shalt  }
0x4a: {  	_ =	shalt  }
0x4b: {  	_ =	shalt  }
0x4c: {  	_ =	shalt  }
0x4d: {  	_ =	shalt  }
0x4e: {  	_ =	shalt  }
0x4f: {  	_ =	shalt  }
0x50: {  	_ =	shalt  }
0x51: {  	_ =	shalt  }
0x52: {  	_ =	shalt  }
0x53: {  	_ =	shalt  }
0x54: {  	_ =	shalt  }
0x55: {  	_ =	shalt  }
0x56: {  	_ =	shalt  }
0x57: {  	_ =	shalt  }
0x58: {  	_ =	shalt  }
0x59: {  	_ =	shalt  }
0x5a: {  	_ =	shalt  }
0x5b: {  	_ =	shalt  }
0x5c: {  	_ =	shalt  }
0x5d: {  	_ =	shalt  }
0x5e: {  	_ =	shalt  }
0x5f: {  	_ =	shalt  }
0x60: {  	_ =	shalt  }
0x61: {  	_ =	shalt  }
0x62: {  	_ =	shalt  }
0x63: {  	_ =	shalt  }
0x64: {  	_ =	shalt  }
0x65: {  	_ =	shalt  }
0x66: {  	_ =	shalt  }
0x67: {  	_ =	shalt  }
0x68: {  	_ =	shalt  }
0x69: {  	_ =	shalt  }
0x6a: {  	_ =	shalt  }
0x6b: {  	_ =	shalt  }
0x6c: {  	_ =	shalt  }
0x6d: {  	_ =	shalt  }
0x6e: {  	_ =	shalt  }
0x6f: {  	_ =	shalt  }
0x70: {  	_ =	shalt  }
0x71: {  	_ =	shalt  }
0x72: {  	_ =	shalt  }
0x73: {  	_ =	shalt  }
0x74: {  	_ =	shalt  }
0x75: {  	_ =	shalt  }
0x76: {  	_ =	shalt  }
0x77: {  	_ =	shalt  }
0x78: {  	_ =	shalt  }
0x79: {  	_ =	shalt  }
0x7a: {  	_ =	shalt  }
0x7b: {  	_ =	shalt  }
0x7c: {  	_ =	shalt  }
0x7d: {  	_ =	shalt  }
0x7e: {  	_ =	shalt  }
0x7f: {  	_ =	shalt  }
0x80: {  	_ =	shalt  }
0x81: {  	_ =	shalt  }
0x82: {  	_ =	shalt  }
0x83: {  	_ =	shalt  }
0x84: {  	_ =	shalt  }
0x85: {  	_ =	shalt  }
0x86: {  	_ =	shalt  }
0x87: {  	_ =	shalt  }
.Lfunc_end0:
.L_simem_size_0:
called_computation.5_lowered:
.L_overlay_start_0:
0x88: {  	s2 =	sld [smem:$0x3FD9]  }
0x89: {  	s3 =	sld [smem:$0x3FFE];
	_ =	sdelay $0x1  }
0x8a: {  	s1 =	srdreg.scid  }
0x8b: {  	s0 =	sand.u32 $0x1, s1  }
0x8c: {  	s16 =	sshll.u32 s0, $0xA;
	s2 =	sadd.s32 s3, s2  }
0x8d: {  	s2 =	sadd.s32 s2, s16  }
0x8e: {  	[smem:$0x3FC2] =	sst s2  }
0x8f: {  	_ = 	snop  }
0x90: {  	(tm) =	ssettm $0x1  }
0x91: {  	s17 =	sld [smem:$0x3FFB];
	_ =	sdelay $0x3  }
0x92: {  	_ =	strace s17  }
0x93: {  	s2 =	sld [smem:$0x3FFC];
	_ =	sdelay $0x3  }
0x94: {  	_ =	strace s2  }
0x95: {  	s2 =	sld [smem:$0x3FFD];
	_ =	sdelay $0x3  }
0x96: {  	_ =	strace s2  }
0x97: {  	_ =	strace $0x8FFFFFFF  }
0x98: {  	s18 =	sld [smem:$0x3FDB];
	_ =	sdelay $0x1  }
0x99: {  	s19 =	simm.s32 $_scs_section_size  }
0x9a: {  	s4 =	simm.s32 $_size__tile_overlayer_lowered;
	s5 =	simm.s32 $_tile_overlayer_lowered  }
0x9b: {  	s22 =	simm.s32 $0x1BFF;
	s21 =	sshll.u32 s5, $0x1;
	s2 =	sadd.s32 s19, s18  }
0x9c: {  	s6 =	simm.s32 $0x0;
	s20 =	sshll.u32 s4, $0x1;
	s4 =	sadd.s32 s21, s2  }
0x9d: {  	[timem:s6], [sflag:s22] =	dma.local [hbm:s4], s20  }
0x9e: {  	_ =	swait.ge [sflag:s22], s20  }
0x9f: {  	s3 =	ssub.s32 $0x0, s20;
	[sflag:s22] =	ssyncset.done $0x0  }
0xa0: {  	[sflag:s22] =	ssyncadd.s32 s3;
	_ =	sdelay $0x1  }
0xa1: {  	s23 =	simm.s32 $0x1B8B  }
0xa2: {  	_ =	swait.ge [sflag:s23], $0x1  }
0xa3: {  	[sflag:s23] =	ssyncset.done $0x0  }
0xa4: {  	s25 =	simm.s32 $0x1B8E;
	s24 =	sld [smem:$0x3FFE];
	[sflag:s23] =	ssyncadd.s32 $0xFFFFFFFF  }
0xa5: {  	s26 =	simm.s32 $execute0_lowered;
	[smem:$0x3FD2] =	sst s25  }
0xa6: {  	s4 =	sshll.u32 s26, $0x1;
	_ =	strace $0x80000055;
	[dreg:$0x1] =	wrdreg $0xFFFFFFFF  }
0xa7: {  	s28 =	simm.s32 $_size_execute0_lowered;
	s2 =	sadd.s32 s2, s4;
	[dreg:$0x0] =	wrdreg $0x0  }
0xa8: {  	s4 =	sshll.u32 s28, $0x1;
	[dreg:$0x2] =	wrdreg s2  }
0xa9: {  	[dreg:$0x3] =	wrdreg s4  }
0xaa: {  	[dreg:$0x4] =	wrdreg $0xC0  }
0xab: {  	_ =	task [dreg:s6], $0x5FFFF  }
0xac: {  	[dreg:$0x1] =	wrdreg $0xFFFFFFFF  }
0xad: {  	[dreg:$0x0] =	wrdreg $0x60  }
0xae: {  	[dreg:$0x2] =	wrdreg s24  }
0xaf: {  	[dreg:$0x3] =	wrdreg $0x9  }
0xb0: {  	_ =	task.clear_ibuf [dreg:s6], $0x4FFFF;
	_ =	strace $0x90000055  }
0xb1: {  	s29 =	simm.s32 $0x9;
	_ =	strace $0x80000057  }
0xb2: {  	_ =	swait.ge [sflag:s29], $0x1  }
0xb3: {  	[sflag:s29] =	ssyncadd.s32 $0xFFFFFFFF  }
0xb4: {  	_ =	strace $0x90000057  }
0xb5: {  	_ =	sfence  }
0xb6: {  	s30 =	sld [smem:$0x0];
	_ =	sdelay $0x2  }
0xb7: {  	s31 =	sshll.u32 s1, $0xD;
	s1 =	sshrl.u32 s1, $0x2  }
0xb8: {  	s3 =	sand.u32 $0x4000, s31;
	s1 =	sadd.s32 s1, s30  }
0xb9: {  	s0 =	sor.u32 s3, s0;
	s1 =	sshll.u32 s1, $0x11  }
0xba: {  	s0 =	sor.u32 s1, s0  }
0xbb: {  	s0 =	sadd.s32 $0x8F2B, s0  }
0xbc: {  	[sflag:s0] =	ssyncadd.remote.s32 $0x1  }
0xbd: {  	_ =	sfence.sel $0xFFFF  }
0xbe: {  	[dreg:$0x0] =	wrdreg $0xFFFFFFFF;
	(pc) =	sbr.abs _section_cstart, $3  }
0xbf: {  	[dreg:$0x1] =	wrdreg $0xFFFFFFFF  }
0xc0: {  	_ =	task.clear_ibuf [dreg:s6], $0x2FFFF;
	_ =	strace $0x9FFFFFFF  }
0xc1: {  	(tm) =	ssettm $0x7FFFFFFF  }
tec
execute0_lowered:
.L_overlay_start_1:
0x0: {  	(tag) =	ssettag $0x1  }
0x1: {  	s1 =	srdreg.scid  }
0x2: {  	s1 =	sand.u32 $0x1, s1  }
0x3: {  	p0 =	seq.s32 s1, $0x1  }
.Ltmp0:
0x4: {  	_ = 	snop;
	(pc) =	sbr.rel @p0 .LBB2_10-.Ltmp0, $4  }
0x5: {  	_ = 	snop  }
0x6: {  	s2 =	rddreg [dreg:$0x0];
	s3 =	simm.s32 $0x0  }
0x7: {  	[smem:$0x7FF] =	sst s3  }
0x8: {  	s0 =	rddreg [dreg:$0x1];
	_ =	strace $0x80000056;
	s1 =	stileid.u32  }
0x9: {  	s3 =	sshll.u32 s1, $0xC  }
0xa: {  	s4 =	sadd.s32 $0x2A00, s2;
	s5 =	sshll.u32 s1, $0x4;
	s8 =	simm.s32 $0x0  }
0xb: {  	s6 =	simm.s32 $0x200;
	s3 =	sadd.s32 s3, s2;
	s31 =	sadd.s32 s5, s2  }
0xc: {  	v0 =	vimm.s32 $0x0;
	s5 =	sadd.s32 $0x82A00, s3;
	s3 =	sshll.u32 s1, $0x6;
	s2 =	sadd.s32 $0x2C00, s31  }
.LBB2_2:
0xd: {  	p0 =	sne.s32 s6, $0x3E00;
	[tilespmem:s8+$0x1070] =	vst v0  }
0xe: {  	[tilespmem:s8+$0x1000] =	vst v0  }
0xf: {  	[tilespmem:s8+$0x1010] =	vst v0  }
.Ltmp1:
0x10: {  	[tilespmem:s8+$0x1020] =	vst v0;
	(pc) =	sbr.rel @p0 .LBB2_2-.Ltmp1, $4  }
0x11: {  	[tilespmem:s8+$0x1030] =	vst v0  }
0x12: {  	[tilespmem:s8+$0x1040] =	vst v0  }
0x13: {  	[tilespmem:s8+$0x1050] =	vst v0  }
0x14: {  	[tilespmem:s8+$0x1060] =	vst v0;
	s8 =	sshra.s32 s6, $0x2;
	s6 =	sadd.s32 $0x200, s6  }
0x15: {  	[tilespmem:s8+$0x1070] =	vst v0  }
0x16: {  	[tilespmem:s8+$0x1000] =	vst v0  }
0x17: {  	[tilespmem:s8+$0x1010] =	vst v0  }
0x18: {  	[tilespmem:s8+$0x1020] =	vst v0  }
0x19: {  	[tilespmem:s8+$0x1030] =	vst v0  }
0x1a: {  	[tilespmem:s8+$0x1040] =	vst v0  }
0x1b: {  	[tilespmem:s8+$0x1050] =	vst v0;
	s6 =	simm.s32 $0x0;
	s7 =	simm.s32 $0x80  }
0x1c: {  	[tilespmem:s8+$0x1060] =	vst v0;
	s8 =	simm.s32 $0x400;
	s9 =	simm.s32 $0x1;
	s10 =	simm.s32 $0x0  }
.LBB2_4:
0x1d: {  	s11 =	sshll.u32 s10, $0xD  }
0x1e: {  	s12 =	sshll.u32 s10, $0x4;
	s11 =	sand.u32 $0x30000, s11  }
0x1f: {  	s12 =	sand.u32 $0x70, s12;
	s11 =	sadd.s32 s11, s5  }
0x20: {  	s11 =	sadd.s32 s12, s11  }
0x21: {  	[tilespmem:s6], [sflag:$0x1] =	stream.strided.gather [hbm4b:s11+s7], $0x1000, s8, s7, $0x38;
	[tilespmem:$0x2180] =	vst v63  }
0x22: {  	_ =	swait.ge [sflag:s9], $0x1000  }
0x23: {  	[sflag:s9] =	ssyncset.done $0x0  }
0x24: {  	s11 =	simm.s32 $0x0;
	[sflag:s9] =	ssyncadd.s32 $0xFFFFF000  }
0x25: {  	v6 =	vld [tilespmem:s11+$0x0]  }
0x26: {  	v8 =	vld [tilespmem:s11+$0x10]  }
0x27: {  	v5 =	vld [tilespmem:s11+$0x20]  }
0x28: {  	v4 =	vld [tilespmem:s11+$0x30]  }
0x29: {  	v3 =	vld [tilespmem:s11+$0x40]  }
0x2a: {  	v2 =	vld [tilespmem:s11+$0x50]  }
0x2b: {  	v1 =	vld [tilespmem:s11+$0x60]  }
0x2c: {  	v0 =	vld [tilespmem:s11+$0x70]  }
0x2d: {  	v11 =	vld [tilespmem:s11+$0x1000]  }
0x2e: {  	v12 =	vld [tilespmem:s11+$0x1010]  }
0x2f: {  	v10 =	vld [tilespmem:s11+$0x1020]  }
0x30: {  	v9 =	vld [tilespmem:s11+$0x1030]  }
0x31: {  	v7 =	vld [tilespmem:s11+$0x1040]  }
0x32: {  	v11 =	vadd.s32 v11, v6;
	v6 =	vld [tilespmem:s11+$0x1050]  }
0x33: {  	s12 =	simm.s32 $0x200;
	[tilespmem:s11+$0x1000] =	vst v11;
	v11 =	vadd.s32 v12, v8;
	v8 =	vld [tilespmem:s11+$0x1060]  }
.LBB2_5:
0x34: {  	s13 =	sshra.s32 s12, $0x2;
	p0 =	sne.s32 s12, $0x3E00;
	[tilespmem:s11+$0x1010] =	vst v11;
	v5 =	vadd.s32 v10, v5;
	v10 =	vld [tilespmem:s11+$0x1070]  }
0x35: {  	v11 =	vld [tilespmem:s13+$0x0];
	[tilespmem:s11+$0x1020] =	vst v5;
	v4 =	vadd.s32 v9, v4  }
0x36: {  	v12 =	vld [tilespmem:s13+$0x10];
	[tilespmem:s11+$0x1030] =	vst v4;
	v3 =	vadd.s32 v7, v3  }
0x37: {  	v5 =	vld [tilespmem:s13+$0x20];
	[tilespmem:s11+$0x1040] =	vst v3;
	v2 =	vadd.s32 v6, v2  }
0x38: {  	v4 =	vld [tilespmem:s13+$0x30];
	[tilespmem:s11+$0x1050] =	vst v2;
	v1 =	vadd.s32 v8, v1  }
0x39: {  	v3 =	vld [tilespmem:s13+$0x40];
	[tilespmem:s11+$0x1060] =	vst v1;
	v0 =	vadd.s32 v10, v0  }
0x3a: {  	v2 =	vld [tilespmem:s13+$0x50];
	[tilespmem:s11+$0x1070] =	vst v0;
	s11 =	smov.u32 s13  }
0x3b: {  	v1 =	vld [tilespmem:s11+$0x60]  }
0x3c: {  	v0 =	vld [tilespmem:s11+$0x70]  }
0x3d: {  	v6 =	vld [tilespmem:s11+$0x1000]  }
0x3e: {  	v8 =	vld [tilespmem:s11+$0x1010]  }
.Ltmp2:
0x3f: {  	v10 =	vld [tilespmem:s11+$0x1020];
	(pc) =	sbr.rel @p0 .LBB2_5-.Ltmp2, $4  }
0x40: {  	v9 =	vld [tilespmem:s11+$0x1030]  }
0x41: {  	v7 =	vld [tilespmem:s11+$0x1040]  }
0x42: {  	v11 =	vadd.s32 v6, v11;
	v6 =	vld [tilespmem:s11+$0x1050]  }
0x43: {  	s12 =	sadd.s32 $0x200, s12;
	[tilespmem:s11+$0x1000] =	vst v11;
	v11 =	vadd.s32 v8, v12;
	v8 =	vld [tilespmem:s11+$0x1060]  }
0x44: {  	[tilespmem:s11+$0x1010] =	vst v11;
	v5 =	vadd.s32 v10, v5;
	v63 =	vld [tilespmem:s11+$0x1070];
	s10 =	sadd.s32 $0x1, s10  }
0x45: {  	[tilespmem:s11+$0x1020] =	vst v5;
	v4 =	vadd.s32 v9, v4;
	p0 =	sne.s32 s10, $0x20  }
.Ltmp3:
0x46: {  	[tilespmem:s11+$0x1030] =	vst v4;
	v3 =	vadd.s32 v7, v3;
	(pc) =	sbr.rel @p0 .LBB2_4-.Ltmp3, $4  }
0x47: {  	[tilespmem:s11+$0x1040] =	vst v3;
	v2 =	vadd.s32 v6, v2  }
0x48: {  	[tilespmem:s11+$0x1050] =	vst v2;
	v1 =	vadd.s32 v8, v1  }
0x49: {  	[tilespmem:s11+$0x1060] =	vst v1;
	v0 =	vadd.s32 v63, v0  }
0x4a: {  	[tilespmem:s11+$0x1070] =	vst v0  }
0x4b: {  	s10 =	simm.s32 $0x0;
	s5 =	simm.s32 $0x2000;
	s22 =	simm.s32 $0x1  }
0x4c: {  	[tilespmem:s5], [sflag:$0x1] =	stream.linear.gather [hbm4b:s4+s10], $0x100, $0x38;
	[tilespmem:$0x2180] =	vst v63  }
0x4d: {  	_ =	swait.ge [sflag:s22], $0x100  }
0x4e: {  	[sflag:s22] =	ssyncset.done $0x0  }
0x4f: {  	s3 =	sshrl.u32 s3, $0x2;
	[sflag:s22] =	ssyncadd.s32 $0xFFFFFF00  }
0x50: {  	v0 =	vld [tilespmem:s3+$0x2000]  }
0x51: {  	s23 =	simm.s32 $0x1000  }
0x52: {  	v1 =	vld [tilespmem:s23+$0x0];
	_ =	sdelay $0x1  }
0x53: {  	vm0 =	vcmask $0x308;
	s24 =	simm.s32 $0x1010  }
0x54: {  	v3 =	vld [tilespmem:s24+$0x0];
	v2 =	vsel vm0, $0x0, v0  }
0x55: {  	(xrf0) =	vadd.scan.msk.s32 $0xffff, v2  }
0x56: {  	(xrf0) =	vadd.scan.msk.s32 $0xffff, v1;
	_ =	sdelay $0x2  }
0x57: {  	(xrf0) =	vadd.scan.msk.s32 $0xffff, v3;
	_ =	sdelay $0x1  }
0x58: {  	v1, _, _ =	vpop (xrf0)  }
0x59: {  	(v2sf) =	vpush v1, $0xF;
	v1, _, _ =	vpop (xrf0)  }
0x5a: {  	(v2sf) =	vpush v1, $0xF;
	_ =	sdelay $0x1  }
0x5b: {  	s25 =	simm.s32 $0x1020;
	v1, _, _ =	vpop (xrf0)  }
0x5c: {  	(v2sf) =	vpush v1, $0xF;
	v1 =	vld [tilespmem:s25+$0x0]  }
0x5d: {  	s26 =	simm.s32 $0x1030  }
0x5e: {  	v2 =	vld [tilespmem:s26+$0x0];
	_ =	sdelay $0x2  }
0x5f: {  	(xrf0) =	vadd.scan.msk.s32 $0xffff, v1;
	_ =	sdelay $0x1  }
0x60: {  	(xrf0) =	vadd.scan.msk.s32 $0xffff, v2;
	_ =	sdelay $0x1  }
0x61: {  	s28 =	simm.s32 $0x1040  }
0x62: {  	v3 =	vld [tilespmem:s28+$0x0]  }
0x63: {  	v2, _, _ =	vpop (xrf0);
	s4 =	spop (v2sf)  }
0x64: {  	s30 =	spop (v2sf);
	(v2sf) =	vpush v2, $0xF  }
0x65: {  	v2, _, _ =	vpop (xrf0)  }
0x66: {  	(v2sf) =	vpush v2, $0xF  }
0x67: {  	s29 =	simm.s32 $0x1050;
	(xrf0) =	vadd.scan.msk.s32 $0xffff, v3  }
0x68: {  	v1 =	vld [tilespmem:s29+$0x0]  }
0x69: {  	s9 =	simm.s32 $0x1;
	s8 =	simm.s32 $0x2;
	s7 =	simm.s32 $0x3  }
0x6a: {  	s6 =	simm.s32 $0x4;
	s11 =	simm.s32 $0xFFFFFFFF;
	s13 =	sadd.s32 $0x0, s30  }
0x6b: {  	s12 =	simm.s32 $0x1060;
	s5 =	simm.s32 $0x5;
	p0 =	sgt.s32 s13, s4  }
0x6c: {  	s3 =	simm.s32 $0xFFFFFFFF;
	s31 =	spop (v2sf);
	s11 =	smov.u32 @p0 s10  }
0x6d: {  	(xrf0) =	vadd.scan.msk.s32 $0xffff, v1;
	v1, _, _ =	vpop (xrf0);
	s10 =	sadd.s32 s13, s31;
	s13 =	simm.s32 $0x6;
	p0 =	por $0x1, $0x1  }
.LBB2_8:
0x6e: {  	s3 =	smov.u32 @p0 s11  }
0x6f: {  	p1 =	sgt.s32 s10, s4;
	s11 =	smov.u32 s3  }
0x70: {  	v2 =	vld [tilespmem:s12+$0x0];
	(v2sf) =	vpush v1, $0xF;
	s11 =	smov.u32 @p1 s9;
	p1 =	sne.s32 s13, $0xFF  }
.Ltmp4:
0x71: {  	s9 =	smov.u32 s8;
	(pc) =	sbr.rel @p1 .LBB2_8-.Ltmp4, $4  }
0x72: {  	s8 =	smov.u32 s7;
	s7 =	smov.u32 s6;
	s6 =	smov.u32 s5  }
0x73: {  	s5 =	smov.u32 s13;
	s14 =	spop (v2sf)  }
0x74: {  	s12 =	sadd.s32 $0x10, s12;
	s10 =	sadd.s32 s10, s14  }
0x75: {  	p0 =	slt.s32 s3, $0x0;
	s13 =	sadd.s32 $0x1, s13;
	(xrf0) =	vadd.scan.msk.s32 $0xffff, v2;
	v1, _, _ =	vpop (xrf0)  }
0x76: {  	_ =	sdelay $0x2  }
0x77: {  	(v2sf) =	vpush v1, $0xF;
	vm0 =	vmmov $0x1  }
0x78: {  	v58 =	vnsel vm0, $0x0, v0  }
0x79: {  	vm15 =	vcmask $0x70C;
	(xrf0) =	vadd.scan.msk.s32 $0xffff, v58;
	v59, _, _ =	vpop (xrf0)  }
0x7a: {  	v60 =	vsel vm15, $0x0, v0;
	(v2sf) =	vpush v59, $0xF  }
0x7b: {  	(xrf0) =	vadd.scan.msk.s32 $0xffff, v60;
	_ =	sdelay $0x2  }
0x7c: {  	s3 =	smov.u32 @p0 s11  }
0x7d: {  	p0 =	sgt.s32 s10, s4;
	s11 =	smov.u32 s3;
	v61, _, _ =	vpop (xrf0)  }
0x7e: {  	s20 =	spop (v2sf);
	s11 =	smov.u32 @p0 s9;
	p0 =	slt.s32 s3, $0x0;
	(v2sf) =	vpush v61, $0xF  }
0x7f: {  	s9 =	sadd.s32 s10, s20;
	s3 =	smov.u32 @p0 s11;
	v62, _, _ =	vpop (xrf0)  }
0x80: {  	p0 =	sgt.s32 s9, s4;
	s10 =	smov.u32 s3;
	(v2sf) =	vpush v62, $0xF  }
0x81: {  	s10 =	smov.u32 @p0 s8;
	p0 =	slt.s32 s3, $0x0;
	s21 =	spop (v2sf)  }
0x82: {  	s3 =	smov.u32 @p0 s10;
	s22 =	sadd.s32 s9, s21  }
0x83: {  	s9 =	smov.u32 s3;
	p0 =	sgt.s32 s22, s4  }
0x84: {  	s9 =	smov.u32 @p0 s7;
	p0 =	slt.s32 s3, $0x0;
	s23 =	spop (v2sf)  }
0x85: {  	s3 =	smov.u32 @p0 s9;
	s24 =	sadd.s32 s22, s23  }
0x86: {  	s8 =	smov.u32 s3;
	p0 =	sgt.s32 s24, s4  }
0x87: {  	s8 =	smov.u32 @p0 s6;
	p0 =	slt.s32 s3, $0x0;
	s25 =	spop (v2sf)  }
0x88: {  	s3 =	smov.u32 @p0 s8;
	s6 =	sadd.s32 s24, s25  }
0x89: {  	p0 =	sgt.s32 s6, s4;
	s4 =	smov.u32 s3  }
0x8a: {  	s4 =	smov.u32 @p0 s5;
	p0 =	slt.s32 s3, $0x0  }
0x8b: {  	s3 =	smov.u32 @p0 s4  }
0x8c: {  	p0 =	sgt.s32 s3, $0x0  }
0x8d: {  	s26 =	spop (v2sf);
	s3 =	simm.s32 @!p0 $0x0  }
0x8e: {  	s4 =	sshll.u32 s26, $0x10;
	s3 =	sshll.u32 s3, $0x8  }
0x8f: {  	s28 =	spop (v2sf);
	s3 =	sor.u32 s3, s4  }
0x90: {  	p0 =	sgt.s32 s28, $0x0;
	s3 =	sor.u32 $0x80, s3  }
0x91: {  	s3 =	simm.s32 @!p0 $0x7F800000  }
0x92: {  	v63 =	vmov s3  }
0x93: {  	v0 =	vbroadcast v63, $0x0;
	_ =	sdelay $0x1  }
0x94: {  	s29 =	simm.s32 $0x0;
	s30 =	simm.s32 $0x2100;
	s31 =	simm.s32 $0x1;
	[tilespmem:$0x2100] =	vst v0  }
0x95: {  	[hbm4b:s2+s29] =	stream.linear.scatter [tilespmem:s30], [sflag:$0x1], $0x80, $0x38;
	[tilespmem:$0x2180] =	vst v63  }
0x96: {  	_ =	swait.ge [sflag:s31], $0x80  }
0x97: {  	[sflag:s31] =	ssyncset.done $0x0  }
0x98: {  	[sflag:s31] =	ssyncadd.s32 $0xFFFFFF80  }
.LBB2_10:
0x99: {  	_ =	sfence.sel $0x180000  }
0x9a: {  	[bflag:$0x0] =	sbarrier.arrive $0xFFFF  }
0x9b: {  	p0 =	sne.s32 s1, $0x0;
	_ =	strace $0x90000056  }
0x9c: {  	s0 =	sadd.s32 @!p0 $0x100000, s0;
	[bflag:$0x2] =	sbarrier.arrive $0xFFFF  }
0x9d: {  	[sflag:s0] =	ssyncadd.tile.s32 @!p0 $0x1;
	_ =	shalt  }
.Lfunc_end2:
_tile_overlayer_lowered:
.L_overlay_start_2:
0x9e: {  	(tag) =	ssettag $0x2  }
0x9f: {  	s0 =	rddreg [dreg:$0x0];
	s2 =	stileid.u32  }
0xa0: {  	s1 =	rddreg [dreg:$0x1];
	p0 =	sne.s32 s2, $0x0  }
0xa1: {  	s3 =	rddreg [dreg:$0x2];
	[bflag:$0x3] =	sbarrier.arrive $0xFFFF;
	s2 =	simm.s32 @!p0 $0x1C01  }
0xa2: {  	[timem:s3], [sflag:s2] =	dma.local @!p0 [hbm:s0], s1  }
0xa3: {  	s0 =	simm.s32 @!p0 $0x1  }
0xa4: {  	_ =	swait.ge @!p0 [sflag:s0], s1  }
0xa5: {  	s1 =	ssub.s32 @!p0 $0x0, s1;
	[sflag:s0] =	ssyncset.done @!p0 $0x0  }
0xa6: {  	[sflag:s0] =	ssyncadd.s32 @!p0 s1  }
0xa7: {  	[bflag:$0x3] =	sbarrier.arrive $0xFFFF  }
0xa8: {  	_ =	shalt  }

// kernel: kernel.27.cloned.1.call-start
scs
__scs_entry_jumppad:
0x0: {  	(pc) =	sbr.rel $0x88, $3  }
0x1: {  	(tag) =	ssettag $0x0;
	lr =	simm.s32 $0x1  }
0x2: {  	[smem:$0x3F9B] =	sst lr;
	_ =	strace $0xD0000000  }
0x3: {  	_ = 	snop  }
0x4: {  	_ = 	snop  }
0x5: {  	_ = 	snop  }
0x6: {  	_ = 	snop  }
0x7: {  	_ = 	snop  }
__scs_overlays_trampoline_lowered:
0x8: {  	[smem:$0x3FAA] =	sst s0  }
0x9: {  	[smem:$0x3FAB] =	sst s1  }
0xa: {  	[smem:$0x3FAC] =	sst s2  }
0xb: {  	[smem:$0x3FAD] =	sst s3  }
0xc: {  	[smem:$0x3FAE] =	sst s4  }
0xd: {  	[smem:$0x3FAF] =	sst s5  }
0xe: {  	[smem:$0x3FB0] =	sst s6  }
0xf: {  	[smem:$0x3FB1] =	sst s7  }
0x10: {  	[smem:$0x3FB2] =	sst s8  }
0x11: {  	[smem:$0x3FB3] =	sst s9;
	s0 =	simm.s32 @!p0 $0x0  }
0x12: {  	s1 =	sld [smem:$0x3F99];
	s0 =	simm.s32 @p0 $0x1  }
0x13: {  	[smem:$0x3FB4] =	sst s0;
	s0 =	simm.s32 @!p1 $0x0  }
0x14: {  	s2 =	sld [smem:$0x3F98];
	s0 =	simm.s32 @p1 $0x1  }
0x15: {  	[smem:$0x3FB5] =	sst s0;
	s0 =	simm.s32 @!p2 $0x0  }
0x16: {  	s3 =	sld [smem:$0x3FDB];
	s0 =	simm.s32 @p2 $0x1  }
0x17: {  	s4 =	simm.s32 $0x1BF5;
	[smem:$0x3FB7] =	sst s0  }
0x18: {  	s0 =	sld [smem:$0x3F9A];
	_ =	swait.ge [sflag:s4], $0x0  }
0x19: {  	s7 =	sld [smem:$0x3F9B]  }
0x1a: {  	s8 =	sadd.s32 $0xFFFFE003, lr  }
0x1b: {  	s9 =	sadd.s32 $0xFFFFFEF7, lr;
	s5 =	simm.s32 $0xFFFFFFFF;
	p2 =	slt.u32 s8, $0xFFFFF086  }
0x1c: {  	p1 =	slt.u32 s9, $0xF7A;
	s5 =	simm.s32 @!p2 $0x0  }
0x1d: {  	s5 =	simm.s32 @p1 $0x1;
	p0 =	seq.s32 s7, s2  }
0x1e: {  	s7 =	smul.u32 @!p0 $0xF7A, s2;
	p2 =	seq.s32 @!p0 s5, $0x0  }
0x1f: {  	s9 =	smul.u32 $0xF7A, s1;
	s8 =	simm.s32 @!p0 $0x1BF5;
	p2 =	por !p2, p0  }
0x20: {  	[sflag:s8] =	ssyncset.s32 @!p0 $0xFFFFF086;
	s6 =	sadd.s32 @!p0 s3, s7;
	s7 =	simm.s32 @!p0 $0x108  }
0x21: {  	s3 =	sadd.s32 s3, s9;
	s6 =	sadd.s32 @!p0 $0x88, s6;
	s7 =	simm.s32 @p2 $0x1082  }
0x22: {  	[simem:s7], [sflag:s8] =	dma.local @!p0 [hbm:s6], $0xF7A  }
0x23: {  	s9 =	sor.u32 $0xD0000000, s2;
	s6 =	simm.s32 $0x108;
	_ =	swait.ge @!p0 [sflag:s8], $0x0  }
0x24: {  	s3 =	sadd.s32 $0x88, s3;
	s6 =	simm.s32 @!p1 $0x1082;
	[sflag:s4] =	ssyncset.s32 $0xFFFFF086  }
0x25: {  	[simem:s6], [sflag:s4] =	dma.local [hbm:s3], $0xF7A  }
0x26: {  	[smem:$0x3F9B] =	sst s1;
	(tag) =	ssettag s2;
	_ =	strace s9  }
0x27: {  	s1 =	sld [smem:$0x3FAB]  }
0x28: {  	s2 =	sld [smem:$0x3FAC]  }
0x29: {  	s4 =	sld [smem:$0x3FAE]  }
0x2a: {  	p0 =	seq.s32 s5, $0x0;
	s5 =	sld [smem:$0x3FAF]  }
0x2b: {  	s6 =	sld [smem:$0x3FB0]  }
0x2c: {  	s7 =	sld [smem:$0x3FB1]  }
0x2d: {  	s3 =	simm.s32 $0x108;
	s8 =	sld [smem:$0x3FB2]  }
0x2e: {  	s3 =	simm.s32 @!p0 $0x1082;
	s9 =	sld [smem:$0x3FB3]  }
0x2f: {  	lr =	sadd.s32 s0, s3;
	s0 =	sld [smem:$0x3FAA]  }
0x30: {  	s3 =	sld [smem:$0x3FAD]  }
0x31: {  	[smem:$0x3FB6] =	sst s10  }
0x32: {  	s10 =	sld [smem:$0x3FB4];
	_ =	sdelay $0x3  }
0x33: {  	p0 =	seq.s32 s10, $0x1;
	s10 =	sld [smem:$0x3FB6];
	_ =	sdelay $0x3  }
0x34: {  	[smem:$0x3FB6] =	sst s10  }
0x35: {  	s10 =	sld [smem:$0x3FB5];
	_ =	sdelay $0x3  }
0x36: {  	p1 =	seq.s32 s10, $0x1;
	s10 =	sld [smem:$0x3FB6];
	_ =	sdelay $0x3  }
0x37: {  	[smem:$0x3FB6] =	sst s10  }
0x38: {  	s10 =	sld [smem:$0x3FB7]  }
0x39: {  	_ = 	snop;
	(pc) =	sbr.ind lr, $3  }
0x3a: {  	_ = 	snop  }
0x3b: {  	_ = 	snop  }
0x3c: {  	p2 =	seq.s32 s10, $0x1;
	s10 =	sld [smem:$0x3FB6]  }
0x3d: {  	_ =	shalt  }
0x3e: {  	_ =	shalt  }
0x3f: {  	_ =	shalt  }
0x40: {  	_ =	shalt  }
0x41: {  	_ =	shalt  }
0x42: {  	_ =	shalt  }
0x43: {  	_ =	shalt  }
0x44: {  	_ =	shalt  }
0x45: {  	_ =	shalt  }
0x46: {  	_ =	shalt  }
0x47: {  	_ =	shalt  }
0x48: {  	_ =	shalt  }
0x49: {  	_ =	shalt  }
0x4a: {  	_ =	shalt  }
0x4b: {  	_ =	shalt  }
0x4c: {  	_ =	shalt  }
0x4d: {  	_ =	shalt  }
0x4e: {  	_ =	shalt  }
0x4f: {  	_ =	shalt  }
0x50: {  	_ =	shalt  }
0x51: {  	_ =	shalt  }
0x52: {  	_ =	shalt  }
0x53: {  	_ =	shalt  }
0x54: {  	_ =	shalt  }
0x55: {  	_ =	shalt  }
0x56: {  	_ =	shalt  }
0x57: {  	_ =	shalt  }
0x58: {  	_ =	shalt  }
0x59: {  	_ =	shalt  }
0x5a: {  	_ =	shalt  }
0x5b: {  	_ =	shalt  }
0x5c: {  	_ =	shalt  }
0x5d: {  	_ =	shalt  }
0x5e: {  	_ =	shalt  }
0x5f: {  	_ =	shalt  }
0x60: {  	_ =	shalt  }
0x61: {  	_ =	shalt  }
0x62: {  	_ =	shalt  }
0x63: {  	_ =	shalt  }
0x64: {  	_ =	shalt  }
0x65: {  	_ =	shalt  }
0x66: {  	_ =	shalt  }
0x67: {  	_ =	shalt  }
0x68: {  	_ =	shalt  }
0x69: {  	_ =	shalt  }
0x6a: {  	_ =	shalt  }
0x6b: {  	_ =	shalt  }
0x6c: {  	_ =	shalt  }
0x6d: {  	_ =	shalt  }
0x6e: {  	_ =	shalt  }
0x6f: {  	_ =	shalt  }
0x70: {  	_ =	shalt  }
0x71: {  	_ =	shalt  }
0x72: {  	_ =	shalt  }
0x73: {  	_ =	shalt  }
0x74: {  	_ =	shalt  }
0x75: {  	_ =	shalt  }
0x76: {  	_ =	shalt  }
0x77: {  	_ =	shalt  }
0x78: {  	_ =	shalt  }
0x79: {  	_ =	shalt  }
0x7a: {  	_ =	shalt  }
0x7b: {  	_ =	shalt  }
0x7c: {  	_ =	shalt  }
0x7d: {  	_ =	shalt  }
0x7e: {  	_ =	shalt  }
0x7f: {  	_ =	shalt  }
0x80: {  	_ =	shalt  }
0x81: {  	_ =	shalt  }
0x82: {  	_ =	shalt  }
0x83: {  	_ =	shalt  }
0x84: {  	_ =	shalt  }
0x85: {  	_ =	shalt  }
0x86: {  	_ =	shalt  }
0x87: {  	_ =	shalt  }
.Lfunc_end0:
.L_simem_size_0:
called_computation.6_lowered:
.L_overlay_start_0:
0x88: {  	s2 =	sld [smem:$0x3FD9]  }
0x89: {  	s3 =	sld [smem:$0x3FFE];
	_ =	sdelay $0x1  }
0x8a: {  	s1 =	srdreg.scid  }
0x8b: {  	s0 =	sand.u32 $0x1, s1  }
0x8c: {  	s14 =	sshll.u32 s0, $0xA;
	s2 =	sadd.s32 s3, s2  }
0x8d: {  	s2 =	sadd.s32 s2, s14  }
0x8e: {  	[smem:$0x3FC2] =	sst s2  }
0x8f: {  	_ = 	snop  }
0x90: {  	s2 =	sld [smem:$0x3FD0];
	_ =	sdelay $0x2  }
0x91: {  	s4 =	simm.s32 $0xA;
	s5 =	simm.s32 $0x10;
	s15 =	sld [smem:$0x3FC6]  }
0x92: {  	[smem:s5], [sflag:s4] =	dma.local [hbm:s2], $0x1  }
0x93: {  	_ =	swait.eq [sflag:s4], $0x1  }
0x94: {  	[sflag:s4] =	ssyncset.done $0x0  }
0x95: {  	[sflag:s4] =	ssyncadd.s32 $0xFFFFFFFF  }
0x96: {  	s16 =	sld [smem:$0x11];
	(tm) =	ssettm $0x1  }
0x97: {  	s17 =	sld [smem:$0x3FFB];
	_ =	sdelay $0x3  }
0x98: {  	_ =	strace s17  }
0x99: {  	s4 =	sld [smem:$0x3FFC];
	_ =	sdelay $0x3  }
0x9a: {  	_ =	strace s4  }
0x9b: {  	s4 =	sld [smem:$0x3FFD];
	_ =	sdelay $0x3  }
0x9c: {  	_ =	strace s4  }
0x9d: {  	_ =	strace $0x8FFFFFFF  }
0x9e: {  	s18 =	sld [smem:$0x3FDB];
	_ =	sdelay $0x1  }
0x9f: {  	s19 =	simm.s32 $_scs_section_size  }
0xa0: {  	s6 =	simm.s32 $_size__tile_overlayer_lowered;
	s7 =	simm.s32 $_tile_overlayer_lowered  }
0xa1: {  	s22 =	simm.s32 $0x1BFF;
	s21 =	sshll.u32 s7, $0x1;
	s4 =	sadd.s32 s19, s18  }
0xa2: {  	s8 =	simm.s32 $0x0;
	s20 =	sshll.u32 s6, $0x1;
	s6 =	sadd.s32 s21, s4  }
0xa3: {  	[timem:s8], [sflag:s22] =	dma.local [hbm:s6], s20  }
0xa4: {  	_ =	swait.ge [sflag:s22], s20  }
0xa5: {  	s5 =	ssub.s32 $0x0, s20;
	[sflag:s22] =	ssyncset.done $0x0  }
0xa6: {  	[sflag:s22] =	ssyncadd.s32 s5;
	_ =	sdelay $0x1  }
0xa7: {  	s23 =	simm.s32 $0x1B8B  }
0xa8: {  	_ =	swait.ge [sflag:s23], $0x1  }
0xa9: {  	[sflag:s23] =	ssyncset.done $0x0  }
0xaa: {  	s25 =	simm.s32 $0x1B8E;
	s24 =	sld [smem:$0x3FFE];
	[sflag:s23] =	ssyncadd.s32 $0xFFFFFFFF  }
0xab: {  	s26 =	simm.s32 $execute0_lowered;
	[smem:$0x3FD2] =	sst s25  }
0xac: {  	s6 =	sshll.u32 s26, $0x1;
	_ =	strace $0x80000058;
	[dreg:$0x1] =	wrdreg $0xFFFFFFFF  }
0xad: {  	s28 =	simm.s32 $_size_execute0_lowered;
	s4 =	sadd.s32 s4, s6;
	[dreg:$0x0] =	wrdreg $0x0  }
0xae: {  	s6 =	sshll.u32 s28, $0x1;
	[dreg:$0x2] =	wrdreg s4  }
0xaf: {  	[dreg:$0x3] =	wrdreg s6  }
0xb0: {  	[dreg:$0x4] =	wrdreg $0xC0  }
0xb1: {  	_ =	task [dreg:s8], $0x5FFFF  }
0xb2: {  	[dreg:$0x1] =	wrdreg $0xFFFFFFFF  }
0xb3: {  	[dreg:$0x0] =	wrdreg $0x60  }
0xb4: {  	[dreg:$0x2] =	wrdreg s24  }
0xb5: {  	[dreg:$0x3] =	wrdreg s16  }
0xb6: {  	[dreg:$0x4] =	wrdreg s15  }
0xb7: {  	[dreg:$0x5] =	wrdreg $0x9  }
0xb8: {  	_ =	task.clear_ibuf [dreg:s8], $0x6FFFF;
	_ =	strace $0x90000058  }
0xb9: {  	s29 =	simm.s32 $0x9;
	_ =	strace $0x8000005A  }
0xba: {  	_ =	swait.ge [sflag:s29], $0x1  }
0xbb: {  	[sflag:s29] =	ssyncadd.s32 $0xFFFFFFFF  }
0xbc: {  	_ =	strace $0x9000005A  }
0xbd: {  	_ =	sfence  }
0xbe: {  	s30 =	sld [smem:$0x0];
	_ =	sdelay $0x2  }
0xbf: {  	s31 =	sshll.u32 s1, $0xD;
	s1 =	sshrl.u32 s1, $0x2  }
0xc0: {  	s3 =	sand.u32 $0x4000, s31;
	s1 =	sadd.s32 s1, s30  }
0xc1: {  	s0 =	sor.u32 s3, s0;
	s1 =	sshll.u32 s1, $0x11  }
0xc2: {  	s0 =	sor.u32 s1, s0  }
0xc3: {  	s0 =	sadd.s32 $0x8F2B, s0  }
0xc4: {  	[sflag:s0] =	ssyncadd.remote.s32 $0x1  }
0xc5: {  	_ =	sfence.sel $0xFFFF  }
0xc6: {  	[dreg:$0x0] =	wrdreg $0xFFFFFFFF;
	(pc) =	sbr.abs _section_cstart, $3  }
0xc7: {  	[dreg:$0x1] =	wrdreg $0xFFFFFFFF  }
0xc8: {  	_ =	task.clear_ibuf [dreg:s8], $0x2FFFF;
	_ =	strace $0x9FFFFFFF  }
0xc9: {  	(tm) =	ssettm $0x7FFFFFFF  }
tec
execute0_lowered:
.L_overlay_start_1:
0x0: {  	(tag) =	ssettag $0x1  }
0x1: {  	s11 =	rddreg [dreg:$0x0]  }
0x2: {  	s6 =	rddreg [dreg:$0x1]  }
0x3: {  	s2 =	rddreg [dreg:$0x2]  }
0x4: {  	s0 =	rddreg [dreg:$0x3]  }
0x5: {  	s3 =	simm.s32 $0x0;
	s4 =	srdreg.scid;
	s1 =	stileid.u32  }
0x6: {  	v0 =	vlaneseq.u32;
	[smem:$0x7FF] =	sst s3;
	s12 =	sand.u32 $0x1, s4;
	s5 =	sshll.u32 s1, $0x1  }
0x7: {  	v0 =	vmul.u32 $0x80, v0;
	s4 =	sadd.s32 $0x2C00, s11;
	_ =	strace $0x80000059;
	s7 =	sor.u32 s12, s5  }
0x8: {  	[tilespmem:s3], [sflag:$0x1] =	stream.linear.gather [hbm4b:s4+s3], $0x800, $0x38;
	[tilespmem:$0x2800] =	vst v63  }
0x9: {  	s5 =	simm.s32 $0x1;
	s13 =	smul.u32 $0x1E88, s7  }
0xa: {  	_ =	swait.ge [sflag:s5], $0x800  }
0xb: {  	[sflag:s5] =	ssyncset.done $0x0;
	s14 =	sshrl.u32 s13, $0x3  }
0xc: {  	s7 =	simm.s32 $0x800;
	[sflag:s5] =	ssyncadd.s32 $0xFFFFF800;
	s6 =	sadd.s32 s6, s14  }
0xd: {  	v3 =	vld.idx.msk [tilespmem:v0+s3+$0x0], $0xffff;
	[tilespmem:s7], [sflag:$0x1] =	stream.linear.gather [hbm4b:s6+s3], $0x1E88, $0x38  }
0xe: {  	_ =	swait.ge [sflag:s5], $0x1E88  }
0xf: {  	[sflag:s5] =	ssyncset.done $0x0  }
0x10: {  	s8 =	simm.s32 $0x2700;
	[sflag:s5] =	ssyncadd.s32 $0xFFFFE178  }
0x11: {  	[tilespmem:s8], [sflag:$0x1] =	stream.linear.gather [hbm4b:s2+s3], $0x80, $0x38;
	[tilespmem:$0x2800] =	vst v63  }
0x12: {  	_ =	swait.ge [sflag:s5], $0x80  }
0x13: {  	[sflag:s5] =	ssyncset.done $0x0  }
0x14: {  	s10 =	simm.s32 $0x2780;
	s9 =	sadd.s32 $0x2E00, s11;
	[sflag:s5] =	ssyncadd.s32 $0xFFFFFF80  }
0x15: {  	[tilespmem:s10], [sflag:$0x1] =	stream.linear.gather [hbm4b:s9+s3], $0x80, $0x38;
	[tilespmem:$0x2800] =	vst v63  }
0x16: {  	_ =	swait.ge [sflag:s5], $0x80  }
0x17: {  	[sflag:s5] =	ssyncset.done $0x0  }
0x18: {  	[sflag:s5] =	ssyncadd.s32 $0xFFFFFF80  }
0x19: {  	v1 =	vld [tilespmem:$0x2700];
	_ =	sdelay $0x1  }
0x1a: {  	v2 =	vld [tilespmem:$0x2790]  }
0x1b: {  	v4 =	vld [tilespmem:$0x2780];
	_ =	sdelay $0x1  }
0x1c: {  	v5 =	vmul.u32 $0x5, v1;
	_ =	sdelay $0x1  }
0x1d: {  	v1 =	vmov s13;
	s13 =	sadd.s32 $0x1E88, s13;
	v5 =	vadd.s32 v5, v2  }
0x1e: {  	vm0 =	vgt.s32 v4, $0x0;
	v2 =	vmov s13;
	vm1 =	vge.s32 v5, v1  }
0x1f: {  	vm15 =	vlt.s32 v5, v2;
	vm0 =	vmand vm0, vm1  }
0x20: {  	s12 =	ssub.s32 $0x2, s12;
	v63 =	vsub.s32 v5, v1;
	vm0 =	vmand vm15, vm0  }
0x21: {  	s31 =	sshrl.u32 s12, $0x1;
	v4 =	vnsel vm0, $0x0, v63  }
0x22: {  	s12 =	ssub.s32 s12, s31  }
0x23: {  	s12 =	smax.u32 s12, $0x1  }
0x24: {  	p0 =	sne.s32 s12, $0x1  }
.Ltmp0:
0x25: {  	s11 =	sadd.s32 s14, s11;
	(pc) =	sbr.rel @!p0 .LBB2_2-.Ltmp0, $4  }
0x26: {  	s11 =	sadd.s32 $0x3000, s11;
	[tilespmem:v4+s7+$0x0] =	vst.idx.msk vm0, v3  }
0x27: {  	[hbm4b:s11+s3] =	stream.linear.scatter [tilespmem:s7], [sflag:$0x1], $0x1E88, $0x38;
	[tilespmem:$0x2800] =	vst v63  }
0x28: {  	_ =	swait.ge [sflag:s5], $0x1E88  }
0x29: {  	s12 =	sadd.s32 $0xFFFFFFFF, s12;
	[sflag:s5] =	ssyncset.done $0x0  }
.LBB2_1:
0x2a: {  	p0 =	sne.s32 s12, $0x1;
	s12 =	sadd.s32 $0xFFFFFFFF, s12;
	[sflag:s5] =	ssyncadd.s32 $0xFFFFE178  }
0x2b: {  	[tilespmem:s3], [sflag:$0x1] =	stream.linear.gather [hbm4b:s4+s3], $0x800, $0x38;
	[tilespmem:$0x2800] =	vst v63  }
0x2c: {  	_ =	swait.ge [sflag:s5], $0x800  }
0x2d: {  	[sflag:s5] =	ssyncset.done $0x0  }
0x2e: {  	[sflag:s5] =	ssyncadd.s32 $0xFFFFF800  }
0x2f: {  	v3 =	vld.idx.msk [tilespmem:v0+s3+$0x0], $0xffff  }
0x30: {  	[tilespmem:s7], [sflag:$0x1] =	stream.linear.gather [hbm4b:s6+s3], $0x1E88, $0x38;
	[tilespmem:$0x2800] =	vst v63  }
0x31: {  	_ =	swait.ge [sflag:s5], $0x1E88  }
0x32: {  	[sflag:s5] =	ssyncset.done $0x0  }
0x33: {  	[sflag:s5] =	ssyncadd.s32 $0xFFFFE178  }
0x34: {  	[tilespmem:s8], [sflag:$0x1] =	stream.linear.gather [hbm4b:s2+s3], $0x80, $0x38;
	[tilespmem:$0x2800] =	vst v63  }
0x35: {  	_ =	swait.ge [sflag:s5], $0x80  }
0x36: {  	[sflag:s5] =	ssyncset.done $0x0  }
0x37: {  	[sflag:s5] =	ssyncadd.s32 $0xFFFFFF80  }
0x38: {  	[tilespmem:s10], [sflag:$0x1] =	stream.linear.gather [hbm4b:s9+s3], $0x80, $0x38;
	[tilespmem:$0x2800] =	vst v63  }
0x39: {  	_ =	swait.ge [sflag:s5], $0x80  }
0x3a: {  	[sflag:s5] =	ssyncset.done $0x0  }
0x3b: {  	[sflag:s5] =	ssyncadd.s32 $0xFFFFFF80  }
0x3c: {  	v4 =	vld [tilespmem:$0x2700];
	_ =	sdelay $0x1  }
0x3d: {  	v5 =	vld [tilespmem:$0x2790]  }
0x3e: {  	v6 =	vld [tilespmem:$0x2780];
	_ =	sdelay $0x1  }
0x3f: {  	v4 =	vmul.u32 $0x5, v4;
	_ =	sdelay $0x1  }
0x40: {  	v4 =	vadd.s32 v4, v5  }
0x41: {  	vm0 =	vgt.s32 v6, $0x0;
	vm1 =	vge.s32 v4, v1  }
0x42: {  	vm0 =	vmand vm0, vm1;
	vm1 =	vlt.s32 v4, v2  }
0x43: {  	v4 =	vsub.s32 v4, v1;
	vm0 =	vmand vm1, vm0  }
0x44: {  	v4 =	vnsel vm0, $0x0, v4;
	_ =	sdelay $0x3  }
.Ltmp1:
0x45: {  	(pc) =	sbr.rel @p0 .LBB2_1-.Ltmp1, $4  }
0x46: {  	[tilespmem:v4+s7+$0x0] =	vst.idx.msk vm0, v3  }
0x47: {  	[hbm4b:s11+s3] =	stream.linear.scatter [tilespmem:s7], [sflag:$0x1], $0x1E88, $0x38;
	[tilespmem:$0x2800] =	vst v63  }
0x48: {  	_ =	swait.ge [sflag:s5], $0x1E88  }
0x49: {  	[sflag:s5] =	ssyncset.done $0x0  }
.LBB2_2:
0x4a: {  	[sflag:s5] =	ssyncadd.s32 $0xFFFFE178  }
0x4b: {  	_ =	sfence.sel $0x180000  }
0x4c: {  	[bflag:$0x0] =	sbarrier.arrive $0xFFFF  }
0x4d: {  	p0 =	sne.s32 s1, $0x0;
	_ =	strace $0x90000059  }
0x4e: {  	s0 =	sadd.s32 @!p0 $0x100000, s0;
	[bflag:$0x2] =	sbarrier.arrive $0xFFFF  }
0x4f: {  	[sflag:s0] =	ssyncadd.tile.s32 @!p0 $0x1;
	_ =	shalt  }
.Lfunc_end2:
_tile_overlayer_lowered:
.L_overlay_start_2:
0x50: {  	(tag) =	ssettag $0x2  }
0x51: {  	s0 =	rddreg [dreg:$0x0];
	s2 =	stileid.u32  }
0x52: {  	s1 =	rddreg [dreg:$0x1];
	p0 =	sne.s32 s2, $0x0  }
0x53: {  	s3 =	rddreg [dreg:$0x2];
	[bflag:$0x3] =	sbarrier.arrive $0xFFFF;
	s2 =	simm.s32 @!p0 $0x1C01  }
0x54: {  	[timem:s3], [sflag:s2] =	dma.local @!p0 [hbm:s0], s1  }
0x55: {  	s0 =	simm.s32 @!p0 $0x1  }
0x56: {  	_ =	swait.ge @!p0 [sflag:s0], s1  }
0x57: {  	s1 =	ssub.s32 @!p0 $0x0, s1;
	[sflag:s0] =	ssyncset.done @!p0 $0x0  }
0x58: {  	[sflag:s0] =	ssyncadd.s32 @!p0 s1  }
0x59: {  	[bflag:$0x3] =	sbarrier.arrive $0xFFFF  }
0x5a: {  	_ =	shalt  }

// kernel: kernel.9.cloned.1.call-start
scs
__scs_entry_jumppad:
0x0: {  	(pc) =	sbr.rel $0x88, $3  }
0x1: {  	(tag) =	ssettag $0x0;
	lr =	simm.s32 $0x1  }
0x2: {  	[smem:$0x3F9B] =	sst lr;
	_ =	strace $0xD0000000  }
0x3: {  	_ = 	snop  }
0x4: {  	_ = 	snop  }
0x5: {  	_ = 	snop  }
0x6: {  	_ = 	snop  }
0x7: {  	_ = 	snop  }
__scs_overlays_trampoline_lowered:
0x8: {  	[smem:$0x3FAA] =	sst s0  }
0x9: {  	[smem:$0x3FAB] =	sst s1  }
0xa: {  	[smem:$0x3FAC] =	sst s2  }
0xb: {  	[smem:$0x3FAD] =	sst s3  }
0xc: {  	[smem:$0x3FAE] =	sst s4  }
0xd: {  	[smem:$0x3FAF] =	sst s5  }
0xe: {  	[smem:$0x3FB0] =	sst s6  }
0xf: {  	[smem:$0x3FB1] =	sst s7  }
0x10: {  	[smem:$0x3FB2] =	sst s8  }
0x11: {  	[smem:$0x3FB3] =	sst s9;
	s0 =	simm.s32 @!p0 $0x0  }
0x12: {  	s1 =	sld [smem:$0x3F99];
	s0 =	simm.s32 @p0 $0x1  }
0x13: {  	[smem:$0x3FB4] =	sst s0;
	s0 =	simm.s32 @!p1 $0x0  }
0x14: {  	s2 =	sld [smem:$0x3F98];
	s0 =	simm.s32 @p1 $0x1  }
0x15: {  	[smem:$0x3FB5] =	sst s0;
	s0 =	simm.s32 @!p2 $0x0  }
0x16: {  	s3 =	sld [smem:$0x3FDB];
	s0 =	simm.s32 @p2 $0x1  }
0x17: {  	s4 =	simm.s32 $0x1BF5;
	[smem:$0x3FB7] =	sst s0  }
0x18: {  	s0 =	sld [smem:$0x3F9A];
	_ =	swait.ge [sflag:s4], $0x0  }
0x19: {  	s7 =	sld [smem:$0x3F9B]  }
0x1a: {  	s8 =	sadd.s32 $0xFFFFE003, lr  }
0x1b: {  	s9 =	sadd.s32 $0xFFFFFEF7, lr;
	s5 =	simm.s32 $0xFFFFFFFF;
	p2 =	slt.u32 s8, $0xFFFFF086  }
0x1c: {  	p1 =	slt.u32 s9, $0xF7A;
	s5 =	simm.s32 @!p2 $0x0  }
0x1d: {  	s5 =	simm.s32 @p1 $0x1;
	p0 =	seq.s32 s7, s2  }
0x1e: {  	s7 =	smul.u32 @!p0 $0xF7A, s2;
	p2 =	seq.s32 @!p0 s5, $0x0  }
0x1f: {  	s9 =	smul.u32 $0xF7A, s1;
	s8 =	simm.s32 @!p0 $0x1BF5;
	p2 =	por !p2, p0  }
0x20: {  	[sflag:s8] =	ssyncset.s32 @!p0 $0xFFFFF086;
	s6 =	sadd.s32 @!p0 s3, s7;
	s7 =	simm.s32 @!p0 $0x108  }
0x21: {  	s3 =	sadd.s32 s3, s9;
	s6 =	sadd.s32 @!p0 $0x88, s6;
	s7 =	simm.s32 @p2 $0x1082  }
0x22: {  	[simem:s7], [sflag:s8] =	dma.local @!p0 [hbm:s6], $0xF7A  }
0x23: {  	s9 =	sor.u32 $0xD0000000, s2;
	s6 =	simm.s32 $0x108;
	_ =	swait.ge @!p0 [sflag:s8], $0x0  }
0x24: {  	s3 =	sadd.s32 $0x88, s3;
	s6 =	simm.s32 @!p1 $0x1082;
	[sflag:s4] =	ssyncset.s32 $0xFFFFF086  }
0x25: {  	[simem:s6], [sflag:s4] =	dma.local [hbm:s3], $0xF7A  }
0x26: {  	[smem:$0x3F9B] =	sst s1;
	(tag) =	ssettag s2;
	_ =	strace s9  }
0x27: {  	s1 =	sld [smem:$0x3FAB]  }
0x28: {  	s2 =	sld [smem:$0x3FAC]  }
0x29: {  	s4 =	sld [smem:$0x3FAE]  }
0x2a: {  	p0 =	seq.s32 s5, $0x0;
	s5 =	sld [smem:$0x3FAF]  }
0x2b: {  	s6 =	sld [smem:$0x3FB0]  }
0x2c: {  	s7 =	sld [smem:$0x3FB1]  }
0x2d: {  	s3 =	simm.s32 $0x108;
	s8 =	sld [smem:$0x3FB2]  }
0x2e: {  	s3 =	simm.s32 @!p0 $0x1082;
	s9 =	sld [smem:$0x3FB3]  }
0x2f: {  	lr =	sadd.s32 s0, s3;
	s0 =	sld [smem:$0x3FAA]  }
0x30: {  	s3 =	sld [smem:$0x3FAD]  }
0x31: {  	[smem:$0x3FB6] =	sst s10  }
0x32: {  	s10 =	sld [smem:$0x3FB4];
	_ =	sdelay $0x3  }
0x33: {  	p0 =	seq.s32 s10, $0x1;
	s10 =	sld [smem:$0x3FB6];
	_ =	sdelay $0x3  }
0x34: {  	[smem:$0x3FB6] =	sst s10  }
0x35: {  	s10 =	sld [smem:$0x3FB5];
	_ =	sdelay $0x3  }
0x36: {  	p1 =	seq.s32 s10, $0x1;
	s10 =	sld [smem:$0x3FB6];
	_ =	sdelay $0x3  }
0x37: {  	[smem:$0x3FB6] =	sst s10  }
0x38: {  	s10 =	sld [smem:$0x3FB7]  }
0x39: {  	_ = 	snop;
	(pc) =	sbr.ind lr, $3  }
0x3a: {  	_ = 	snop  }
0x3b: {  	_ = 	snop  }
0x3c: {  	p2 =	seq.s32 s10, $0x1;
	s10 =	sld [smem:$0x3FB6]  }
0x3d: {  	_ =	shalt  }
0x3e: {  	_ =	shalt  }
0x3f: {  	_ =	shalt  }
0x40: {  	_ =	shalt  }
0x41: {  	_ =	shalt  }
0x42: {  	_ =	shalt  }
0x43: {  	_ =	shalt  }
0x44: {  	_ =	shalt  }
0x45: {  	_ =	shalt  }
0x46: {  	_ =	shalt  }
0x47: {  	_ =	shalt  }
0x48: {  	_ =	shalt  }
0x49: {  	_ =	shalt  }
0x4a: {  	_ =	shalt  }
0x4b: {  	_ =	shalt  }
0x4c: {  	_ =	shalt  }
0x4d: {  	_ =	shalt  }
0x4e: {  	_ =	shalt  }
0x4f: {  	_ =	shalt  }
0x50: {  	_ =	shalt  }
0x51: {  	_ =	shalt  }
0x52: {  	_ =	shalt  }
0x53: {  	_ =	shalt  }
0x54: {  	_ =	shalt  }
0x55: {  	_ =	shalt  }
0x56: {  	_ =	shalt  }
0x57: {  	_ =	shalt  }
0x58: {  	_ =	shalt  }
0x59: {  	_ =	shalt  }
0x5a: {  	_ =	shalt  }
0x5b: {  	_ =	shalt  }
0x5c: {  	_ =	shalt  }
0x5d: {  	_ =	shalt  }
0x5e: {  	_ =	shalt  }
0x5f: {  	_ =	shalt  }
0x60: {  	_ =	shalt  }
0x61: {  	_ =	shalt  }
0x62: {  	_ =	shalt  }
0x63: {  	_ =	shalt  }
0x64: {  	_ =	shalt  }
0x65: {  	_ =	shalt  }
0x66: {  	_ =	shalt  }
0x67: {  	_ =	shalt  }
0x68: {  	_ =	shalt  }
0x69: {  	_ =	shalt  }
0x6a: {  	_ =	shalt  }
0x6b: {  	_ =	shalt  }
0x6c: {  	_ =	shalt  }
0x6d: {  	_ =	shalt  }
0x6e: {  	_ =	shalt  }
0x6f: {  	_ =	shalt  }
0x70: {  	_ =	shalt  }
0x71: {  	_ =	shalt  }
0x72: {  	_ =	shalt  }
0x73: {  	_ =	shalt  }
0x74: {  	_ =	shalt  }
0x75: {  	_ =	shalt  }
0x76: {  	_ =	shalt  }
0x77: {  	_ =	shalt  }
0x78: {  	_ =	shalt  }
0x79: {  	_ =	shalt  }
0x7a: {  	_ =	shalt  }
0x7b: {  	_ =	shalt  }
0x7c: {  	_ =	shalt  }
0x7d: {  	_ =	shalt  }
0x7e: {  	_ =	shalt  }
0x7f: {  	_ =	shalt  }
0x80: {  	_ =	shalt  }
0x81: {  	_ =	shalt  }
0x82: {  	_ =	shalt  }
0x83: {  	_ =	shalt  }
0x84: {  	_ =	shalt  }
0x85: {  	_ =	shalt  }
0x86: {  	_ =	shalt  }
0x87: {  	_ =	shalt  }
.Lfunc_end0:
.L_simem_size_0:
called_computation_lowered:
.L_overlay_start_0:
0x88: {  	s2 =	sld [smem:$0x3FD9]  }
0x89: {  	s3 =	sld [smem:$0x3FFE];
	_ =	sdelay $0x1  }
0x8a: {  	s1 =	srdreg.scid  }
0x8b: {  	s0 =	sand.u32 $0x1, s1  }
0x8c: {  	s14 =	sshll.u32 s0, $0xA;
	s2 =	sadd.s32 s3, s2  }
0x8d: {  	s2 =	sadd.s32 s2, s14  }
0x8e: {  	[smem:$0x3FC2] =	sst s2  }
0x8f: {  	_ = 	snop  }
0x90: {  	s2 =	sld [smem:$0x3FD0];
	_ =	sdelay $0x2  }
0x91: {  	s4 =	simm.s32 $0xA;
	s5 =	simm.s32 $0x10;
	s15 =	sld [smem:$0x3FC7]  }
0x92: {  	[smem:s5], [sflag:s4] =	dma.local [hbm:s2], $0x1  }
0x93: {  	_ =	swait.eq [sflag:s4], $0x1  }
0x94: {  	[sflag:s4] =	ssyncset.done $0x0  }
0x95: {  	[sflag:s4] =	ssyncadd.s32 $0xFFFFFFFF  }
0x96: {  	s16 =	sld [smem:$0x11];
	(tm) =	ssettm $0x1  }
0x97: {  	s17 =	sld [smem:$0x3FFB];
	_ =	sdelay $0x3  }
0x98: {  	_ =	strace s17  }
0x99: {  	s4 =	sld [smem:$0x3FFC];
	_ =	sdelay $0x3  }
0x9a: {  	_ =	strace s4  }
0x9b: {  	s4 =	sld [smem:$0x3FFD];
	_ =	sdelay $0x3  }
0x9c: {  	_ =	strace s4  }
0x9d: {  	_ =	strace $0x8FFFFFFF  }
0x9e: {  	s18 =	sld [smem:$0x3FDB];
	_ =	sdelay $0x1  }
0x9f: {  	s19 =	simm.s32 $_scs_section_size  }
0xa0: {  	s6 =	simm.s32 $_size__tile_overlayer_lowered;
	s7 =	simm.s32 $_tile_overlayer_lowered  }
0xa1: {  	s22 =	simm.s32 $0x1BFF;
	s21 =	sshll.u32 s7, $0x1;
	s4 =	sadd.s32 s19, s18  }
0xa2: {  	s8 =	simm.s32 $0x0;
	s20 =	sshll.u32 s6, $0x1;
	s6 =	sadd.s32 s21, s4  }
0xa3: {  	[timem:s8], [sflag:s22] =	dma.local [hbm:s6], s20  }
0xa4: {  	_ =	swait.ge [sflag:s22], s20  }
0xa5: {  	s5 =	ssub.s32 $0x0, s20;
	[sflag:s22] =	ssyncset.done $0x0  }
0xa6: {  	[sflag:s22] =	ssyncadd.s32 s5;
	_ =	sdelay $0x1  }
0xa7: {  	s23 =	simm.s32 $0x1B8B  }
0xa8: {  	_ =	swait.ge [sflag:s23], $0x1  }
0xa9: {  	[sflag:s23] =	ssyncset.done $0x0  }
0xaa: {  	s25 =	simm.s32 $0x1B8E;
	s24 =	sld [smem:$0x3FFE];
	[sflag:s23] =	ssyncadd.s32 $0xFFFFFFFF  }
0xab: {  	s26 =	simm.s32 $execute0_lowered;
	[smem:$0x3FD2] =	sst s25  }
0xac: {  	s6 =	sshll.u32 s26, $0x1;
	_ =	strace $0x80000046;
	[dreg:$0x1] =	wrdreg $0xFFFFFFFF  }
0xad: {  	s28 =	simm.s32 $_size_execute0_lowered;
	s4 =	sadd.s32 s4, s6;
	[dreg:$0x0] =	wrdreg $0x0  }
0xae: {  	s6 =	sshll.u32 s28, $0x1;
	[dreg:$0x2] =	wrdreg s4  }
0xaf: {  	[dreg:$0x3] =	wrdreg s6  }
0xb0: {  	[dreg:$0x4] =	wrdreg $0xC0  }
0xb1: {  	_ =	task [dreg:s8], $0x5FFFF  }
0xb2: {  	[dreg:$0x1] =	wrdreg $0xFFFFFFFF  }
0xb3: {  	[dreg:$0x0] =	wrdreg $0x60  }
0xb4: {  	[dreg:$0x2] =	wrdreg s24  }
0xb5: {  	[dreg:$0x3] =	wrdreg s15  }
0xb6: {  	[dreg:$0x4] =	wrdreg s16  }
0xb7: {  	[dreg:$0x5] =	wrdreg $0x9  }
0xb8: {  	_ =	task.clear_ibuf [dreg:s8], $0x6FFFF;
	_ =	strace $0x90000046  }
0xb9: {  	s29 =	simm.s32 $0x9;
	_ =	strace $0x80000048  }
0xba: {  	_ =	swait.ge [sflag:s29], $0x1  }
0xbb: {  	[sflag:s29] =	ssyncadd.s32 $0xFFFFFFFF  }
0xbc: {  	_ =	strace $0x90000048  }
0xbd: {  	_ =	sfence  }
0xbe: {  	s30 =	sld [smem:$0x0];
	_ =	sdelay $0x2  }
0xbf: {  	s31 =	sshll.u32 s1, $0xD;
	s1 =	sshrl.u32 s1, $0x2  }
0xc0: {  	s3 =	sand.u32 $0x4000, s31;
	s1 =	sadd.s32 s1, s30  }
0xc1: {  	s0 =	sor.u32 s3, s0;
	s1 =	sshll.u32 s1, $0x11  }
0xc2: {  	s0 =	sor.u32 s1, s0  }
0xc3: {  	s0 =	sadd.s32 $0x8F2B, s0  }
0xc4: {  	[sflag:s0] =	ssyncadd.remote.s32 $0x1  }
0xc5: {  	_ =	sfence.sel $0xFFFF  }
0xc6: {  	[dreg:$0x0] =	wrdreg $0xFFFFFFFF;
	(pc) =	sbr.abs _section_cstart, $3  }
0xc7: {  	[dreg:$0x1] =	wrdreg $0xFFFFFFFF  }
0xc8: {  	_ =	task.clear_ibuf [dreg:s8], $0x2FFFF;
	_ =	strace $0x9FFFFFFF  }
0xc9: {  	(tm) =	ssettm $0x7FFFFFFF  }
tec
execute0_lowered:
.L_overlay_start_1:
0x0: {  	(tag) =	ssettag $0x1  }
0x1: {  	s7 =	rddreg [dreg:$0x0]  }
0x2: {  	s2 =	rddreg [dreg:$0x1]  }
0x3: {  	s9 =	rddreg [dreg:$0x2]  }
0x4: {  	s0 =	rddreg [dreg:$0x3];
	s4 =	srdreg.scid  }
0x5: {  	s1 =	stileid.u32;
	s3 =	simm.s32 $0x0;
	s14 =	simm.s32 $0x4000  }
0x6: {  	s15 =	simm.s32 $0x3800;
	s16 =	simm.s32 $0x80;
	s17 =	simm.s32 $0x400  }
0x7: {  	s18 =	simm.s32 $0x14000;
	s19 =	simm.s32 $0x0;
	s8 =	sand.u32 $0x1, s4  }
0x8: {  	s28 =	sshll.u32 s1, $0x1;
	[smem:$0x7FF] =	sst s3;
	s11 =	sshrl.u32 s1, $0x2  }
0x9: {  	s4 =	sadd.s32 $0x2002A00, s7;
	s6 =	sadd.s32 $0x42A00, s7;
	s10 =	sor.u32 s8, s28  }
0xa: {  	_ =	strace $0x80000047;
	s12 =	sshll.u32 s11, $0x13;
	s8 =	ssub.s32 $0x2, s8  }
0xb: {  	s11 =	sshll.u32 s11, $0xA;
	s5 =	sshll.u32 s10, $0x7;
	s29 =	sshrl.u32 s8, $0x1  }
0xc: {  	s13 =	sand.u32 $0x380, s5;
	s5 =	sadd.s32 $0x20C2A00, s7;
	s30 =	ssub.s32 s8, s29  }
0xd: {  	v0 =	vlaneseq.u32;
	s12 =	sor.u32 s12, s13;
	s11 =	sor.u32 s11, s13;
	s13 =	simm.s32 $0x3000  }
0xe: {  	v1 =	vmul.u32 $0x3, v0;
	s12 =	sshrl.u32 s12, $0x3;
	s31 =	sshrl.u32 s11, $0x3;
	s11 =	simm.s32 $0x1  }
0xf: {  	v2 =	vimm.s32 $0x0;
	v3 =	vimm.f32 $0.0e+00;
	vm0 =	vcmask $0x300;
	s12 =	sadd.s32 s12, s7;
	s7 =	sshll.u32 s10, $0x10;
	s9 =	sadd.s32 s9, s31  }
0x10: {  	v5 =	vimm.s32 $0x1;
	v4 =	vsel vm0, $0x7, v2;
	v6 =	vor.u32 $0x40, v1;
	s10 =	smax.u32 s30, $0x1;
	s8 =	sadd.s32 $0x2A00, s12;
	s12 =	simm.s32 $0x1800  }
.LBB2_1:
0x11: {  	s20 =	simm.s32 $0x0;
	s21 =	simm.s32 $0x200  }
.LBB2_2:
0x12: {  	p0 =	sne.s32 s21, $0x3FE00;
	[tilespmem:s20+$0x4070] =	vst v2  }
0x13: {  	[tilespmem:s20+$0x4000] =	vst v2  }
0x14: {  	[tilespmem:s20+$0x4010] =	vst v2  }
.Ltmp0:
0x15: {  	[tilespmem:s20+$0x4020] =	vst v2;
	(pc) =	sbr.rel @p0 .LBB2_2-.Ltmp0, $4  }
0x16: {  	[tilespmem:s20+$0x4030] =	vst v2  }
0x17: {  	[tilespmem:s20+$0x4040] =	vst v2  }
0x18: {  	[tilespmem:s20+$0x4050] =	vst v2  }
0x19: {  	[tilespmem:s20+$0x4060] =	vst v2;
	s20 =	sshra.s32 s21, $0x2;
	s21 =	sadd.s32 $0x200, s21  }
0x1a: {  	[tilespmem:s20+$0x4070] =	vst v2  }
0x1b: {  	[tilespmem:s20+$0x4000] =	vst v2  }
0x1c: {  	[tilespmem:s20+$0x4010] =	vst v2  }
0x1d: {  	[tilespmem:s20+$0x4020] =	vst v2  }
0x1e: {  	[tilespmem:s20+$0x4030] =	vst v2  }
0x1f: {  	[tilespmem:s20+$0x4040] =	vst v2  }
0x20: {  	[tilespmem:s20+$0x4050] =	vst v2  }
0x21: {  	[tilespmem:s20+$0x4060] =	vst v2  }
0x22: {  	s20 =	simm.s32 $0x0;
	[tilespmem:$0x14000] =	vst v3  }
.LBB2_4:
0x23: {  	s21 =	sshll.u32 s20, $0xB  }
0x24: {  	s21 =	sadd.s32 s7, s21  }
0x25: {  	s22 =	smul.u32 $0x3, s21;
	_ =	sdelay $0x1  }
0x26: {  	s22 =	sshrl.u32 s22, $0x3  }
0x27: {  	s23 =	sadd.s32 s4, s22  }
0x28: {  	[tilespmem:s3], [sflag:$0x1] =	stream.linear.gather [hbm4b:s23+s3], $0x1800, $0x38;
	[tilespmem:$0x14080] =	vst v63  }
0x29: {  	_ =	swait.ge [sflag:s11], $0x1800  }
0x2a: {  	[sflag:s11] =	ssyncset.done $0x0  }
0x2b: {  	s22 =	sadd.s32 s5, s22;
	[sflag:s11] =	ssyncadd.s32 $0xFFFFE800  }
0x2c: {  	[tilespmem:s12], [sflag:$0x1] =	stream.linear.gather [hbm4b:s22+s3], $0x1800, $0x38;
	[tilespmem:$0x14080] =	vst v63  }
0x2d: {  	_ =	swait.ge [sflag:s11], $0x1800  }
0x2e: {  	s21 =	sshrl.u32 s21, $0x3;
	[sflag:s11] =	ssyncset.done $0x0  }
0x2f: {  	s31 =	sadd.s32 s2, s21;
	[sflag:s11] =	ssyncadd.s32 $0xFFFFE800  }
0x30: {  	[tilespmem:s13], [sflag:$0x1] =	stream.linear.gather [hbm4b:s31+s3], $0x800, $0x38;
	[tilespmem:$0x14080] =	vst v63  }
0x31: {  	_ =	swait.ge [sflag:s11], $0x800  }
0x32: {  	s24 =	simm.s32 $0x3040;
	[sflag:s11] =	ssyncset.done $0x0  }
0x33: {  	s23 =	simm.s32 $0x3840;
	s22 =	simm.s32 $0x152;
	[sflag:s11] =	ssyncadd.s32 $0xFFFFF800  }
.LBB2_5:
0x34: {  	s25 =	sadd.s32 $0xFFFFFEAE, s22  }
0x35: {  	v7 =	vmov s25  }
0x36: {  	v7 =	vshrl.u32 v7, $0x7  }
0x37: {  	s30 =	sadd.s32 $0xFFFFFEAF, s22;
	v7 =	vshll.u32 v7, v4  }
0x38: {  	v8 =	vadd.s32 s30, v1;
	v7 =	vbroadcast v7, $0x0;
	_ =	sdelay $0x1  }
0x39: {  	v7 =	vor.u32 v1, v7  }
0x3a: {  	s31 =	sadd.s32 $0xFFFFFEB0, s22  }
0x3b: {  	v9 =	vadd.s32 s31, v1  }
0x3c: {  	v11 =	vld.idx.msk [tilespmem:v8+s3+$0x0], $0xffff  }
0x3d: {  	v8 =	vld.idx.msk [tilespmem:v8+s12+$0x0], $0xffff  }
0x3e: {  	v10 =	vld.idx.msk [tilespmem:v7+s3+$0x0], $0xffff  }
0x3f: {  	v7 =	vld.idx.msk [tilespmem:v7+s12+$0x0], $0xffff  }
0x40: {  	v12 =	vld.idx.msk [tilespmem:v9+s3+$0x0], $0xffff  }
0x41: {  	v9 =	vld.idx.msk [tilespmem:v9+s12+$0x0], $0xffff;
	_ =	sdelay $0x2  }
0x42: {  	v8 =	vsub.f32 v11, v8;
	v7 =	vsub.f32 v10, v7;
	_ =	sdelay $0x1  }
0x43: {  	v9 =	vsub.f32 v12, v9;
	v8 =	vand.u32 $0x7FFFFFFF, v8;
	v7 =	vand.u32 $0x7FFFFFFF, v7  }
0x44: {  	v7 =	vadd.f32 v8, v7  }
0x45: {  	v8 =	vand.u32 $0x7FFFFFFF, v9  }
0x46: {  	v7 =	vadd.f32 v8, v7;
	_ =	sdelay $0x1  }
0x47: {  	[tilespmem:s23+$0xFFFFFFC0] =	vst v7  }
0x48: {  	v8 =	vld [tilespmem:s24+$0xFFFFFFC0];
	_ =	sdelay $0x3  }
0x49: {  	v14 =	vshrl.u32 v7, $0x1  }
0x4a: {  	v9 =	vshrl.u32 v14, $0x17;
	v8 =	vshll.u32 v8, $0x8  }
0x4b: {  	v8 =	vor.u32 v9, v8  }
0x4c: {  	v8 =	vshll.u32 v8, $0x4  }
0x4d: {  	s26 =	sadd.s32 $0xFFFFFEDE, s22;
	v8 =	vor.u32 v0, v8  }
0x4e: {  	v15 =	vadd.s32 s26, v1  }
0x4f: {  	s28 =	sadd.s32 $0xFFFFFEDF, s22  }
0x50: {  	v16 =	vadd.s32 s28, v1  }
0x51: {  	s29 =	sadd.s32 $0xFFFFFEE0, s22  }
0x52: {  	[tilespmem:v8+s14+$0x0] =	vst.idx.add.s32.msk $0xffff, v5;
	v8 =	vadd.s32 s29, v1  }
0x53: {  	v17 =	vld.idx.msk [tilespmem:v15+s3+$0x0], $0xffff  }
0x54: {  	v9 =	vld.idx.msk [tilespmem:v15+s12+$0x0], $0xffff  }
0x55: {  	v18 =	vld.idx.msk [tilespmem:v16+s3+$0x0], $0xffff  }
0x56: {  	v10 =	vld.idx.msk [tilespmem:v16+s12+$0x0], $0xffff  }
0x57: {  	v13 =	vld.idx.msk [tilespmem:v8+s3+$0x0], $0xffff  }
0x58: {  	v8 =	vld.idx.msk [tilespmem:v8+s12+$0x0], $0xffff;
	_ =	sdelay $0x2  }
0x59: {  	v9 =	vsub.f32 v17, v9;
	v10 =	vsub.f32 v18, v10;
	_ =	sdelay $0x1  }
0x5a: {  	v9 =	vand.u32 $0x7FFFFFFF, v9;
	v10 =	vand.u32 $0x7FFFFFFF, v10;
	v8 =	vsub.f32 v13, v8  }
0x5b: {  	v9 =	vadd.f32 v10, v9  }
0x5c: {  	v8 =	vand.u32 $0x7FFFFFFF, v8  }
0x5d: {  	v8 =	vadd.f32 v8, v9;
	_ =	sdelay $0x1  }
0x5e: {  	[tilespmem:s23+$0xFFFFFFD0] =	vst v8  }
0x5f: {  	v19 =	vld [tilespmem:s24+$0xFFFFFFD0];
	_ =	sdelay $0x3  }
0x60: {  	v20 =	vshrl.u32 v8, $0x1  }
0x61: {  	v10 =	vshrl.u32 v20, $0x17;
	v9 =	vshll.u32 v19, $0x8  }
0x62: {  	v9 =	vor.u32 v10, v9  }
0x63: {  	v9 =	vshll.u32 v9, $0x4  }
0x64: {  	s30 =	sadd.s32 $0xFFFFFF0E, s22;
	v9 =	vor.u32 v0, v9  }
0x65: {  	v21 =	vadd.s32 s30, v1  }
0x66: {  	s31 =	sadd.s32 $0xFFFFFF0F, s22  }
0x67: {  	v22 =	vadd.s32 s31, v1  }
0x68: {  	s26 =	sadd.s32 $0xFFFFFF10, s22  }
0x69: {  	v23 =	vadd.s32 s26, v1;
	[tilespmem:v9+s14+$0x0] =	vst.idx.add.s32.msk $0xffff, v5  }
0x6a: {  	v24 =	vld.idx.msk [tilespmem:v21+s3+$0x0], $0xffff  }
0x6b: {  	v10 =	vld.idx.msk [tilespmem:v21+s12+$0x0], $0xffff  }
0x6c: {  	v25 =	vld.idx.msk [tilespmem:v22+s3+$0x0], $0xffff  }
0x6d: {  	v11 =	vld.idx.msk [tilespmem:v22+s12+$0x0], $0xffff  }
0x6e: {  	v14 =	vld.idx.msk [tilespmem:v23+s3+$0x0], $0xffff  }
0x6f: {  	v9 =	vld.idx.msk [tilespmem:v23+s12+$0x0], $0xffff;
	_ =	sdelay $0x2  }
0x70: {  	v10 =	vsub.f32 v24, v10;
	v11 =	vsub.f32 v25, v11;
	_ =	sdelay $0x1  }
0x71: {  	v9 =	vsub.f32 v14, v9;
	v10 =	vand.u32 $0x7FFFFFFF, v10;
	v11 =	vand.u32 $0x7FFFFFFF, v11  }
0x72: {  	v10 =	vadd.f32 v11, v10  }
0x73: {  	v9 =	vand.u32 $0x7FFFFFFF, v9  }
0x74: {  	v9 =	vadd.f32 v9, v10;
	_ =	sdelay $0x1  }
0x75: {  	[tilespmem:s23+$0xFFFFFFE0] =	vst v9  }
0x76: {  	v26 =	vld [tilespmem:s24+$0xFFFFFFE0];
	_ =	sdelay $0x3  }
0x77: {  	v27 =	vshrl.u32 v9, $0x1  }
0x78: {  	v11 =	vshrl.u32 v27, $0x17;
	v10 =	vshll.u32 v26, $0x8  }
0x79: {  	v10 =	vor.u32 v11, v10  }
0x7a: {  	v10 =	vshll.u32 v10, $0x4  }
0x7b: {  	s28 =	sadd.s32 $0xFFFFFF3E, s22;
	v10 =	vor.u32 v0, v10  }
0x7c: {  	v28 =	vadd.s32 s28, v1  }
0x7d: {  	s29 =	sadd.s32 $0xFFFFFF3F, s22  }
0x7e: {  	v29 =	vadd.s32 s29, v1  }
0x7f: {  	s30 =	sadd.s32 $0xFFFFFF40, s22  }
0x80: {  	v30 =	vadd.s32 s30, v1;
	[tilespmem:v10+s14+$0x0] =	vst.idx.add.s32.msk $0xffff, v5  }
0x81: {  	v31 =	vld.idx.msk [tilespmem:v28+s3+$0x0], $0xffff  }
0x82: {  	v11 =	vld.idx.msk [tilespmem:v28+s12+$0x0], $0xffff  }
0x83: {  	v32 =	vld.idx.msk [tilespmem:v29+s3+$0x0], $0xffff  }
0x84: {  	v12 =	vld.idx.msk [tilespmem:v29+s12+$0x0], $0xffff  }
0x85: {  	v15 =	vld.idx.msk [tilespmem:v30+s3+$0x0], $0xffff  }
0x86: {  	v10 =	vld.idx.msk [tilespmem:v30+s12+$0x0], $0xffff;
	_ =	sdelay $0x2  }
0x87: {  	v11 =	vsub.f32 v31, v11;
	v12 =	vsub.f32 v32, v12;
	_ =	sdelay $0x1  }
0x88: {  	v10 =	vsub.f32 v15, v10;
	v11 =	vand.u32 $0x7FFFFFFF, v11;
	v12 =	vand.u32 $0x7FFFFFFF, v12  }
0x89: {  	v11 =	vadd.f32 v12, v11  }
0x8a: {  	v10 =	vand.u32 $0x7FFFFFFF, v10  }
0x8b: {  	v10 =	vadd.f32 v10, v11;
	_ =	sdelay $0x1  }
0x8c: {  	[tilespmem:s23+$0xFFFFFFF0] =	vst v10  }
0x8d: {  	v33 =	vld [tilespmem:s24+$0xFFFFFFF0];
	_ =	sdelay $0x2  }
0x8e: {  	s31 =	sadd.s32 $0xFFFFFF6E, s22  }
0x8f: {  	v35 =	vmov s31;
	v34 =	vshrl.u32 v10, $0x1  }
0x90: {  	v13 =	vshrl.u32 v35, $0x7;
	v12 =	vshrl.u32 v34, $0x17;
	v11 =	vshll.u32 v33, $0x8  }
0x91: {  	v36 =	vshll.u32 v13, v4;
	v11 =	vor.u32 v12, v11  }
0x92: {  	v12 =	vbroadcast v36, $0x0;
	v11 =	vshll.u32 v11, $0x4  }
0x93: {  	v11 =	vor.u32 v0, v11  }
0x94: {  	v12 =	vor.u32 v6, v12  }
0x95: {  	s26 =	sadd.s32 $0xFFFFFF6F, s22  }
0x96: {  	v37 =	vadd.s32 s26, v1  }
0x97: {  	s28 =	sadd.s32 $0xFFFFFF70, s22  }
0x98: {  	v38 =	vadd.s32 s28, v1;
	[tilespmem:v11+s14+$0x0] =	vst.idx.add.s32.msk $0xffff, v5  }
0x99: {  	v39 =	vld.idx.msk [tilespmem:v12+s3+$0x0], $0xffff  }
0x9a: {  	v12 =	vld.idx.msk [tilespmem:v12+s12+$0x0], $0xffff  }
0x9b: {  	v40 =	vld.idx.msk [tilespmem:v37+s3+$0x0], $0xffff  }
0x9c: {  	v13 =	vld.idx.msk [tilespmem:v37+s12+$0x0], $0xffff  }
0x9d: {  	v16 =	vld.idx.msk [tilespmem:v38+s3+$0x0], $0xffff  }
0x9e: {  	v11 =	vld.idx.msk [tilespmem:v38+s12+$0x0], $0xffff;
	_ =	sdelay $0x2  }
0x9f: {  	v12 =	vsub.f32 v39, v12;
	v13 =	vsub.f32 v40, v13;
	_ =	sdelay $0x1  }
0xa0: {  	v11 =	vsub.f32 v16, v11;
	v12 =	vand.u32 $0x7FFFFFFF, v12;
	v13 =	vand.u32 $0x7FFFFFFF, v13  }
0xa1: {  	v12 =	vadd.f32 v13, v12  }
0xa2: {  	v11 =	vand.u32 $0x7FFFFFFF, v11  }
0xa3: {  	v11 =	vadd.f32 v11, v12;
	_ =	sdelay $0x1  }
0xa4: {  	[tilespmem:s23+$0x0] =	vst v11  }
0xa5: {  	v41 =	vld [tilespmem:s24+$0x0];
	_ =	sdelay $0x3  }
0xa6: {  	v42 =	vshrl.u32 v11, $0x1  }
0xa7: {  	v13 =	vshrl.u32 v42, $0x17;
	v12 =	vshll.u32 v41, $0x8  }
0xa8: {  	v12 =	vor.u32 v13, v12  }
0xa9: {  	v12 =	vshll.u32 v12, $0x4  }
0xaa: {  	s29 =	sadd.s32 $0xFFFFFF9E, s22;
	v12 =	vor.u32 v0, v12  }
0xab: {  	v43 =	vadd.s32 s29, v1  }
0xac: {  	s30 =	sadd.s32 $0xFFFFFF9F, s22  }
0xad: {  	v44 =	vadd.s32 s30, v1  }
0xae: {  	s31 =	sadd.s32 $0xFFFFFFA0, s22  }
0xaf: {  	v45 =	vadd.s32 s31, v1;
	[tilespmem:v12+s14+$0x0] =	vst.idx.add.s32.msk $0xffff, v5  }
0xb0: {  	v46 =	vld.idx.msk [tilespmem:v43+s3+$0x0], $0xffff  }
0xb1: {  	v13 =	vld.idx.msk [tilespmem:v43+s12+$0x0], $0xffff  }
0xb2: {  	v47 =	vld.idx.msk [tilespmem:v44+s3+$0x0], $0xffff  }
0xb3: {  	v14 =	vld.idx.msk [tilespmem:v44+s12+$0x0], $0xffff  }
0xb4: {  	v17 =	vld.idx.msk [tilespmem:v45+s3+$0x0], $0xffff  }
0xb5: {  	v12 =	vld.idx.msk [tilespmem:v45+s12+$0x0], $0xffff;
	_ =	sdelay $0x2  }
0xb6: {  	v13 =	vsub.f32 v46, v13;
	v14 =	vsub.f32 v47, v14;
	_ =	sdelay $0x1  }
0xb7: {  	v12 =	vsub.f32 v17, v12;
	v13 =	vand.u32 $0x7FFFFFFF, v13;
	v14 =	vand.u32 $0x7FFFFFFF, v14  }
0xb8: {  	v13 =	vadd.f32 v14, v13  }
0xb9: {  	v12 =	vand.u32 $0x7FFFFFFF, v12  }
0xba: {  	v12 =	vadd.f32 v12, v13;
	_ =	sdelay $0x1  }
0xbb: {  	[tilespmem:s23+$0x10] =	vst v12  }
0xbc: {  	v48 =	vld [tilespmem:s24+$0x10];
	_ =	sdelay $0x3  }
0xbd: {  	v49 =	vshrl.u32 v12, $0x1  }
0xbe: {  	v14 =	vshrl.u32 v49, $0x17;
	v13 =	vshll.u32 v48, $0x8  }
0xbf: {  	v13 =	vor.u32 v14, v13  }
0xc0: {  	v13 =	vshll.u32 v13, $0x4  }
0xc1: {  	s26 =	sadd.s32 $0xFFFFFFCE, s22;
	v13 =	vor.u32 v0, v13  }
0xc2: {  	v50 =	vadd.s32 s26, v1  }
0xc3: {  	s28 =	sadd.s32 $0xFFFFFFCF, s22  }
0xc4: {  	v51 =	vadd.s32 s28, v1  }
0xc5: {  	s29 =	sadd.s32 $0xFFFFFFD0, s22  }
0xc6: {  	v52 =	vadd.s32 s29, v1;
	[tilespmem:v13+s14+$0x0] =	vst.idx.add.s32.msk $0xffff, v5  }
0xc7: {  	v53 =	vld.idx.msk [tilespmem:v50+s3+$0x0], $0xffff  }
0xc8: {  	v14 =	vld.idx.msk [tilespmem:v50+s12+$0x0], $0xffff  }
0xc9: {  	v54 =	vld.idx.msk [tilespmem:v51+s3+$0x0], $0xffff  }
0xca: {  	v15 =	vld.idx.msk [tilespmem:v51+s12+$0x0], $0xffff  }
0xcb: {  	v18 =	vld.idx.msk [tilespmem:v52+s3+$0x0], $0xffff  }
0xcc: {  	v13 =	vld.idx.msk [tilespmem:v52+s12+$0x0], $0xffff;
	_ =	sdelay $0x2  }
0xcd: {  	v14 =	vsub.f32 v53, v14;
	v15 =	vsub.f32 v54, v15;
	_ =	sdelay $0x1  }
0xce: {  	v13 =	vsub.f32 v18, v13;
	v14 =	vand.u32 $0x7FFFFFFF, v14;
	v15 =	vand.u32 $0x7FFFFFFF, v15  }
0xcf: {  	v14 =	vadd.f32 v15, v14  }
0xd0: {  	v13 =	vand.u32 $0x7FFFFFFF, v13  }
0xd1: {  	v13 =	vadd.f32 v13, v14;
	_ =	sdelay $0x1  }
0xd2: {  	[tilespmem:s23+$0x20] =	vst v13  }
0xd3: {  	v55 =	vld [tilespmem:s24+$0x20];
	_ =	sdelay $0x3  }
0xd4: {  	v56 =	vshrl.u32 v13, $0x1  }
0xd5: {  	v15 =	vshrl.u32 v56, $0x17;
	v14 =	vshll.u32 v55, $0x8  }
0xd6: {  	v14 =	vor.u32 v15, v14  }
0xd7: {  	v14 =	vshll.u32 v14, $0x4  }
0xd8: {  	s30 =	sadd.s32 $0xFFFFFFFE, s22;
	v14 =	vor.u32 v0, v14  }
0xd9: {  	v57 =	vadd.s32 s30, v1  }
0xda: {  	s31 =	sadd.s32 $0xFFFFFFFF, s22  }
0xdb: {  	v58 =	vadd.s32 s31, v1;
	_ =	sdelay $0x1  }
0xdc: {  	v59 =	vadd.s32 s22, v1;
	[tilespmem:v14+s14+$0x0] =	vst.idx.add.s32.msk $0xffff, v5  }
0xdd: {  	v60 =	vld.idx.msk [tilespmem:v57+s3+$0x0], $0xffff  }
0xde: {  	v15 =	vld.idx.msk [tilespmem:v57+s12+$0x0], $0xffff  }
0xdf: {  	v61 =	vld.idx.msk [tilespmem:v58+s3+$0x0], $0xffff  }
0xe0: {  	v16 =	vld.idx.msk [tilespmem:v58+s12+$0x0], $0xffff  }
0xe1: {  	v19 =	vld.idx.msk [tilespmem:v59+s3+$0x0], $0xffff  }
0xe2: {  	v14 =	vld.idx.msk [tilespmem:v59+s12+$0x0], $0xffff;
	_ =	sdelay $0x2  }
0xe3: {  	v15 =	vsub.f32 v60, v15;
	v16 =	vsub.f32 v61, v16;
	_ =	sdelay $0x1  }
0xe4: {  	v14 =	vsub.f32 v19, v14;
	v15 =	vand.u32 $0x7FFFFFFF, v15;
	v16 =	vand.u32 $0x7FFFFFFF, v16  }
0xe5: {  	v15 =	vadd.f32 v16, v15  }
0xe6: {  	v14 =	vand.u32 $0x7FFFFFFF, v14  }
0xe7: {  	v14 =	vadd.f32 v14, v15;
	_ =	sdelay $0x1  }
0xe8: {  	[tilespmem:s23+$0x30] =	vst v14  }
0xe9: {  	v62 =	vld [tilespmem:s24+$0x30];
	_ =	sdelay $0x3  }
0xea: {  	v63 =	vshrl.u32 v14, $0x1  }
0xeb: {  	v7 =	vadd.f32 v8, v7;
	v8 =	vshrl.u32 v63, $0x17;
	v15 =	vshll.u32 v62, $0x8  }
0xec: {  	v8 =	vor.u32 v8, v15  }
0xed: {  	v7 =	vadd.f32 v9, v7;
	v8 =	vshll.u32 v8, $0x4  }
0xee: {  	v8 =	vor.u32 v0, v8  }
0xef: {  	v7 =	vadd.f32 v10, v7;
	_ =	sdelay $0x1  }
0xf0: {  	v7 =	vadd.f32 v11, v7;
	_ =	sdelay $0x1  }
0xf1: {  	v7 =	vadd.f32 v12, v7;
	[tilespmem:v8+s14+$0x0] =	vst.idx.add.s32.msk $0xffff, v5  }
0xf2: {  	v8 =	vld [tilespmem:$0x14000]  }
0xf3: {  	v7 =	vadd.f32 v13, v7  }
0xf4: {  	p0 =	sne.s32 s22, $0x17D2  }
.Ltmp1:
0xf5: {  	v7 =	vadd.f32 v14, v7;
	(pc) =	sbr.rel @p0 .LBB2_5-.Ltmp1, $3  }
0xf6: {  	_ = 	snop  }
0xf7: {  	v7 =	vadd.f32 v7, v8;
	_ =	sdelay $0x1  }
0xf8: {  	s22 =	sadd.s32 $0x180, s22;
	s23 =	sadd.s32 $0x80, s23;
	s24 =	sadd.s32 $0x80, s24;
	[tilespmem:$0x14000] =	vst v7  }
0xf9: {  	s20 =	sadd.s32 $0x1, s20  }
0xfa: {  	p0 =	sne.s32 s20, $0x20  }
.Ltmp2:
0xfb: {  	s21 =	sadd.s32 s6, s21;
	(pc) =	sbr.rel @p0 .LBB2_4-.Ltmp2, $4  }
0xfc: {  	[hbm4b:s21+s3] =	stream.linear.scatter [tilespmem:s15], [sflag:$0x1], $0x800, $0x38;
	[tilespmem:$0x14080] =	vst v63  }
0xfd: {  	_ =	swait.ge [sflag:s11], $0x800  }
0xfe: {  	[sflag:s11] =	ssyncset.done $0x0  }
0xff: {  	[sflag:s11] =	ssyncadd.s32 $0xFFFFF800  }
0x100: {  	[hbm4b:s8+s16] =	stream.strided.scatter [tilespmem:s14], [sflag:$0x1], $0x10000, s17, s16, $0x38;
	[tilespmem:$0x14080] =	vst v63  }
0x101: {  	s19 =	sadd.s32 $0x1, s19;
	_ =	swait.ge [sflag:s11], $0x10000  }
0x102: {  	p0 =	sne.s32 s19, s10;
	[sflag:s11] =	ssyncset.done $0x0  }
.Ltmp3:
0x103: {  	[sflag:s11] =	ssyncadd.s32 $0xFFFF0000;
	(pc) =	sbr.rel @p0 .LBB2_1-.Ltmp3, $4  }
0x104: {  	[hbm4b:s9+s3] =	stream.linear.scatter [tilespmem:s18], [sflag:$0x1], $0x80, $0x38;
	[tilespmem:$0x14080] =	vst v63  }
0x105: {  	_ =	swait.ge [sflag:s11], $0x80  }
0x106: {  	[sflag:s11] =	ssyncset.done $0x0  }
0x107: {  	[sflag:s11] =	ssyncadd.s32 $0xFFFFFF80  }
0x108: {  	_ =	sfence.sel $0x180000  }
0x109: {  	[bflag:$0x0] =	sbarrier.arrive $0xFFFF  }
0x10a: {  	p0 =	sne.s32 s1, $0x0;
	_ =	strace $0x90000047  }
0x10b: {  	s0 =	sadd.s32 @!p0 $0x100000, s0;
	[bflag:$0x2] =	sbarrier.arrive $0xFFFF  }
0x10c: {  	[sflag:s0] =	ssyncadd.tile.s32 @!p0 $0x1;
	_ =	shalt  }
.Lfunc_end2:
_tile_overlayer_lowered:
.L_overlay_start_2:
0x10d: {  	(tag) =	ssettag $0x2  }
0x10e: {  	s0 =	rddreg [dreg:$0x0];
	s2 =	stileid.u32  }
0x10f: {  	s1 =	rddreg [dreg:$0x1];
	p0 =	sne.s32 s2, $0x0  }
0x110: {  	s3 =	rddreg [dreg:$0x2];
	[bflag:$0x3] =	sbarrier.arrive $0xFFFF;
	s2 =	simm.s32 @!p0 $0x1C01  }
0x111: {  	[timem:s3], [sflag:s2] =	dma.local @!p0 [hbm:s0], s1  }
0x112: {  	s0 =	simm.s32 @!p0 $0x1  }
0x113: {  	_ =	swait.ge @!p0 [sflag:s0], s1  }
0x114: {  	s1 =	ssub.s32 @!p0 $0x0, s1;
	[sflag:s0] =	ssyncset.done @!p0 $0x0  }
0x115: {  	[sflag:s0] =	ssyncadd.s32 @!p0 s1  }
0x116: {  	[bflag:$0x3] =	sbarrier.arrive $0xFFFF  }
0x117: {  	_ =	shalt  }

</sc_bundles>
